<compile_context>
chip_gen: v7x
topology: tpu7x:2x2x1
jax: 0.10.2.dev20260603
libtpu: 0.0.44.dev20260713+nightly
codegen_flags: <defaults>
</compile_context>

<pallas_src>
import functools

import jax
import jax.numpy as jnp
from jax import lax
from jax.experimental import pallas as pl
from jax.experimental.pallas import tpu as pltpu
from jax.experimental.pallas import tpu_sc as plsc

V = 100000
D = 128
B = 4096
L = 50
K = 10
DP = 16
NG = 12
PB = NG * DP
NV = D // 16

NW = 32
BPW = B // NW
SCH = 8
NSC = BPW // SCH
SIDX = SCH * L
CW = 12
ECH = 8
NEC = BPW // ECH
EIDX = ECH * CW
_SPLIT = ((0, 104), (104, 104), (208, 104), (312, 88))



def _proj_body(e_ref, w_ref, out_ref):
    out_ref[...] = jnp.dot(e_ref[...], w_ref[...],
                           preferred_element_type=jnp.float32
                           ).astype(jnp.bfloat16)


def _project(embedding, w_pad):
    blk = 4000
    return pl.pallas_call(
        _proj_body,
        grid=(V // blk,),
        in_specs=[
            pl.BlockSpec((blk, D), lambda i: (i, 0)),
            pl.BlockSpec((D, DP), lambda i: (0, 0)),
        ],
        out_specs=pl.BlockSpec((blk, DP), lambda i: (i, 0)),
        out_shape=jax.ShapeDtypeStruct((V, DP), jnp.bfloat16),
    )(embedding, w_pad)



_MESH = plsc.VectorSubcoreMesh(core_axis_name="c", subcore_axis_name="s")


def _seq_accumulate(srows, lacc):
    zero = jnp.zeros((2, DP), jnp.bfloat16)
    for lb in range(SCH):
        base = lb * L
        acc = srows[pl.ds(base, 2), :]

        def body(jo, carry, base=base):
            a = carry
            for r in range(4):
                row = base + 2 + (jo * 4 + r) * 2
                a = a + srows[pl.ds(row, 2), :]
            return a

        acc = lax.fori_loop(0, 6, body, acc)
        lacc[pl.ds(2 * SCH + 1, 2), :] = zero
        lacc[pl.ds(2 * SCH, 2), :] = acc
        sh = lacc[pl.ds(2 * SCH + 1, 2), :]
        lacc[pl.ds(2 * lb, 2), :] = acc + sh

    return None


def _sg_compute(erows, part):
    def body(lb, carry):
        r0 = lb * CW
        cvec = [erows[r0, pl.ds(g * 16, 16)] for g in range(NV)]
        part[lb, pl.ds((NG - 1) * DP, DP)] = jnp.zeros((DP,), jnp.float32)
        for k in range(K + 1):
            xr = r0 + 1 + k
            acc = cvec[0] * erows[xr, pl.ds(0, 16)]
            for g in range(1, NV):
                acc = acc + cvec[g] * erows[xr, pl.ds(g * 16, 16)]
            part[lb, pl.ds(k * DP, DP)] = acc
        return carry

    lax.fori_loop(0, ECH, body, 0)


@functools.partial(
    pl.kernel,
    mesh=_MESH,
    out_type=jax.ShapeDtypeStruct((B, PB), jnp.float32),
    scratch_types=[
        pltpu.VMEM((BPW * CW,), jnp.int32),
        pltpu.VMEM((EIDX, D), jnp.float32),
        pltpu.VMEM((EIDX, D), jnp.float32),
        pltpu.VMEM((ECH, PB), jnp.float32),
        pltpu.VMEM((ECH, PB), jnp.float32),
        pltpu.SemaphoreType.DMA,
        pltpu.SemaphoreType.DMA,
        pltpu.SemaphoreType.DMA,
        pltpu.SemaphoreType.DMA,
    ],
    compiler_params=pltpu.CompilerParams(use_tc_tiling_on_sc=False),
)
def _sc_sg(e_hbm, cat_hbm, part_hbm,
           cidx_v, erows0, erows1, part0, part1,
           eg0, eg1, po0, po1):
    wid = lax.axis_index("s") * 2 + lax.axis_index("c")
    bbase = wid * BPW

    pltpu.sync_copy(cat_hbm.at[pl.ds(wid * (BPW * CW), BPW * CW)], cidx_v)

    def fire_sg(c, buf, sem):
        pltpu.async_copy(e_hbm.at[cidx_v.at[pl.ds(c * EIDX, EIDX)]],
                         buf, sem)

    def drain_sg(buf, sem):
        pltpu.make_async_copy(e_hbm.at[pl.ds(0, EIDX)], buf, sem).wait()

    def drain_part_out(buf, sem):
        pltpu.make_async_copy(buf, part_hbm.at[pl.ds(0, ECH)], sem).wait()

    fire_sg(0, erows0, eg0)
    fire_sg(1, erows1, eg1)

    def sg_pair(h, carry):
        c0 = 2 * h
        drain_sg(erows0, eg0)

        @pl.when(h >= 1)
        def _():
            drain_part_out(part0, po0)

        _sg_compute(erows0, part0)
        pltpu.async_copy(part0, part_hbm.at[pl.ds(bbase + c0 * ECH, ECH)],
                         po0)

        @pl.when(h < NEC // 2 - 1)
        def _():
            fire_sg(c0 + 2, erows0, eg0)

        drain_sg(erows1, eg1)

        @pl.when(h >= 1)
        def _():
            drain_part_out(part1, po1)

        _sg_compute(erows1, part1)
        pltpu.async_copy(part1,
                         part_hbm.at[pl.ds(bbase + (c0 + 1) * ECH, ECH)],
                         po1)

        @pl.when(h < NEC // 2 - 1)
        def _():
            fire_sg(c0 + 3, erows1, eg1)

        return carry

    lax.fori_loop(0, NEC // 2, sg_pair, 0)
    drain_part_out(part0, po0)
    drain_part_out(part1, po1)


@functools.partial(
    pl.kernel,
    mesh=_MESH,
    out_type=jax.ShapeDtypeStruct((2 * B, DP), jnp.bfloat16),
    scratch_types=[
        pltpu.VMEM_SHARED((V, DP), jnp.bfloat16),
        pltpu.VMEM((BPW * L,), jnp.int32),
        pltpu.VMEM((SIDX, DP), jnp.bfloat16),
        pltpu.VMEM((SIDX, DP), jnp.bfloat16),
        pltpu.VMEM((2 * SCH + 3, DP), jnp.bfloat16),
        pltpu.VMEM((2 * SCH + 3, DP), jnp.bfloat16),
        pltpu.SemaphoreType.DMA,
        pltpu.SemaphoreType.DMA,
        pltpu.SemaphoreType.DMA,
        pltpu.SemaphoreType.DMA,
    ],
    compiler_params=pltpu.CompilerParams(use_tc_tiling_on_sc=False),
)
def _sc_seq(p_hbm, seq_hbm, lsum_hbm,
            pspm, sidx_v, srows0, srows1, lacc0, lacc1,
            sg0, sg1, so0, so1):
    wid = lax.axis_index("s") * 2 + lax.axis_index("c")
    bbase = wid * BPW

    pltpu.sync_copy(seq_hbm.at[pl.ds(wid * (BPW * L), BPW * L)], sidx_v)

    def fire_seq(c, buf, sem):
        for (o, n) in _SPLIT:
            pltpu.async_copy(
                pspm.at[sidx_v.at[pl.ds(c * SIDX + o, n)]],
                buf.at[pl.ds(o, n)], sem)

    def drain_seq(buf, sem):
        for (o, n) in _SPLIT:
            pltpu.make_async_copy(
                pspm.at[pl.ds(0, n)], buf.at[pl.ds(o, n)], sem).wait()

    def drain_seq_out(buf, sem):
        pltpu.make_async_copy(buf.at[pl.ds(0, 2 * SCH)],
                              lsum_hbm.at[pl.ds(0, 2 * SCH)], sem).wait()

    sid = lax.axis_index("s")
    chunk_rows = 6256
    poff = pl.multiple_of(sid * chunk_rows, 8)

    @pl.when(sid < 15)
    def _():
        pltpu.sync_copy(p_hbm.at[pl.ds(poff, chunk_rows)],
                        pspm.at[pl.ds(poff, chunk_rows)])

    @pl.when(sid == 15)
    def _():
        pltpu.sync_copy(p_hbm.at[pl.ds(15 * chunk_rows, V - 15 * chunk_rows)],
                        pspm.at[pl.ds(15 * chunk_rows, V - 15 * chunk_rows)])

    plsc.subcore_barrier()
    fire_seq(0, srows0, sg0)

    def seq_pair(g, carry):
        c0 = 2 * g
        fire_seq(c0 + 1, srows1, sg1)

        drain_seq(srows0, sg0)

        @pl.when(g >= 1)
        def _():
            drain_seq_out(lacc0, so0)

        _seq_accumulate(srows0, lacc0)
        pltpu.async_copy(lacc0.at[pl.ds(0, 2 * SCH)],
                         lsum_hbm.at[pl.ds(2 * (bbase + c0 * SCH), 2 * SCH)],
                         so0)

        @pl.when(g < NSC // 2 - 1)
        def _():
            fire_seq(c0 + 2, srows0, sg0)

        drain_seq(srows1, sg1)

        @pl.when(g >= 1)
        def _():
            drain_seq_out(lacc1, so1)

        _seq_accumulate(srows1, lacc1)
        pltpu.async_copy(lacc1.at[pl.ds(0, 2 * SCH)],
                         lsum_hbm.at[pl.ds(2 * (bbase + (c0 + 1) * SCH),
                                           2 * SCH)],
                         so1)
        return carry

    lax.fori_loop(0, NSC // 2, seq_pair, 0)
    drain_seq_out(lacc0, so0)
    drain_seq_out(lacc1, so1)



def _final_body(part_ref, lsum_ref, lab_ref, b_ref, o1_ref, o2_ref, o3_ref):
    part = part_ref[...]
    gr = lax.broadcasted_iota(jnp.int32, (PB, NG), 0) // DP
    gc = lax.broadcasted_iota(jnp.int32, (PB, NG), 1)
    gmat = (gr == gc).astype(jnp.float32)
    scores = jnp.dot(part, gmat, preferred_element_type=jnp.float32)
    col = lax.broadcasted_iota(jnp.int32, (B, NG), 1)
    ls_pos = jax.nn.log_sigmoid(scores)
    ls_neg = jax.nn.log_sigmoid(-scores)
    contrib = (jnp.where(col == 0, ls_pos, 0.0)
               + jnp.where((col >= 1) & (col <= K), ls_neg, 0.0))
    deno = -jnp.sum(contrib) / B

    logits = lsum_ref[...] * (1.0 / L) + b_ref[...]
    c16 = lax.broadcasted_iota(jnp.int32, (B, 2 * DP), 1)
    l0 = jnp.sum(jnp.where(c16 == 0, logits, 0.0), axis=1, keepdims=True)
    l1 = jnp.sum(jnp.where(c16 == 1, logits, 0.0), axis=1, keepdims=True)
    m = jnp.maximum(l0, l1)
    lse = m + jnp.log(jnp.exp(l0 - m) + jnp.exp(l1 - m))
    y = lab_ref[...]
    lsel = (1.0 - y) * l0 + y * l1
    cono = jnp.sum(lse - lsel) / B

    o2_ref[...] = jnp.broadcast_to(deno, (1, 1))
    o3_ref[...] = jnp.broadcast_to(cono, (1, 1))
    o1_ref[...] = jnp.broadcast_to(deno + cono, (1, 1))


def _finalize(partials, lsum, labels_f, b_pad):
    s11 = jax.ShapeDtypeStruct((1, 1), jnp.float32)
    return pl.pallas_call(
        _final_body,
        out_shape=(s11, s11, s11),
    )(partials, lsum, labels_f, b_pad)


def kernel(embedding, W_cono, b_cono, center_word_ids, true_context_ids,
           seq_word_ids, cono_labels, negative_context_ids):
    w_pad = jnp.pad(W_cono, ((0, 0), (0, DP - 2)))
    b_pad = jnp.pad(b_cono, (0, 2 * DP - 2)).reshape(1, 2 * DP)
    labels_f = cono_labels.astype(jnp.float32).reshape(B, 1)
    seq_flat = seq_word_ids.reshape(-1)
    cat_flat = jnp.concatenate(
        [center_word_ids[:, None], true_context_ids[:, None],
         negative_context_ids], axis=1).reshape(-1)

    partials = _sc_sg(embedding, cat_flat)
    P = _project(embedding, w_pad)
    lsum2 = _sc_seq(P, seq_flat)
    lsum = lsum2.reshape(B, 2 * DP).astype(jnp.float32)
    o1, o2, o3 = _finalize(partials, lsum, labels_f, b_pad)
    return (o1[0, 0], o2[0, 0], o3[0, 0])

# --- scband reference (transcript-rebuilt; emitter-appended) ---
"""Pipeline reference for scband-decomposer-22960895164434 (READ-ONLY COPY).

The authoritative reference and input builder live on the scoring server;
editing this copy changes nothing except your own understanding.
"""

import jax, jax.numpy as jnp
import numpy as np

VOCAB = 100000
D = 128
B = 4096
L = 50
K = 10
NC = 2
DELTA = 1.0
GAMMA = 1.0
BETA = 0.0


def setup_inputs(seed: int = 0) -> dict:
    key = jax.random.key(seed)
    ks = jax.random.split(key, 8)
    init_range = 1.0 / D
    embedding = jax.random.uniform(ks[0], (VOCAB, D), minval=-init_range, maxval=init_range, dtype=jnp.float32)
    center_word_ids = jax.random.randint(ks[1], (B,), 0, VOCAB)
    true_context_ids = jax.random.randint(ks[2], (B,), 0, VOCAB)
    seq_word_ids = jax.random.randint(ks[3], (B, L), 0, VOCAB)
    cono_labels = jax.random.randint(ks[4], (B,), 0, NC)
    # torch code samples negatives via torch.multinomial inside forward;
    # we materialize them here for determinism (same distribution role).
    negative_context_ids = jax.random.randint(ks[5], (B, K), 0, VOCAB)
    W_cono = jax.random.normal(ks[6], (D, NC), dtype=jnp.float32) * 0.02
    b_cono = jnp.zeros((NC,), dtype=jnp.float32)
    return {
        'embedding': embedding,
        'W_cono': W_cono,
        'b_cono': b_cono,
        'center_word_ids': center_word_ids,
        'true_context_ids': true_context_ids,
        'seq_word_ids': seq_word_ids,
        'cono_labels': cono_labels,
        'negative_context_ids': negative_context_ids,
    }


def reference(embedding, W_cono, b_cono, center_word_ids, true_context_ids, seq_word_ids, cono_labels, negative_context_ids):
    # word_vecs = self.embedding(seq_word_ids); seq_repr = mean over seq dim
    word_vecs = jnp.take(embedding, seq_word_ids, axis=0)          # [B, L, D]
    seq_repr = jnp.mean(word_vecs, axis=1)                          # [B, D]

    # skip_gram_loss
    center = jnp.take(embedding, center_word_ids, axis=0)           # [B, D]
    true_context = jnp.take(embedding, true_context_ids, axis=0)    # [B, D]
    negative_context = jnp.take(embedding, negative_context_ids, axis=0)  # [B, K, D]
    objective = jax.nn.log_sigmoid(jnp.sum(center * true_context, axis=1))  # [B]
    neg_scores = jnp.einsum('bkd,bd->bk', negative_context, center)          # bmm equivalent
    negative_objective = jnp.sum(jax.nn.log_sigmoid(-neg_scores), axis=1)    # [B]
    deno_loss = -jnp.mean(objective + negative_objective)

    # cono_decoder assumed linear head + cross entropy
    cono_logits = seq_repr @ W_cono + b_cono                        # [B, NC]
    logp = jax.nn.log_softmax(cono_logits, axis=-1)
    cono_loss = -jnp.mean(jnp.take_along_axis(logp, cono_labels[:, None], axis=1)[:, 0])

    decomposer_loss = DELTA * deno_loss + GAMMA * cono_loss + BETA
    return (decomposer_loss, deno_loss, cono_loss)

if __name__ == "__main__":
    import jax
    _d = setup_inputs()
    print(jax.jit(kernel)(*tuple(_d.values())))

</pallas_src>

<mosaic_0001>
#map = affine_map<(d0, d1) -> (0, 0)>
#map1 = affine_map<(d0, d1) -> (0)>
module attributes {stable_mosaic.version = 14 : i64} {
  func.func @_sc_seq(%arg0: i32, %arg1: i32, %arg2: memref<100000x16xbf16, #tpu.memory_space<hbm>>, %arg3: memref<204800xi32, #tpu.memory_space<hbm>>, %arg4: memref<8192x16xbf16, #tpu.memory_space<hbm>>, %arg5: memref<100000x16xbf16, #tpu.memory_space<vmem_shared>>, %arg6: memref<6400xi32, #tpu.memory_space<vmem>>, %arg7: memref<400x16xbf16, #tpu.memory_space<vmem>>, %arg8: memref<400x16xbf16, #tpu.memory_space<vmem>>, %arg9: memref<19x16xbf16, #tpu.memory_space<vmem>>, %arg10: memref<19x16xbf16, #tpu.memory_space<vmem>>, %arg11: memref<!tpu.dma_semaphore, #tpu.memory_space<semaphore_mem>>, %arg12: memref<!tpu.dma_semaphore, #tpu.memory_space<semaphore_mem>>, %arg13: memref<!tpu.dma_semaphore, #tpu.memory_space<semaphore_mem>>, %arg14: memref<!tpu.dma_semaphore, #tpu.memory_space<semaphore_mem>>) attributes {dimension_semantics = [#tpu.dimension_semantics<core_parallel>, #tpu.dimension_semantics<subcore_parallel>], iteration_bounds = array<i64: 2, 16>, scalar_prefetch = 0 : i64, scratch_operands = 10 : i64, tpu.core_type = #tpu.core_type<sc_vector_subcore>, window_params = [{transform_indices = #map}, {transform_indices = #map1}, {transform_indices = #map}]} {
    %mul3A = arith.constant 2 : i32
    %mul3A_0 = arith.muli %arg1, %mul3A : i32
    %add3A = arith.addi %mul3A_0, %arg0 : i32
    %mul3A_1 = arith.constant 128 : i32
    %mul3A_2 = arith.muli %add3A, %mul3A_1 : i32
    %mul3A_3 = arith.constant 6400 : i32
    %mul3A_4 = arith.muli %add3A, %mul3A_3 : i32
    "tpu.region"() ({
      %run_scoped3A = tpu.sem_alloc : memref<!tpu.dma_semaphore, #tpu.memory_space<semaphore_mem>>
      %dma_start3A_72 = tpu.memref_slice %arg3[%mul3A_4] : memref<204800xi32, #tpu.memory_space<hbm>> -> memref<6400xi32, #tpu.memory_space<hbm>>
      %dma_start3A_73 = tpu.memref_slice %arg3[%mul3A_4] : memref<204800xi32, #tpu.memory_space<hbm>> -> memref<6400xi32, #tpu.memory_space<hbm>>
      tpu.enqueue_dma source(%dma_start3A_73 : memref<6400xi32, #tpu.memory_space<hbm>>) target(%arg6 : memref<6400xi32, #tpu.memory_space<vmem>>) target_semaphore(%run_scoped3A : memref<!tpu.dma_semaphore, #tpu.memory_space<semaphore_mem>>)
      %dma_wait3A_74 = tpu.memref_slice %arg3[%mul3A_4] : memref<204800xi32, #tpu.memory_space<hbm>> -> memref<6400xi32, #tpu.memory_space<hbm>>
      %dma_wait3A_75 = tpu.memref_slice %arg3[%mul3A_4] : memref<204800xi32, #tpu.memory_space<hbm>> -> memref<6400xi32, #tpu.memory_space<hbm>>
      tpu.wait_dma2 semaphore(%run_scoped3A : memref<!tpu.dma_semaphore, #tpu.memory_space<semaphore_mem>>) src(%dma_wait3A_75 : memref<6400xi32, #tpu.memory_space<hbm>>) dst(%arg6 : memref<6400xi32, #tpu.memory_space<vmem>>)
      tpu.yield
    }) : () -> ()
    %mul3A_5 = arith.constant 6256 : i32
    %mul3A_6 = arith.muli %arg1, %mul3A_5 : i32
    %multiple_of3A = tpu.assume_multiple %mul3A_6, 8 : i32
    %lt3A = arith.constant 15 : i32
    %lt3A_7 = arith.cmpi slt, %arg1, %lt3A : i32
    %convert_element_type3A = arith.extui %lt3A_7 : i1 to i32
    %cond3A = arith.constant 0 : i32
    %cond3A_8 = arith.cmpi ne, %convert_element_type3A, %cond3A : i32
    scf.if %cond3A_8 {
      "tpu.region"() ({
        %run_scoped3A = tpu.sem_alloc : memref<!tpu.dma_semaphore, #tpu.memory_space<semaphore_mem>>
        %dma_start3A_72 = arith.constant 0 : i32
        %dma_start3A_73 = tpu.memref_slice %arg5[%multiple_of3A, %dma_start3A_72] : memref<100000x16xbf16, #tpu.memory_space<vmem_shared>> -> memref<6256x16xbf16, #tpu.memory_space<vmem_shared>>
        %dma_start3A_74 = arith.constant 0 : i32
        %dma_start3A_75 = tpu.memref_slice %arg2[%multiple_of3A, %dma_start3A_74] : memref<100000x16xbf16, #tpu.memory_space<hbm>> -> memref<6256x16xbf16, #tpu.memory_space<hbm>>
        tpu.enqueue_dma source(%dma_start3A_75 : memref<6256x16xbf16, #tpu.memory_space<hbm>>) target(%dma_start3A_73 : memref<6256x16xbf16, #tpu.memory_space<vmem_shared>>) target_semaphore(%run_scoped3A : memref<!tpu.dma_semaphore, #tpu.memory_space<semaphore_mem>>)
        %dma_wait3A_76 = arith.constant 0 : i32
        %dma_wait3A_77 = tpu.memref_slice %arg5[%multiple_of3A, %dma_wait3A_76] : memref<100000x16xbf16, #tpu.memory_space<vmem_shared>> -> memref<6256x16xbf16, #tpu.memory_space<vmem_shared>>
        %dma_wait3A_78 = arith.constant 0 : i32
        %dma_wait3A_79 = tpu.memref_slice %arg2[%multiple_of3A, %dma_wait3A_78] : memref<100000x16xbf16, #tpu.memory_space<hbm>> -> memref<6256x16xbf16, #tpu.memory_space<hbm>>
        tpu.wait_dma2 semaphore(%run_scoped3A : memref<!tpu.dma_semaphore, #tpu.memory_space<semaphore_mem>>) src(%dma_wait3A_79 : memref<6256x16xbf16, #tpu.memory_space<hbm>>) dst(%dma_wait3A_77 : memref<6256x16xbf16, #tpu.memory_space<vmem_shared>>)
        tpu.yield
      }) : () -> ()
    } else {
    }
    %eq3A = arith.constant 15 : i32
    %eq3A_9 = arith.cmpi eq, %arg1, %eq3A : i32
    %convert_element_type3A_10 = arith.extui %eq3A_9 : i1 to i32
    %cond3A_11 = arith.constant 0 : i32
    %cond3A_12 = arith.cmpi ne, %convert_element_type3A_10, %cond3A_11 : i32
    scf.if %cond3A_12 {
      "tpu.region"() ({
        %run_scoped3A = tpu.sem_alloc : memref<!tpu.dma_semaphore, #tpu.memory_space<semaphore_mem>>
        %dma_start3A_72 = arith.constant 93840 : i32
        %dma_start3A_73 = arith.constant 0 : i32
        %dma_start3A_74 = tpu.memref_slice %arg5[%dma_start3A_72, %dma_start3A_73] : memref<100000x16xbf16, #tpu.memory_space<vmem_shared>> -> memref<6160x16xbf16, #tpu.memory_space<vmem_shared>>
        %dma_start3A_75 = arith.constant 93840 : i32
        %dma_start3A_76 = arith.constant 0 : i32
        %dma_start3A_77 = tpu.memref_slice %arg2[%dma_start3A_75, %dma_start3A_76] : memref<100000x16xbf16, #tpu.memory_space<hbm>> -> memref<6160x16xbf16, #tpu.memory_space<hbm>>
        tpu.enqueue_dma source(%dma_start3A_77 : memref<6160x16xbf16, #tpu.memory_space<hbm>>) target(%dma_start3A_74 : memref<6160x16xbf16, #tpu.memory_space<vmem_shared>>) target_semaphore(%run_scoped3A : memref<!tpu.dma_semaphore, #tpu.memory_space<semaphore_mem>>)
        %dma_wait3A_78 = arith.constant 93840 : i32
        %dma_wait3A_79 = arith.constant 0 : i32
        %dma_wait3A_80 = tpu.memref_slice %arg5[%dma_wait3A_78, %dma_wait3A_79] : memref<100000x16xbf16, #tpu.memory_space<vmem_shared>> -> memref<6160x16xbf16, #tpu.memory_space<vmem_shared>>
        %dma_wait3A_81 = arith.constant 93840 : i32
        %dma_wait3A_82 = arith.constant 0 : i32
        %dma_wait3A_83 = tpu.memref_slice %arg2[%dma_wait3A_81, %dma_wait3A_82] : memref<100000x16xbf16, #tpu.memory_space<hbm>> -> memref<6160x16xbf16, #tpu.memory_space<hbm>>
        tpu.wait_dma2 semaphore(%run_scoped3A : memref<!tpu.dma_semaphore, #tpu.memory_space<semaphore_mem>>) src(%dma_wait3A_83 : memref<6160x16xbf16, #tpu.memory_space<hbm>>) dst(%dma_wait3A_80 : memref<6160x16xbf16, #tpu.memory_space<vmem_shared>>)
        tpu.yield
      }) : () -> ()
    } else {
    }
    %barrier3A = arith.constant 0 : index
    tpu.barrier barrier_id(%barrier3A)
    %dma_start3A = arith.constant 0 : i32
    %dma_start3A_13 = arith.constant 0 : i32
    %dma_start3A_14 = tpu.memref_slice %arg7[%dma_start3A, %dma_start3A_13] : memref<400x16xbf16, #tpu.memory_space<vmem>> -> memref<104x16xbf16, #tpu.memory_space<vmem>>
    %dma_start3A_15 = arith.constant 0 : i32
    %dma_start3A_16 = tpu.memref_slice %arg6[%dma_start3A_15] : memref<6400xi32, #tpu.memory_space<vmem>> -> memref<104xi32, #tpu.memory_space<vmem>>
    %dma_start3A_17 = arith.constant 0 : i32
    %dma_start3A_18 = arith.constant 0 : i32
    %dma_start3A_19 = tpu.memref_slice %arg5[%dma_start3A_17, %dma_start3A_18] : memref<100000x16xbf16, #tpu.memory_space<vmem_shared>> -> memref<100000x16xbf16, #tpu.memory_space<vmem_shared>>
    tpu.enqueue_indirect_dma source(%dma_start3A_19 : memref<100000x16xbf16, #tpu.memory_space<vmem_shared>>) target(%dma_start3A_14 : memref<104x16xbf16, #tpu.memory_space<vmem>>) offsets(%dma_start3A_16 : memref<104xi32, #tpu.memory_space<vmem>>) semaphore(%arg11 : memref<!tpu.dma_semaphore, #tpu.memory_space<semaphore_mem>>)
    %dma_start3A_20 = arith.constant 104 : i32
    %dma_start3A_21 = arith.constant 0 : i32
    %dma_start3A_22 = tpu.memref_slice %arg7[%dma_start3A_20, %dma_start3A_21] : memref<400x16xbf16, #tpu.memory_space<vmem>> -> memref<104x16xbf16, #tpu.memory_space<vmem>>
    %dma_start3A_23 = arith.constant 104 : i32
    %dma_start3A_24 = tpu.memref_slice %arg6[%dma_start3A_23] : memref<6400xi32, #tpu.memory_space<vmem>> -> memref<104xi32, #tpu.memory_space<vmem>>
    %dma_start3A_25 = arith.constant 0 : i32
    %dma_start3A_26 = arith.constant 0 : i32
    %dma_start3A_27 = tpu.memref_slice %arg5[%dma_start3A_25, %dma_start3A_26] : memref<100000x16xbf16, #tpu.memory_space<vmem_shared>> -> memref<100000x16xbf16, #tpu.memory_space<vmem_shared>>
    tpu.enqueue_indirect_dma source(%dma_start3A_27 : memref<100000x16xbf16, #tpu.memory_space<vmem_shared>>) target(%dma_start3A_22 : memref<104x16xbf16, #tpu.memory_space<vmem>>) offsets(%dma_start3A_24 : memref<104xi32, #tpu.memory_space<vmem>>) semaphore(%arg11 : memref<!tpu.dma_semaphore, #tpu.memory_space<semaphore_mem>>)
    %dma_start3A_28 = arith.constant 208 : i32
    %dma_start3A_29 = arith.constant 0 : i32
    %dma_start3A_30 = tpu.memref_slice %arg7[%dma_start3A_28, %dma_start3A_29] : memref<400x16xbf16, #tpu.memory_space<vmem>> -> memref<104x16xbf16, #tpu.memory_space<vmem>>
    %dma_start3A_31 = arith.constant 208 : i32
    %dma_start3A_32 = tpu.memref_slice %arg6[%dma_start3A_31] : memref<6400xi32, #tpu.memory_space<vmem>> -> memref<104xi32, #tpu.memory_space<vmem>>
    %dma_start3A_33 = arith.constant 0 : i32
    %dma_start3A_34 = arith.constant 0 : i32
    %dma_start3A_35 = tpu.memref_slice %arg5[%dma_start3A_33, %dma_start3A_34] : memref<100000x16xbf16, #tpu.memory_space<vmem_shared>> -> memref<100000x16xbf16, #tpu.memory_space<vmem_shared>>
    tpu.enqueue_indirect_dma source(%dma_start3A_35 : memref<100000x16xbf16, #tpu.memory_space<vmem_shared>>) target(%dma_start3A_30 : memref<104x16xbf16, #tpu.memory_space<vmem>>) offsets(%dma_start3A_32 : memref<104xi32, #tpu.memory_space<vmem>>) semaphore(%arg11 : memref<!tpu.dma_semaphore, #tpu.memory_space<semaphore_mem>>)
    %dma_start3A_36 = arith.constant 312 : i32
    %dma_start3A_37 = arith.constant 0 : i32
    %dma_start3A_38 = tpu.memref_slice %arg7[%dma_start3A_36, %dma_start3A_37] : memref<400x16xbf16, #tpu.memory_space<vmem>> -> memref<88x16xbf16, #tpu.memory_space<vmem>>
    %dma_start3A_39 = arith.constant 312 : i32
    %dma_start3A_40 = tpu.memref_slice %arg6[%dma_start3A_39] : memref<6400xi32, #tpu.memory_space<vmem>> -> memref<88xi32, #tpu.memory_space<vmem>>
    %dma_start3A_41 = arith.constant 0 : i32
    %dma_start3A_42 = arith.constant 0 : i32
    %dma_start3A_43 = tpu.memref_slice %arg5[%dma_start3A_41, %dma_start3A_42] : memref<100000x16xbf16, #tpu.memory_space<vmem_shared>> -> memref<100000x16xbf16, #tpu.memory_space<vmem_shared>>
    tpu.enqueue_indirect_dma source(%dma_start3A_43 : memref<100000x16xbf16, #tpu.memory_space<vmem_shared>>) target(%dma_start3A_38 : memref<88x16xbf16, #tpu.memory_space<vmem>>) offsets(%dma_start3A_40 : memref<88xi32, #tpu.memory_space<vmem>>) semaphore(%arg11 : memref<!tpu.dma_semaphore, #tpu.memory_space<semaphore_mem>>)
    %scan3A = arith.constant 0 : i32
    %scan3A_44 = arith.constant 0 : i32
    %scan3A_45 = arith.constant 8 : i32
    %scan3A_46 = arith.addi %scan3A_44, %scan3A_45 : i32
    %scan3A_47 = arith.constant 1 : i32
    scf.for %scan3A_72 = %scan3A_44 to %scan3A_46 step %scan3A_47  : i32 {
      %mul3A_73 = arith.constant 2 : i32
      %mul3A_74 = arith.muli %mul3A_73, %scan3A_72 : i32
      %add3A_75 = arith.constant 1 : i32
      %add3A_76 = arith.addi %mul3A_74, %add3A_75 : i32
      %mul3A_77 = arith.constant 400 : i32
      %mul3A_78 = arith.muli %add3A_76, %mul3A_77 : i32
      %add3A_79 = arith.constant 0 : i32
      %add3A_80 = arith.addi %mul3A_78, %add3A_79 : i32
      %dma_start3A_81 = arith.constant 0 : i32
      %dma_start3A_82 = arith.constant 0 : i32
      %dma_start3A_83 = tpu.memref_slice %arg8[%dma_start3A_81, %dma_start3A_82] : memref<400x16xbf16, #tpu.memory_space<vmem>> -> memref<104x16xbf16, #tpu.memory_space<vmem>>
      %dma_start3A_84 = tpu.memref_slice %arg6[%add3A_80] : memref<6400xi32, #tpu.memory_space<vmem>> -> memref<104xi32, #tpu.memory_space<vmem>>
      %dma_start3A_85 = arith.constant 0 : i32
      %dma_start3A_86 = arith.constant 0 : i32
      %dma_start3A_87 = tpu.memref_slice %arg5[%dma_start3A_85, %dma_start3A_86] : memref<100000x16xbf16, #tpu.memory_space<vmem_shared>> -> memref<100000x16xbf16, #tpu.memory_space<vmem_shared>>
      tpu.enqueue_indirect_dma source(%dma_start3A_87 : memref<100000x16xbf16, #tpu.memory_space<vmem_shared>>) target(%dma_start3A_83 : memref<104x16xbf16, #tpu.memory_space<vmem>>) offsets(%dma_start3A_84 : memref<104xi32, #tpu.memory_space<vmem>>) semaphore(%arg12 : memref<!tpu.dma_semaphore, #tpu.memory_space<semaphore_mem>>)
      %mul3A_88 = arith.constant 400 : i32
      %mul3A_89 = arith.muli %add3A_76, %mul3A_88 : i32
      %add3A_90 = arith.constant 104 : i32
      %add3A_91 = arith.addi %mul3A_89, %add3A_90 : i32
      %dma_start3A_92 = arith.constant 104 : i32
      %dma_start3A_93 = arith.constant 0 : i32
      %dma_start3A_94 = tpu.memref_slice %arg8[%dma_start3A_92, %dma_start3A_93] : memref<400x16xbf16, #tpu.memory_space<vmem>> -> memref<104x16xbf16, #tpu.memory_space<vmem>>
      %dma_start3A_95 = tpu.memref_slice %arg6[%add3A_91] : memref<6400xi32, #tpu.memory_space<vmem>> -> memref<104xi32, #tpu.memory_space<vmem>>
      %dma_start3A_96 = arith.constant 0 : i32
      %dma_start3A_97 = arith.constant 0 : i32
      %dma_start3A_98 = tpu.memref_slice %arg5[%dma_start3A_96, %dma_start3A_97] : memref<100000x16xbf16, #tpu.memory_space<vmem_shared>> -> memref<100000x16xbf16, #tpu.memory_space<vmem_shared>>
      tpu.enqueue_indirect_dma source(%dma_start3A_98 : memref<100000x16xbf16, #tpu.memory_space<vmem_shared>>) target(%dma_start3A_94 : memref<104x16xbf16, #tpu.memory_space<vmem>>) offsets(%dma_start3A_95 : memref<104xi32, #tpu.memory_space<vmem>>) semaphore(%arg12 : memref<!tpu.dma_semaphore, #tpu.memory_space<semaphore_mem>>)
      %mul3A_99 = arith.constant 400 : i32
      %mul3A_100 = arith.muli %add3A_76, %mul3A_99 : i32
      %add3A_101 = arith.constant 208 : i32
      %add3A_102 = arith.addi %mul3A_100, %add3A_101 : i32
      %dma_start3A_103 = arith.constant 208 : i32
      %dma_start3A_104 = arith.constant 0 : i32
      %dma_start3A_105 = tpu.memref_slice %arg8[%dma_start3A_103, %dma_start3A_104] : memref<400x16xbf16, #tpu.memory_space<vmem>> -> memref<104x16xbf16, #tpu.memory_space<vmem>>
      %dma_start3A_106 = tpu.memref_slice %arg6[%add3A_102] : memref<6400xi32, #tpu.memory_space<vmem>> -> memref<104xi32, #tpu.memory_space<vmem>>
      %dma_start3A_107 = arith.constant 0 : i32
      %dma_start3A_108 = arith.constant 0 : i32
      %dma_start3A_109 = tpu.memref_slice %arg5[%dma_start3A_107, %dma_start3A_108] : memref<100000x16xbf16, #tpu.memory_space<vmem_shared>> -> memref<100000x16xbf16, #tpu.memory_space<vmem_shared>>
      tpu.enqueue_indirect_dma source(%dma_start3A_109 : memref<100000x16xbf16, #tpu.memory_space<vmem_shared>>) target(%dma_start3A_105 : memref<104x16xbf16, #tpu.memory_space<vmem>>) offsets(%dma_start3A_106 : memref<104xi32, #tpu.memory_space<vmem>>) semaphore(%arg12 : memref<!tpu.dma_semaphore, #tpu.memory_space<semaphore_mem>>)
      %mul3A_110 = arith.constant 400 : i32
      %mul3A_111 = arith.muli %add3A_76, %mul3A_110 : i32
      %add3A_112 = arith.constant 312 : i32
      %add3A_113 = arith.addi %mul3A_111, %add3A_112 : i32
      %dma_start3A_114 = arith.constant 312 : i32
      %dma_start3A_115 = arith.constant 0 : i32
      %dma_start3A_116 = tpu.memref_slice %arg8[%dma_start3A_114, %dma_start3A_115] : memref<400x16xbf16, #tpu.memory_space<vmem>> -> memref<88x16xbf16, #tpu.memory_space<vmem>>
      %dma_start3A_117 = tpu.memref_slice %arg6[%add3A_113] : memref<6400xi32, #tpu.memory_space<vmem>> -> memref<88xi32, #tpu.memory_space<vmem>>
      %dma_start3A_118 = arith.constant 0 : i32
      %dma_start3A_119 = arith.constant 0 : i32
      %dma_start3A_120 = tpu.memref_slice %arg5[%dma_start3A_118, %dma_start3A_119] : memref<100000x16xbf16, #tpu.memory_space<vmem_shared>> -> memref<100000x16xbf16, #tpu.memory_space<vmem_shared>>
      tpu.enqueue_indirect_dma source(%dma_start3A_120 : memref<100000x16xbf16, #tpu.memory_space<vmem_shared>>) target(%dma_start3A_116 : memref<88x16xbf16, #tpu.memory_space<vmem>>) offsets(%dma_start3A_117 : memref<88xi32, #tpu.memory_space<vmem>>) semaphore(%arg12 : memref<!tpu.dma_semaphore, #tpu.memory_space<semaphore_mem>>)
      %dma_wait3A_121 = arith.constant 0 : i32
      %dma_wait3A_122 = arith.constant 0 : i32
      %dma_wait3A_123 = tpu.memref_slice %arg7[%dma_wait3A_121, %dma_wait3A_122] : memref<400x16xbf16, #tpu.memory_space<vmem>> -> memref<104x16xbf16, #tpu.memory_space<vmem>>
      %dma_wait3A_124 = arith.constant 0 : i32
      %dma_wait3A_125 = arith.constant 0 : i32
      %dma_wait3A_126 = tpu.memref_slice %arg5[%dma_wait3A_124, %dma_wait3A_125] : memref<100000x16xbf16, #tpu.memory_space<vmem_shared>> -> memref<104x16xbf16, #tpu.memory_space<vmem_shared>>
      %dma_wait3A_127 = arith.constant 0 : i32
      %dma_wait3A_128 = arith.constant 0 : i32
      %dma_wait3A_129 = tpu.memref_slice %arg7[%dma_wait3A_127, %dma_wait3A_128] : memref<400x16xbf16, #tpu.memory_space<vmem>> -> memref<104x16xbf16, #tpu.memory_space<vmem>>
      %dma_wait3A_130 = arith.constant 0 : i32
      %dma_wait3A_131 = arith.constant 0 : i32
      %dma_wait3A_132 = tpu.memref_slice %arg5[%dma_wait3A_130, %dma_wait3A_131] : memref<100000x16xbf16, #tpu.memory_space<vmem_shared>> -> memref<104x16xbf16, #tpu.memory_space<vmem_shared>>
      tpu.wait_dma2 semaphore(%arg11 : memref<!tpu.dma_semaphore, #tpu.memory_space<semaphore_mem>>) src(%dma_wait3A_132 : memref<104x16xbf16, #tpu.memory_space<vmem_shared>>) dst(%dma_wait3A_129 : memref<104x16xbf16, #tpu.memory_space<vmem>>)
      %dma_wait3A_133 = arith.constant 104 : i32
      %dma_wait3A_134 = arith.constant 0 : i32
      %dma_wait3A_135 = tpu.memref_slice %arg7[%dma_wait3A_133, %dma_wait3A_134] : memref<400x16xbf16, #tpu.memory_space<vmem>> -> memref<104x16xbf16, #tpu.memory_space<vmem>>
      %dma_wait3A_136 = arith.constant 0 : i32
      %dma_wait3A_137 = arith.constant 0 : i32
      %dma_wait3A_138 = tpu.memref_slice %arg5[%dma_wait3A_136, %dma_wait3A_137] : memref<100000x16xbf16, #tpu.memory_space<vmem_shared>> -> memref<104x16xbf16, #tpu.memory_space<vmem_shared>>
      %dma_wait3A_139 = arith.constant 104 : i32
      %dma_wait3A_140 = arith.constant 0 : i32
      %dma_wait3A_141 = tpu.memref_slice %arg7[%dma_wait3A_139, %dma_wait3A_140] : memref<400x16xbf16, #tpu.memory_space<vmem>> -> memref<104x16xbf16, #tpu.memory_space<vmem>>
      %dma_wait3A_142 = arith.constant 0 : i32
      %dma_wait3A_143 = arith.constant 0 : i32
      %dma_wait3A_144 = tpu.memref_slice %arg5[%dma_wait3A_142, %dma_wait3A_143] : memref<100000x16xbf16, #tpu.memory_space<vmem_shared>> -> memref<104x16xbf16, #tpu.memory_space<vmem_shared>>
      tpu.wait_dma2 semaphore(%arg11 : memref<!tpu.dma_semaphore, #tpu.memory_space<semaphore_mem>>) src(%dma_wait3A_144 : memref<104x16xbf16, #tpu.memory_space<vmem_shared>>) dst(%dma_wait3A_141 : memref<104x16xbf16, #tpu.memory_space<vmem>>)
      %dma_wait3A_145 = arith.constant 208 : i32
      %dma_wait3A_146 = arith.constant 0 : i32
      %dma_wait3A_147 = tpu.memref_slice %arg7[%dma_wait3A_145, %dma_wait3A_146] : memref<400x16xbf16, #tpu.memory_space<vmem>> -> memref<104x16xbf16, #tpu.memory_space<vmem>>
      %dma_wait3A_148 = arith.constant 0 : i32
      %dma_wait3A_149 = arith.constant 0 : i32
      %dma_wait3A_150 = tpu.memref_slice %arg5[%dma_wait3A_148, %dma_wait3A_149] : memref<100000x16xbf16, #tpu.memory_space<vmem_shared>> -> memref<104x16xbf16, #tpu.memory_space<vmem_shared>>
      %dma_wait3A_151 = arith.constant 208 : i32
      %dma_wait3A_152 = arith.constant 0 : i32
      %dma_wait3A_153 = tpu.memref_slice %arg7[%dma_wait3A_151, %dma_wait3A_152] : memref<400x16xbf16, #tpu.memory_space<vmem>> -> memref<104x16xbf16, #tpu.memory_space<vmem>>
      %dma_wait3A_154 = arith.constant 0 : i32
      %dma_wait3A_155 = arith.constant 0 : i32
      %dma_wait3A_156 = tpu.memref_slice %arg5[%dma_wait3A_154, %dma_wait3A_155] : memref<100000x16xbf16, #tpu.memory_space<vmem_shared>> -> memref<104x16xbf16, #tpu.memory_space<vmem_shared>>
      tpu.wait_dma2 semaphore(%arg11 : memref<!tpu.dma_semaphore, #tpu.memory_space<semaphore_mem>>) src(%dma_wait3A_156 : memref<104x16xbf16, #tpu.memory_space<vmem_shared>>) dst(%dma_wait3A_153 : memref<104x16xbf16, #tpu.memory_space<vmem>>)
      %dma_wait3A_157 = arith.constant 312 : i32
      %dma_wait3A_158 = arith.constant 0 : i32
      %dma_wait3A_159 = tpu.memref_slice %arg7[%dma_wait3A_157, %dma_wait3A_158] : memref<400x16xbf16, #tpu.memory_space<vmem>> -> memref<88x16xbf16, #tpu.memory_space<vmem>>
      %dma_wait3A_160 = arith.constant 0 : i32
      %dma_wait3A_161 = arith.constant 0 : i32
      %dma_wait3A_162 = tpu.memref_slice %arg5[%dma_wait3A_160, %dma_wait3A_161] : memref<100000x16xbf16, #tpu.memory_space<vmem_shared>> -> memref<88x16xbf16, #tpu.memory_space<vmem_shared>>
      %dma_wait3A_163 = arith.constant 312 : i32
      %dma_wait3A_164 = arith.constant 0 : i32
      %dma_wait3A_165 = tpu.memref_slice %arg7[%dma_wait3A_163, %dma_wait3A_164] : memref<400x16xbf16, #tpu.memory_space<vmem>> -> memref<88x16xbf16, #tpu.memory_space<vmem>>
      %dma_wait3A_166 = arith.constant 0 : i32
      %dma_wait3A_167 = arith.constant 0 : i32
      %dma_wait3A_168 = tpu.memref_slice %arg5[%dma_wait3A_166, %dma_wait3A_167] : memref<100000x16xbf16, #tpu.memory_space<vmem_shared>> -> memref<88x16xbf16, #tpu.memory_space<vmem_shared>>
      tpu.wait_dma2 semaphore(%arg11 : memref<!tpu.dma_semaphore, #tpu.memory_space<semaphore_mem>>) src(%dma_wait3A_168 : memref<88x16xbf16, #tpu.memory_space<vmem_shared>>) dst(%dma_wait3A_165 : memref<88x16xbf16, #tpu.memory_space<vmem>>)
      %ge3A = arith.constant 1 : i32
      %ge3A_169 = arith.cmpi sge, %scan3A_72, %ge3A : i32
      %convert_element_type3A_170 = arith.extui %ge3A_169 : i1 to i32
      %cond3A_171 = arith.constant 0 : i32
      %cond3A_172 = arith.cmpi ne, %convert_element_type3A_170, %cond3A_171 : i32
      scf.if %cond3A_172 {
        %dma_wait3A_744 = arith.constant 0 : i32
        %dma_wait3A_745 = arith.constant 0 : i32
        %dma_wait3A_746 = tpu.memref_slice %arg9[%dma_wait3A_744, %dma_wait3A_745] : memref<19x16xbf16, #tpu.memory_space<vmem>> -> memref<16x16xbf16, #tpu.memory_space<vmem>>
        %dma_wait3A_747 = arith.constant 0 : i32
        %dma_wait3A_748 = arith.constant 0 : i32
        %dma_wait3A_749 = tpu.memref_slice %arg4[%dma_wait3A_747, %dma_wait3A_748] : memref<8192x16xbf16, #tpu.memory_space<hbm>> -> memref<16x16xbf16, #tpu.memory_space<hbm>>
        %dma_wait3A_750 = arith.constant 0 : i32
        %dma_wait3A_751 = arith.constant 0 : i32
        %dma_wait3A_752 = tpu.memref_slice %arg4[%dma_wait3A_750, %dma_wait3A_751] : memref<8192x16xbf16, #tpu.memory_space<hbm>> -> memref<16x16xbf16, #tpu.memory_space<hbm>>
        %dma_wait3A_753 = arith.constant 0 : i32
        %dma_wait3A_754 = arith.constant 0 : i32
        %dma_wait3A_755 = tpu.memref_slice %arg9[%dma_wait3A_753, %dma_wait3A_754] : memref<19x16xbf16, #tpu.memory_space<vmem>> -> memref<16x16xbf16, #tpu.memory_space<vmem>>
        tpu.wait_dma2 semaphore(%arg13 : memref<!tpu.dma_semaphore, #tpu.memory_space<semaphore_mem>>) src(%dma_wait3A_755 : memref<16x16xbf16, #tpu.memory_space<vmem>>) dst(%dma_wait3A_752 : memref<16x16xbf16, #tpu.memory_space<hbm>>)
      } else {
      }
      %broadcast_in_dim3A = arith.constant 0.000000e+00 : bf16
      %broadcast_in_dim3A_173 = vector.broadcast %broadcast_in_dim3A : bf16 to vector<2x16xbf16>
      %get3A = arith.constant 0 : index
      %get3A_174 = arith.constant 0 : index
      %get3A_175 = tpu.vector_load %arg7[%get3A, %get3A_174] {strides = array<i32>} : memref<400x16xbf16, #tpu.memory_space<vmem>>, vector<2x16xbf16>,
      %get3A_176 = vector.shape_cast %get3A_175 : vector<2x16xbf16> to vector<2x16xbf16>
      %scan3A_177 = arith.constant 0 : i32
      %scan3A_178 = arith.constant 6 : i32
      %scan3A_179 = arith.addi %scan3A_177, %scan3A_178 : i32
      %scan3A_180 = arith.constant 1 : i32
      %scan3A_181 = scf.for %scan3A_744 = %scan3A_177 to %scan3A_179 step %scan3A_180 iter_args(%scan3A_745 = %get3A_176) -> (vector<2x16xbf16>)  : i32 {
        %mul3A_746 = arith.constant 4 : i32
        %mul3A_747 = arith.muli %scan3A_744, %mul3A_746 : i32
        %add3A_748 = arith.constant 0 : i32
        %add3A_749 = arith.addi %mul3A_747, %add3A_748 : i32
        %mul3A_750 = arith.constant 2 : i32
        %mul3A_751 = arith.muli %add3A_749, %mul3A_750 : i32
        %add3A_752 = arith.constant 2 : i32
        %add3A_753 = arith.addi %add3A_752, %mul3A_751 : i32
        %get3A_754 = arith.index_cast %add3A_753 : i32 to index
        %get3A_755 = arith.constant 0 : index
        %get3A_756 = tpu.vector_load %arg7[%get3A_754, %get3A_755] {strides = array<i32>} : memref<400x16xbf16, #tpu.memory_space<vmem>>, vector<2x16xbf16>,
        %get3A_757 = vector.shape_cast %get3A_756 : vector<2x16xbf16> to vector<2x16xbf16>
        %add3A_758 = arith.addf %scan3A_745, %get3A_757 : vector<2x16xbf16>
        %mul3A_759 = arith.constant 4 : i32
        %mul3A_760 = arith.muli %scan3A_744, %mul3A_759 : i32
        %add3A_761 = arith.constant 1 : i32
        %add3A_762 = arith.addi %mul3A_760, %add3A_761 : i32
        %mul3A_763 = arith.constant 2 : i32
        %mul3A_764 = arith.muli %add3A_762, %mul3A_763 : i32
        %add3A_765 = arith.constant 2 : i32
        %add3A_766 = arith.addi %add3A_765, %mul3A_764 : i32
        %get3A_767 = arith.index_cast %add3A_766 : i32 to index
        %get3A_768 = arith.constant 0 : index
        %get3A_769 = tpu.vector_load %arg7[%get3A_767, %get3A_768] {strides = array<i32>} : memref<400x16xbf16, #tpu.memory_space<vmem>>, vector<2x16xbf16>,
        %get3A_770 = vector.shape_cast %get3A_769 : vector<2x16xbf16> to vector<2x16xbf16>
        %add3A_771 = arith.addf %add3A_758, %get3A_770 : vector<2x16xbf16>
        %mul3A_772 = arith.constant 4 : i32
        %mul3A_773 = arith.muli %scan3A_744, %mul3A_772 : i32
        %add3A_774 = arith.constant 2 : i32
        %add3A_775 = arith.addi %mul3A_773, %add3A_774 : i32
        %mul3A_776 = arith.constant 2 : i32
        %mul3A_777 = arith.muli %add3A_775, %mul3A_776 : i32
        %add3A_778 = arith.constant 2 : i32
        %add3A_779 = arith.addi %add3A_778, %mul3A_777 : i32
        %get3A_780 = arith.index_cast %add3A_779 : i32 to index
        %get3A_781 = arith.constant 0 : index
        %get3A_782 = tpu.vector_load %arg7[%get3A_780, %get3A_781] {strides = array<i32>} : memref<400x16xbf16, #tpu.memory_space<vmem>>, vector<2x16xbf16>,
        %get3A_783 = vector.shape_cast %get3A_782 : vector<2x16xbf16> to vector<2x16xbf16>
        %add3A_784 = arith.addf %add3A_771, %get3A_783 : vector<2x16xbf16>
        %mul3A_785 = arith.constant 4 : i32
        %mul3A_786 = arith.muli %scan3A_744, %mul3A_785 : i32
        %add3A_787 = arith.constant 3 : i32
        %add3A_788 = arith.addi %mul3A_786, %add3A_787 : i32
        %mul3A_789 = arith.constant 2 : i32
        %mul3A_790 = arith.muli %add3A_788, %mul3A_789 : i32
        %add3A_791 = arith.constant 2 : i32
        %add3A_792 = arith.addi %add3A_791, %mul3A_790 : i32
        %get3A_793 = arith.index_cast %add3A_792 : i32 to index
        %get3A_794 = arith.constant 0 : index
        %get3A_795 = tpu.vector_load %arg7[%get3A_793, %get3A_794] {strides = array<i32>} : memref<400x16xbf16, #tpu.memory_space<vmem>>, vector<2x16xbf16>,
        %get3A_796 = vector.shape_cast %get3A_795 : vector<2x16xbf16> to vector<2x16xbf16>
        %add3A_797 = arith.addf %add3A_784, %get3A_796 : vector<2x16xbf16>
        scf.yield %add3A_797 : vector<2x16xbf16>
      }
      %scan3A_182 = arith.constant 6 : i32
      %swap3A = arith.constant 17 : index
      %swap3A_183 = arith.constant 0 : index
      %swap3A_184 = tpu.vector_load %arg9[%swap3A, %swap3A_183] {strides = array<i32>} : memref<19x16xbf16, #tpu.memory_space<vmem>>, vector<2x16xbf16>,
      %swap3A_185 = vector.shape_cast %swap3A_184 : vector<2x16xbf16> to vector<2x16xbf16>
      %swap3A_186 = vector.shape_cast %broadcast_in_dim3A_173 : vector<2x16xbf16> to vector<2x16xbf16>
      tpu.vector_store %arg9[%swap3A, %swap3A_183], %swap3A_186 {strides = array<i32>} : memref<19x16xbf16, #tpu.memory_space<vmem>>, vector<2x16xbf16>,
      %swap3A_187 = arith.constant 16 : index
      %swap3A_188 = arith.constant 0 : index
      %swap3A_189 = tpu.vector_load %arg9[%swap3A_187, %swap3A_188] {strides = array<i32>} : memref<19x16xbf16, #tpu.memory_space<vmem>>, vector<2x16xbf16>,
      %swap3A_190 = vector.shape_cast %swap3A_189 : vector<2x16xbf16> to vector<2x16xbf16>
      %swap3A_191 = vector.shape_cast %scan3A_181 : vector<2x16xbf16> to vector<2x16xbf16>
      tpu.vector_store %arg9[%swap3A_187, %swap3A_188], %swap3A_191 {strides = array<i32>} : memref<19x16xbf16, #tpu.memory_space<vmem>>, vector<2x16xbf16>,
      %get3A_192 = arith.constant 17 : index
      %get3A_193 = arith.constant 0 : index
      %get3A_194 = tpu.vector_load %arg9[%get3A_192, %get3A_193] {strides = array<i32>} : memref<19x16xbf16, #tpu.memory_space<vmem>>, vector<2x16xbf16>,
      %get3A_195 = vector.shape_cast %get3A_194 : vector<2x16xbf16> to vector<2x16xbf16>
      %add3A_196 = arith.addf %scan3A_181, %get3A_195 : vector<2x16xbf16>
      %swap3A_197 = arith.constant 0 : index
      %swap3A_198 = arith.constant 0 : index
      %swap3A_199 = tpu.vector_load %arg9[%swap3A_197, %swap3A_198] {strides = array<i32>} : memref<19x16xbf16, #tpu.memory_space<vmem>>, vector<2x16xbf16>,
      %swap3A_200 = vector.shape_cast %swap3A_199 : vector<2x16xbf16> to vector<2x16xbf16>
      %swap3A_201 = vector.shape_cast %add3A_196 : vector<2x16xbf16> to vector<2x16xbf16>
      tpu.vector_store %arg9[%swap3A_197, %swap3A_198], %swap3A_201 {strides = array<i32>} : memref<19x16xbf16, #tpu.memory_space<vmem>>, vector<2x16xbf16>,
      %get3A_202 = arith.constant 50 : index
      %get3A_203 = arith.constant 0 : index
      %get3A_204 = tpu.vector_load %arg7[%get3A_202, %get3A_203] {strides = array<i32>} : memref<400x16xbf16, #tpu.memory_space<vmem>>, vector<2x16xbf16>,
      %get3A_205 = vector.shape_cast %get3A_204 : vector<2x16xbf16> to vector<2x16xbf16>
      %scan3A_206 = arith.constant 0 : i32
      %scan3A_207 = arith.constant 6 : i32
      %scan3A_208 = arith.addi %scan3A_206, %scan3A_207 : i32
      %scan3A_209 = arith.constant 1 : i32
      %scan3A_210 = scf.for %scan3A_744 = %scan3A_206 to %scan3A_208 step %scan3A_209 iter_args(%scan3A_745 = %get3A_205) -> (vector<2x16xbf16>)  : i32 {
        %mul3A_746 = arith.constant 4 : i32
        %mul3A_747 = arith.muli %scan3A_744, %mul3A_746 : i32
        %add3A_748 = arith.constant 0 : i32
        %add3A_749 = arith.addi %mul3A_747, %add3A_748 : i32
        %mul3A_750 = arith.constant 2 : i32
        %mul3A_751 = arith.muli %add3A_749, %mul3A_750 : i32
        %add3A_752 = arith.constant 52 : i32
        %add3A_753 = arith.addi %add3A_752, %mul3A_751 : i32
        %get3A_754 = arith.index_cast %add3A_753 : i32 to index
        %get3A_755 = arith.constant 0 : index
        %get3A_756 = tpu.vector_load %arg7[%get3A_754, %get3A_755] {strides = array<i32>} : memref<400x16xbf16, #tpu.memory_space<vmem>>, vector<2x16xbf16>,
        %get3A_757 = vector.shape_cast %get3A_756 : vector<2x16xbf16> to vector<2x16xbf16>
        %add3A_758 = arith.addf %scan3A_745, %get3A_757 : vector<2x16xbf16>
        %mul3A_759 = arith.constant 4 : i32
        %mul3A_760 = arith.muli %scan3A_744, %mul3A_759 : i32
        %add3A_761 = arith.constant 1 : i32
        %add3A_762 = arith.addi %mul3A_760, %add3A_761 : i32
        %mul3A_763 = arith.constant 2 : i32
        %mul3A_764 = arith.muli %add3A_762, %mul3A_763 : i32
        %add3A_765 = arith.constant 52 : i32
        %add3A_766 = arith.addi %add3A_765, %mul3A_764 : i32
        %get3A_767 = arith.index_cast %add3A_766 : i32 to index
        %get3A_768 = arith.constant 0 : index
        %get3A_769 = tpu.vector_load %arg7[%get3A_767, %get3A_768] {strides = array<i32>} : memref<400x16xbf16, #tpu.memory_space<vmem>>, vector<2x16xbf16>,
        %get3A_770 = vector.shape_cast %get3A_769 : vector<2x16xbf16> to vector<2x16xbf16>
        %add3A_771 = arith.addf %add3A_758, %get3A_770 : vector<2x16xbf16>
        %mul3A_772 = arith.constant 4 : i32
        %mul3A_773 = arith.muli %scan3A_744, %mul3A_772 : i32
        %add3A_774 = arith.constant 2 : i32
        %add3A_775 = arith.addi %mul3A_773, %add3A_774 : i32
        %mul3A_776 = arith.constant 2 : i32
        %mul3A_777 = arith.muli %add3A_775, %mul3A_776 : i32
        %add3A_778 = arith.constant 52 : i32
        %add3A_779 = arith.addi %add3A_778, %mul3A_777 : i32
        %get3A_780 = arith.index_cast %add3A_779 : i32 to index
        %get3A_781 = arith.constant 0 : index
        %get3A_782 = tpu.vector_load %arg7[%get3A_780, %get3A_781] {strides = array<i32>} : memref<400x16xbf16, #tpu.memory_space<vmem>>, vector<2x16xbf16>,
        %get3A_783 = vector.shape_cast %get3A_782 : vector<2x16xbf16> to vector<2x16xbf16>
        %add3A_784 = arith.addf %add3A_771, %get3A_783 : vector<2x16xbf16>
        %mul3A_785 = arith.constant 4 : i32
        %mul3A_786 = arith.muli %scan3A_744, %mul3A_785 : i32
        %add3A_787 = arith.constant 3 : i32
        %add3A_788 = arith.addi %mul3A_786, %add3A_787 : i32
        %mul3A_789 = arith.constant 2 : i32
        %mul3A_790 = arith.muli %add3A_788, %mul3A_789 : i32
        %add3A_791 = arith.constant 52 : i32
        %add3A_792 = arith.addi %add3A_791, %mul3A_790 : i32
        %get3A_793 = arith.index_cast %add3A_792 : i32 to index
        %get3A_794 = arith.constant 0 : index
        %get3A_795 = tpu.vector_load %arg7[%get3A_793, %get3A_794] {strides = array<i32>} : memref<400x16xbf16, #tpu.memory_space<vmem>>, vector<2x16xbf16>,
        %get3A_796 = vector.shape_cast %get3A_795 : vector<2x16xbf16> to vector<2x16xbf16>
        %add3A_797 = arith.addf %add3A_784, %get3A_796 : vector<2x16xbf16>
        scf.yield %add3A_797 : vector<2x16xbf16>
      }
      %scan3A_211 = arith.constant 6 : i32
      %swap3A_212 = arith.constant 17 : index
      %swap3A_213 = arith.constant 0 : index
      %swap3A_214 = tpu.vector_load %arg9[%swap3A_212, %swap3A_213] {strides = array<i32>} : memref<19x16xbf16, #tpu.memory_space<vmem>>, vector<2x16xbf16>,
      %swap3A_215 = vector.shape_cast %swap3A_214 : vector<2x16xbf16> to vector<2x16xbf16>
      %swap3A_216 = vector.shape_cast %broadcast_in_dim3A_173 : vector<2x16xbf16> to vector<2x16xbf16>
      tpu.vector_store %arg9[%swap3A_212, %swap3A_213], %swap3A_216 {strides = array<i32>} : memref<19x16xbf16, #tpu.memory_space<vmem>>, vector<2x16xbf16>,
      %swap3A_217 = arith.constant 16 : index
      %swap3A_218 = arith.constant 0 : index
      %swap3A_219 = tpu.vector_load %arg9[%swap3A_217, %swap3A_218] {strides = array<i32>} : memref<19x16xbf16, #tpu.memory_space<vmem>>, vector<2x16xbf16>,
      %swap3A_220 = vector.shape_cast %swap3A_219 : vector<2x16xbf16> to vector<2x16xbf16>
      %swap3A_221 = vector.shape_cast %scan3A_210 : vector<2x16xbf16> to vector<2x16xbf16>
      tpu.vector_store %arg9[%swap3A_217, %swap3A_218], %swap3A_221 {strides = array<i32>} : memref<19x16xbf16, #tpu.memory_space<vmem>>, vector<2x16xbf16>,
      %get3A_222 = arith.constant 17 : index
      %get3A_223 = arith.constant 0 : index
      %get3A_224 = tpu.vector_load %arg9[%get3A_222, %get3A_223] {strides = array<i32>} : memref<19x16xbf16, #tpu.memory_space<vmem>>, vector<2x16xbf16>,
      %get3A_225 = vector.shape_cast %get3A_224 : vector<2x16xbf16> to vector<2x16xbf16>
      %add3A_226 = arith.addf %scan3A_210, %get3A_225 : vector<2x16xbf16>
      %swap3A_227 = arith.constant 2 : index
      %swap3A_228 = arith.constant 0 : index
      %swap3A_229 = tpu.vector_load %arg9[%swap3A_227, %swap3A_228] {strides = array<i32>} : memref<19x16xbf16, #tpu.memory_space<vmem>>, vector<2x16xbf16>,
      %swap3A_230 = vector.shape_cast %swap3A_229 : vector<2x16xbf16> to vector<2x16xbf16>
      %swap3A_231 = vector.shape_cast %add3A_226 : vector<2x16xbf16> to vector<2x16xbf16>
      tpu.vector_store %arg9[%swap3A_227, %swap3A_228], %swap3A_231 {strides = array<i32>} : memref<19x16xbf16, #tpu.memory_space<vmem>>, vector<2x16xbf16>,
      %get3A_232 = arith.constant 100 : index
      %get3A_233 = arith.constant 0 : index
      %get3A_234 = tpu.vector_load %arg7[%get3A_232, %get3A_233] {strides = array<i32>} : memref<400x16xbf16, #tpu.memory_space<vmem>>, vector<2x16xbf16>,
      %get3A_235 = vector.shape_cast %get3A_234 : vector<2x16xbf16> to vector<2x16xbf16>
      %scan3A_236 = arith.constant 0 : i32
      %scan3A_237 = arith.constant 6 : i32
      %scan3A_238 = arith.addi %scan3A_236, %scan3A_237 : i32
      %scan3A_239 = arith.constant 1 : i32
      %scan3A_240 = scf.for %scan3A_744 = %scan3A_236 to %scan3A_238 step %scan3A_239 iter_args(%scan3A_745 = %get3A_235) -> (vector<2x16xbf16>)  : i32 {
        %mul3A_746 = arith.constant 4 : i32
        %mul3A_747 = arith.muli %scan3A_744, %mul3A_746 : i32
        %add3A_748 = arith.constant 0 : i32
        %add3A_749 = arith.addi %mul3A_747, %add3A_748 : i32
        %mul3A_750 = arith.constant 2 : i32
        %mul3A_751 = arith.muli %add3A_749, %mul3A_750 : i32
        %add3A_752 = arith.constant 102 : i32
        %add3A_753 = arith.addi %add3A_752, %mul3A_751 : i32
        %get3A_754 = arith.index_cast %add3A_753 : i32 to index
        %get3A_755 = arith.constant 0 : index
        %get3A_756 = tpu.vector_load %arg7[%get3A_754, %get3A_755] {strides = array<i32>} : memref<400x16xbf16, #tpu.memory_space<vmem>>, vector<2x16xbf16>,
        %get3A_757 = vector.shape_cast %get3A_756 : vector<2x16xbf16> to vector<2x16xbf16>
        %add3A_758 = arith.addf %scan3A_745, %get3A_757 : vector<2x16xbf16>
        %mul3A_759 = arith.constant 4 : i32
        %mul3A_760 = arith.muli %scan3A_744, %mul3A_759 : i32
        %add3A_761 = arith.constant 1 : i32
        %add3A_762 = arith.addi %mul3A_760, %add3A_761 : i32
        %mul3A_763 = arith.constant 2 : i32
        %mul3A_764 = arith.muli %add3A_762, %mul3A_763 : i32
        %add3A_765 = arith.constant 102 : i32
        %add3A_766 = arith.addi %add3A_765, %mul3A_764 : i32
        %get3A_767 = arith.index_cast %add3A_766 : i32 to index
        %get3A_768 = arith.constant 0 : index
        %get3A_769 = tpu.vector_load %arg7[%get3A_767, %get3A_768] {strides = array<i32>} : memref<400x16xbf16, #tpu.memory_space<vmem>>, vector<2x16xbf16>,
        %get3A_770 = vector.shape_cast %get3A_769 : vector<2x16xbf16> to vector<2x16xbf16>
        %add3A_771 = arith.addf %add3A_758, %get3A_770 : vector<2x16xbf16>
        %mul3A_772 = arith.constant 4 : i32
        %mul3A_773 = arith.muli %scan3A_744, %mul3A_772 : i32
        %add3A_774 = arith.constant 2 : i32
        %add3A_775 = arith.addi %mul3A_773, %add3A_774 : i32
        %mul3A_776 = arith.constant 2 : i32
        %mul3A_777 = arith.muli %add3A_775, %mul3A_776 : i32
        %add3A_778 = arith.constant 102 : i32
        %add3A_779 = arith.addi %add3A_778, %mul3A_777 : i32
        %get3A_780 = arith.index_cast %add3A_779 : i32 to index
        %get3A_781 = arith.constant 0 : index
        %get3A_782 = tpu.vector_load %arg7[%get3A_780, %get3A_781] {strides = array<i32>} : memref<400x16xbf16, #tpu.memory_space<vmem>>, vector<2x16xbf16>,
        %get3A_783 = vector.shape_cast %get3A_782 : vector<2x16xbf16> to vector<2x16xbf16>
        %add3A_784 = arith.addf %add3A_771, %get3A_783 : vector<2x16xbf16>
        %mul3A_785 = arith.constant 4 : i32
        %mul3A_786 = arith.muli %scan3A_744, %mul3A_785 : i32
        %add3A_787 = arith.constant 3 : i32
        %add3A_788 = arith.addi %mul3A_786, %add3A_787 : i32
        %mul3A_789 = arith.constant 2 : i32
        %mul3A_790 = arith.muli %add3A_788, %mul3A_789 : i32
        %add3A_791 = arith.constant 102 : i32
        %add3A_792 = arith.addi %add3A_791, %mul3A_790 : i32
        %get3A_793 = arith.index_cast %add3A_792 : i32 to index
        %get3A_794 = arith.constant 0 : index
        %get3A_795 = tpu.vector_load %arg7[%get3A_793, %get3A_794] {strides = array<i32>} : memref<400x16xbf16, #tpu.memory_space<vmem>>, vector<2x16xbf16>,
        %get3A_796 = vector.shape_cast %get3A_795 : vector<2x16xbf16> to vector<2x16xbf16>
        %add3A_797 = arith.addf %add3A_784, %get3A_796 : vector<2x16xbf16>
        scf.yield %add3A_797 : vector<2x16xbf16>
      }
      %scan3A_241 = arith.constant 6 : i32
      %swap3A_242 = arith.constant 17 : index
      %swap3A_243 = arith.constant 0 : index
      %swap3A_244 = tpu.vector_load %arg9[%swap3A_242, %swap3A_243] {strides = array<i32>} : memref<19x16xbf16, #tpu.memory_space<vmem>>, vector<2x16xbf16>,
      %swap3A_245 = vector.shape_cast %swap3A_244 : vector<2x16xbf16> to vector<2x16xbf16>
      %swap3A_246 = vector.shape_cast %broadcast_in_dim3A_173 : vector<2x16xbf16> to vector<2x16xbf16>
      tpu.vector_store %arg9[%swap3A_242, %swap3A_243], %swap3A_246 {strides = array<i32>} : memref<19x16xbf16, #tpu.memory_space<vmem>>, vector<2x16xbf16>,
      %swap3A_247 = arith.constant 16 : index
      %swap3A_248 = arith.constant 0 : index
      %swap3A_249 = tpu.vector_load %arg9[%swap3A_247, %swap3A_248] {strides = array<i32>} : memref<19x16xbf16, #tpu.memory_space<vmem>>, vector<2x16xbf16>,
      %swap3A_250 = vector.shape_cast %swap3A_249 : vector<2x16xbf16> to vector<2x16xbf16>
      %swap3A_251 = vector.shape_cast %scan3A_240 : vector<2x16xbf16> to vector<2x16xbf16>
      tpu.vector_store %arg9[%swap3A_247, %swap3A_248], %swap3A_251 {strides = array<i32>} : memref<19x16xbf16, #tpu.memory_space<vmem>>, vector<2x16xbf16>,
      %get3A_252 = arith.constant 17 : index
      %get3A_253 = arith.constant 0 : index
      %get3A_254 = tpu.vector_load %arg9[%get3A_252, %get3A_253] {strides = array<i32>} : memref<19x16xbf16, #tpu.memory_space<vmem>>, vector<2x16xbf16>,
      %get3A_255 = vector.shape_cast %get3A_254 : vector<2x16xbf16> to vector<2x16xbf16>
      %add3A_256 = arith.addf %scan3A_240, %get3A_255 : vector<2x16xbf16>
      %swap3A_257 = arith.constant 4 : index
      %swap3A_258 = arith.constant 0 : index
      %swap3A_259 = tpu.vector_load %arg9[%swap3A_257, %swap3A_258] {strides = array<i32>} : memref<19x16xbf16, #tpu.memory_space<vmem>>, vector<2x16xbf16>,
      %swap3A_260 = vector.shape_cast %swap3A_259 : vector<2x16xbf16> to vector<2x16xbf16>
      %swap3A_261 = vector.shape_cast %add3A_256 : vector<2x16xbf16> to vector<2x16xbf16>
      tpu.vector_store %arg9[%swap3A_257, %swap3A_258], %swap3A_261 {strides = array<i32>} : memref<19x16xbf16, #tpu.memory_space<vmem>>, vector<2x16xbf16>,
      %get3A_262 = arith.constant 150 : index
      %get3A_263 = arith.constant 0 : index
      %get3A_264 = tpu.vector_load %arg7[%get3A_262, %get3A_263] {strides = array<i32>} : memref<400x16xbf16, #tpu.memory_space<vmem>>, vector<2x16xbf16>,
      %get3A_265 = vector.shape_cast %get3A_264 : vector<2x16xbf16> to vector<2x16xbf16>
      %scan3A_266 = arith.constant 0 : i32
      %scan3A_267 = arith.constant 6 : i32
      %scan3A_268 = arith.addi %scan3A_266, %scan3A_267 : i32
      %scan3A_269 = arith.constant 1 : i32
      %scan3A_270 = scf.for %scan3A_744 = %scan3A_266 to %scan3A_268 step %scan3A_269 iter_args(%scan3A_745 = %get3A_265) -> (vector<2x16xbf16>)  : i32 {
        %mul3A_746 = arith.constant 4 : i32
        %mul3A_747 = arith.muli %scan3A_744, %mul3A_746 : i32
        %add3A_748 = arith.constant 0 : i32
        %add3A_749 = arith.addi %mul3A_747, %add3A_748 : i32
        %mul3A_750 = arith.constant 2 : i32
        %mul3A_751 = arith.muli %add3A_749, %mul3A_750 : i32
        %add3A_752 = arith.constant 152 : i32
        %add3A_753 = arith.addi %add3A_752, %mul3A_751 : i32
        %get3A_754 = arith.index_cast %add3A_753 : i32 to index
        %get3A_755 = arith.constant 0 : index
        %get3A_756 = tpu.vector_load %arg7[%get3A_754, %get3A_755] {strides = array<i32>} : memref<400x16xbf16, #tpu.memory_space<vmem>>, vector<2x16xbf16>,
        %get3A_757 = vector.shape_cast %get3A_756 : vector<2x16xbf16> to vector<2x16xbf16>
        %add3A_758 = arith.addf %scan3A_745, %get3A_757 : vector<2x16xbf16>
        %mul3A_759 = arith.constant 4 : i32
        %mul3A_760 = arith.muli %scan3A_744, %mul3A_759 : i32
        %add3A_761 = arith.constant 1 : i32
        %add3A_762 = arith.addi %mul3A_760, %add3A_761 : i32
        %mul3A_763 = arith.constant 2 : i32
        %mul3A_764 = arith.muli %add3A_762, %mul3A_763 : i32
        %add3A_765 = arith.constant 152 : i32
        %add3A_766 = arith.addi %add3A_765, %mul3A_764 : i32
        %get3A_767 = arith.index_cast %add3A_766 : i32 to index
        %get3A_768 = arith.constant 0 : index
        %get3A_769 = tpu.vector_load %arg7[%get3A_767, %get3A_768] {strides = array<i32>} : memref<400x16xbf16, #tpu.memory_space<vmem>>, vector<2x16xbf16>,
        %get3A_770 = vector.shape_cast %get3A_769 : vector<2x16xbf16> to vector<2x16xbf16>
        %add3A_771 = arith.addf %add3A_758, %get3A_770 : vector<2x16xbf16>
        %mul3A_772 = arith.constant 4 : i32
        %mul3A_773 = arith.muli %scan3A_744, %mul3A_772 : i32
        %add3A_774 = arith.constant 2 : i32
        %add3A_775 = arith.addi %mul3A_773, %add3A_774 : i32
        %mul3A_776 = arith.constant 2 : i32
        %mul3A_777 = arith.muli %add3A_775, %mul3A_776 : i32
        %add3A_778 = arith.constant 152 : i32
        %add3A_779 = arith.addi %add3A_778, %mul3A_777 : i32
        %get3A_780 = arith.index_cast %add3A_779 : i32 to index
        %get3A_781 = arith.constant 0 : index
        %get3A_782 = tpu.vector_load %arg7[%get3A_780, %get3A_781] {strides = array<i32>} : memref<400x16xbf16, #tpu.memory_space<vmem>>, vector<2x16xbf16>,
        %get3A_783 = vector.shape_cast %get3A_782 : vector<2x16xbf16> to vector<2x16xbf16>
        %add3A_784 = arith.addf %add3A_771, %get3A_783 : vector<2x16xbf16>
        %mul3A_785 = arith.constant 4 : i32
        %mul3A_786 = arith.muli %scan3A_744, %mul3A_785 : i32
        %add3A_787 = arith.constant 3 : i32
        %add3A_788 = arith.addi %mul3A_786, %add3A_787 : i32
        %mul3A_789 = arith.constant 2 : i32
        %mul3A_790 = arith.muli %add3A_788, %mul3A_789 : i32
        %add3A_791 = arith.constant 152 : i32
        %add3A_792 = arith.addi %add3A_791, %mul3A_790 : i32
        %get3A_793 = arith.index_cast %add3A_792 : i32 to index
        %get3A_794 = arith.constant 0 : index
        %get3A_795 = tpu.vector_load %arg7[%get3A_793, %get3A_794] {strides = array<i32>} : memref<400x16xbf16, #tpu.memory_space<vmem>>, vector<2x16xbf16>,
        %get3A_796 = vector.shape_cast %get3A_795 : vector<2x16xbf16> to vector<2x16xbf16>
        %add3A_797 = arith.addf %add3A_784, %get3A_796 : vector<2x16xbf16>
        scf.yield %add3A_797 : vector<2x16xbf16>
      }
      %scan3A_271 = arith.constant 6 : i32
      %swap3A_272 = arith.constant 17 : index
      %swap3A_273 = arith.constant 0 : index
      %swap3A_274 = tpu.vector_load %arg9[%swap3A_272, %swap3A_273] {strides = array<i32>} : memref<19x16xbf16, #tpu.memory_space<vmem>>, vector<2x16xbf16>,
      %swap3A_275 = vector.shape_cast %swap3A_274 : vector<2x16xbf16> to vector<2x16xbf16>
      %swap3A_276 = vector.shape_cast %broadcast_in_dim3A_173 : vector<2x16xbf16> to vector<2x16xbf16>
      tpu.vector_store %arg9[%swap3A_272, %swap3A_273], %swap3A_276 {strides = array<i32>} : memref<19x16xbf16, #tpu.memory_space<vmem>>, vector<2x16xbf16>,
      %swap3A_277 = arith.constant 16 : index
      %swap3A_278 = arith.constant 0 : index
      %swap3A_279 = tpu.vector_load %arg9[%swap3A_277, %swap3A_278] {strides = array<i32>} : memref<19x16xbf16, #tpu.memory_space<vmem>>, vector<2x16xbf16>,
      %swap3A_280 = vector.shape_cast %swap3A_279 : vector<2x16xbf16> to vector<2x16xbf16>
      %swap3A_281 = vector.shape_cast %scan3A_270 : vector<2x16xbf16> to vector<2x16xbf16>
      tpu.vector_store %arg9[%swap3A_277, %swap3A_278], %swap3A_281 {strides = array<i32>} : memref<19x16xbf16, #tpu.memory_space<vmem>>, vector<2x16xbf16>,
      %get3A_282 = arith.constant 17 : index
      %get3A_283 = arith.constant 0 : index
      %get3A_284 = tpu.vector_load %arg9[%get3A_282, %get3A_283] {strides = array<i32>} : memref<19x16xbf16, #tpu.memory_space<vmem>>, vector<2x16xbf16>,
      %get3A_285 = vector.shape_cast %get3A_284 : vector<2x16xbf16> to vector<2x16xbf16>
      %add3A_286 = arith.addf %scan3A_270, %get3A_285 : vector<2x16xbf16>
      %swap3A_287 = arith.constant 6 : index
      %swap3A_288 = arith.constant 0 : index
      %swap3A_289 = tpu.vector_load %arg9[%swap3A_287, %swap3A_288] {strides = array<i32>} : memref<19x16xbf16, #tpu.memory_space<vmem>>, vector<2x16xbf16>,
      %swap3A_290 = vector.shape_cast %swap3A_289 : vector<2x16xbf16> to vector<2x16xbf16>
      %swap3A_291 = vector.shape_cast %add3A_286 : vector<2x16xbf16> to vector<2x16xbf16>
      tpu.vector_store %arg9[%swap3A_287, %swap3A_288], %swap3A_291 {strides = array<i32>} : memref<19x16xbf16, #tpu.memory_space<vmem>>, vector<2x16xbf16>,
      %get3A_292 = arith.constant 200 : index
      %get3A_293 = arith.constant 0 : index
      %get3A_294 = tpu.vector_load %arg7[%get3A_292, %get3A_293] {strides = array<i32>} : memref<400x16xbf16, #tpu.memory_space<vmem>>, vector<2x16xbf16>,
      %get3A_295 = vector.shape_cast %get3A_294 : vector<2x16xbf16> to vector<2x16xbf16>
      %scan3A_296 = arith.constant 0 : i32
      %scan3A_297 = arith.constant 6 : i32
      %scan3A_298 = arith.addi %scan3A_296, %scan3A_297 : i32
      %scan3A_299 = arith.constant 1 : i32
      %scan3A_300 = scf.for %scan3A_744 = %scan3A_296 to %scan3A_298 step %scan3A_299 iter_args(%scan3A_745 = %get3A_295) -> (vector<2x16xbf16>)  : i32 {
        %mul3A_746 = arith.constant 4 : i32
        %mul3A_747 = arith.muli %scan3A_744, %mul3A_746 : i32
        %add3A_748 = arith.constant 0 : i32
        %add3A_749 = arith.addi %mul3A_747, %add3A_748 : i32
        %mul3A_750 = arith.constant 2 : i32
        %mul3A_751 = arith.muli %add3A_749, %mul3A_750 : i32
        %add3A_752 = arith.constant 202 : i32
        %add3A_753 = arith.addi %add3A_752, %mul3A_751 : i32
        %get3A_754 = arith.index_cast %add3A_753 : i32 to index
        %get3A_755 = arith.constant 0 : index
        %get3A_756 = tpu.vector_load %arg7[%get3A_754, %get3A_755] {strides = array<i32>} : memref<400x16xbf16, #tpu.memory_space<vmem>>, vector<2x16xbf16>,
        %get3A_757 = vector.shape_cast %get3A_756 : vector<2x16xbf16> to vector<2x16xbf16>
        %add3A_758 = arith.addf %scan3A_745, %get3A_757 : vector<2x16xbf16>
        %mul3A_759 = arith.constant 4 : i32
        %mul3A_760 = arith.muli %scan3A_744, %mul3A_759 : i32
        %add3A_761 = arith.constant 1 : i32
        %add3A_762 = arith.addi %mul3A_760, %add3A_761 : i32
        %mul3A_763 = arith.constant 2 : i32
        %mul3A_764 = arith.muli %add3A_762, %mul3A_763 : i32
        %add3A_765 = arith.constant 202 : i32
        %add3A_766 = arith.addi %add3A_765, %mul3A_764 : i32
        %get3A_767 = arith.index_cast %add3A_766 : i32 to index
        %get3A_768 = arith.constant 0 : index
        %get3A_769 = tpu.vector_load %arg7[%get3A_767, %get3A_768] {strides = array<i32>} : memref<400x16xbf16, #tpu.memory_space<vmem>>, vector<2x16xbf16>,
        %get3A_770 = vector.shape_cast %get3A_769 : vector<2x16xbf16> to vector<2x16xbf16>
        %add3A_771 = arith.addf %add3A_758, %get3A_770 : vector<2x16xbf16>
        %mul3A_772 = arith.constant 4 : i32
        %mul3A_773 = arith.muli %scan3A_744, %mul3A_772 : i32
        %add3A_774 = arith.constant 2 : i32
        %add3A_775 = arith.addi %mul3A_773, %add3A_774 : i32
        %mul3A_776 = arith.constant 2 : i32
        %mul3A_777 = arith.muli %add3A_775, %mul3A_776 : i32
        %add3A_778 = arith.constant 202 : i32
        %add3A_779 = arith.addi %add3A_778, %mul3A_777 : i32
        %get3A_780 = arith.index_cast %add3A_779 : i32 to index
        %get3A_781 = arith.constant 0 : index
        %get3A_782 = tpu.vector_load %arg7[%get3A_780, %get3A_781] {strides = array<i32>} : memref<400x16xbf16, #tpu.memory_space<vmem>>, vector<2x16xbf16>,
        %get3A_783 = vector.shape_cast %get3A_782 : vector<2x16xbf16> to vector<2x16xbf16>
        %add3A_784 = arith.addf %add3A_771, %get3A_783 : vector<2x16xbf16>
        %mul3A_785 = arith.constant 4 : i32
        %mul3A_786 = arith.muli %scan3A_744, %mul3A_785 : i32
        %add3A_787 = arith.constant 3 : i32
        %add3A_788 = arith.addi %mul3A_786, %add3A_787 : i32
        %mul3A_789 = arith.constant 2 : i32
        %mul3A_790 = arith.muli %add3A_788, %mul3A_789 : i32
        %add3A_791 = arith.constant 202 : i32
        %add3A_792 = arith.addi %add3A_791, %mul3A_790 : i32
        %get3A_793 = arith.index_cast %add3A_792 : i32 to index
        %get3A_794 = arith.constant 0 : index
        %get3A_795 = tpu.vector_load %arg7[%get3A_793, %get3A_794] {strides = array<i32>} : memref<400x16xbf16, #tpu.memory_space<vmem>>, vector<2x16xbf16>,
        %get3A_796 = vector.shape_cast %get3A_795 : vector<2x16xbf16> to vector<2x16xbf16>
        %add3A_797 = arith.addf %add3A_784, %get3A_796 : vector<2x16xbf16>
        scf.yield %add3A_797 : vector<2x16xbf16>
      }
      %scan3A_301 = arith.constant 6 : i32
      %swap3A_302 = arith.constant 17 : index
      %swap3A_303 = arith.constant 0 : index
      %swap3A_304 = tpu.vector_load %arg9[%swap3A_302, %swap3A_303] {strides = array<i32>} : memref<19x16xbf16, #tpu.memory_space<vmem>>, vector<2x16xbf16>,
      %swap3A_305 = vector.shape_cast %swap3A_304 : vector<2x16xbf16> to vector<2x16xbf16>
      %swap3A_306 = vector.shape_cast %broadcast_in_dim3A_173 : vector<2x16xbf16> to vector<2x16xbf16>
      tpu.vector_store %arg9[%swap3A_302, %swap3A_303], %swap3A_306 {strides = array<i32>} : memref<19x16xbf16, #tpu.memory_space<vmem>>, vector<2x16xbf16>,
      %swap3A_307 = arith.constant 16 : index
      %swap3A_308 = arith.constant 0 : index
      %swap3A_309 = tpu.vector_load %arg9[%swap3A_307, %swap3A_308] {strides = array<i32>} : memref<19x16xbf16, #tpu.memory_space<vmem>>, vector<2x16xbf16>,
      %swap3A_310 = vector.shape_cast %swap3A_309 : vector<2x16xbf16> to vector<2x16xbf16>
      %swap3A_311 = vector.shape_cast %scan3A_300 : vector<2x16xbf16> to vector<2x16xbf16>
      tpu.vector_store %arg9[%swap3A_307, %swap3A_308], %swap3A_311 {strides = array<i32>} : memref<19x16xbf16, #tpu.memory_space<vmem>>, vector<2x16xbf16>,
      %get3A_312 = arith.constant 17 : index
      %get3A_313 = arith.constant 0 : index
      %get3A_314 = tpu.vector_load %arg9[%get3A_312, %get3A_313] {strides = array<i32>} : memref<19x16xbf16, #tpu.memory_space<vmem>>, vector<2x16xbf16>,
      %get3A_315 = vector.shape_cast %get3A_314 : vector<2x16xbf16> to vector<2x16xbf16>
      %add3A_316 = arith.addf %scan3A_300, %get3A_315 : vector<2x16xbf16>
      %swap3A_317 = arith.constant 8 : index
      %swap3A_318 = arith.constant 0 : index
      %swap3A_319 = tpu.vector_load %arg9[%swap3A_317, %swap3A_318] {strides = array<i32>} : memref<19x16xbf16, #tpu.memory_space<vmem>>, vector<2x16xbf16>,
      %swap3A_320 = vector.shape_cast %swap3A_319 : vector<2x16xbf16> to vector<2x16xbf16>
      %swap3A_321 = vector.shape_cast %add3A_316 : vector<2x16xbf16> to vector<2x16xbf16>
      tpu.vector_store %arg9[%swap3A_317, %swap3A_318], %swap3A_321 {strides = array<i32>} : memref<19x16xbf16, #tpu.memory_space<vmem>>, vector<2x16xbf16>,
      %get3A_322 = arith.constant 250 : index
      %get3A_323 = arith.constant 0 : index
      %get3A_324 = tpu.vector_load %arg7[%get3A_322, %get3A_323] {strides = array<i32>} : memref<400x16xbf16, #tpu.memory_space<vmem>>, vector<2x16xbf16>,
      %get3A_325 = vector.shape_cast %get3A_324 : vector<2x16xbf16> to vector<2x16xbf16>
      %scan3A_326 = arith.constant 0 : i32
      %scan3A_327 = arith.constant 6 : i32
      %scan3A_328 = arith.addi %scan3A_326, %scan3A_327 : i32
      %scan3A_329 = arith.constant 1 : i32
      %scan3A_330 = scf.for %scan3A_744 = %scan3A_326 to %scan3A_328 step %scan3A_329 iter_args(%scan3A_745 = %get3A_325) -> (vector<2x16xbf16>)  : i32 {
        %mul3A_746 = arith.constant 4 : i32
        %mul3A_747 = arith.muli %scan3A_744, %mul3A_746 : i32
        %add3A_748 = arith.constant 0 : i32
        %add3A_749 = arith.addi %mul3A_747, %add3A_748 : i32
        %mul3A_750 = arith.constant 2 : i32
        %mul3A_751 = arith.muli %add3A_749, %mul3A_750 : i32
        %add3A_752 = arith.constant 252 : i32
        %add3A_753 = arith.addi %add3A_752, %mul3A_751 : i32
        %get3A_754 = arith.index_cast %add3A_753 : i32 to index
        %get3A_755 = arith.constant 0 : index
        %get3A_756 = tpu.vector_load %arg7[%get3A_754, %get3A_755] {strides = array<i32>} : memref<400x16xbf16, #tpu.memory_space<vmem>>, vector<2x16xbf16>,
        %get3A_757 = vector.shape_cast %get3A_756 : vector<2x16xbf16> to vector<2x16xbf16>
        %add3A_758 = arith.addf %scan3A_745, %get3A_757 : vector<2x16xbf16>
        %mul3A_759 = arith.constant 4 : i32
        %mul3A_760 = arith.muli %scan3A_744, %mul3A_759 : i32
        %add3A_761 = arith.constant 1 : i32
        %add3A_762 = arith.addi %mul3A_760, %add3A_761 : i32
        %mul3A_763 = arith.constant 2 : i32
        %mul3A_764 = arith.muli %add3A_762, %mul3A_763 : i32
        %add3A_765 = arith.constant 252 : i32
        %add3A_766 = arith.addi %add3A_765, %mul3A_764 : i32
        %get3A_767 = arith.index_cast %add3A_766 : i32 to index
        %get3A_768 = arith.constant 0 : index
        %get3A_769 = tpu.vector_load %arg7[%get3A_767, %get3A_768] {strides = array<i32>} : memref<400x16xbf16, #tpu.memory_space<vmem>>, vector<2x16xbf16>,
        %get3A_770 = vector.shape_cast %get3A_769 : vector<2x16xbf16> to vector<2x16xbf16>
        %add3A_771 = arith.addf %add3A_758, %get3A_770 : vector<2x16xbf16>
        %mul3A_772 = arith.constant 4 : i32
        %mul3A_773 = arith.muli %scan3A_744, %mul3A_772 : i32
        %add3A_774 = arith.constant 2 : i32
        %add3A_775 = arith.addi %mul3A_773, %add3A_774 : i32
        %mul3A_776 = arith.constant 2 : i32
        %mul3A_777 = arith.muli %add3A_775, %mul3A_776 : i32
        %add3A_778 = arith.constant 252 : i32
        %add3A_779 = arith.addi %add3A_778, %mul3A_777 : i32
        %get3A_780 = arith.index_cast %add3A_779 : i32 to index
        %get3A_781 = arith.constant 0 : index
        %get3A_782 = tpu.vector_load %arg7[%get3A_780, %get3A_781] {strides = array<i32>} : memref<400x16xbf16, #tpu.memory_space<vmem>>, vector<2x16xbf16>,
        %get3A_783 = vector.shape_cast %get3A_782 : vector<2x16xbf16> to vector<2x16xbf16>
        %add3A_784 = arith.addf %add3A_771, %get3A_783 : vector<2x16xbf16>
        %mul3A_785 = arith.constant 4 : i32
        %mul3A_786 = arith.muli %scan3A_744, %mul3A_785 : i32
        %add3A_787 = arith.constant 3 : i32
        %add3A_788 = arith.addi %mul3A_786, %add3A_787 : i32
        %mul3A_789 = arith.constant 2 : i32
        %mul3A_790 = arith.muli %add3A_788, %mul3A_789 : i32
        %add3A_791 = arith.constant 252 : i32
        %add3A_792 = arith.addi %add3A_791, %mul3A_790 : i32
        %get3A_793 = arith.index_cast %add3A_792 : i32 to index
        %get3A_794 = arith.constant 0 : index
        %get3A_795 = tpu.vector_load %arg7[%get3A_793, %get3A_794] {strides = array<i32>} : memref<400x16xbf16, #tpu.memory_space<vmem>>, vector<2x16xbf16>,
        %get3A_796 = vector.shape_cast %get3A_795 : vector<2x16xbf16> to vector<2x16xbf16>
        %add3A_797 = arith.addf %add3A_784, %get3A_796 : vector<2x16xbf16>
        scf.yield %add3A_797 : vector<2x16xbf16>
      }
      %scan3A_331 = arith.constant 6 : i32
      %swap3A_332 = arith.constant 17 : index
      %swap3A_333 = arith.constant 0 : index
      %swap3A_334 = tpu.vector_load %arg9[%swap3A_332, %swap3A_333] {strides = array<i32>} : memref<19x16xbf16, #tpu.memory_space<vmem>>, vector<2x16xbf16>,
      %swap3A_335 = vector.shape_cast %swap3A_334 : vector<2x16xbf16> to vector<2x16xbf16>
      %swap3A_336 = vector.shape_cast %broadcast_in_dim3A_173 : vector<2x16xbf16> to vector<2x16xbf16>
      tpu.vector_store %arg9[%swap3A_332, %swap3A_333], %swap3A_336 {strides = array<i32>} : memref<19x16xbf16, #tpu.memory_space<vmem>>, vector<2x16xbf16>,
      %swap3A_337 = arith.constant 16 : index
      %swap3A_338 = arith.constant 0 : index
      %swap3A_339 = tpu.vector_load %arg9[%swap3A_337, %swap3A_338] {strides = array<i32>} : memref<19x16xbf16, #tpu.memory_space<vmem>>, vector<2x16xbf16>,
      %swap3A_340 = vector.shape_cast %swap3A_339 : vector<2x16xbf16> to vector<2x16xbf16>
      %swap3A_341 = vector.shape_cast %scan3A_330 : vector<2x16xbf16> to vector<2x16xbf16>
      tpu.vector_store %arg9[%swap3A_337, %swap3A_338], %swap3A_341 {strides = array<i32>} : memref<19x16xbf16, #tpu.memory_space<vmem>>, vector<2x16xbf16>,
      %get3A_342 = arith.constant 17 : index
      %get3A_343 = arith.constant 0 : index
      %get3A_344 = tpu.vector_load %arg9[%get3A_342, %get3A_343] {strides = array<i32>} : memref<19x16xbf16, #tpu.memory_space<vmem>>, vector<2x16xbf16>,
      %get3A_345 = vector.shape_cast %get3A_344 : vector<2x16xbf16> to vector<2x16xbf16>
      %add3A_346 = arith.addf %scan3A_330, %get3A_345 : vector<2x16xbf16>
      %swap3A_347 = arith.constant 10 : index
      %swap3A_348 = arith.constant 0 : index
      %swap3A_349 = tpu.vector_load %arg9[%swap3A_347, %swap3A_348] {strides = array<i32>} : memref<19x16xbf16, #tpu.memory_space<vmem>>, vector<2x16xbf16>,
      %swap3A_350 = vector.shape_cast %swap3A_349 : vector<2x16xbf16> to vector<2x16xbf16>
      %swap3A_351 = vector.shape_cast %add3A_346 : vector<2x16xbf16> to vector<2x16xbf16>
      tpu.vector_store %arg9[%swap3A_347, %swap3A_348], %swap3A_351 {strides = array<i32>} : memref<19x16xbf16, #tpu.memory_space<vmem>>, vector<2x16xbf16>,
      %get3A_352 = arith.constant 300 : index
      %get3A_353 = arith.constant 0 : index
      %get3A_354 = tpu.vector_load %arg7[%get3A_352, %get3A_353] {strides = array<i32>} : memref<400x16xbf16, #tpu.memory_space<vmem>>, vector<2x16xbf16>,
      %get3A_355 = vector.shape_cast %get3A_354 : vector<2x16xbf16> to vector<2x16xbf16>
      %scan3A_356 = arith.constant 0 : i32
      %scan3A_357 = arith.constant 6 : i32
      %scan3A_358 = arith.addi %scan3A_356, %scan3A_357 : i32
      %scan3A_359 = arith.constant 1 : i32
      %scan3A_360 = scf.for %scan3A_744 = %scan3A_356 to %scan3A_358 step %scan3A_359 iter_args(%scan3A_745 = %get3A_355) -> (vector<2x16xbf16>)  : i32 {
        %mul3A_746 = arith.constant 4 : i32
        %mul3A_747 = arith.muli %scan3A_744, %mul3A_746 : i32
        %add3A_748 = arith.constant 0 : i32
        %add3A_749 = arith.addi %mul3A_747, %add3A_748 : i32
        %mul3A_750 = arith.constant 2 : i32
        %mul3A_751 = arith.muli %add3A_749, %mul3A_750 : i32
        %add3A_752 = arith.constant 302 : i32
        %add3A_753 = arith.addi %add3A_752, %mul3A_751 : i32
        %get3A_754 = arith.index_cast %add3A_753 : i32 to index
        %get3A_755 = arith.constant 0 : index
        %get3A_756 = tpu.vector_load %arg7[%get3A_754, %get3A_755] {strides = array<i32>} : memref<400x16xbf16, #tpu.memory_space<vmem>>, vector<2x16xbf16>,
        %get3A_757 = vector.shape_cast %get3A_756 : vector<2x16xbf16> to vector<2x16xbf16>
        %add3A_758 = arith.addf %scan3A_745, %get3A_757 : vector<2x16xbf16>
        %mul3A_759 = arith.constant 4 : i32
        %mul3A_760 = arith.muli %scan3A_744, %mul3A_759 : i32
        %add3A_761 = arith.constant 1 : i32
        %add3A_762 = arith.addi %mul3A_760, %add3A_761 : i32
        %mul3A_763 = arith.constant 2 : i32
        %mul3A_764 = arith.muli %add3A_762, %mul3A_763 : i32
        %add3A_765 = arith.constant 302 : i32
        %add3A_766 = arith.addi %add3A_765, %mul3A_764 : i32
        %get3A_767 = arith.index_cast %add3A_766 : i32 to index
        %get3A_768 = arith.constant 0 : index
        %get3A_769 = tpu.vector_load %arg7[%get3A_767, %get3A_768] {strides = array<i32>} : memref<400x16xbf16, #tpu.memory_space<vmem>>, vector<2x16xbf16>,
        %get3A_770 = vector.shape_cast %get3A_769 : vector<2x16xbf16> to vector<2x16xbf16>
        %add3A_771 = arith.addf %add3A_758, %get3A_770 : vector<2x16xbf16>
        %mul3A_772 = arith.constant 4 : i32
        %mul3A_773 = arith.muli %scan3A_744, %mul3A_772 : i32
        %add3A_774 = arith.constant 2 : i32
        %add3A_775 = arith.addi %mul3A_773, %add3A_774 : i32
        %mul3A_776 = arith.constant 2 : i32
        %mul3A_777 = arith.muli %add3A_775, %mul3A_776 : i32
        %add3A_778 = arith.constant 302 : i32
        %add3A_779 = arith.addi %add3A_778, %mul3A_777 : i32
        %get3A_780 = arith.index_cast %add3A_779 : i32 to index
        %get3A_781 = arith.constant 0 : index
        %get3A_782 = tpu.vector_load %arg7[%get3A_780, %get3A_781] {strides = array<i32>} : memref<400x16xbf16, #tpu.memory_space<vmem>>, vector<2x16xbf16>,
        %get3A_783 = vector.shape_cast %get3A_782 : vector<2x16xbf16> to vector<2x16xbf16>
        %add3A_784 = arith.addf %add3A_771, %get3A_783 : vector<2x16xbf16>
        %mul3A_785 = arith.constant 4 : i32
        %mul3A_786 = arith.muli %scan3A_744, %mul3A_785 : i32
        %add3A_787 = arith.constant 3 : i32
        %add3A_788 = arith.addi %mul3A_786, %add3A_787 : i32
        %mul3A_789 = arith.constant 2 : i32
        %mul3A_790 = arith.muli %add3A_788, %mul3A_789 : i32
        %add3A_791 = arith.constant 302 : i32
        %add3A_792 = arith.addi %add3A_791, %mul3A_790 : i32
        %get3A_793 = arith.index_cast %add3A_792 : i32 to index
        %get3A_794 = arith.constant 0 : index
        %get3A_795 = tpu.vector_load %arg7[%get3A_793, %get3A_794] {strides = array<i32>} : memref<400x16xbf16, #tpu.memory_space<vmem>>, vector<2x16xbf16>,
        %get3A_796 = vector.shape_cast %get3A_795 : vector<2x16xbf16> to vector<2x16xbf16>
        %add3A_797 = arith.addf %add3A_784, %get3A_796 : vector<2x16xbf16>
        scf.yield %add3A_797 : vector<2x16xbf16>
      }
      %scan3A_361 = arith.constant 6 : i32
      %swap3A_362 = arith.constant 17 : index
      %swap3A_363 = arith.constant 0 : index
      %swap3A_364 = tpu.vector_load %arg9[%swap3A_362, %swap3A_363] {strides = array<i32>} : memref<19x16xbf16, #tpu.memory_space<vmem>>, vector<2x16xbf16>,
      %swap3A_365 = vector.shape_cast %swap3A_364 : vector<2x16xbf16> to vector<2x16xbf16>
      %swap3A_366 = vector.shape_cast %broadcast_in_dim3A_173 : vector<2x16xbf16> to vector<2x16xbf16>
      tpu.vector_store %arg9[%swap3A_362, %swap3A_363], %swap3A_366 {strides = array<i32>} : memref<19x16xbf16, #tpu.memory_space<vmem>>, vector<2x16xbf16>,
      %swap3A_367 = arith.constant 16 : index
      %swap3A_368 = arith.constant 0 : index
      %swap3A_369 = tpu.vector_load %arg9[%swap3A_367, %swap3A_368] {strides = array<i32>} : memref<19x16xbf16, #tpu.memory_space<vmem>>, vector<2x16xbf16>,
      %swap3A_370 = vector.shape_cast %swap3A_369 : vector<2x16xbf16> to vector<2x16xbf16>
      %swap3A_371 = vector.shape_cast %scan3A_360 : vector<2x16xbf16> to vector<2x16xbf16>
      tpu.vector_store %arg9[%swap3A_367, %swap3A_368], %swap3A_371 {strides = array<i32>} : memref<19x16xbf16, #tpu.memory_space<vmem>>, vector<2x16xbf16>,
      %get3A_372 = arith.constant 17 : index
      %get3A_373 = arith.constant 0 : index
      %get3A_374 = tpu.vector_load %arg9[%get3A_372, %get3A_373] {strides = array<i32>} : memref<19x16xbf16, #tpu.memory_space<vmem>>, vector<2x16xbf16>,
      %get3A_375 = vector.shape_cast %get3A_374 : vector<2x16xbf16> to vector<2x16xbf16>
      %add3A_376 = arith.addf %scan3A_360, %get3A_375 : vector<2x16xbf16>
      %swap3A_377 = arith.constant 12 : index
      %swap3A_378 = arith.constant 0 : index
      %swap3A_379 = tpu.vector_load %arg9[%swap3A_377, %swap3A_378] {strides = array<i32>} : memref<19x16xbf16, #tpu.memory_space<vmem>>, vector<2x16xbf16>,
      %swap3A_380 = vector.shape_cast %swap3A_379 : vector<2x16xbf16> to vector<2x16xbf16>
      %swap3A_381 = vector.shape_cast %add3A_376 : vector<2x16xbf16> to vector<2x16xbf16>
      tpu.vector_store %arg9[%swap3A_377, %swap3A_378], %swap3A_381 {strides = array<i32>} : memref<19x16xbf16, #tpu.memory_space<vmem>>, vector<2x16xbf16>,
      %get3A_382 = arith.constant 350 : index
      %get3A_383 = arith.constant 0 : index
      %get3A_384 = tpu.vector_load %arg7[%get3A_382, %get3A_383] {strides = array<i32>} : memref<400x16xbf16, #tpu.memory_space<vmem>>, vector<2x16xbf16>,
      %get3A_385 = vector.shape_cast %get3A_384 : vector<2x16xbf16> to vector<2x16xbf16>
      %scan3A_386 = arith.constant 0 : i32
      %scan3A_387 = arith.constant 6 : i32
      %scan3A_388 = arith.addi %scan3A_386, %scan3A_387 : i32
      %scan3A_389 = arith.constant 1 : i32
      %scan3A_390 = scf.for %scan3A_744 = %scan3A_386 to %scan3A_388 step %scan3A_389 iter_args(%scan3A_745 = %get3A_385) -> (vector<2x16xbf16>)  : i32 {
        %mul3A_746 = arith.constant 4 : i32
        %mul3A_747 = arith.muli %scan3A_744, %mul3A_746 : i32
        %add3A_748 = arith.constant 0 : i32
        %add3A_749 = arith.addi %mul3A_747, %add3A_748 : i32
        %mul3A_750 = arith.constant 2 : i32
        %mul3A_751 = arith.muli %add3A_749, %mul3A_750 : i32
        %add3A_752 = arith.constant 352 : i32
        %add3A_753 = arith.addi %add3A_752, %mul3A_751 : i32
        %get3A_754 = arith.index_cast %add3A_753 : i32 to index
        %get3A_755 = arith.constant 0 : index
        %get3A_756 = tpu.vector_load %arg7[%get3A_754, %get3A_755] {strides = array<i32>} : memref<400x16xbf16, #tpu.memory_space<vmem>>, vector<2x16xbf16>,
        %get3A_757 = vector.shape_cast %get3A_756 : vector<2x16xbf16> to vector<2x16xbf16>
        %add3A_758 = arith.addf %scan3A_745, %get3A_757 : vector<2x16xbf16>
        %mul3A_759 = arith.constant 4 : i32
        %mul3A_760 = arith.muli %scan3A_744, %mul3A_759 : i32
        %add3A_761 = arith.constant 1 : i32
        %add3A_762 = arith.addi %mul3A_760, %add3A_761 : i32
        %mul3A_763 = arith.constant 2 : i32
        %mul3A_764 = arith.muli %add3A_762, %mul3A_763 : i32
        %add3A_765 = arith.constant 352 : i32
        %add3A_766 = arith.addi %add3A_765, %mul3A_764 : i32
        %get3A_767 = arith.index_cast %add3A_766 : i32 to index
        %get3A_768 = arith.constant 0 : index
        %get3A_769 = tpu.vector_load %arg7[%get3A_767, %get3A_768] {strides = array<i32>} : memref<400x16xbf16, #tpu.memory_space<vmem>>, vector<2x16xbf16>,
        %get3A_770 = vector.shape_cast %get3A_769 : vector<2x16xbf16> to vector<2x16xbf16>
        %add3A_771 = arith.addf %add3A_758, %get3A_770 : vector<2x16xbf16>
        %mul3A_772 = arith.constant 4 : i32
        %mul3A_773 = arith.muli %scan3A_744, %mul3A_772 : i32
        %add3A_774 = arith.constant 2 : i32
        %add3A_775 = arith.addi %mul3A_773, %add3A_774 : i32
        %mul3A_776 = arith.constant 2 : i32
        %mul3A_777 = arith.muli %add3A_775, %mul3A_776 : i32
        %add3A_778 = arith.constant 352 : i32
        %add3A_779 = arith.addi %add3A_778, %mul3A_777 : i32
        %get3A_780 = arith.index_cast %add3A_779 : i32 to index
        %get3A_781 = arith.constant 0 : index
        %get3A_782 = tpu.vector_load %arg7[%get3A_780, %get3A_781] {strides = array<i32>} : memref<400x16xbf16, #tpu.memory_space<vmem>>, vector<2x16xbf16>,
        %get3A_783 = vector.shape_cast %get3A_782 : vector<2x16xbf16> to vector<2x16xbf16>
        %add3A_784 = arith.addf %add3A_771, %get3A_783 : vector<2x16xbf16>
        %mul3A_785 = arith.constant 4 : i32
        %mul3A_786 = arith.muli %scan3A_744, %mul3A_785 : i32
        %add3A_787 = arith.constant 3 : i32
        %add3A_788 = arith.addi %mul3A_786, %add3A_787 : i32
        %mul3A_789 = arith.constant 2 : i32
        %mul3A_790 = arith.muli %add3A_788, %mul3A_789 : i32
        %add3A_791 = arith.constant 352 : i32
        %add3A_792 = arith.addi %add3A_791, %mul3A_790 : i32
        %get3A_793 = arith.index_cast %add3A_792 : i32 to index
        %get3A_794 = arith.constant 0 : index
        %get3A_795 = tpu.vector_load %arg7[%get3A_793, %get3A_794] {strides = array<i32>} : memref<400x16xbf16, #tpu.memory_space<vmem>>, vector<2x16xbf16>,
        %get3A_796 = vector.shape_cast %get3A_795 : vector<2x16xbf16> to vector<2x16xbf16>
        %add3A_797 = arith.addf %add3A_784, %get3A_796 : vector<2x16xbf16>
        scf.yield %add3A_797 : vector<2x16xbf16>
      }
      %scan3A_391 = arith.constant 6 : i32
      %swap3A_392 = arith.constant 17 : index
      %swap3A_393 = arith.constant 0 : index
      %swap3A_394 = tpu.vector_load %arg9[%swap3A_392, %swap3A_393] {strides = array<i32>} : memref<19x16xbf16, #tpu.memory_space<vmem>>, vector<2x16xbf16>,
      %swap3A_395 = vector.shape_cast %swap3A_394 : vector<2x16xbf16> to vector<2x16xbf16>
      %swap3A_396 = vector.shape_cast %broadcast_in_dim3A_173 : vector<2x16xbf16> to vector<2x16xbf16>
      tpu.vector_store %arg9[%swap3A_392, %swap3A_393], %swap3A_396 {strides = array<i32>} : memref<19x16xbf16, #tpu.memory_space<vmem>>, vector<2x16xbf16>,
      %swap3A_397 = arith.constant 16 : index
      %swap3A_398 = arith.constant 0 : index
      %swap3A_399 = tpu.vector_load %arg9[%swap3A_397, %swap3A_398] {strides = array<i32>} : memref<19x16xbf16, #tpu.memory_space<vmem>>, vector<2x16xbf16>,
      %swap3A_400 = vector.shape_cast %swap3A_399 : vector<2x16xbf16> to vector<2x16xbf16>
      %swap3A_401 = vector.shape_cast %scan3A_390 : vector<2x16xbf16> to vector<2x16xbf16>
      tpu.vector_store %arg9[%swap3A_397, %swap3A_398], %swap3A_401 {strides = array<i32>} : memref<19x16xbf16, #tpu.memory_space<vmem>>, vector<2x16xbf16>,
      %get3A_402 = arith.constant 17 : index
      %get3A_403 = arith.constant 0 : index
      %get3A_404 = tpu.vector_load %arg9[%get3A_402, %get3A_403] {strides = array<i32>} : memref<19x16xbf16, #tpu.memory_space<vmem>>, vector<2x16xbf16>,
      %get3A_405 = vector.shape_cast %get3A_404 : vector<2x16xbf16> to vector<2x16xbf16>
      %add3A_406 = arith.addf %scan3A_390, %get3A_405 : vector<2x16xbf16>
      %swap3A_407 = arith.constant 14 : index
      %swap3A_408 = arith.constant 0 : index
      %swap3A_409 = tpu.vector_load %arg9[%swap3A_407, %swap3A_408] {strides = array<i32>} : memref<19x16xbf16, #tpu.memory_space<vmem>>, vector<2x16xbf16>,
      %swap3A_410 = vector.shape_cast %swap3A_409 : vector<2x16xbf16> to vector<2x16xbf16>
      %swap3A_411 = vector.shape_cast %add3A_406 : vector<2x16xbf16> to vector<2x16xbf16>
      tpu.vector_store %arg9[%swap3A_407, %swap3A_408], %swap3A_411 {strides = array<i32>} : memref<19x16xbf16, #tpu.memory_space<vmem>>, vector<2x16xbf16>,
      %mul3A_412 = arith.constant 8 : i32
      %mul3A_413 = arith.muli %mul3A_74, %mul3A_412 : i32
      %add3A_414 = arith.addi %mul3A_2, %mul3A_413 : i32
      %mul3A_415 = arith.constant 2 : i32
      %mul3A_416 = arith.muli %mul3A_415, %add3A_414 : i32
      %dma_start3A_417 = arith.constant 0 : i32
      %dma_start3A_418 = arith.constant 0 : i32
      %dma_start3A_419 = tpu.memref_slice %arg9[%dma_start3A_417, %dma_start3A_418] : memref<19x16xbf16, #tpu.memory_space<vmem>> -> memref<16x16xbf16, #tpu.memory_space<vmem>>
      %dma_start3A_420 = arith.constant 0 : i32
      %dma_start3A_421 = tpu.memref_slice %arg4[%mul3A_416, %dma_start3A_420] : memref<8192x16xbf16, #tpu.memory_space<hbm>> -> memref<16x16xbf16, #tpu.memory_space<hbm>>
      %dma_start3A_422 = arith.constant 0 : i32
      %dma_start3A_423 = tpu.memref_slice %arg4[%mul3A_416, %dma_start3A_422] : memref<8192x16xbf16, #tpu.memory_space<hbm>> -> memref<16x16xbf16, #tpu.memory_space<hbm>>
      %dma_start3A_424 = arith.constant 0 : i32
      %dma_start3A_425 = arith.constant 0 : i32
      %dma_start3A_426 = tpu.memref_slice %arg9[%dma_start3A_424, %dma_start3A_425] : memref<19x16xbf16, #tpu.memory_space<vmem>> -> memref<16x16xbf16, #tpu.memory_space<vmem>>
      tpu.enqueue_dma source(%dma_start3A_426 : memref<16x16xbf16, #tpu.memory_space<vmem>>) target(%dma_start3A_423 : memref<16x16xbf16, #tpu.memory_space<hbm>>) target_semaphore(%arg13 : memref<!tpu.dma_semaphore, #tpu.memory_space<semaphore_mem>>)
      %lt3A_427 = arith.constant 7 : i32
      %lt3A_428 = arith.cmpi slt, %scan3A_72, %lt3A_427 : i32
      %convert_element_type3A_429 = arith.extui %lt3A_428 : i1 to i32
      %cond3A_430 = arith.constant 0 : i32
      %cond3A_431 = arith.cmpi ne, %convert_element_type3A_429, %cond3A_430 : i32
      scf.if %cond3A_431 {
        %add3A_744 = arith.constant 2 : i32
        %add3A_745 = arith.addi %mul3A_74, %add3A_744 : i32
        %mul3A_746 = arith.constant 400 : i32
        %mul3A_747 = arith.muli %add3A_745, %mul3A_746 : i32
        %add3A_748 = arith.constant 0 : i32
        %add3A_749 = arith.addi %mul3A_747, %add3A_748 : i32
        %dma_start3A_750 = arith.constant 0 : i32
        %dma_start3A_751 = arith.constant 0 : i32
        %dma_start3A_752 = tpu.memref_slice %arg7[%dma_start3A_750, %dma_start3A_751] : memref<400x16xbf16, #tpu.memory_space<vmem>> -> memref<104x16xbf16, #tpu.memory_space<vmem>>
        %dma_start3A_753 = tpu.memref_slice %arg6[%add3A_749] : memref<6400xi32, #tpu.memory_space<vmem>> -> memref<104xi32, #tpu.memory_space<vmem>>
        %dma_start3A_754 = arith.constant 0 : i32
        %dma_start3A_755 = arith.constant 0 : i32
        %dma_start3A_756 = tpu.memref_slice %arg5[%dma_start3A_754, %dma_start3A_755] : memref<100000x16xbf16, #tpu.memory_space<vmem_shared>> -> memref<100000x16xbf16, #tpu.memory_space<vmem_shared>>
        tpu.enqueue_indirect_dma source(%dma_start3A_756 : memref<100000x16xbf16, #tpu.memory_space<vmem_shared>>) target(%dma_start3A_752 : memref<104x16xbf16, #tpu.memory_space<vmem>>) offsets(%dma_start3A_753 : memref<104xi32, #tpu.memory_space<vmem>>) semaphore(%arg11 : memref<!tpu.dma_semaphore, #tpu.memory_space<semaphore_mem>>)
        %mul3A_757 = arith.constant 400 : i32
        %mul3A_758 = arith.muli %add3A_745, %mul3A_757 : i32
        %add3A_759 = arith.constant 104 : i32
        %add3A_760 = arith.addi %mul3A_758, %add3A_759 : i32
        %dma_start3A_761 = arith.constant 104 : i32
        %dma_start3A_762 = arith.constant 0 : i32
        %dma_start3A_763 = tpu.memref_slice %arg7[%dma_start3A_761, %dma_start3A_762] : memref<400x16xbf16, #tpu.memory_space<vmem>> -> memref<104x16xbf16, #tpu.memory_space<vmem>>
        %dma_start3A_764 = tpu.memref_slice %arg6[%add3A_760] : memref<6400xi32, #tpu.memory_space<vmem>> -> memref<104xi32, #tpu.memory_space<vmem>>
        %dma_start3A_765 = arith.constant 0 : i32
        %dma_start3A_766 = arith.constant 0 : i32
        %dma_start3A_767 = tpu.memref_slice %arg5[%dma_start3A_765, %dma_start3A_766] : memref<100000x16xbf16, #tpu.memory_space<vmem_shared>> -> memref<100000x16xbf16, #tpu.memory_space<vmem_shared>>
        tpu.enqueue_indirect_dma source(%dma_start3A_767 : memref<100000x16xbf16, #tpu.memory_space<vmem_shared>>) target(%dma_start3A_763 : memref<104x16xbf16, #tpu.memory_space<vmem>>) offsets(%dma_start3A_764 : memref<104xi32, #tpu.memory_space<vmem>>) semaphore(%arg11 : memref<!tpu.dma_semaphore, #tpu.memory_space<semaphore_mem>>)
        %mul3A_768 = arith.constant 400 : i32
        %mul3A_769 = arith.muli %add3A_745, %mul3A_768 : i32
        %add3A_770 = arith.constant 208 : i32
        %add3A_771 = arith.addi %mul3A_769, %add3A_770 : i32
        %dma_start3A_772 = arith.constant 208 : i32
        %dma_start3A_773 = arith.constant 0 : i32
        %dma_start3A_774 = tpu.memref_slice %arg7[%dma_start3A_772, %dma_start3A_773] : memref<400x16xbf16, #tpu.memory_space<vmem>> -> memref<104x16xbf16, #tpu.memory_space<vmem>>
        %dma_start3A_775 = tpu.memref_slice %arg6[%add3A_771] : memref<6400xi32, #tpu.memory_space<vmem>> -> memref<104xi32, #tpu.memory_space<vmem>>
        %dma_start3A_776 = arith.constant 0 : i32
        %dma_start3A_777 = arith.constant 0 : i32
        %dma_start3A_778 = tpu.memref_slice %arg5[%dma_start3A_776, %dma_start3A_777] : memref<100000x16xbf16, #tpu.memory_space<vmem_shared>> -> memref<100000x16xbf16, #tpu.memory_space<vmem_shared>>
        tpu.enqueue_indirect_dma source(%dma_start3A_778 : memref<100000x16xbf16, #tpu.memory_space<vmem_shared>>) target(%dma_start3A_774 : memref<104x16xbf16, #tpu.memory_space<vmem>>) offsets(%dma_start3A_775 : memref<104xi32, #tpu.memory_space<vmem>>) semaphore(%arg11 : memref<!tpu.dma_semaphore, #tpu.memory_space<semaphore_mem>>)
        %mul3A_779 = arith.constant 400 : i32
        %mul3A_780 = arith.muli %add3A_745, %mul3A_779 : i32
        %add3A_781 = arith.constant 312 : i32
        %add3A_782 = arith.addi %mul3A_780, %add3A_781 : i32
        %dma_start3A_783 = arith.constant 312 : i32
        %dma_start3A_784 = arith.constant 0 : i32
        %dma_start3A_785 = tpu.memref_slice %arg7[%dma_start3A_783, %dma_start3A_784] : memref<400x16xbf16, #tpu.memory_space<vmem>> -> memref<88x16xbf16, #tpu.memory_space<vmem>>
        %dma_start3A_786 = tpu.memref_slice %arg6[%add3A_782] : memref<6400xi32, #tpu.memory_space<vmem>> -> memref<88xi32, #tpu.memory_space<vmem>>
        %dma_start3A_787 = arith.constant 0 : i32
        %dma_start3A_788 = arith.constant 0 : i32
        %dma_start3A_789 = tpu.memref_slice %arg5[%dma_start3A_787, %dma_start3A_788] : memref<100000x16xbf16, #tpu.memory_space<vmem_shared>> -> memref<100000x16xbf16, #tpu.memory_space<vmem_shared>>
        tpu.enqueue_indirect_dma source(%dma_start3A_789 : memref<100000x16xbf16, #tpu.memory_space<vmem_shared>>) target(%dma_start3A_785 : memref<88x16xbf16, #tpu.memory_space<vmem>>) offsets(%dma_start3A_786 : memref<88xi32, #tpu.memory_space<vmem>>) semaphore(%arg11 : memref<!tpu.dma_semaphore, #tpu.memory_space<semaphore_mem>>)
      } else {
      }
      %dma_wait3A_432 = arith.constant 0 : i32
      %dma_wait3A_433 = arith.constant 0 : i32
      %dma_wait3A_434 = tpu.memref_slice %arg8[%dma_wait3A_432, %dma_wait3A_433] : memref<400x16xbf16, #tpu.memory_space<vmem>> -> memref<104x16xbf16, #tpu.memory_space<vmem>>
      %dma_wait3A_435 = arith.constant 0 : i32
      %dma_wait3A_436 = arith.constant 0 : i32
      %dma_wait3A_437 = tpu.memref_slice %arg5[%dma_wait3A_435, %dma_wait3A_436] : memref<100000x16xbf16, #tpu.memory_space<vmem_shared>> -> memref<104x16xbf16, #tpu.memory_space<vmem_shared>>
      %dma_wait3A_438 = arith.constant 0 : i32
      %dma_wait3A_439 = arith.constant 0 : i32
      %dma_wait3A_440 = tpu.memref_slice %arg8[%dma_wait3A_438, %dma_wait3A_439] : memref<400x16xbf16, #tpu.memory_space<vmem>> -> memref<104x16xbf16, #tpu.memory_space<vmem>>
      %dma_wait3A_441 = arith.constant 0 : i32
      %dma_wait3A_442 = arith.constant 0 : i32
      %dma_wait3A_443 = tpu.memref_slice %arg5[%dma_wait3A_441, %dma_wait3A_442] : memref<100000x16xbf16, #tpu.memory_space<vmem_shared>> -> memref<104x16xbf16, #tpu.memory_space<vmem_shared>>
      tpu.wait_dma2 semaphore(%arg12 : memref<!tpu.dma_semaphore, #tpu.memory_space<semaphore_mem>>) src(%dma_wait3A_443 : memref<104x16xbf16, #tpu.memory_space<vmem_shared>>) dst(%dma_wait3A_440 : memref<104x16xbf16, #tpu.memory_space<vmem>>)
      %dma_wait3A_444 = arith.constant 104 : i32
      %dma_wait3A_445 = arith.constant 0 : i32
      %dma_wait3A_446 = tpu.memref_slice %arg8[%dma_wait3A_444, %dma_wait3A_445] : memref<400x16xbf16, #tpu.memory_space<vmem>> -> memref<104x16xbf16, #tpu.memory_space<vmem>>
      %dma_wait3A_447 = arith.constant 0 : i32
      %dma_wait3A_448 = arith.constant 0 : i32
      %dma_wait3A_449 = tpu.memref_slice %arg5[%dma_wait3A_447, %dma_wait3A_448] : memref<100000x16xbf16, #tpu.memory_space<vmem_shared>> -> memref<104x16xbf16, #tpu.memory_space<vmem_shared>>
      %dma_wait3A_450 = arith.constant 104 : i32
      %dma_wait3A_451 = arith.constant 0 : i32
      %dma_wait3A_452 = tpu.memref_slice %arg8[%dma_wait3A_450, %dma_wait3A_451] : memref<400x16xbf16, #tpu.memory_space<vmem>> -> memref<104x16xbf16, #tpu.memory_space<vmem>>
      %dma_wait3A_453 = arith.constant 0 : i32
      %dma_wait3A_454 = arith.constant 0 : i32
      %dma_wait3A_455 = tpu.memref_slice %arg5[%dma_wait3A_453, %dma_wait3A_454] : memref<100000x16xbf16, #tpu.memory_space<vmem_shared>> -> memref<104x16xbf16, #tpu.memory_space<vmem_shared>>
      tpu.wait_dma2 semaphore(%arg12 : memref<!tpu.dma_semaphore, #tpu.memory_space<semaphore_mem>>) src(%dma_wait3A_455 : memref<104x16xbf16, #tpu.memory_space<vmem_shared>>) dst(%dma_wait3A_452 : memref<104x16xbf16, #tpu.memory_space<vmem>>)
      %dma_wait3A_456 = arith.constant 208 : i32
      %dma_wait3A_457 = arith.constant 0 : i32
      %dma_wait3A_458 = tpu.memref_slice %arg8[%dma_wait3A_456, %dma_wait3A_457] : memref<400x16xbf16, #tpu.memory_space<vmem>> -> memref<104x16xbf16, #tpu.memory_space<vmem>>
      %dma_wait3A_459 = arith.constant 0 : i32
      %dma_wait3A_460 = arith.constant 0 : i32
      %dma_wait3A_461 = tpu.memref_slice %arg5[%dma_wait3A_459, %dma_wait3A_460] : memref<100000x16xbf16, #tpu.memory_space<vmem_shared>> -> memref<104x16xbf16, #tpu.memory_space<vmem_shared>>
      %dma_wait3A_462 = arith.constant 208 : i32
      %dma_wait3A_463 = arith.constant 0 : i32
      %dma_wait3A_464 = tpu.memref_slice %arg8[%dma_wait3A_462, %dma_wait3A_463] : memref<400x16xbf16, #tpu.memory_space<vmem>> -> memref<104x16xbf16, #tpu.memory_space<vmem>>
      %dma_wait3A_465 = arith.constant 0 : i32
      %dma_wait3A_466 = arith.constant 0 : i32
      %dma_wait3A_467 = tpu.memref_slice %arg5[%dma_wait3A_465, %dma_wait3A_466] : memref<100000x16xbf16, #tpu.memory_space<vmem_shared>> -> memref<104x16xbf16, #tpu.memory_space<vmem_shared>>
      tpu.wait_dma2 semaphore(%arg12 : memref<!tpu.dma_semaphore, #tpu.memory_space<semaphore_mem>>) src(%dma_wait3A_467 : memref<104x16xbf16, #tpu.memory_space<vmem_shared>>) dst(%dma_wait3A_464 : memref<104x16xbf16, #tpu.memory_space<vmem>>)
      %dma_wait3A_468 = arith.constant 312 : i32
      %dma_wait3A_469 = arith.constant 0 : i32
      %dma_wait3A_470 = tpu.memref_slice %arg8[%dma_wait3A_468, %dma_wait3A_469] : memref<400x16xbf16, #tpu.memory_space<vmem>> -> memref<88x16xbf16, #tpu.memory_space<vmem>>
      %dma_wait3A_471 = arith.constant 0 : i32
      %dma_wait3A_472 = arith.constant 0 : i32
      %dma_wait3A_473 = tpu.memref_slice %arg5[%dma_wait3A_471, %dma_wait3A_472] : memref<100000x16xbf16, #tpu.memory_space<vmem_shared>> -> memref<88x16xbf16, #tpu.memory_space<vmem_shared>>
      %dma_wait3A_474 = arith.constant 312 : i32
      %dma_wait3A_475 = arith.constant 0 : i32
      %dma_wait3A_476 = tpu.memref_slice %arg8[%dma_wait3A_474, %dma_wait3A_475] : memref<400x16xbf16, #tpu.memory_space<vmem>> -> memref<88x16xbf16, #tpu.memory_space<vmem>>
      %dma_wait3A_477 = arith.constant 0 : i32
      %dma_wait3A_478 = arith.constant 0 : i32
      %dma_wait3A_479 = tpu.memref_slice %arg5[%dma_wait3A_477, %dma_wait3A_478] : memref<100000x16xbf16, #tpu.memory_space<vmem_shared>> -> memref<88x16xbf16, #tpu.memory_space<vmem_shared>>
      tpu.wait_dma2 semaphore(%arg12 : memref<!tpu.dma_semaphore, #tpu.memory_space<semaphore_mem>>) src(%dma_wait3A_479 : memref<88x16xbf16, #tpu.memory_space<vmem_shared>>) dst(%dma_wait3A_476 : memref<88x16xbf16, #tpu.memory_space<vmem>>)
      %ge3A_480 = arith.constant 1 : i32
      %ge3A_481 = arith.cmpi sge, %scan3A_72, %ge3A_480 : i32
      %convert_element_type3A_482 = arith.extui %ge3A_481 : i1 to i32
      %cond3A_483 = arith.constant 0 : i32
      %cond3A_484 = arith.cmpi ne, %convert_element_type3A_482, %cond3A_483 : i32
      scf.if %cond3A_484 {
        %dma_wait3A_744 = arith.constant 0 : i32
        %dma_wait3A_745 = arith.constant 0 : i32
        %dma_wait3A_746 = tpu.memref_slice %arg10[%dma_wait3A_744, %dma_wait3A_745] : memref<19x16xbf16, #tpu.memory_space<vmem>> -> memref<16x16xbf16, #tpu.memory_space<vmem>>
        %dma_wait3A_747 = arith.constant 0 : i32
        %dma_wait3A_748 = arith.constant 0 : i32
        %dma_wait3A_749 = tpu.memref_slice %arg4[%dma_wait3A_747, %dma_wait3A_748] : memref<8192x16xbf16, #tpu.memory_space<hbm>> -> memref<16x16xbf16, #tpu.memory_space<hbm>>
        %dma_wait3A_750 = arith.constant 0 : i32
        %dma_wait3A_751 = arith.constant 0 : i32
        %dma_wait3A_752 = tpu.memref_slice %arg4[%dma_wait3A_750, %dma_wait3A_751] : memref<8192x16xbf16, #tpu.memory_space<hbm>> -> memref<16x16xbf16, #tpu.memory_space<hbm>>
        %dma_wait3A_753 = arith.constant 0 : i32
        %dma_wait3A_754 = arith.constant 0 : i32
        %dma_wait3A_755 = tpu.memref_slice %arg10[%dma_wait3A_753, %dma_wait3A_754] : memref<19x16xbf16, #tpu.memory_space<vmem>> -> memref<16x16xbf16, #tpu.memory_space<vmem>>
        tpu.wait_dma2 semaphore(%arg14 : memref<!tpu.dma_semaphore, #tpu.memory_space<semaphore_mem>>) src(%dma_wait3A_755 : memref<16x16xbf16, #tpu.memory_space<vmem>>) dst(%dma_wait3A_752 : memref<16x16xbf16, #tpu.memory_space<hbm>>)
      } else {
      }
      %broadcast_in_dim3A_485 = arith.constant 0.000000e+00 : bf16
      %broadcast_in_dim3A_486 = vector.broadcast %broadcast_in_dim3A_485 : bf16 to vector<2x16xbf16>
      %get3A_487 = arith.constant 0 : index
      %get3A_488 = arith.constant 0 : index
      %get3A_489 = tpu.vector_load %arg8[%get3A_487, %get3A_488] {strides = array<i32>} : memref<400x16xbf16, #tpu.memory_space<vmem>>, vector<2x16xbf16>,
      %get3A_490 = vector.shape_cast %get3A_489 : vector<2x16xbf16> to vector<2x16xbf16>
      %scan3A_491 = arith.constant 0 : i32
      %scan3A_492 = arith.constant 6 : i32
      %scan3A_493 = arith.addi %scan3A_491, %scan3A_492 : i32
      %scan3A_494 = arith.constant 1 : i32
      %scan3A_495 = scf.for %scan3A_744 = %scan3A_491 to %scan3A_493 step %scan3A_494 iter_args(%scan3A_745 = %get3A_490) -> (vector<2x16xbf16>)  : i32 {
        %mul3A_746 = arith.constant 4 : i32
        %mul3A_747 = arith.muli %scan3A_744, %mul3A_746 : i32
        %add3A_748 = arith.constant 0 : i32
        %add3A_749 = arith.addi %mul3A_747, %add3A_748 : i32
        %mul3A_750 = arith.constant 2 : i32
        %mul3A_751 = arith.muli %add3A_749, %mul3A_750 : i32
        %add3A_752 = arith.constant 2 : i32
        %add3A_753 = arith.addi %add3A_752, %mul3A_751 : i32
        %get3A_754 = arith.index_cast %add3A_753 : i32 to index
        %get3A_755 = arith.constant 0 : index
        %get3A_756 = tpu.vector_load %arg8[%get3A_754, %get3A_755] {strides = array<i32>} : memref<400x16xbf16, #tpu.memory_space<vmem>>, vector<2x16xbf16>,
        %get3A_757 = vector.shape_cast %get3A_756 : vector<2x16xbf16> to vector<2x16xbf16>
        %add3A_758 = arith.addf %scan3A_745, %get3A_757 : vector<2x16xbf16>
        %mul3A_759 = arith.constant 4 : i32
        %mul3A_760 = arith.muli %scan3A_744, %mul3A_759 : i32
        %add3A_761 = arith.constant 1 : i32
        %add3A_762 = arith.addi %mul3A_760, %add3A_761 : i32
        %mul3A_763 = arith.constant 2 : i32
        %mul3A_764 = arith.muli %add3A_762, %mul3A_763 : i32
        %add3A_765 = arith.constant 2 : i32
        %add3A_766 = arith.addi %add3A_765, %mul3A_764 : i32
        %get3A_767 = arith.index_cast %add3A_766 : i32 to index
        %get3A_768 = arith.constant 0 : index
        %get3A_769 = tpu.vector_load %arg8[%get3A_767, %get3A_768] {strides = array<i32>} : memref<400x16xbf16, #tpu.memory_space<vmem>>, vector<2x16xbf16>,
        %get3A_770 = vector.shape_cast %get3A_769 : vector<2x16xbf16> to vector<2x16xbf16>
        %add3A_771 = arith.addf %add3A_758, %get3A_770 : vector<2x16xbf16>
        %mul3A_772 = arith.constant 4 : i32
        %mul3A_773 = arith.muli %scan3A_744, %mul3A_772 : i32
        %add3A_774 = arith.constant 2 : i32
        %add3A_775 = arith.addi %mul3A_773, %add3A_774 : i32
        %mul3A_776 = arith.constant 2 : i32
        %mul3A_777 = arith.muli %add3A_775, %mul3A_776 : i32
        %add3A_778 = arith.constant 2 : i32
        %add3A_779 = arith.addi %add3A_778, %mul3A_777 : i32
        %get3A_780 = arith.index_cast %add3A_779 : i32 to index
        %get3A_781 = arith.constant 0 : index
        %get3A_782 = tpu.vector_load %arg8[%get3A_780, %get3A_781] {strides = array<i32>} : memref<400x16xbf16, #tpu.memory_space<vmem>>, vector<2x16xbf16>,
        %get3A_783 = vector.shape_cast %get3A_782 : vector<2x16xbf16> to vector<2x16xbf16>
        %add3A_784 = arith.addf %add3A_771, %get3A_783 : vector<2x16xbf16>
        %mul3A_785 = arith.constant 4 : i32
        %mul3A_786 = arith.muli %scan3A_744, %mul3A_785 : i32
        %add3A_787 = arith.constant 3 : i32
        %add3A_788 = arith.addi %mul3A_786, %add3A_787 : i32
        %mul3A_789 = arith.constant 2 : i32
        %mul3A_790 = arith.muli %add3A_788, %mul3A_789 : i32
        %add3A_791 = arith.constant 2 : i32
        %add3A_792 = arith.addi %add3A_791, %mul3A_790 : i32
        %get3A_793 = arith.index_cast %add3A_792 : i32 to index
        %get3A_794 = arith.constant 0 : index
        %get3A_795 = tpu.vector_load %arg8[%get3A_793, %get3A_794] {strides = array<i32>} : memref<400x16xbf16, #tpu.memory_space<vmem>>, vector<2x16xbf16>,
        %get3A_796 = vector.shape_cast %get3A_795 : vector<2x16xbf16> to vector<2x16xbf16>
        %add3A_797 = arith.addf %add3A_784, %get3A_796 : vector<2x16xbf16>
        scf.yield %add3A_797 : vector<2x16xbf16>
      }
      %scan3A_496 = arith.constant 6 : i32
      %swap3A_497 = arith.constant 17 : index
      %swap3A_498 = arith.constant 0 : index
      %swap3A_499 = tpu.vector_load %arg10[%swap3A_497, %swap3A_498] {strides = array<i32>} : memref<19x16xbf16, #tpu.memory_space<vmem>>, vector<2x16xbf16>,
      %swap3A_500 = vector.shape_cast %swap3A_499 : vector<2x16xbf16> to vector<2x16xbf16>
      %swap3A_501 = vector.shape_cast %broadcast_in_dim3A_486 : vector<2x16xbf16> to vector<2x16xbf16>
      tpu.vector_store %arg10[%swap3A_497, %swap3A_498], %swap3A_501 {strides = array<i32>} : memref<19x16xbf16, #tpu.memory_space<vmem>>, vector<2x16xbf16>,
      %swap3A_502 = arith.constant 16 : index
      %swap3A_503 = arith.constant 0 : index
      %swap3A_504 = tpu.vector_load %arg10[%swap3A_502, %swap3A_503] {strides = array<i32>} : memref<19x16xbf16, #tpu.memory_space<vmem>>, vector<2x16xbf16>,
      %swap3A_505 = vector.shape_cast %swap3A_504 : vector<2x16xbf16> to vector<2x16xbf16>
      %swap3A_506 = vector.shape_cast %scan3A_495 : vector<2x16xbf16> to vector<2x16xbf16>
      tpu.vector_store %arg10[%swap3A_502, %swap3A_503], %swap3A_506 {strides = array<i32>} : memref<19x16xbf16, #tpu.memory_space<vmem>>, vector<2x16xbf16>,
      %get3A_507 = arith.constant 17 : index
      %get3A_508 = arith.constant 0 : index
      %get3A_509 = tpu.vector_load %arg10[%get3A_507, %get3A_508] {strides = array<i32>} : memref<19x16xbf16, #tpu.memory_space<vmem>>, vector<2x16xbf16>,
      %get3A_510 = vector.shape_cast %get3A_509 : vector<2x16xbf16> to vector<2x16xbf16>
      %add3A_511 = arith.addf %scan3A_495, %get3A_510 : vector<2x16xbf16>
      %swap3A_512 = arith.constant 0 : index
      %swap3A_513 = arith.constant 0 : index
      %swap3A_514 = tpu.vector_load %arg10[%swap3A_512, %swap3A_513] {strides = array<i32>} : memref<19x16xbf16, #tpu.memory_space<vmem>>, vector<2x16xbf16>,
      %swap3A_515 = vector.shape_cast %swap3A_514 : vector<2x16xbf16> to vector<2x16xbf16>
      %swap3A_516 = vector.shape_cast %add3A_511 : vector<2x16xbf16> to vector<2x16xbf16>
      tpu.vector_store %arg10[%swap3A_512, %swap3A_513], %swap3A_516 {strides = array<i32>} : memref<19x16xbf16, #tpu.memory_space<vmem>>, vector<2x16xbf16>,
      %get3A_517 = arith.constant 50 : index
      %get3A_518 = arith.constant 0 : index
      %get3A_519 = tpu.vector_load %arg8[%get3A_517, %get3A_518] {strides = array<i32>} : memref<400x16xbf16, #tpu.memory_space<vmem>>, vector<2x16xbf16>,
      %get3A_520 = vector.shape_cast %get3A_519 : vector<2x16xbf16> to vector<2x16xbf16>
      %scan3A_521 = arith.constant 0 : i32
      %scan3A_522 = arith.constant 6 : i32
      %scan3A_523 = arith.addi %scan3A_521, %scan3A_522 : i32
      %scan3A_524 = arith.constant 1 : i32
      %scan3A_525 = scf.for %scan3A_744 = %scan3A_521 to %scan3A_523 step %scan3A_524 iter_args(%scan3A_745 = %get3A_520) -> (vector<2x16xbf16>)  : i32 {
        %mul3A_746 = arith.constant 4 : i32
        %mul3A_747 = arith.muli %scan3A_744, %mul3A_746 : i32
        %add3A_748 = arith.constant 0 : i32
        %add3A_749 = arith.addi %mul3A_747, %add3A_748 : i32
        %mul3A_750 = arith.constant 2 : i32
        %mul3A_751 = arith.muli %add3A_749, %mul3A_750 : i32
        %add3A_752 = arith.constant 52 : i32
        %add3A_753 = arith.addi %add3A_752, %mul3A_751 : i32
        %get3A_754 = arith.index_cast %add3A_753 : i32 to index
        %get3A_755 = arith.constant 0 : index
        %get3A_756 = tpu.vector_load %arg8[%get3A_754, %get3A_755] {strides = array<i32>} : memref<400x16xbf16, #tpu.memory_space<vmem>>, vector<2x16xbf16>,
        %get3A_757 = vector.shape_cast %get3A_756 : vector<2x16xbf16> to vector<2x16xbf16>
        %add3A_758 = arith.addf %scan3A_745, %get3A_757 : vector<2x16xbf16>
        %mul3A_759 = arith.constant 4 : i32
        %mul3A_760 = arith.muli %scan3A_744, %mul3A_759 : i32
        %add3A_761 = arith.constant 1 : i32
        %add3A_762 = arith.addi %mul3A_760, %add3A_761 : i32
        %mul3A_763 = arith.constant 2 : i32
        %mul3A_764 = arith.muli %add3A_762, %mul3A_763 : i32
        %add3A_765 = arith.constant 52 : i32
        %add3A_766 = arith.addi %add3A_765, %mul3A_764 : i32
        %get3A_767 = arith.index_cast %add3A_766 : i32 to index
        %get3A_768 = arith.constant 0 : index
        %get3A_769 = tpu.vector_load %arg8[%get3A_767, %get3A_768] {strides = array<i32>} : memref<400x16xbf16, #tpu.memory_space<vmem>>, vector<2x16xbf16>,
        %get3A_770 = vector.shape_cast %get3A_769 : vector<2x16xbf16> to vector<2x16xbf16>
        %add3A_771 = arith.addf %add3A_758, %get3A_770 : vector<2x16xbf16>
        %mul3A_772 = arith.constant 4 : i32
        %mul3A_773 = arith.muli %scan3A_744, %mul3A_772 : i32
        %add3A_774 = arith.constant 2 : i32
        %add3A_775 = arith.addi %mul3A_773, %add3A_774 : i32
        %mul3A_776 = arith.constant 2 : i32
        %mul3A_777 = arith.muli %add3A_775, %mul3A_776 : i32
        %add3A_778 = arith.constant 52 : i32
        %add3A_779 = arith.addi %add3A_778, %mul3A_777 : i32
        %get3A_780 = arith.index_cast %add3A_779 : i32 to index
        %get3A_781 = arith.constant 0 : index
        %get3A_782 = tpu.vector_load %arg8[%get3A_780, %get3A_781] {strides = array<i32>} : memref<400x16xbf16, #tpu.memory_space<vmem>>, vector<2x16xbf16>,
        %get3A_783 = vector.shape_cast %get3A_782 : vector<2x16xbf16> to vector<2x16xbf16>
        %add3A_784 = arith.addf %add3A_771, %get3A_783 : vector<2x16xbf16>
        %mul3A_785 = arith.constant 4 : i32
        %mul3A_786 = arith.muli %scan3A_744, %mul3A_785 : i32
        %add3A_787 = arith.constant 3 : i32
        %add3A_788 = arith.addi %mul3A_786, %add3A_787 : i32
        %mul3A_789 = arith.constant 2 : i32
        %mul3A_790 = arith.muli %add3A_788, %mul3A_789 : i32
        %add3A_791 = arith.constant 52 : i32
        %add3A_792 = arith.addi %add3A_791, %mul3A_790 : i32
        %get3A_793 = arith.index_cast %add3A_792 : i32 to index
        %get3A_794 = arith.constant 0 : index
        %get3A_795 = tpu.vector_load %arg8[%get3A_793, %get3A_794] {strides = array<i32>} : memref<400x16xbf16, #tpu.memory_space<vmem>>, vector<2x16xbf16>,
        %get3A_796 = vector.shape_cast %get3A_795 : vector<2x16xbf16> to vector<2x16xbf16>
        %add3A_797 = arith.addf %add3A_784, %get3A_796 : vector<2x16xbf16>
        scf.yield %add3A_797 : vector<2x16xbf16>
      }
      %scan3A_526 = arith.constant 6 : i32
      %swap3A_527 = arith.constant 17 : index
      %swap3A_528 = arith.constant 0 : index
      %swap3A_529 = tpu.vector_load %arg10[%swap3A_527, %swap3A_528] {strides = array<i32>} : memref<19x16xbf16, #tpu.memory_space<vmem>>, vector<2x16xbf16>,
      %swap3A_530 = vector.shape_cast %swap3A_529 : vector<2x16xbf16> to vector<2x16xbf16>
      %swap3A_531 = vector.shape_cast %broadcast_in_dim3A_486 : vector<2x16xbf16> to vector<2x16xbf16>
      tpu.vector_store %arg10[%swap3A_527, %swap3A_528], %swap3A_531 {strides = array<i32>} : memref<19x16xbf16, #tpu.memory_space<vmem>>, vector<2x16xbf16>,
      %swap3A_532 = arith.constant 16 : index
      %swap3A_533 = arith.constant 0 : index
      %swap3A_534 = tpu.vector_load %arg10[%swap3A_532, %swap3A_533] {strides = array<i32>} : memref<19x16xbf16, #tpu.memory_space<vmem>>, vector<2x16xbf16>,
      %swap3A_535 = vector.shape_cast %swap3A_534 : vector<2x16xbf16> to vector<2x16xbf16>
      %swap3A_536 = vector.shape_cast %scan3A_525 : vector<2x16xbf16> to vector<2x16xbf16>
      tpu.vector_store %arg10[%swap3A_532, %swap3A_533], %swap3A_536 {strides = array<i32>} : memref<19x16xbf16, #tpu.memory_space<vmem>>, vector<2x16xbf16>,
      %get3A_537 = arith.constant 17 : index
      %get3A_538 = arith.constant 0 : index
      %get3A_539 = tpu.vector_load %arg10[%get3A_537, %get3A_538] {strides = array<i32>} : memref<19x16xbf16, #tpu.memory_space<vmem>>, vector<2x16xbf16>,
      %get3A_540 = vector.shape_cast %get3A_539 : vector<2x16xbf16> to vector<2x16xbf16>
      %add3A_541 = arith.addf %scan3A_525, %get3A_540 : vector<2x16xbf16>
      %swap3A_542 = arith.constant 2 : index
      %swap3A_543 = arith.constant 0 : index
      %swap3A_544 = tpu.vector_load %arg10[%swap3A_542, %swap3A_543] {strides = array<i32>} : memref<19x16xbf16, #tpu.memory_space<vmem>>, vector<2x16xbf16>,
      %swap3A_545 = vector.shape_cast %swap3A_544 : vector<2x16xbf16> to vector<2x16xbf16>
      %swap3A_546 = vector.shape_cast %add3A_541 : vector<2x16xbf16> to vector<2x16xbf16>
      tpu.vector_store %arg10[%swap3A_542, %swap3A_543], %swap3A_546 {strides = array<i32>} : memref<19x16xbf16, #tpu.memory_space<vmem>>, vector<2x16xbf16>,
      %get3A_547 = arith.constant 100 : index
      %get3A_548 = arith.constant 0 : index
      %get3A_549 = tpu.vector_load %arg8[%get3A_547, %get3A_548] {strides = array<i32>} : memref<400x16xbf16, #tpu.memory_space<vmem>>, vector<2x16xbf16>,
      %get3A_550 = vector.shape_cast %get3A_549 : vector<2x16xbf16> to vector<2x16xbf16>
      %scan3A_551 = arith.constant 0 : i32
      %scan3A_552 = arith.constant 6 : i32
      %scan3A_553 = arith.addi %scan3A_551, %scan3A_552 : i32
      %scan3A_554 = arith.constant 1 : i32
      %scan3A_555 = scf.for %scan3A_744 = %scan3A_551 to %scan3A_553 step %scan3A_554 iter_args(%scan3A_745 = %get3A_550) -> (vector<2x16xbf16>)  : i32 {
        %mul3A_746 = arith.constant 4 : i32
        %mul3A_747 = arith.muli %scan3A_744, %mul3A_746 : i32
        %add3A_748 = arith.constant 0 : i32
        %add3A_749 = arith.addi %mul3A_747, %add3A_748 : i32
        %mul3A_750 = arith.constant 2 : i32
        %mul3A_751 = arith.muli %add3A_749, %mul3A_750 : i32
        %add3A_752 = arith.constant 102 : i32
        %add3A_753 = arith.addi %add3A_752, %mul3A_751 : i32
        %get3A_754 = arith.index_cast %add3A_753 : i32 to index
        %get3A_755 = arith.constant 0 : index
        %get3A_756 = tpu.vector_load %arg8[%get3A_754, %get3A_755] {strides = array<i32>} : memref<400x16xbf16, #tpu.memory_space<vmem>>, vector<2x16xbf16>,
        %get3A_757 = vector.shape_cast %get3A_756 : vector<2x16xbf16> to vector<2x16xbf16>
        %add3A_758 = arith.addf %scan3A_745, %get3A_757 : vector<2x16xbf16>
        %mul3A_759 = arith.constant 4 : i32
        %mul3A_760 = arith.muli %scan3A_744, %mul3A_759 : i32
        %add3A_761 = arith.constant 1 : i32
        %add3A_762 = arith.addi %mul3A_760, %add3A_761 : i32
        %mul3A_763 = arith.constant 2 : i32
        %mul3A_764 = arith.muli %add3A_762, %mul3A_763 : i32
        %add3A_765 = arith.constant 102 : i32
        %add3A_766 = arith.addi %add3A_765, %mul3A_764 : i32
        %get3A_767 = arith.index_cast %add3A_766 : i32 to index
        %get3A_768 = arith.constant 0 : index
        %get3A_769 = tpu.vector_load %arg8[%get3A_767, %get3A_768] {strides = array<i32>} : memref<400x16xbf16, #tpu.memory_space<vmem>>, vector<2x16xbf16>,
        %get3A_770 = vector.shape_cast %get3A_769 : vector<2x16xbf16> to vector<2x16xbf16>
        %add3A_771 = arith.addf %add3A_758, %get3A_770 : vector<2x16xbf16>
        %mul3A_772 = arith.constant 4 : i32
        %mul3A_773 = arith.muli %scan3A_744, %mul3A_772 : i32
        %add3A_774 = arith.constant 2 : i32
        %add3A_775 = arith.addi %mul3A_773, %add3A_774 : i32
        %mul3A_776 = arith.constant 2 : i32
        %mul3A_777 = arith.muli %add3A_775, %mul3A_776 : i32
        %add3A_778 = arith.constant 102 : i32
        %add3A_779 = arith.addi %add3A_778, %mul3A_777 : i32
        %get3A_780 = arith.index_cast %add3A_779 : i32 to index
        %get3A_781 = arith.constant 0 : index
        %get3A_782 = tpu.vector_load %arg8[%get3A_780, %get3A_781] {strides = array<i32>} : memref<400x16xbf16, #tpu.memory_space<vmem>>, vector<2x16xbf16>,
        %get3A_783 = vector.shape_cast %get3A_782 : vector<2x16xbf16> to vector<2x16xbf16>
        %add3A_784 = arith.addf %add3A_771, %get3A_783 : vector<2x16xbf16>
        %mul3A_785 = arith.constant 4 : i32
        %mul3A_786 = arith.muli %scan3A_744, %mul3A_785 : i32
        %add3A_787 = arith.constant 3 : i32
        %add3A_788 = arith.addi %mul3A_786, %add3A_787 : i32
        %mul3A_789 = arith.constant 2 : i32
        %mul3A_790 = arith.muli %add3A_788, %mul3A_789 : i32
        %add3A_791 = arith.constant 102 : i32
        %add3A_792 = arith.addi %add3A_791, %mul3A_790 : i32
        %get3A_793 = arith.index_cast %add3A_792 : i32 to index
        %get3A_794 = arith.constant 0 : index
        %get3A_795 = tpu.vector_load %arg8[%get3A_793, %get3A_794] {strides = array<i32>} : memref<400x16xbf16, #tpu.memory_space<vmem>>, vector<2x16xbf16>,
        %get3A_796 = vector.shape_cast %get3A_795 : vector<2x16xbf16> to vector<2x16xbf16>
        %add3A_797 = arith.addf %add3A_784, %get3A_796 : vector<2x16xbf16>
        scf.yield %add3A_797 : vector<2x16xbf16>
      }
      %scan3A_556 = arith.constant 6 : i32
      %swap3A_557 = arith.constant 17 : index
      %swap3A_558 = arith.constant 0 : index
      %swap3A_559 = tpu.vector_load %arg10[%swap3A_557, %swap3A_558] {strides = array<i32>} : memref<19x16xbf16, #tpu.memory_space<vmem>>, vector<2x16xbf16>,
      %swap3A_560 = vector.shape_cast %swap3A_559 : vector<2x16xbf16> to vector<2x16xbf16>
      %swap3A_561 = vector.shape_cast %broadcast_in_dim3A_486 : vector<2x16xbf16> to vector<2x16xbf16>
      tpu.vector_store %arg10[%swap3A_557, %swap3A_558], %swap3A_561 {strides = array<i32>} : memref<19x16xbf16, #tpu.memory_space<vmem>>, vector<2x16xbf16>,
      %swap3A_562 = arith.constant 16 : index
      %swap3A_563 = arith.constant 0 : index
      %swap3A_564 = tpu.vector_load %arg10[%swap3A_562, %swap3A_563] {strides = array<i32>} : memref<19x16xbf16, #tpu.memory_space<vmem>>, vector<2x16xbf16>,
      %swap3A_565 = vector.shape_cast %swap3A_564 : vector<2x16xbf16> to vector<2x16xbf16>
      %swap3A_566 = vector.shape_cast %scan3A_555 : vector<2x16xbf16> to vector<2x16xbf16>
      tpu.vector_store %arg10[%swap3A_562, %swap3A_563], %swap3A_566 {strides = array<i32>} : memref<19x16xbf16, #tpu.memory_space<vmem>>, vector<2x16xbf16>,
      %get3A_567 = arith.constant 17 : index
      %get3A_568 = arith.constant 0 : index
      %get3A_569 = tpu.vector_load %arg10[%get3A_567, %get3A_568] {strides = array<i32>} : memref<19x16xbf16, #tpu.memory_space<vmem>>, vector<2x16xbf16>,
      %get3A_570 = vector.shape_cast %get3A_569 : vector<2x16xbf16> to vector<2x16xbf16>
      %add3A_571 = arith.addf %scan3A_555, %get3A_570 : vector<2x16xbf16>
      %swap3A_572 = arith.constant 4 : index
      %swap3A_573 = arith.constant 0 : index
      %swap3A_574 = tpu.vector_load %arg10[%swap3A_572, %swap3A_573] {strides = array<i32>} : memref<19x16xbf16, #tpu.memory_space<vmem>>, vector<2x16xbf16>,
      %swap3A_575 = vector.shape_cast %swap3A_574 : vector<2x16xbf16> to vector<2x16xbf16>
      %swap3A_576 = vector.shape_cast %add3A_571 : vector<2x16xbf16> to vector<2x16xbf16>
      tpu.vector_store %arg10[%swap3A_572, %swap3A_573], %swap3A_576 {strides = array<i32>} : memref<19x16xbf16, #tpu.memory_space<vmem>>, vector<2x16xbf16>,
      %get3A_577 = arith.constant 150 : index
      %get3A_578 = arith.constant 0 : index
      %get3A_579 = tpu.vector_load %arg8[%get3A_577, %get3A_578] {strides = array<i32>} : memref<400x16xbf16, #tpu.memory_space<vmem>>, vector<2x16xbf16>,
      %get3A_580 = vector.shape_cast %get3A_579 : vector<2x16xbf16> to vector<2x16xbf16>
      %scan3A_581 = arith.constant 0 : i32
      %scan3A_582 = arith.constant 6 : i32
      %scan3A_583 = arith.addi %scan3A_581, %scan3A_582 : i32
      %scan3A_584 = arith.constant 1 : i32
      %scan3A_585 = scf.for %scan3A_744 = %scan3A_581 to %scan3A_583 step %scan3A_584 iter_args(%scan3A_745 = %get3A_580) -> (vector<2x16xbf16>)  : i32 {
        %mul3A_746 = arith.constant 4 : i32
        %mul3A_747 = arith.muli %scan3A_744, %mul3A_746 : i32
        %add3A_748 = arith.constant 0 : i32
        %add3A_749 = arith.addi %mul3A_747, %add3A_748 : i32
        %mul3A_750 = arith.constant 2 : i32
        %mul3A_751 = arith.muli %add3A_749, %mul3A_750 : i32
        %add3A_752 = arith.constant 152 : i32
        %add3A_753 = arith.addi %add3A_752, %mul3A_751 : i32
        %get3A_754 = arith.index_cast %add3A_753 : i32 to index
        %get3A_755 = arith.constant 0 : index
        %get3A_756 = tpu.vector_load %arg8[%get3A_754, %get3A_755] {strides = array<i32>} : memref<400x16xbf16, #tpu.memory_space<vmem>>, vector<2x16xbf16>,
        %get3A_757 = vector.shape_cast %get3A_756 : vector<2x16xbf16> to vector<2x16xbf16>
        %add3A_758 = arith.addf %scan3A_745, %get3A_757 : vector<2x16xbf16>
        %mul3A_759 = arith.constant 4 : i32
        %mul3A_760 = arith.muli %scan3A_744, %mul3A_759 : i32
        %add3A_761 = arith.constant 1 : i32
        %add3A_762 = arith.addi %mul3A_760, %add3A_761 : i32
        %mul3A_763 = arith.constant 2 : i32
        %mul3A_764 = arith.muli %add3A_762, %mul3A_763 : i32
        %add3A_765 = arith.constant 152 : i32
        %add3A_766 = arith.addi %add3A_765, %mul3A_764 : i32
        %get3A_767 = arith.index_cast %add3A_766 : i32 to index
        %get3A_768 = arith.constant 0 : index
        %get3A_769 = tpu.vector_load %arg8[%get3A_767, %get3A_768] {strides = array<i32>} : memref<400x16xbf16, #tpu.memory_space<vmem>>, vector<2x16xbf16>,
        %get3A_770 = vector.shape_cast %get3A_769 : vector<2x16xbf16> to vector<2x16xbf16>
        %add3A_771 = arith.addf %add3A_758, %get3A_770 : vector<2x16xbf16>
        %mul3A_772 = arith.constant 4 : i32
        %mul3A_773 = arith.muli %scan3A_744, %mul3A_772 : i32
        %add3A_774 = arith.constant 2 : i32
        %add3A_775 = arith.addi %mul3A_773, %add3A_774 : i32
        %mul3A_776 = arith.constant 2 : i32
        %mul3A_777 = arith.muli %add3A_775, %mul3A_776 : i32
        %add3A_778 = arith.constant 152 : i32
        %add3A_779 = arith.addi %add3A_778, %mul3A_777 : i32
        %get3A_780 = arith.index_cast %add3A_779 : i32 to index
        %get3A_781 = arith.constant 0 : index
        %get3A_782 = tpu.vector_load %arg8[%get3A_780, %get3A_781] {strides = array<i32>} : memref<400x16xbf16, #tpu.memory_space<vmem>>, vector<2x16xbf16>,
        %get3A_783 = vector.shape_cast %get3A_782 : vector<2x16xbf16> to vector<2x16xbf16>
        %add3A_784 = arith.addf %add3A_771, %get3A_783 : vector<2x16xbf16>
        %mul3A_785 = arith.constant 4 : i32
        %mul3A_786 = arith.muli %scan3A_744, %mul3A_785 : i32
        %add3A_787 = arith.constant 3 : i32
        %add3A_788 = arith.addi %mul3A_786, %add3A_787 : i32
        %mul3A_789 = arith.constant 2 : i32
        %mul3A_790 = arith.muli %add3A_788, %mul3A_789 : i32
        %add3A_791 = arith.constant 152 : i32
        %add3A_792 = arith.addi %add3A_791, %mul3A_790 : i32
        %get3A_793 = arith.index_cast %add3A_792 : i32 to index
        %get3A_794 = arith.constant 0 : index
        %get3A_795 = tpu.vector_load %arg8[%get3A_793, %get3A_794] {strides = array<i32>} : memref<400x16xbf16, #tpu.memory_space<vmem>>, vector<2x16xbf16>,
        %get3A_796 = vector.shape_cast %get3A_795 : vector<2x16xbf16> to vector<2x16xbf16>
        %add3A_797 = arith.addf %add3A_784, %get3A_796 : vector<2x16xbf16>
        scf.yield %add3A_797 : vector<2x16xbf16>
      }
      %scan3A_586 = arith.constant 6 : i32
      %swap3A_587 = arith.constant 17 : index
      %swap3A_588 = arith.constant 0 : index
      %swap3A_589 = tpu.vector_load %arg10[%swap3A_587, %swap3A_588] {strides = array<i32>} : memref<19x16xbf16, #tpu.memory_space<vmem>>, vector<2x16xbf16>,
      %swap3A_590 = vector.shape_cast %swap3A_589 : vector<2x16xbf16> to vector<2x16xbf16>
      %swap3A_591 = vector.shape_cast %broadcast_in_dim3A_486 : vector<2x16xbf16> to vector<2x16xbf16>
      tpu.vector_store %arg10[%swap3A_587, %swap3A_588], %swap3A_591 {strides = array<i32>} : memref<19x16xbf16, #tpu.memory_space<vmem>>, vector<2x16xbf16>,
      %swap3A_592 = arith.constant 16 : index
      %swap3A_593 = arith.constant 0 : index
      %swap3A_594 = tpu.vector_load %arg10[%swap3A_592, %swap3A_593] {strides = array<i32>} : memref<19x16xbf16, #tpu.memory_space<vmem>>, vector<2x16xbf16>,
      %swap3A_595 = vector.shape_cast %swap3A_594 : vector<2x16xbf16> to vector<2x16xbf16>
      %swap3A_596 = vector.shape_cast %scan3A_585 : vector<2x16xbf16> to vector<2x16xbf16>
      tpu.vector_store %arg10[%swap3A_592, %swap3A_593], %swap3A_596 {strides = array<i32>} : memref<19x16xbf16, #tpu.memory_space<vmem>>, vector<2x16xbf16>,
      %get3A_597 = arith.constant 17 : index
      %get3A_598 = arith.constant 0 : index
      %get3A_599 = tpu.vector_load %arg10[%get3A_597, %get3A_598] {strides = array<i32>} : memref<19x16xbf16, #tpu.memory_space<vmem>>, vector<2x16xbf16>,
      %get3A_600 = vector.shape_cast %get3A_599 : vector<2x16xbf16> to vector<2x16xbf16>
      %add3A_601 = arith.addf %scan3A_585, %get3A_600 : vector<2x16xbf16>
      %swap3A_602 = arith.constant 6 : index
      %swap3A_603 = arith.constant 0 : index
      %swap3A_604 = tpu.vector_load %arg10[%swap3A_602, %swap3A_603] {strides = array<i32>} : memref<19x16xbf16, #tpu.memory_space<vmem>>, vector<2x16xbf16>,
      %swap3A_605 = vector.shape_cast %swap3A_604 : vector<2x16xbf16> to vector<2x16xbf16>
      %swap3A_606 = vector.shape_cast %add3A_601 : vector<2x16xbf16> to vector<2x16xbf16>
      tpu.vector_store %arg10[%swap3A_602, %swap3A_603], %swap3A_606 {strides = array<i32>} : memref<19x16xbf16, #tpu.memory_space<vmem>>, vector<2x16xbf16>,
      %get3A_607 = arith.constant 200 : index
      %get3A_608 = arith.constant 0 : index
      %get3A_609 = tpu.vector_load %arg8[%get3A_607, %get3A_608] {strides = array<i32>} : memref<400x16xbf16, #tpu.memory_space<vmem>>, vector<2x16xbf16>,
      %get3A_610 = vector.shape_cast %get3A_609 : vector<2x16xbf16> to vector<2x16xbf16>
      %scan3A_611 = arith.constant 0 : i32
      %scan3A_612 = arith.constant 6 : i32
      %scan3A_613 = arith.addi %scan3A_611, %scan3A_612 : i32
      %scan3A_614 = arith.constant 1 : i32
      %scan3A_615 = scf.for %scan3A_744 = %scan3A_611 to %scan3A_613 step %scan3A_614 iter_args(%scan3A_745 = %get3A_610) -> (vector<2x16xbf16>)  : i32 {
        %mul3A_746 = arith.constant 4 : i32
        %mul3A_747 = arith.muli %scan3A_744, %mul3A_746 : i32
        %add3A_748 = arith.constant 0 : i32
        %add3A_749 = arith.addi %mul3A_747, %add3A_748 : i32
        %mul3A_750 = arith.constant 2 : i32
        %mul3A_751 = arith.muli %add3A_749, %mul3A_750 : i32
        %add3A_752 = arith.constant 202 : i32
        %add3A_753 = arith.addi %add3A_752, %mul3A_751 : i32
        %get3A_754 = arith.index_cast %add3A_753 : i32 to index
        %get3A_755 = arith.constant 0 : index
        %get3A_756 = tpu.vector_load %arg8[%get3A_754, %get3A_755] {strides = array<i32>} : memref<400x16xbf16, #tpu.memory_space<vmem>>, vector<2x16xbf16>,
        %get3A_757 = vector.shape_cast %get3A_756 : vector<2x16xbf16> to vector<2x16xbf16>
        %add3A_758 = arith.addf %scan3A_745, %get3A_757 : vector<2x16xbf16>
        %mul3A_759 = arith.constant 4 : i32
        %mul3A_760 = arith.muli %scan3A_744, %mul3A_759 : i32
        %add3A_761 = arith.constant 1 : i32
        %add3A_762 = arith.addi %mul3A_760, %add3A_761 : i32
        %mul3A_763 = arith.constant 2 : i32
        %mul3A_764 = arith.muli %add3A_762, %mul3A_763 : i32
        %add3A_765 = arith.constant 202 : i32
        %add3A_766 = arith.addi %add3A_765, %mul3A_764 : i32
        %get3A_767 = arith.index_cast %add3A_766 : i32 to index
        %get3A_768 = arith.constant 0 : index
        %get3A_769 = tpu.vector_load %arg8[%get3A_767, %get3A_768] {strides = array<i32>} : memref<400x16xbf16, #tpu.memory_space<vmem>>, vector<2x16xbf16>,
        %get3A_770 = vector.shape_cast %get3A_769 : vector<2x16xbf16> to vector<2x16xbf16>
        %add3A_771 = arith.addf %add3A_758, %get3A_770 : vector<2x16xbf16>
        %mul3A_772 = arith.constant 4 : i32
        %mul3A_773 = arith.muli %scan3A_744, %mul3A_772 : i32
        %add3A_774 = arith.constant 2 : i32
        %add3A_775 = arith.addi %mul3A_773, %add3A_774 : i32
        %mul3A_776 = arith.constant 2 : i32
        %mul3A_777 = arith.muli %add3A_775, %mul3A_776 : i32
        %add3A_778 = arith.constant 202 : i32
        %add3A_779 = arith.addi %add3A_778, %mul3A_777 : i32
        %get3A_780 = arith.index_cast %add3A_779 : i32 to index
        %get3A_781 = arith.constant 0 : index
        %get3A_782 = tpu.vector_load %arg8[%get3A_780, %get3A_781] {strides = array<i32>} : memref<400x16xbf16, #tpu.memory_space<vmem>>, vector<2x16xbf16>,
        %get3A_783 = vector.shape_cast %get3A_782 : vector<2x16xbf16> to vector<2x16xbf16>
        %add3A_784 = arith.addf %add3A_771, %get3A_783 : vector<2x16xbf16>
        %mul3A_785 = arith.constant 4 : i32
        %mul3A_786 = arith.muli %scan3A_744, %mul3A_785 : i32
        %add3A_787 = arith.constant 3 : i32
        %add3A_788 = arith.addi %mul3A_786, %add3A_787 : i32
        %mul3A_789 = arith.constant 2 : i32
        %mul3A_790 = arith.muli %add3A_788, %mul3A_789 : i32
        %add3A_791 = arith.constant 202 : i32
        %add3A_792 = arith.addi %add3A_791, %mul3A_790 : i32
        %get3A_793 = arith.index_cast %add3A_792 : i32 to index
        %get3A_794 = arith.constant 0 : index
        %get3A_795 = tpu.vector_load %arg8[%get3A_793, %get3A_794] {strides = array<i32>} : memref<400x16xbf16, #tpu.memory_space<vmem>>, vector<2x16xbf16>,
        %get3A_796 = vector.shape_cast %get3A_795 : vector<2x16xbf16> to vector<2x16xbf16>
        %add3A_797 = arith.addf %add3A_784, %get3A_796 : vector<2x16xbf16>
        scf.yield %add3A_797 : vector<2x16xbf16>
      }
      %scan3A_616 = arith.constant 6 : i32
      %swap3A_617 = arith.constant 17 : index
      %swap3A_618 = arith.constant 0 : index
      %swap3A_619 = tpu.vector_load %arg10[%swap3A_617, %swap3A_618] {strides = array<i32>} : memref<19x16xbf16, #tpu.memory_space<vmem>>, vector<2x16xbf16>,
      %swap3A_620 = vector.shape_cast %swap3A_619 : vector<2x16xbf16> to vector<2x16xbf16>
      %swap3A_621 = vector.shape_cast %broadcast_in_dim3A_486 : vector<2x16xbf16> to vector<2x16xbf16>
      tpu.vector_store %arg10[%swap3A_617, %swap3A_618], %swap3A_621 {strides = array<i32>} : memref<19x16xbf16, #tpu.memory_space<vmem>>, vector<2x16xbf16>,
      %swap3A_622 = arith.constant 16 : index
      %swap3A_623 = arith.constant 0 : index
      %swap3A_624 = tpu.vector_load %arg10[%swap3A_622, %swap3A_623] {strides = array<i32>} : memref<19x16xbf16, #tpu.memory_space<vmem>>, vector<2x16xbf16>,
      %swap3A_625 = vector.shape_cast %swap3A_624 : vector<2x16xbf16> to vector<2x16xbf16>
      %swap3A_626 = vector.shape_cast %scan3A_615 : vector<2x16xbf16> to vector<2x16xbf16>
      tpu.vector_store %arg10[%swap3A_622, %swap3A_623], %swap3A_626 {strides = array<i32>} : memref<19x16xbf16, #tpu.memory_space<vmem>>, vector<2x16xbf16>,
      %get3A_627 = arith.constant 17 : index
      %get3A_628 = arith.constant 0 : index
      %get3A_629 = tpu.vector_load %arg10[%get3A_627, %get3A_628] {strides = array<i32>} : memref<19x16xbf16, #tpu.memory_space<vmem>>, vector<2x16xbf16>,
      %get3A_630 = vector.shape_cast %get3A_629 : vector<2x16xbf16> to vector<2x16xbf16>
      %add3A_631 = arith.addf %scan3A_615, %get3A_630 : vector<2x16xbf16>
      %swap3A_632 = arith.constant 8 : index
      %swap3A_633 = arith.constant 0 : index
      %swap3A_634 = tpu.vector_load %arg10[%swap3A_632, %swap3A_633] {strides = array<i32>} : memref<19x16xbf16, #tpu.memory_space<vmem>>, vector<2x16xbf16>,
      %swap3A_635 = vector.shape_cast %swap3A_634 : vector<2x16xbf16> to vector<2x16xbf16>
      %swap3A_636 = vector.shape_cast %add3A_631 : vector<2x16xbf16> to vector<2x16xbf16>
      tpu.vector_store %arg10[%swap3A_632, %swap3A_633], %swap3A_636 {strides = array<i32>} : memref<19x16xbf16, #tpu.memory_space<vmem>>, vector<2x16xbf16>,
      %get3A_637 = arith.constant 250 : index
      %get3A_638 = arith.constant 0 : index
      %get3A_639 = tpu.vector_load %arg8[%get3A_637, %get3A_638] {strides = array<i32>} : memref<400x16xbf16, #tpu.memory_space<vmem>>, vector<2x16xbf16>,
      %get3A_640 = vector.shape_cast %get3A_639 : vector<2x16xbf16> to vector<2x16xbf16>
      %scan3A_641 = arith.constant 0 : i32
      %scan3A_642 = arith.constant 6 : i32
      %scan3A_643 = arith.addi %scan3A_641, %scan3A_642 : i32
      %scan3A_644 = arith.constant 1 : i32
      %scan3A_645 = scf.for %scan3A_744 = %scan3A_641 to %scan3A_643 step %scan3A_644 iter_args(%scan3A_745 = %get3A_640) -> (vector<2x16xbf16>)  : i32 {
        %mul3A_746 = arith.constant 4 : i32
        %mul3A_747 = arith.muli %scan3A_744, %mul3A_746 : i32
        %add3A_748 = arith.constant 0 : i32
        %add3A_749 = arith.addi %mul3A_747, %add3A_748 : i32
        %mul3A_750 = arith.constant 2 : i32
        %mul3A_751 = arith.muli %add3A_749, %mul3A_750 : i32
        %add3A_752 = arith.constant 252 : i32
        %add3A_753 = arith.addi %add3A_752, %mul3A_751 : i32
        %get3A_754 = arith.index_cast %add3A_753 : i32 to index
        %get3A_755 = arith.constant 0 : index
        %get3A_756 = tpu.vector_load %arg8[%get3A_754, %get3A_755] {strides = array<i32>} : memref<400x16xbf16, #tpu.memory_space<vmem>>, vector<2x16xbf16>,
        %get3A_757 = vector.shape_cast %get3A_756 : vector<2x16xbf16> to vector<2x16xbf16>
        %add3A_758 = arith.addf %scan3A_745, %get3A_757 : vector<2x16xbf16>
        %mul3A_759 = arith.constant 4 : i32
        %mul3A_760 = arith.muli %scan3A_744, %mul3A_759 : i32
        %add3A_761 = arith.constant 1 : i32
        %add3A_762 = arith.addi %mul3A_760, %add3A_761 : i32
        %mul3A_763 = arith.constant 2 : i32
        %mul3A_764 = arith.muli %add3A_762, %mul3A_763 : i32
        %add3A_765 = arith.constant 252 : i32
        %add3A_766 = arith.addi %add3A_765, %mul3A_764 : i32
        %get3A_767 = arith.index_cast %add3A_766 : i32 to index
        %get3A_768 = arith.constant 0 : index
        %get3A_769 = tpu.vector_load %arg8[%get3A_767, %get3A_768] {strides = array<i32>} : memref<400x16xbf16, #tpu.memory_space<vmem>>, vector<2x16xbf16>,
        %get3A_770 = vector.shape_cast %get3A_769 : vector<2x16xbf16> to vector<2x16xbf16>
        %add3A_771 = arith.addf %add3A_758, %get3A_770 : vector<2x16xbf16>
        %mul3A_772 = arith.constant 4 : i32
        %mul3A_773 = arith.muli %scan3A_744, %mul3A_772 : i32
        %add3A_774 = arith.constant 2 : i32
        %add3A_775 = arith.addi %mul3A_773, %add3A_774 : i32
        %mul3A_776 = arith.constant 2 : i32
        %mul3A_777 = arith.muli %add3A_775, %mul3A_776 : i32
        %add3A_778 = arith.constant 252 : i32
        %add3A_779 = arith.addi %add3A_778, %mul3A_777 : i32
        %get3A_780 = arith.index_cast %add3A_779 : i32 to index
        %get3A_781 = arith.constant 0 : index
        %get3A_782 = tpu.vector_load %arg8[%get3A_780, %get3A_781] {strides = array<i32>} : memref<400x16xbf16, #tpu.memory_space<vmem>>, vector<2x16xbf16>,
        %get3A_783 = vector.shape_cast %get3A_782 : vector<2x16xbf16> to vector<2x16xbf16>
        %add3A_784 = arith.addf %add3A_771, %get3A_783 : vector<2x16xbf16>
        %mul3A_785 = arith.constant 4 : i32
        %mul3A_786 = arith.muli %scan3A_744, %mul3A_785 : i32
        %add3A_787 = arith.constant 3 : i32
        %add3A_788 = arith.addi %mul3A_786, %add3A_787 : i32
        %mul3A_789 = arith.constant 2 : i32
        %mul3A_790 = arith.muli %add3A_788, %mul3A_789 : i32
        %add3A_791 = arith.constant 252 : i32
        %add3A_792 = arith.addi %add3A_791, %mul3A_790 : i32
        %get3A_793 = arith.index_cast %add3A_792 : i32 to index
        %get3A_794 = arith.constant 0 : index
        %get3A_795 = tpu.vector_load %arg8[%get3A_793, %get3A_794] {strides = array<i32>} : memref<400x16xbf16, #tpu.memory_space<vmem>>, vector<2x16xbf16>,
        %get3A_796 = vector.shape_cast %get3A_795 : vector<2x16xbf16> to vector<2x16xbf16>
        %add3A_797 = arith.addf %add3A_784, %get3A_796 : vector<2x16xbf16>
        scf.yield %add3A_797 : vector<2x16xbf16>
      }
      %scan3A_646 = arith.constant 6 : i32
      %swap3A_647 = arith.constant 17 : index
      %swap3A_648 = arith.constant 0 : index
      %swap3A_649 = tpu.vector_load %arg10[%swap3A_647, %swap3A_648] {strides = array<i32>} : memref<19x16xbf16, #tpu.memory_space<vmem>>, vector<2x16xbf16>,
      %swap3A_650 = vector.shape_cast %swap3A_649 : vector<2x16xbf16> to vector<2x16xbf16>
      %swap3A_651 = vector.shape_cast %broadcast_in_dim3A_486 : vector<2x16xbf16> to vector<2x16xbf16>
      tpu.vector_store %arg10[%swap3A_647, %swap3A_648], %swap3A_651 {strides = array<i32>} : memref<19x16xbf16, #tpu.memory_space<vmem>>, vector<2x16xbf16>,
      %swap3A_652 = arith.constant 16 : index
      %swap3A_653 = arith.constant 0 : index
      %swap3A_654 = tpu.vector_load %arg10[%swap3A_652, %swap3A_653] {strides = array<i32>} : memref<19x16xbf16, #tpu.memory_space<vmem>>, vector<2x16xbf16>,
      %swap3A_655 = vector.shape_cast %swap3A_654 : vector<2x16xbf16> to vector<2x16xbf16>
      %swap3A_656 = vector.shape_cast %scan3A_645 : vector<2x16xbf16> to vector<2x16xbf16>
      tpu.vector_store %arg10[%swap3A_652, %swap3A_653], %swap3A_656 {strides = array<i32>} : memref<19x16xbf16, #tpu.memory_space<vmem>>, vector<2x16xbf16>,
      %get3A_657 = arith.constant 17 : index
      %get3A_658 = arith.constant 0 : index
      %get3A_659 = tpu.vector_load %arg10[%get3A_657, %get3A_658] {strides = array<i32>} : memref<19x16xbf16, #tpu.memory_space<vmem>>, vector<2x16xbf16>,
      %get3A_660 = vector.shape_cast %get3A_659 : vector<2x16xbf16> to vector<2x16xbf16>
      %add3A_661 = arith.addf %scan3A_645, %get3A_660 : vector<2x16xbf16>
      %swap3A_662 = arith.constant 10 : index
      %swap3A_663 = arith.constant 0 : index
      %swap3A_664 = tpu.vector_load %arg10[%swap3A_662, %swap3A_663] {strides = array<i32>} : memref<19x16xbf16, #tpu.memory_space<vmem>>, vector<2x16xbf16>,
      %swap3A_665 = vector.shape_cast %swap3A_664 : vector<2x16xbf16> to vector<2x16xbf16>
      %swap3A_666 = vector.shape_cast %add3A_661 : vector<2x16xbf16> to vector<2x16xbf16>
      tpu.vector_store %arg10[%swap3A_662, %swap3A_663], %swap3A_666 {strides = array<i32>} : memref<19x16xbf16, #tpu.memory_space<vmem>>, vector<2x16xbf16>,
      %get3A_667 = arith.constant 300 : index
      %get3A_668 = arith.constant 0 : index
      %get3A_669 = tpu.vector_load %arg8[%get3A_667, %get3A_668] {strides = array<i32>} : memref<400x16xbf16, #tpu.memory_space<vmem>>, vector<2x16xbf16>,
      %get3A_670 = vector.shape_cast %get3A_669 : vector<2x16xbf16> to vector<2x16xbf16>
      %scan3A_671 = arith.constant 0 : i32
      %scan3A_672 = arith.constant 6 : i32
      %scan3A_673 = arith.addi %scan3A_671, %scan3A_672 : i32
      %scan3A_674 = arith.constant 1 : i32
      %scan3A_675 = scf.for %scan3A_744 = %scan3A_671 to %scan3A_673 step %scan3A_674 iter_args(%scan3A_745 = %get3A_670) -> (vector<2x16xbf16>)  : i32 {
        %mul3A_746 = arith.constant 4 : i32
        %mul3A_747 = arith.muli %scan3A_744, %mul3A_746 : i32
        %add3A_748 = arith.constant 0 : i32
        %add3A_749 = arith.addi %mul3A_747, %add3A_748 : i32
        %mul3A_750 = arith.constant 2 : i32
        %mul3A_751 = arith.muli %add3A_749, %mul3A_750 : i32
        %add3A_752 = arith.constant 302 : i32
        %add3A_753 = arith.addi %add3A_752, %mul3A_751 : i32
        %get3A_754 = arith.index_cast %add3A_753 : i32 to index
        %get3A_755 = arith.constant 0 : index
        %get3A_756 = tpu.vector_load %arg8[%get3A_754, %get3A_755] {strides = array<i32>} : memref<400x16xbf16, #tpu.memory_space<vmem>>, vector<2x16xbf16>,
        %get3A_757 = vector.shape_cast %get3A_756 : vector<2x16xbf16> to vector<2x16xbf16>
        %add3A_758 = arith.addf %scan3A_745, %get3A_757 : vector<2x16xbf16>
        %mul3A_759 = arith.constant 4 : i32
        %mul3A_760 = arith.muli %scan3A_744, %mul3A_759 : i32
        %add3A_761 = arith.constant 1 : i32
        %add3A_762 = arith.addi %mul3A_760, %add3A_761 : i32
        %mul3A_763 = arith.constant 2 : i32
        %mul3A_764 = arith.muli %add3A_762, %mul3A_763 : i32
        %add3A_765 = arith.constant 302 : i32
        %add3A_766 = arith.addi %add3A_765, %mul3A_764 : i32
        %get3A_767 = arith.index_cast %add3A_766 : i32 to index
        %get3A_768 = arith.constant 0 : index
        %get3A_769 = tpu.vector_load %arg8[%get3A_767, %get3A_768] {strides = array<i32>} : memref<400x16xbf16, #tpu.memory_space<vmem>>, vector<2x16xbf16>,
        %get3A_770 = vector.shape_cast %get3A_769 : vector<2x16xbf16> to vector<2x16xbf16>
        %add3A_771 = arith.addf %add3A_758, %get3A_770 : vector<2x16xbf16>
        %mul3A_772 = arith.constant 4 : i32
        %mul3A_773 = arith.muli %scan3A_744, %mul3A_772 : i32
        %add3A_774 = arith.constant 2 : i32
        %add3A_775 = arith.addi %mul3A_773, %add3A_774 : i32
        %mul3A_776 = arith.constant 2 : i32
        %mul3A_777 = arith.muli %add3A_775, %mul3A_776 : i32
        %add3A_778 = arith.constant 302 : i32
        %add3A_779 = arith.addi %add3A_778, %mul3A_777 : i32
        %get3A_780 = arith.index_cast %add3A_779 : i32 to index
        %get3A_781 = arith.constant 0 : index
        %get3A_782 = tpu.vector_load %arg8[%get3A_780, %get3A_781] {strides = array<i32>} : memref<400x16xbf16, #tpu.memory_space<vmem>>, vector<2x16xbf16>,
        %get3A_783 = vector.shape_cast %get3A_782 : vector<2x16xbf16> to vector<2x16xbf16>
        %add3A_784 = arith.addf %add3A_771, %get3A_783 : vector<2x16xbf16>
        %mul3A_785 = arith.constant 4 : i32
        %mul3A_786 = arith.muli %scan3A_744, %mul3A_785 : i32
        %add3A_787 = arith.constant 3 : i32
        %add3A_788 = arith.addi %mul3A_786, %add3A_787 : i32
        %mul3A_789 = arith.constant 2 : i32
        %mul3A_790 = arith.muli %add3A_788, %mul3A_789 : i32
        %add3A_791 = arith.constant 302 : i32
        %add3A_792 = arith.addi %add3A_791, %mul3A_790 : i32
        %get3A_793 = arith.index_cast %add3A_792 : i32 to index
        %get3A_794 = arith.constant 0 : index
        %get3A_795 = tpu.vector_load %arg8[%get3A_793, %get3A_794] {strides = array<i32>} : memref<400x16xbf16, #tpu.memory_space<vmem>>, vector<2x16xbf16>,
        %get3A_796 = vector.shape_cast %get3A_795 : vector<2x16xbf16> to vector<2x16xbf16>
        %add3A_797 = arith.addf %add3A_784, %get3A_796 : vector<2x16xbf16>
        scf.yield %add3A_797 : vector<2x16xbf16>
      }
      %scan3A_676 = arith.constant 6 : i32
      %swap3A_677 = arith.constant 17 : index
      %swap3A_678 = arith.constant 0 : index
      %swap3A_679 = tpu.vector_load %arg10[%swap3A_677, %swap3A_678] {strides = array<i32>} : memref<19x16xbf16, #tpu.memory_space<vmem>>, vector<2x16xbf16>,
      %swap3A_680 = vector.shape_cast %swap3A_679 : vector<2x16xbf16> to vector<2x16xbf16>
      %swap3A_681 = vector.shape_cast %broadcast_in_dim3A_486 : vector<2x16xbf16> to vector<2x16xbf16>
      tpu.vector_store %arg10[%swap3A_677, %swap3A_678], %swap3A_681 {strides = array<i32>} : memref<19x16xbf16, #tpu.memory_space<vmem>>, vector<2x16xbf16>,
      %swap3A_682 = arith.constant 16 : index
      %swap3A_683 = arith.constant 0 : index
      %swap3A_684 = tpu.vector_load %arg10[%swap3A_682, %swap3A_683] {strides = array<i32>} : memref<19x16xbf16, #tpu.memory_space<vmem>>, vector<2x16xbf16>,
      %swap3A_685 = vector.shape_cast %swap3A_684 : vector<2x16xbf16> to vector<2x16xbf16>
      %swap3A_686 = vector.shape_cast %scan3A_675 : vector<2x16xbf16> to vector<2x16xbf16>
      tpu.vector_store %arg10[%swap3A_682, %swap3A_683], %swap3A_686 {strides = array<i32>} : memref<19x16xbf16, #tpu.memory_space<vmem>>, vector<2x16xbf16>,
      %get3A_687 = arith.constant 17 : index
      %get3A_688 = arith.constant 0 : index
      %get3A_689 = tpu.vector_load %arg10[%get3A_687, %get3A_688] {strides = array<i32>} : memref<19x16xbf16, #tpu.memory_space<vmem>>, vector<2x16xbf16>,
      %get3A_690 = vector.shape_cast %get3A_689 : vector<2x16xbf16> to vector<2x16xbf16>
      %add3A_691 = arith.addf %scan3A_675, %get3A_690 : vector<2x16xbf16>
      %swap3A_692 = arith.constant 12 : index
      %swap3A_693 = arith.constant 0 : index
      %swap3A_694 = tpu.vector_load %arg10[%swap3A_692, %swap3A_693] {strides = array<i32>} : memref<19x16xbf16, #tpu.memory_space<vmem>>, vector<2x16xbf16>,
      %swap3A_695 = vector.shape_cast %swap3A_694 : vector<2x16xbf16> to vector<2x16xbf16>
      %swap3A_696 = vector.shape_cast %add3A_691 : vector<2x16xbf16> to vector<2x16xbf16>
      tpu.vector_store %arg10[%swap3A_692, %swap3A_693], %swap3A_696 {strides = array<i32>} : memref<19x16xbf16, #tpu.memory_space<vmem>>, vector<2x16xbf16>,
      %get3A_697 = arith.constant 350 : index
      %get3A_698 = arith.constant 0 : index
      %get3A_699 = tpu.vector_load %arg8[%get3A_697, %get3A_698] {strides = array<i32>} : memref<400x16xbf16, #tpu.memory_space<vmem>>, vector<2x16xbf16>,
      %get3A_700 = vector.shape_cast %get3A_699 : vector<2x16xbf16> to vector<2x16xbf16>
      %scan3A_701 = arith.constant 0 : i32
      %scan3A_702 = arith.constant 6 : i32
      %scan3A_703 = arith.addi %scan3A_701, %scan3A_702 : i32
      %scan3A_704 = arith.constant 1 : i32
      %scan3A_705 = scf.for %scan3A_744 = %scan3A_701 to %scan3A_703 step %scan3A_704 iter_args(%scan3A_745 = %get3A_700) -> (vector<2x16xbf16>)  : i32 {
        %mul3A_746 = arith.constant 4 : i32
        %mul3A_747 = arith.muli %scan3A_744, %mul3A_746 : i32
        %add3A_748 = arith.constant 0 : i32
        %add3A_749 = arith.addi %mul3A_747, %add3A_748 : i32
        %mul3A_750 = arith.constant 2 : i32
        %mul3A_751 = arith.muli %add3A_749, %mul3A_750 : i32
        %add3A_752 = arith.constant 352 : i32
        %add3A_753 = arith.addi %add3A_752, %mul3A_751 : i32
        %get3A_754 = arith.index_cast %add3A_753 : i32 to index
        %get3A_755 = arith.constant 0 : index
        %get3A_756 = tpu.vector_load %arg8[%get3A_754, %get3A_755] {strides = array<i32>} : memref<400x16xbf16, #tpu.memory_space<vmem>>, vector<2x16xbf16>,
        %get3A_757 = vector.shape_cast %get3A_756 : vector<2x16xbf16> to vector<2x16xbf16>
        %add3A_758 = arith.addf %scan3A_745, %get3A_757 : vector<2x16xbf16>
        %mul3A_759 = arith.constant 4 : i32
        %mul3A_760 = arith.muli %scan3A_744, %mul3A_759 : i32
        %add3A_761 = arith.constant 1 : i32
        %add3A_762 = arith.addi %mul3A_760, %add3A_761 : i32
        %mul3A_763 = arith.constant 2 : i32
        %mul3A_764 = arith.muli %add3A_762, %mul3A_763 : i32
        %add3A_765 = arith.constant 352 : i32
        %add3A_766 = arith.addi %add3A_765, %mul3A_764 : i32
        %get3A_767 = arith.index_cast %add3A_766 : i32 to index
        %get3A_768 = arith.constant 0 : index
        %get3A_769 = tpu.vector_load %arg8[%get3A_767, %get3A_768] {strides = array<i32>} : memref<400x16xbf16, #tpu.memory_space<vmem>>, vector<2x16xbf16>,
        %get3A_770 = vector.shape_cast %get3A_769 : vector<2x16xbf16> to vector<2x16xbf16>
        %add3A_771 = arith.addf %add3A_758, %get3A_770 : vector<2x16xbf16>
        %mul3A_772 = arith.constant 4 : i32
        %mul3A_773 = arith.muli %scan3A_744, %mul3A_772 : i32
        %add3A_774 = arith.constant 2 : i32
        %add3A_775 = arith.addi %mul3A_773, %add3A_774 : i32
        %mul3A_776 = arith.constant 2 : i32
        %mul3A_777 = arith.muli %add3A_775, %mul3A_776 : i32
        %add3A_778 = arith.constant 352 : i32
        %add3A_779 = arith.addi %add3A_778, %mul3A_777 : i32
        %get3A_780 = arith.index_cast %add3A_779 : i32 to index
        %get3A_781 = arith.constant 0 : index
        %get3A_782 = tpu.vector_load %arg8[%get3A_780, %get3A_781] {strides = array<i32>} : memref<400x16xbf16, #tpu.memory_space<vmem>>, vector<2x16xbf16>,
        %get3A_783 = vector.shape_cast %get3A_782 : vector<2x16xbf16> to vector<2x16xbf16>
        %add3A_784 = arith.addf %add3A_771, %get3A_783 : vector<2x16xbf16>
        %mul3A_785 = arith.constant 4 : i32
        %mul3A_786 = arith.muli %scan3A_744, %mul3A_785 : i32
        %add3A_787 = arith.constant 3 : i32
        %add3A_788 = arith.addi %mul3A_786, %add3A_787 : i32
        %mul3A_789 = arith.constant 2 : i32
        %mul3A_790 = arith.muli %add3A_788, %mul3A_789 : i32
        %add3A_791 = arith.constant 352 : i32
        %add3A_792 = arith.addi %add3A_791, %mul3A_790 : i32
        %get3A_793 = arith.index_cast %add3A_792 : i32 to index
        %get3A_794 = arith.constant 0 : index
        %get3A_795 = tpu.vector_load %arg8[%get3A_793, %get3A_794] {strides = array<i32>} : memref<400x16xbf16, #tpu.memory_space<vmem>>, vector<2x16xbf16>,
        %get3A_796 = vector.shape_cast %get3A_795 : vector<2x16xbf16> to vector<2x16xbf16>
        %add3A_797 = arith.addf %add3A_784, %get3A_796 : vector<2x16xbf16>
        scf.yield %add3A_797 : vector<2x16xbf16>
      }
      %scan3A_706 = arith.constant 6 : i32
      %swap3A_707 = arith.constant 17 : index
      %swap3A_708 = arith.constant 0 : index
      %swap3A_709 = tpu.vector_load %arg10[%swap3A_707, %swap3A_708] {strides = array<i32>} : memref<19x16xbf16, #tpu.memory_space<vmem>>, vector<2x16xbf16>,
      %swap3A_710 = vector.shape_cast %swap3A_709 : vector<2x16xbf16> to vector<2x16xbf16>
      %swap3A_711 = vector.shape_cast %broadcast_in_dim3A_486 : vector<2x16xbf16> to vector<2x16xbf16>
      tpu.vector_store %arg10[%swap3A_707, %swap3A_708], %swap3A_711 {strides = array<i32>} : memref<19x16xbf16, #tpu.memory_space<vmem>>, vector<2x16xbf16>,
      %swap3A_712 = arith.constant 16 : index
      %swap3A_713 = arith.constant 0 : index
      %swap3A_714 = tpu.vector_load %arg10[%swap3A_712, %swap3A_713] {strides = array<i32>} : memref<19x16xbf16, #tpu.memory_space<vmem>>, vector<2x16xbf16>,
      %swap3A_715 = vector.shape_cast %swap3A_714 : vector<2x16xbf16> to vector<2x16xbf16>
      %swap3A_716 = vector.shape_cast %scan3A_705 : vector<2x16xbf16> to vector<2x16xbf16>
      tpu.vector_store %arg10[%swap3A_712, %swap3A_713], %swap3A_716 {strides = array<i32>} : memref<19x16xbf16, #tpu.memory_space<vmem>>, vector<2x16xbf16>,
      %get3A_717 = arith.constant 17 : index
      %get3A_718 = arith.constant 0 : index
      %get3A_719 = tpu.vector_load %arg10[%get3A_717, %get3A_718] {strides = array<i32>} : memref<19x16xbf16, #tpu.memory_space<vmem>>, vector<2x16xbf16>,
      %get3A_720 = vector.shape_cast %get3A_719 : vector<2x16xbf16> to vector<2x16xbf16>
      %add3A_721 = arith.addf %scan3A_705, %get3A_720 : vector<2x16xbf16>
      %swap3A_722 = arith.constant 14 : index
      %swap3A_723 = arith.constant 0 : index
      %swap3A_724 = tpu.vector_load %arg10[%swap3A_722, %swap3A_723] {strides = array<i32>} : memref<19x16xbf16, #tpu.memory_space<vmem>>, vector<2x16xbf16>,
      %swap3A_725 = vector.shape_cast %swap3A_724 : vector<2x16xbf16> to vector<2x16xbf16>
      %swap3A_726 = vector.shape_cast %add3A_721 : vector<2x16xbf16> to vector<2x16xbf16>
      tpu.vector_store %arg10[%swap3A_722, %swap3A_723], %swap3A_726 {strides = array<i32>} : memref<19x16xbf16, #tpu.memory_space<vmem>>, vector<2x16xbf16>,
      %add3A_727 = arith.constant 1 : i32
      %add3A_728 = arith.addi %mul3A_74, %add3A_727 : i32
      %mul3A_729 = arith.constant 8 : i32
      %mul3A_730 = arith.muli %add3A_728, %mul3A_729 : i32
      %add3A_731 = arith.addi %mul3A_2, %mul3A_730 : i32
      %mul3A_732 = arith.constant 2 : i32
      %mul3A_733 = arith.muli %mul3A_732, %add3A_731 : i32
      %dma_start3A_734 = arith.constant 0 : i32
      %dma_start3A_735 = arith.constant 0 : i32
      %dma_start3A_736 = tpu.memref_slice %arg10[%dma_start3A_734, %dma_start3A_735] : memref<19x16xbf16, #tpu.memory_space<vmem>> -> memref<16x16xbf16, #tpu.memory_space<vmem>>
      %dma_start3A_737 = arith.constant 0 : i32
      %dma_start3A_738 = tpu.memref_slice %arg4[%mul3A_733, %dma_start3A_737] : memref<8192x16xbf16, #tpu.memory_space<hbm>> -> memref<16x16xbf16, #tpu.memory_space<hbm>>
      %dma_start3A_739 = arith.constant 0 : i32
      %dma_start3A_740 = tpu.memref_slice %arg4[%mul3A_733, %dma_start3A_739] : memref<8192x16xbf16, #tpu.memory_space<hbm>> -> memref<16x16xbf16, #tpu.memory_space<hbm>>
      %dma_start3A_741 = arith.constant 0 : i32
      %dma_start3A_742 = arith.constant 0 : i32
      %dma_start3A_743 = tpu.memref_slice %arg10[%dma_start3A_741, %dma_start3A_742] : memref<19x16xbf16, #tpu.memory_space<vmem>> -> memref<16x16xbf16, #tpu.memory_space<vmem>>
      tpu.enqueue_dma source(%dma_start3A_743 : memref<16x16xbf16, #tpu.memory_space<vmem>>) target(%dma_start3A_740 : memref<16x16xbf16, #tpu.memory_space<hbm>>) target_semaphore(%arg14 : memref<!tpu.dma_semaphore, #tpu.memory_space<semaphore_mem>>)
    }
    %scan3A_48 = arith.constant 8 : i32
    %dma_wait3A = arith.constant 0 : i32
    %dma_wait3A_49 = arith.constant 0 : i32
    %dma_wait3A_50 = tpu.memref_slice %arg9[%dma_wait3A, %dma_wait3A_49] : memref<19x16xbf16, #tpu.memory_space<vmem>> -> memref<16x16xbf16, #tpu.memory_space<vmem>>
    %dma_wait3A_51 = arith.constant 0 : i32
    %dma_wait3A_52 = arith.constant 0 : i32
    %dma_wait3A_53 = tpu.memref_slice %arg4[%dma_wait3A_51, %dma_wait3A_52] : memref<8192x16xbf16, #tpu.memory_space<hbm>> -> memref<16x16xbf16, #tpu.memory_space<hbm>>
    %dma_wait3A_54 = arith.constant 0 : i32
    %dma_wait3A_55 = arith.constant 0 : i32
    %dma_wait3A_56 = tpu.memref_slice %arg4[%dma_wait3A_54, %dma_wait3A_55] : memref<8192x16xbf16, #tpu.memory_space<hbm>> -> memref<16x16xbf16, #tpu.memory_space<hbm>>
    %dma_wait3A_57 = arith.constant 0 : i32
    %dma_wait3A_58 = arith.constant 0 : i32
    %dma_wait3A_59 = tpu.memref_slice %arg9[%dma_wait3A_57, %dma_wait3A_58] : memref<19x16xbf16, #tpu.memory_space<vmem>> -> memref<16x16xbf16, #tpu.memory_space<vmem>>
    tpu.wait_dma2 semaphore(%arg13 : memref<!tpu.dma_semaphore, #tpu.memory_space<semaphore_mem>>) src(%dma_wait3A_59 : memref<16x16xbf16, #tpu.memory_space<vmem>>) dst(%dma_wait3A_56 : memref<16x16xbf16, #tpu.memory_space<hbm>>)
    %dma_wait3A_60 = arith.constant 0 : i32
    %dma_wait3A_61 = arith.constant 0 : i32
    %dma_wait3A_62 = tpu.memref_slice %arg10[%dma_wait3A_60, %dma_wait3A_61] : memref<19x16xbf16, #tpu.memory_space<vmem>> -> memref<16x16xbf16, #tpu.memory_space<vmem>>
    %dma_wait3A_63 = arith.constant 0 : i32
    %dma_wait3A_64 = arith.constant 0 : i32
    %dma_wait3A_65 = tpu.memref_slice %arg4[%dma_wait3A_63, %dma_wait3A_64] : memref<8192x16xbf16, #tpu.memory_space<hbm>> -> memref<16x16xbf16, #tpu.memory_space<hbm>>
    %dma_wait3A_66 = arith.constant 0 : i32
    %dma_wait3A_67 = arith.constant 0 : i32
    %dma_wait3A_68 = tpu.memref_slice %arg4[%dma_wait3A_66, %dma_wait3A_67] : memref<8192x16xbf16, #tpu.memory_space<hbm>> -> memref<16x16xbf16, #tpu.memory_space<hbm>>
    %dma_wait3A_69 = arith.constant 0 : i32
    %dma_wait3A_70 = arith.constant 0 : i32
    %dma_wait3A_71 = tpu.memref_slice %arg10[%dma_wait3A_69, %dma_wait3A_70] : memref<19x16xbf16, #tpu.memory_space<vmem>> -> memref<16x16xbf16, #tpu.memory_space<vmem>>
    tpu.wait_dma2 semaphore(%arg14 : memref<!tpu.dma_semaphore, #tpu.memory_space<semaphore_mem>>) src(%dma_wait3A_71 : memref<16x16xbf16, #tpu.memory_space<vmem>>) dst(%dma_wait3A_68 : memref<16x16xbf16, #tpu.memory_space<hbm>>)
    return
  }
}

#map = affine_map<(d0, d1) -> (0, 0)>
#map1 = affine_map<(d0, d1) -> (0)>
module attributes {stable_mosaic.version = 14 : i64} {
  func.func @_sc_sg(%arg0: i32, %arg1: i32, %arg2: memref<100000x128xf32, #tpu.memory_space<hbm>>, %arg3: memref<49152xi32, #tpu.memory_space<hbm>>, %arg4: memref<4096x192xf32, #tpu.memory_space<hbm>>, %arg5: memref<1536xi32, #tpu.memory_space<vmem>>, %arg6: memref<96x128xf32, #tpu.memory_space<vmem>>, %arg7: memref<96x128xf32, #tpu.memory_space<vmem>>, %arg8: memref<8x192xf32, #tpu.memory_space<vmem>>, %arg9: memref<8x192xf32, #tpu.memory_space<vmem>>, %arg10: memref<!tpu.dma_semaphore, #tpu.memory_space<semaphore_mem>>, %arg11: memref<!tpu.dma_semaphore, #tpu.memory_space<semaphore_mem>>, %arg12: memref<!tpu.dma_semaphore, #tpu.memory_space<semaphore_mem>>, %arg13: memref<!tpu.dma_semaphore, #tpu.memory_space<semaphore_mem>>) attributes {dimension_semantics = [#tpu.dimension_semantics<core_parallel>, #tpu.dimension_semantics<subcore_parallel>], iteration_bounds = array<i64: 2, 16>, scalar_prefetch = 0 : i64, scratch_operands = 9 : i64, tpu.core_type = #tpu.core_type<sc_vector_subcore>, window_params = [{transform_indices = #map}, {transform_indices = #map1}, {transform_indices = #map}]} {
    %mul3A = arith.constant 2 : i32
    %mul3A_0 = arith.muli %arg1, %mul3A : i32
    %add3A = arith.addi %mul3A_0, %arg0 : i32
    %mul3A_1 = arith.constant 128 : i32
    %mul3A_2 = arith.muli %add3A, %mul3A_1 : i32
    %mul3A_3 = arith.constant 1536 : i32
    %mul3A_4 = arith.muli %add3A, %mul3A_3 : i32
    "tpu.region"() ({
      %run_scoped3A = tpu.sem_alloc : memref<!tpu.dma_semaphore, #tpu.memory_space<semaphore_mem>>
      %dma_start3A_30 = tpu.memref_slice %arg3[%mul3A_4] : memref<49152xi32, #tpu.memory_space<hbm>> -> memref<1536xi32, #tpu.memory_space<hbm>>
      %dma_start3A_31 = tpu.memref_slice %arg3[%mul3A_4] : memref<49152xi32, #tpu.memory_space<hbm>> -> memref<1536xi32, #tpu.memory_space<hbm>>
      tpu.enqueue_dma source(%dma_start3A_31 : memref<1536xi32, #tpu.memory_space<hbm>>) target(%arg5 : memref<1536xi32, #tpu.memory_space<vmem>>) target_semaphore(%run_scoped3A : memref<!tpu.dma_semaphore, #tpu.memory_space<semaphore_mem>>)
      %dma_wait3A_32 = tpu.memref_slice %arg3[%mul3A_4] : memref<49152xi32, #tpu.memory_space<hbm>> -> memref<1536xi32, #tpu.memory_space<hbm>>
      %dma_wait3A_33 = tpu.memref_slice %arg3[%mul3A_4] : memref<49152xi32, #tpu.memory_space<hbm>> -> memref<1536xi32, #tpu.memory_space<hbm>>
      tpu.wait_dma2 semaphore(%run_scoped3A : memref<!tpu.dma_semaphore, #tpu.memory_space<semaphore_mem>>) src(%dma_wait3A_33 : memref<1536xi32, #tpu.memory_space<hbm>>) dst(%arg5 : memref<1536xi32, #tpu.memory_space<vmem>>)
      tpu.yield
    }) : () -> ()
    %dma_start3A = arith.constant 0 : i32
    %dma_start3A_5 = tpu.memref_slice %arg5[%dma_start3A] : memref<1536xi32, #tpu.memory_space<vmem>> -> memref<96xi32, #tpu.memory_space<vmem>>
    %dma_start3A_6 = arith.constant 0 : i32
    %dma_start3A_7 = arith.constant 0 : i32
    %dma_start3A_8 = tpu.memref_slice %arg2[%dma_start3A_6, %dma_start3A_7] : memref<100000x128xf32, #tpu.memory_space<hbm>> -> memref<100000x128xf32, #tpu.memory_space<hbm>>
    tpu.enqueue_indirect_dma source(%dma_start3A_8 : memref<100000x128xf32, #tpu.memory_space<hbm>>) target(%arg6 : memref<96x128xf32, #tpu.memory_space<vmem>>) offsets(%dma_start3A_5 : memref<96xi32, #tpu.memory_space<vmem>>) semaphore(%arg10 : memref<!tpu.dma_semaphore, #tpu.memory_space<semaphore_mem>>)
    %dma_start3A_9 = arith.constant 96 : i32
    %dma_start3A_10 = tpu.memref_slice %arg5[%dma_start3A_9] : memref<1536xi32, #tpu.memory_space<vmem>> -> memref<96xi32, #tpu.memory_space<vmem>>
    %dma_start3A_11 = arith.constant 0 : i32
    %dma_start3A_12 = arith.constant 0 : i32
    %dma_start3A_13 = tpu.memref_slice %arg2[%dma_start3A_11, %dma_start3A_12] : memref<100000x128xf32, #tpu.memory_space<hbm>> -> memref<100000x128xf32, #tpu.memory_space<hbm>>
    tpu.enqueue_indirect_dma source(%dma_start3A_13 : memref<100000x128xf32, #tpu.memory_space<hbm>>) target(%arg7 : memref<96x128xf32, #tpu.memory_space<vmem>>) offsets(%dma_start3A_10 : memref<96xi32, #tpu.memory_space<vmem>>) semaphore(%arg11 : memref<!tpu.dma_semaphore, #tpu.memory_space<semaphore_mem>>)
    %scan3A = arith.constant 0 : i32
    %scan3A_14 = arith.constant 0 : i32
    %scan3A_15 = arith.constant 8 : i32
    %scan3A_16 = arith.addi %scan3A_14, %scan3A_15 : i32
    %scan3A_17 = arith.constant 1 : i32
    scf.for %scan3A_30 = %scan3A_14 to %scan3A_16 step %scan3A_17  : i32 {
      %mul3A_31 = arith.constant 2 : i32
      %mul3A_32 = arith.muli %mul3A_31, %scan3A_30 : i32
      %dma_wait3A_33 = arith.constant 0 : i32
      %dma_wait3A_34 = arith.constant 0 : i32
      %dma_wait3A_35 = tpu.memref_slice %arg2[%dma_wait3A_33, %dma_wait3A_34] : memref<100000x128xf32, #tpu.memory_space<hbm>> -> memref<96x128xf32, #tpu.memory_space<hbm>>
      %dma_wait3A_36 = arith.constant 0 : i32
      %dma_wait3A_37 = arith.constant 0 : i32
      %dma_wait3A_38 = tpu.memref_slice %arg2[%dma_wait3A_36, %dma_wait3A_37] : memref<100000x128xf32, #tpu.memory_space<hbm>> -> memref<96x128xf32, #tpu.memory_space<hbm>>
      tpu.wait_dma2 semaphore(%arg10 : memref<!tpu.dma_semaphore, #tpu.memory_space<semaphore_mem>>) src(%dma_wait3A_38 : memref<96x128xf32, #tpu.memory_space<hbm>>) dst(%arg6 : memref<96x128xf32, #tpu.memory_space<vmem>>)
      %ge3A = arith.constant 1 : i32
      %ge3A_39 = arith.cmpi sge, %scan3A_30, %ge3A : i32
      %convert_element_type3A = arith.extui %ge3A_39 : i1 to i32
      %cond3A = arith.constant 0 : i32
      %cond3A_40 = arith.cmpi ne, %convert_element_type3A, %cond3A : i32
      scf.if %cond3A_40 {
        %dma_wait3A_89 = arith.constant 0 : i32
        %dma_wait3A_90 = arith.constant 0 : i32
        %dma_wait3A_91 = tpu.memref_slice %arg4[%dma_wait3A_89, %dma_wait3A_90] : memref<4096x192xf32, #tpu.memory_space<hbm>> -> memref<8x192xf32, #tpu.memory_space<hbm>>
        %dma_wait3A_92 = arith.constant 0 : i32
        %dma_wait3A_93 = arith.constant 0 : i32
        %dma_wait3A_94 = tpu.memref_slice %arg4[%dma_wait3A_92, %dma_wait3A_93] : memref<4096x192xf32, #tpu.memory_space<hbm>> -> memref<8x192xf32, #tpu.memory_space<hbm>>
        tpu.wait_dma2 semaphore(%arg12 : memref<!tpu.dma_semaphore, #tpu.memory_space<semaphore_mem>>) src(%arg8 : memref<8x192xf32, #tpu.memory_space<vmem>>) dst(%dma_wait3A_94 : memref<8x192xf32, #tpu.memory_space<hbm>>)
      } else {
      }
      %scan3A_41 = arith.constant 0 : i32
      %scan3A_42 = arith.constant 0 : i32
      %scan3A_43 = arith.constant 8 : i32
      %scan3A_44 = arith.addi %scan3A_42, %scan3A_43 : i32
      %scan3A_45 = arith.constant 1 : i32
      scf.for %scan3A_89 = %scan3A_42 to %scan3A_44 step %scan3A_45  : i32 {
        %mul3A_90 = arith.constant 12 : i32
        %mul3A_91 = arith.muli %scan3A_89, %mul3A_90 : i32
        %get3A = arith.index_cast %mul3A_91 : i32 to index
        %get3A_92 = arith.constant 0 : index
        %get3A_93 = tpu.vector_load %arg6[%get3A, %get3A_92] {strides = array<i32>} : memref<96x128xf32, #tpu.memory_space<vmem>>, vector<1x16xf32>,
        %get3A_94 = vector.shape_cast %get3A_93 : vector<1x16xf32> to vector<16xf32>
        %get3A_95 = arith.index_cast %mul3A_91 : i32 to index
        %get3A_96 = arith.constant 16 : index
        %get3A_97 = tpu.vector_load %arg6[%get3A_95, %get3A_96] {strides = array<i32>} : memref<96x128xf32, #tpu.memory_space<vmem>>, vector<1x16xf32>,
        %get3A_98 = vector.shape_cast %get3A_97 : vector<1x16xf32> to vector<16xf32>
        %get3A_99 = arith.index_cast %mul3A_91 : i32 to index
        %get3A_100 = arith.constant 32 : index
        %get3A_101 = tpu.vector_load %arg6[%get3A_99, %get3A_100] {strides = array<i32>} : memref<96x128xf32, #tpu.memory_space<vmem>>, vector<1x16xf32>,
        %get3A_102 = vector.shape_cast %get3A_101 : vector<1x16xf32> to vector<16xf32>
        %get3A_103 = arith.index_cast %mul3A_91 : i32 to index
        %get3A_104 = arith.constant 48 : index
        %get3A_105 = tpu.vector_load %arg6[%get3A_103, %get3A_104] {strides = array<i32>} : memref<96x128xf32, #tpu.memory_space<vmem>>, vector<1x16xf32>,
        %get3A_106 = vector.shape_cast %get3A_105 : vector<1x16xf32> to vector<16xf32>
        %get3A_107 = arith.index_cast %mul3A_91 : i32 to index
        %get3A_108 = arith.constant 64 : index
        %get3A_109 = tpu.vector_load %arg6[%get3A_107, %get3A_108] {strides = array<i32>} : memref<96x128xf32, #tpu.memory_space<vmem>>, vector<1x16xf32>,
        %get3A_110 = vector.shape_cast %get3A_109 : vector<1x16xf32> to vector<16xf32>
        %get3A_111 = arith.index_cast %mul3A_91 : i32 to index
        %get3A_112 = arith.constant 80 : index
        %get3A_113 = tpu.vector_load %arg6[%get3A_111, %get3A_112] {strides = array<i32>} : memref<96x128xf32, #tpu.memory_space<vmem>>, vector<1x16xf32>,
        %get3A_114 = vector.shape_cast %get3A_113 : vector<1x16xf32> to vector<16xf32>
        %get3A_115 = arith.index_cast %mul3A_91 : i32 to index
        %get3A_116 = arith.constant 96 : index
        %get3A_117 = tpu.vector_load %arg6[%get3A_115, %get3A_116] {strides = array<i32>} : memref<96x128xf32, #tpu.memory_space<vmem>>, vector<1x16xf32>,
        %get3A_118 = vector.shape_cast %get3A_117 : vector<1x16xf32> to vector<16xf32>
        %get3A_119 = arith.index_cast %mul3A_91 : i32 to index
        %get3A_120 = arith.constant 112 : index
        %get3A_121 = tpu.vector_load %arg6[%get3A_119, %get3A_120] {strides = array<i32>} : memref<96x128xf32, #tpu.memory_space<vmem>>, vector<1x16xf32>,
        %get3A_122 = vector.shape_cast %get3A_121 : vector<1x16xf32> to vector<16xf32>
        %broadcast_in_dim3A = arith.constant 0.000000e+00 : f32
        %broadcast_in_dim3A_123 = vector.broadcast %broadcast_in_dim3A : f32 to vector<16xf32>
        %swap3A = arith.index_cast %scan3A_89 : i32 to index
        %swap3A_124 = arith.constant 176 : index
        %swap3A_125 = tpu.vector_load %arg8[%swap3A, %swap3A_124] {strides = array<i32>} : memref<8x192xf32, #tpu.memory_space<vmem>>, vector<1x16xf32>,
        %swap3A_126 = vector.shape_cast %swap3A_125 : vector<1x16xf32> to vector<16xf32>
        %swap3A_127 = vector.shape_cast %broadcast_in_dim3A_123 : vector<16xf32> to vector<1x16xf32>
        tpu.vector_store %arg8[%swap3A, %swap3A_124], %swap3A_127 {strides = array<i32>} : memref<8x192xf32, #tpu.memory_space<vmem>>, vector<1x16xf32>,
        %add3A_128 = arith.constant 1 : i32
        %add3A_129 = arith.addi %mul3A_91, %add3A_128 : i32
        %add3A_130 = arith.constant 0 : i32
        %add3A_131 = arith.addi %add3A_129, %add3A_130 : i32
        %get3A_132 = arith.index_cast %add3A_131 : i32 to index
        %get3A_133 = arith.constant 0 : index
        %get3A_134 = tpu.vector_load %arg6[%get3A_132, %get3A_133] {strides = array<i32>} : memref<96x128xf32, #tpu.memory_space<vmem>>, vector<1x16xf32>,
        %get3A_135 = vector.shape_cast %get3A_134 : vector<1x16xf32> to vector<16xf32>
        %mul3A_136 = arith.mulf %get3A_94, %get3A_135 : vector<16xf32>
        %get3A_137 = arith.index_cast %add3A_131 : i32 to index
        %get3A_138 = arith.constant 16 : index
        %get3A_139 = tpu.vector_load %arg6[%get3A_137, %get3A_138] {strides = array<i32>} : memref<96x128xf32, #tpu.memory_space<vmem>>, vector<1x16xf32>,
        %get3A_140 = vector.shape_cast %get3A_139 : vector<1x16xf32> to vector<16xf32>
        %mul3A_141 = arith.mulf %get3A_98, %get3A_140 : vector<16xf32>
        %add3A_142 = arith.addf %mul3A_136, %mul3A_141 : vector<16xf32>
        %get3A_143 = arith.index_cast %add3A_131 : i32 to index
        %get3A_144 = arith.constant 32 : index
        %get3A_145 = tpu.vector_load %arg6[%get3A_143, %get3A_144] {strides = array<i32>} : memref<96x128xf32, #tpu.memory_space<vmem>>, vector<1x16xf32>,
        %get3A_146 = vector.shape_cast %get3A_145 : vector<1x16xf32> to vector<16xf32>
        %mul3A_147 = arith.mulf %get3A_102, %get3A_146 : vector<16xf32>
        %add3A_148 = arith.addf %add3A_142, %mul3A_147 : vector<16xf32>
        %get3A_149 = arith.index_cast %add3A_131 : i32 to index
        %get3A_150 = arith.constant 48 : index
        %get3A_151 = tpu.vector_load %arg6[%get3A_149, %get3A_150] {strides = array<i32>} : memref<96x128xf32, #tpu.memory_space<vmem>>, vector<1x16xf32>,
        %get3A_152 = vector.shape_cast %get3A_151 : vector<1x16xf32> to vector<16xf32>
        %mul3A_153 = arith.mulf %get3A_106, %get3A_152 : vector<16xf32>
        %add3A_154 = arith.addf %add3A_148, %mul3A_153 : vector<16xf32>
        %get3A_155 = arith.index_cast %add3A_131 : i32 to index
        %get3A_156 = arith.constant 64 : index
        %get3A_157 = tpu.vector_load %arg6[%get3A_155, %get3A_156] {strides = array<i32>} : memref<96x128xf32, #tpu.memory_space<vmem>>, vector<1x16xf32>,
        %get3A_158 = vector.shape_cast %get3A_157 : vector<1x16xf32> to vector<16xf32>
        %mul3A_159 = arith.mulf %get3A_110, %get3A_158 : vector<16xf32>
        %add3A_160 = arith.addf %add3A_154, %mul3A_159 : vector<16xf32>
        %get3A_161 = arith.index_cast %add3A_131 : i32 to index
        %get3A_162 = arith.constant 80 : index
        %get3A_163 = tpu.vector_load %arg6[%get3A_161, %get3A_162] {strides = array<i32>} : memref<96x128xf32, #tpu.memory_space<vmem>>, vector<1x16xf32>,
        %get3A_164 = vector.shape_cast %get3A_163 : vector<1x16xf32> to vector<16xf32>
        %mul3A_165 = arith.mulf %get3A_114, %get3A_164 : vector<16xf32>
        %add3A_166 = arith.addf %add3A_160, %mul3A_165 : vector<16xf32>
        %get3A_167 = arith.index_cast %add3A_131 : i32 to index
        %get3A_168 = arith.constant 96 : index
        %get3A_169 = tpu.vector_load %arg6[%get3A_167, %get3A_168] {strides = array<i32>} : memref<96x128xf32, #tpu.memory_space<vmem>>, vector<1x16xf32>,
        %get3A_170 = vector.shape_cast %get3A_169 : vector<1x16xf32> to vector<16xf32>
        %mul3A_171 = arith.mulf %get3A_118, %get3A_170 : vector<16xf32>
        %add3A_172 = arith.addf %add3A_166, %mul3A_171 : vector<16xf32>
        %get3A_173 = arith.index_cast %add3A_131 : i32 to index
        %get3A_174 = arith.constant 112 : index
        %get3A_175 = tpu.vector_load %arg6[%get3A_173, %get3A_174] {strides = array<i32>} : memref<96x128xf32, #tpu.memory_space<vmem>>, vector<1x16xf32>,
        %get3A_176 = vector.shape_cast %get3A_175 : vector<1x16xf32> to vector<16xf32>
        %mul3A_177 = arith.mulf %get3A_122, %get3A_176 : vector<16xf32>
        %add3A_178 = arith.addf %add3A_172, %mul3A_177 : vector<16xf32>
        %swap3A_179 = arith.index_cast %scan3A_89 : i32 to index
        %swap3A_180 = arith.constant 0 : index
        %swap3A_181 = tpu.vector_load %arg8[%swap3A_179, %swap3A_180] {strides = array<i32>} : memref<8x192xf32, #tpu.memory_space<vmem>>, vector<1x16xf32>,
        %swap3A_182 = vector.shape_cast %swap3A_181 : vector<1x16xf32> to vector<16xf32>
        %swap3A_183 = vector.shape_cast %add3A_178 : vector<16xf32> to vector<1x16xf32>
        tpu.vector_store %arg8[%swap3A_179, %swap3A_180], %swap3A_183 {strides = array<i32>} : memref<8x192xf32, #tpu.memory_space<vmem>>, vector<1x16xf32>,
        %add3A_184 = arith.constant 1 : i32
        %add3A_185 = arith.addi %mul3A_91, %add3A_184 : i32
        %add3A_186 = arith.constant 1 : i32
        %add3A_187 = arith.addi %add3A_185, %add3A_186 : i32
        %get3A_188 = arith.index_cast %add3A_187 : i32 to index
        %get3A_189 = arith.constant 0 : index
        %get3A_190 = tpu.vector_load %arg6[%get3A_188, %get3A_189] {strides = array<i32>} : memref<96x128xf32, #tpu.memory_space<vmem>>, vector<1x16xf32>,
        %get3A_191 = vector.shape_cast %get3A_190 : vector<1x16xf32> to vector<16xf32>
        %mul3A_192 = arith.mulf %get3A_94, %get3A_191 : vector<16xf32>
        %get3A_193 = arith.index_cast %add3A_187 : i32 to index
        %get3A_194 = arith.constant 16 : index
        %get3A_195 = tpu.vector_load %arg6[%get3A_193, %get3A_194] {strides = array<i32>} : memref<96x128xf32, #tpu.memory_space<vmem>>, vector<1x16xf32>,
        %get3A_196 = vector.shape_cast %get3A_195 : vector<1x16xf32> to vector<16xf32>
        %mul3A_197 = arith.mulf %get3A_98, %get3A_196 : vector<16xf32>
        %add3A_198 = arith.addf %mul3A_192, %mul3A_197 : vector<16xf32>
        %get3A_199 = arith.index_cast %add3A_187 : i32 to index
        %get3A_200 = arith.constant 32 : index
        %get3A_201 = tpu.vector_load %arg6[%get3A_199, %get3A_200] {strides = array<i32>} : memref<96x128xf32, #tpu.memory_space<vmem>>, vector<1x16xf32>,
        %get3A_202 = vector.shape_cast %get3A_201 : vector<1x16xf32> to vector<16xf32>
        %mul3A_203 = arith.mulf %get3A_102, %get3A_202 : vector<16xf32>
        %add3A_204 = arith.addf %add3A_198, %mul3A_203 : vector<16xf32>
        %get3A_205 = arith.index_cast %add3A_187 : i32 to index
        %get3A_206 = arith.constant 48 : index
        %get3A_207 = tpu.vector_load %arg6[%get3A_205, %get3A_206] {strides = array<i32>} : memref<96x128xf32, #tpu.memory_space<vmem>>, vector<1x16xf32>,
        %get3A_208 = vector.shape_cast %get3A_207 : vector<1x16xf32> to vector<16xf32>
        %mul3A_209 = arith.mulf %get3A_106, %get3A_208 : vector<16xf32>
        %add3A_210 = arith.addf %add3A_204, %mul3A_209 : vector<16xf32>
        %get3A_211 = arith.index_cast %add3A_187 : i32 to index
        %get3A_212 = arith.constant 64 : index
        %get3A_213 = tpu.vector_load %arg6[%get3A_211, %get3A_212] {strides = array<i32>} : memref<96x128xf32, #tpu.memory_space<vmem>>, vector<1x16xf32>,
        %get3A_214 = vector.shape_cast %get3A_213 : vector<1x16xf32> to vector<16xf32>
        %mul3A_215 = arith.mulf %get3A_110, %get3A_214 : vector<16xf32>
        %add3A_216 = arith.addf %add3A_210, %mul3A_215 : vector<16xf32>
        %get3A_217 = arith.index_cast %add3A_187 : i32 to index
        %get3A_218 = arith.constant 80 : index
        %get3A_219 = tpu.vector_load %arg6[%get3A_217, %get3A_218] {strides = array<i32>} : memref<96x128xf32, #tpu.memory_space<vmem>>, vector<1x16xf32>,
        %get3A_220 = vector.shape_cast %get3A_219 : vector<1x16xf32> to vector<16xf32>
        %mul3A_221 = arith.mulf %get3A_114, %get3A_220 : vector<16xf32>
        %add3A_222 = arith.addf %add3A_216, %mul3A_221 : vector<16xf32>
        %get3A_223 = arith.index_cast %add3A_187 : i32 to index
        %get3A_224 = arith.constant 96 : index
        %get3A_225 = tpu.vector_load %arg6[%get3A_223, %get3A_224] {strides = array<i32>} : memref<96x128xf32, #tpu.memory_space<vmem>>, vector<1x16xf32>,
        %get3A_226 = vector.shape_cast %get3A_225 : vector<1x16xf32> to vector<16xf32>
        %mul3A_227 = arith.mulf %get3A_118, %get3A_226 : vector<16xf32>
        %add3A_228 = arith.addf %add3A_222, %mul3A_227 : vector<16xf32>
        %get3A_229 = arith.index_cast %add3A_187 : i32 to index
        %get3A_230 = arith.constant 112 : index
        %get3A_231 = tpu.vector_load %arg6[%get3A_229, %get3A_230] {strides = array<i32>} : memref<96x128xf32, #tpu.memory_space<vmem>>, vector<1x16xf32>,
        %get3A_232 = vector.shape_cast %get3A_231 : vector<1x16xf32> to vector<16xf32>
        %mul3A_233 = arith.mulf %get3A_122, %get3A_232 : vector<16xf32>
        %add3A_234 = arith.addf %add3A_228, %mul3A_233 : vector<16xf32>
        %swap3A_235 = arith.index_cast %scan3A_89 : i32 to index
        %swap3A_236 = arith.constant 16 : index
        %swap3A_237 = tpu.vector_load %arg8[%swap3A_235, %swap3A_236] {strides = array<i32>} : memref<8x192xf32, #tpu.memory_space<vmem>>, vector<1x16xf32>,
        %swap3A_238 = vector.shape_cast %swap3A_237 : vector<1x16xf32> to vector<16xf32>
        %swap3A_239 = vector.shape_cast %add3A_234 : vector<16xf32> to vector<1x16xf32>
        tpu.vector_store %arg8[%swap3A_235, %swap3A_236], %swap3A_239 {strides = array<i32>} : memref<8x192xf32, #tpu.memory_space<vmem>>, vector<1x16xf32>,
        %add3A_240 = arith.constant 1 : i32
        %add3A_241 = arith.addi %mul3A_91, %add3A_240 : i32
        %add3A_242 = arith.constant 2 : i32
        %add3A_243 = arith.addi %add3A_241, %add3A_242 : i32
        %get3A_244 = arith.index_cast %add3A_243 : i32 to index
        %get3A_245 = arith.constant 0 : index
        %get3A_246 = tpu.vector_load %arg6[%get3A_244, %get3A_245] {strides = array<i32>} : memref<96x128xf32, #tpu.memory_space<vmem>>, vector<1x16xf32>,
        %get3A_247 = vector.shape_cast %get3A_246 : vector<1x16xf32> to vector<16xf32>
        %mul3A_248 = arith.mulf %get3A_94, %get3A_247 : vector<16xf32>
        %get3A_249 = arith.index_cast %add3A_243 : i32 to index
        %get3A_250 = arith.constant 16 : index
        %get3A_251 = tpu.vector_load %arg6[%get3A_249, %get3A_250] {strides = array<i32>} : memref<96x128xf32, #tpu.memory_space<vmem>>, vector<1x16xf32>,
        %get3A_252 = vector.shape_cast %get3A_251 : vector<1x16xf32> to vector<16xf32>
        %mul3A_253 = arith.mulf %get3A_98, %get3A_252 : vector<16xf32>
        %add3A_254 = arith.addf %mul3A_248, %mul3A_253 : vector<16xf32>
        %get3A_255 = arith.index_cast %add3A_243 : i32 to index
        %get3A_256 = arith.constant 32 : index
        %get3A_257 = tpu.vector_load %arg6[%get3A_255, %get3A_256] {strides = array<i32>} : memref<96x128xf32, #tpu.memory_space<vmem>>, vector<1x16xf32>,
        %get3A_258 = vector.shape_cast %get3A_257 : vector<1x16xf32> to vector<16xf32>
        %mul3A_259 = arith.mulf %get3A_102, %get3A_258 : vector<16xf32>
        %add3A_260 = arith.addf %add3A_254, %mul3A_259 : vector<16xf32>
        %get3A_261 = arith.index_cast %add3A_243 : i32 to index
        %get3A_262 = arith.constant 48 : index
        %get3A_263 = tpu.vector_load %arg6[%get3A_261, %get3A_262] {strides = array<i32>} : memref<96x128xf32, #tpu.memory_space<vmem>>, vector<1x16xf32>,
        %get3A_264 = vector.shape_cast %get3A_263 : vector<1x16xf32> to vector<16xf32>
        %mul3A_265 = arith.mulf %get3A_106, %get3A_264 : vector<16xf32>
        %add3A_266 = arith.addf %add3A_260, %mul3A_265 : vector<16xf32>
        %get3A_267 = arith.index_cast %add3A_243 : i32 to index
        %get3A_268 = arith.constant 64 : index
        %get3A_269 = tpu.vector_load %arg6[%get3A_267, %get3A_268] {strides = array<i32>} : memref<96x128xf32, #tpu.memory_space<vmem>>, vector<1x16xf32>,
        %get3A_270 = vector.shape_cast %get3A_269 : vector<1x16xf32> to vector<16xf32>
        %mul3A_271 = arith.mulf %get3A_110, %get3A_270 : vector<16xf32>
        %add3A_272 = arith.addf %add3A_266, %mul3A_271 : vector<16xf32>
        %get3A_273 = arith.index_cast %add3A_243 : i32 to index
        %get3A_274 = arith.constant 80 : index
        %get3A_275 = tpu.vector_load %arg6[%get3A_273, %get3A_274] {strides = array<i32>} : memref<96x128xf32, #tpu.memory_space<vmem>>, vector<1x16xf32>,
        %get3A_276 = vector.shape_cast %get3A_275 : vector<1x16xf32> to vector<16xf32>
        %mul3A_277 = arith.mulf %get3A_114, %get3A_276 : vector<16xf32>
        %add3A_278 = arith.addf %add3A_272, %mul3A_277 : vector<16xf32>
        %get3A_279 = arith.index_cast %add3A_243 : i32 to index
        %get3A_280 = arith.constant 96 : index
        %get3A_281 = tpu.vector_load %arg6[%get3A_279, %get3A_280] {strides = array<i32>} : memref<96x128xf32, #tpu.memory_space<vmem>>, vector<1x16xf32>,
        %get3A_282 = vector.shape_cast %get3A_281 : vector<1x16xf32> to vector<16xf32>
        %mul3A_283 = arith.mulf %get3A_118, %get3A_282 : vector<16xf32>
        %add3A_284 = arith.addf %add3A_278, %mul3A_283 : vector<16xf32>
        %get3A_285 = arith.index_cast %add3A_243 : i32 to index
        %get3A_286 = arith.constant 112 : index
        %get3A_287 = tpu.vector_load %arg6[%get3A_285, %get3A_286] {strides = array<i32>} : memref<96x128xf32, #tpu.memory_space<vmem>>, vector<1x16xf32>,
        %get3A_288 = vector.shape_cast %get3A_287 : vector<1x16xf32> to vector<16xf32>
        %mul3A_289 = arith.mulf %get3A_122, %get3A_288 : vector<16xf32>
        %add3A_290 = arith.addf %add3A_284, %mul3A_289 : vector<16xf32>
        %swap3A_291 = arith.index_cast %scan3A_89 : i32 to index
        %swap3A_292 = arith.constant 32 : index
        %swap3A_293 = tpu.vector_load %arg8[%swap3A_291, %swap3A_292] {strides = array<i32>} : memref<8x192xf32, #tpu.memory_space<vmem>>, vector<1x16xf32>,
        %swap3A_294 = vector.shape_cast %swap3A_293 : vector<1x16xf32> to vector<16xf32>
        %swap3A_295 = vector.shape_cast %add3A_290 : vector<16xf32> to vector<1x16xf32>
        tpu.vector_store %arg8[%swap3A_291, %swap3A_292], %swap3A_295 {strides = array<i32>} : memref<8x192xf32, #tpu.memory_space<vmem>>, vector<1x16xf32>,
        %add3A_296 = arith.constant 1 : i32
        %add3A_297 = arith.addi %mul3A_91, %add3A_296 : i32
        %add3A_298 = arith.constant 3 : i32
        %add3A_299 = arith.addi %add3A_297, %add3A_298 : i32
        %get3A_300 = arith.index_cast %add3A_299 : i32 to index
        %get3A_301 = arith.constant 0 : index
        %get3A_302 = tpu.vector_load %arg6[%get3A_300, %get3A_301] {strides = array<i32>} : memref<96x128xf32, #tpu.memory_space<vmem>>, vector<1x16xf32>,
        %get3A_303 = vector.shape_cast %get3A_302 : vector<1x16xf32> to vector<16xf32>
        %mul3A_304 = arith.mulf %get3A_94, %get3A_303 : vector<16xf32>
        %get3A_305 = arith.index_cast %add3A_299 : i32 to index
        %get3A_306 = arith.constant 16 : index
        %get3A_307 = tpu.vector_load %arg6[%get3A_305, %get3A_306] {strides = array<i32>} : memref<96x128xf32, #tpu.memory_space<vmem>>, vector<1x16xf32>,
        %get3A_308 = vector.shape_cast %get3A_307 : vector<1x16xf32> to vector<16xf32>
        %mul3A_309 = arith.mulf %get3A_98, %get3A_308 : vector<16xf32>
        %add3A_310 = arith.addf %mul3A_304, %mul3A_309 : vector<16xf32>
        %get3A_311 = arith.index_cast %add3A_299 : i32 to index
        %get3A_312 = arith.constant 32 : index
        %get3A_313 = tpu.vector_load %arg6[%get3A_311, %get3A_312] {strides = array<i32>} : memref<96x128xf32, #tpu.memory_space<vmem>>, vector<1x16xf32>,
        %get3A_314 = vector.shape_cast %get3A_313 : vector<1x16xf32> to vector<16xf32>
        %mul3A_315 = arith.mulf %get3A_102, %get3A_314 : vector<16xf32>
        %add3A_316 = arith.addf %add3A_310, %mul3A_315 : vector<16xf32>
        %get3A_317 = arith.index_cast %add3A_299 : i32 to index
        %get3A_318 = arith.constant 48 : index
        %get3A_319 = tpu.vector_load %arg6[%get3A_317, %get3A_318] {strides = array<i32>} : memref<96x128xf32, #tpu.memory_space<vmem>>, vector<1x16xf32>,
        %get3A_320 = vector.shape_cast %get3A_319 : vector<1x16xf32> to vector<16xf32>
        %mul3A_321 = arith.mulf %get3A_106, %get3A_320 : vector<16xf32>
        %add3A_322 = arith.addf %add3A_316, %mul3A_321 : vector<16xf32>
        %get3A_323 = arith.index_cast %add3A_299 : i32 to index
        %get3A_324 = arith.constant 64 : index
        %get3A_325 = tpu.vector_load %arg6[%get3A_323, %get3A_324] {strides = array<i32>} : memref<96x128xf32, #tpu.memory_space<vmem>>, vector<1x16xf32>,
        %get3A_326 = vector.shape_cast %get3A_325 : vector<1x16xf32> to vector<16xf32>
        %mul3A_327 = arith.mulf %get3A_110, %get3A_326 : vector<16xf32>
        %add3A_328 = arith.addf %add3A_322, %mul3A_327 : vector<16xf32>
        %get3A_329 = arith.index_cast %add3A_299 : i32 to index
        %get3A_330 = arith.constant 80 : index
        %get3A_331 = tpu.vector_load %arg6[%get3A_329, %get3A_330] {strides = array<i32>} : memref<96x128xf32, #tpu.memory_space<vmem>>, vector<1x16xf32>,
        %get3A_332 = vector.shape_cast %get3A_331 : vector<1x16xf32> to vector<16xf32>
        %mul3A_333 = arith.mulf %get3A_114, %get3A_332 : vector<16xf32>
        %add3A_334 = arith.addf %add3A_328, %mul3A_333 : vector<16xf32>
        %get3A_335 = arith.index_cast %add3A_299 : i32 to index
        %get3A_336 = arith.constant 96 : index
        %get3A_337 = tpu.vector_load %arg6[%get3A_335, %get3A_336] {strides = array<i32>} : memref<96x128xf32, #tpu.memory_space<vmem>>, vector<1x16xf32>,
        %get3A_338 = vector.shape_cast %get3A_337 : vector<1x16xf32> to vector<16xf32>
        %mul3A_339 = arith.mulf %get3A_118, %get3A_338 : vector<16xf32>
        %add3A_340 = arith.addf %add3A_334, %mul3A_339 : vector<16xf32>
        %get3A_341 = arith.index_cast %add3A_299 : i32 to index
        %get3A_342 = arith.constant 112 : index
        %get3A_343 = tpu.vector_load %arg6[%get3A_341, %get3A_342] {strides = array<i32>} : memref<96x128xf32, #tpu.memory_space<vmem>>, vector<1x16xf32>,
        %get3A_344 = vector.shape_cast %get3A_343 : vector<1x16xf32> to vector<16xf32>
        %mul3A_345 = arith.mulf %get3A_122, %get3A_344 : vector<16xf32>
        %add3A_346 = arith.addf %add3A_340, %mul3A_345 : vector<16xf32>
        %swap3A_347 = arith.index_cast %scan3A_89 : i32 to index
        %swap3A_348 = arith.constant 48 : index
        %swap3A_349 = tpu.vector_load %arg8[%swap3A_347, %swap3A_348] {strides = array<i32>} : memref<8x192xf32, #tpu.memory_space<vmem>>, vector<1x16xf32>,
        %swap3A_350 = vector.shape_cast %swap3A_349 : vector<1x16xf32> to vector<16xf32>
        %swap3A_351 = vector.shape_cast %add3A_346 : vector<16xf32> to vector<1x16xf32>
        tpu.vector_store %arg8[%swap3A_347, %swap3A_348], %swap3A_351 {strides = array<i32>} : memref<8x192xf32, #tpu.memory_space<vmem>>, vector<1x16xf32>,
        %add3A_352 = arith.constant 1 : i32
        %add3A_353 = arith.addi %mul3A_91, %add3A_352 : i32
        %add3A_354 = arith.constant 4 : i32
        %add3A_355 = arith.addi %add3A_353, %add3A_354 : i32
        %get3A_356 = arith.index_cast %add3A_355 : i32 to index
        %get3A_357 = arith.constant 0 : index
        %get3A_358 = tpu.vector_load %arg6[%get3A_356, %get3A_357] {strides = array<i32>} : memref<96x128xf32, #tpu.memory_space<vmem>>, vector<1x16xf32>,
        %get3A_359 = vector.shape_cast %get3A_358 : vector<1x16xf32> to vector<16xf32>
        %mul3A_360 = arith.mulf %get3A_94, %get3A_359 : vector<16xf32>
        %get3A_361 = arith.index_cast %add3A_355 : i32 to index
        %get3A_362 = arith.constant 16 : index
        %get3A_363 = tpu.vector_load %arg6[%get3A_361, %get3A_362] {strides = array<i32>} : memref<96x128xf32, #tpu.memory_space<vmem>>, vector<1x16xf32>,
        %get3A_364 = vector.shape_cast %get3A_363 : vector<1x16xf32> to vector<16xf32>
        %mul3A_365 = arith.mulf %get3A_98, %get3A_364 : vector<16xf32>
        %add3A_366 = arith.addf %mul3A_360, %mul3A_365 : vector<16xf32>
        %get3A_367 = arith.index_cast %add3A_355 : i32 to index
        %get3A_368 = arith.constant 32 : index
        %get3A_369 = tpu.vector_load %arg6[%get3A_367, %get3A_368] {strides = array<i32>} : memref<96x128xf32, #tpu.memory_space<vmem>>, vector<1x16xf32>,
        %get3A_370 = vector.shape_cast %get3A_369 : vector<1x16xf32> to vector<16xf32>
        %mul3A_371 = arith.mulf %get3A_102, %get3A_370 : vector<16xf32>
        %add3A_372 = arith.addf %add3A_366, %mul3A_371 : vector<16xf32>
        %get3A_373 = arith.index_cast %add3A_355 : i32 to index
        %get3A_374 = arith.constant 48 : index
        %get3A_375 = tpu.vector_load %arg6[%get3A_373, %get3A_374] {strides = array<i32>} : memref<96x128xf32, #tpu.memory_space<vmem>>, vector<1x16xf32>,
        %get3A_376 = vector.shape_cast %get3A_375 : vector<1x16xf32> to vector<16xf32>
        %mul3A_377 = arith.mulf %get3A_106, %get3A_376 : vector<16xf32>
        %add3A_378 = arith.addf %add3A_372, %mul3A_377 : vector<16xf32>
        %get3A_379 = arith.index_cast %add3A_355 : i32 to index
        %get3A_380 = arith.constant 64 : index
        %get3A_381 = tpu.vector_load %arg6[%get3A_379, %get3A_380] {strides = array<i32>} : memref<96x128xf32, #tpu.memory_space<vmem>>, vector<1x16xf32>,
        %get3A_382 = vector.shape_cast %get3A_381 : vector<1x16xf32> to vector<16xf32>
        %mul3A_383 = arith.mulf %get3A_110, %get3A_382 : vector<16xf32>
        %add3A_384 = arith.addf %add3A_378, %mul3A_383 : vector<16xf32>
        %get3A_385 = arith.index_cast %add3A_355 : i32 to index
        %get3A_386 = arith.constant 80 : index
        %get3A_387 = tpu.vector_load %arg6[%get3A_385, %get3A_386] {strides = array<i32>} : memref<96x128xf32, #tpu.memory_space<vmem>>, vector<1x16xf32>,
        %get3A_388 = vector.shape_cast %get3A_387 : vector<1x16xf32> to vector<16xf32>
        %mul3A_389 = arith.mulf %get3A_114, %get3A_388 : vector<16xf32>
        %add3A_390 = arith.addf %add3A_384, %mul3A_389 : vector<16xf32>
        %get3A_391 = arith.index_cast %add3A_355 : i32 to index
        %get3A_392 = arith.constant 96 : index
        %get3A_393 = tpu.vector_load %arg6[%get3A_391, %get3A_392] {strides = array<i32>} : memref<96x128xf32, #tpu.memory_space<vmem>>, vector<1x16xf32>,
        %get3A_394 = vector.shape_cast %get3A_393 : vector<1x16xf32> to vector<16xf32>
        %mul3A_395 = arith.mulf %get3A_118, %get3A_394 : vector<16xf32>
        %add3A_396 = arith.addf %add3A_390, %mul3A_395 : vector<16xf32>
        %get3A_397 = arith.index_cast %add3A_355 : i32 to index
        %get3A_398 = arith.constant 112 : index
        %get3A_399 = tpu.vector_load %arg6[%get3A_397, %get3A_398] {strides = array<i32>} : memref<96x128xf32, #tpu.memory_space<vmem>>, vector<1x16xf32>,
        %get3A_400 = vector.shape_cast %get3A_399 : vector<1x16xf32> to vector<16xf32>
        %mul3A_401 = arith.mulf %get3A_122, %get3A_400 : vector<16xf32>
        %add3A_402 = arith.addf %add3A_396, %mul3A_401 : vector<16xf32>
        %swap3A_403 = arith.index_cast %scan3A_89 : i32 to index
        %swap3A_404 = arith.constant 64 : index
        %swap3A_405 = tpu.vector_load %arg8[%swap3A_403, %swap3A_404] {strides = array<i32>} : memref<8x192xf32, #tpu.memory_space<vmem>>, vector<1x16xf32>,
        %swap3A_406 = vector.shape_cast %swap3A_405 : vector<1x16xf32> to vector<16xf32>
        %swap3A_407 = vector.shape_cast %add3A_402 : vector<16xf32> to vector<1x16xf32>
        tpu.vector_store %arg8[%swap3A_403, %swap3A_404], %swap3A_407 {strides = array<i32>} : memref<8x192xf32, #tpu.memory_space<vmem>>, vector<1x16xf32>,
        %add3A_408 = arith.constant 1 : i32
        %add3A_409 = arith.addi %mul3A_91, %add3A_408 : i32
        %add3A_410 = arith.constant 5 : i32
        %add3A_411 = arith.addi %add3A_409, %add3A_410 : i32
        %get3A_412 = arith.index_cast %add3A_411 : i32 to index
        %get3A_413 = arith.constant 0 : index
        %get3A_414 = tpu.vector_load %arg6[%get3A_412, %get3A_413] {strides = array<i32>} : memref<96x128xf32, #tpu.memory_space<vmem>>, vector<1x16xf32>,
        %get3A_415 = vector.shape_cast %get3A_414 : vector<1x16xf32> to vector<16xf32>
        %mul3A_416 = arith.mulf %get3A_94, %get3A_415 : vector<16xf32>
        %get3A_417 = arith.index_cast %add3A_411 : i32 to index
        %get3A_418 = arith.constant 16 : index
        %get3A_419 = tpu.vector_load %arg6[%get3A_417, %get3A_418] {strides = array<i32>} : memref<96x128xf32, #tpu.memory_space<vmem>>, vector<1x16xf32>,
        %get3A_420 = vector.shape_cast %get3A_419 : vector<1x16xf32> to vector<16xf32>
        %mul3A_421 = arith.mulf %get3A_98, %get3A_420 : vector<16xf32>
        %add3A_422 = arith.addf %mul3A_416, %mul3A_421 : vector<16xf32>
        %get3A_423 = arith.index_cast %add3A_411 : i32 to index
        %get3A_424 = arith.constant 32 : index
        %get3A_425 = tpu.vector_load %arg6[%get3A_423, %get3A_424] {strides = array<i32>} : memref<96x128xf32, #tpu.memory_space<vmem>>, vector<1x16xf32>,
        %get3A_426 = vector.shape_cast %get3A_425 : vector<1x16xf32> to vector<16xf32>
        %mul3A_427 = arith.mulf %get3A_102, %get3A_426 : vector<16xf32>
        %add3A_428 = arith.addf %add3A_422, %mul3A_427 : vector<16xf32>
        %get3A_429 = arith.index_cast %add3A_411 : i32 to index
        %get3A_430 = arith.constant 48 : index
        %get3A_431 = tpu.vector_load %arg6[%get3A_429, %get3A_430] {strides = array<i32>} : memref<96x128xf32, #tpu.memory_space<vmem>>, vector<1x16xf32>,
        %get3A_432 = vector.shape_cast %get3A_431 : vector<1x16xf32> to vector<16xf32>
        %mul3A_433 = arith.mulf %get3A_106, %get3A_432 : vector<16xf32>
        %add3A_434 = arith.addf %add3A_428, %mul3A_433 : vector<16xf32>
        %get3A_435 = arith.index_cast %add3A_411 : i32 to index
        %get3A_436 = arith.constant 64 : index
        %get3A_437 = tpu.vector_load %arg6[%get3A_435, %get3A_436] {strides = array<i32>} : memref<96x128xf32, #tpu.memory_space<vmem>>, vector<1x16xf32>,
        %get3A_438 = vector.shape_cast %get3A_437 : vector<1x16xf32> to vector<16xf32>
        %mul3A_439 = arith.mulf %get3A_110, %get3A_438 : vector<16xf32>
        %add3A_440 = arith.addf %add3A_434, %mul3A_439 : vector<16xf32>
        %get3A_441 = arith.index_cast %add3A_411 : i32 to index
        %get3A_442 = arith.constant 80 : index
        %get3A_443 = tpu.vector_load %arg6[%get3A_441, %get3A_442] {strides = array<i32>} : memref<96x128xf32, #tpu.memory_space<vmem>>, vector<1x16xf32>,
        %get3A_444 = vector.shape_cast %get3A_443 : vector<1x16xf32> to vector<16xf32>
        %mul3A_445 = arith.mulf %get3A_114, %get3A_444 : vector<16xf32>
        %add3A_446 = arith.addf %add3A_440, %mul3A_445 : vector<16xf32>
        %get3A_447 = arith.index_cast %add3A_411 : i32 to index
        %get3A_448 = arith.constant 96 : index
        %get3A_449 = tpu.vector_load %arg6[%get3A_447, %get3A_448] {strides = array<i32>} : memref<96x128xf32, #tpu.memory_space<vmem>>, vector<1x16xf32>,
        %get3A_450 = vector.shape_cast %get3A_449 : vector<1x16xf32> to vector<16xf32>
        %mul3A_451 = arith.mulf %get3A_118, %get3A_450 : vector<16xf32>
        %add3A_452 = arith.addf %add3A_446, %mul3A_451 : vector<16xf32>
        %get3A_453 = arith.index_cast %add3A_411 : i32 to index
        %get3A_454 = arith.constant 112 : index
        %get3A_455 = tpu.vector_load %arg6[%get3A_453, %get3A_454] {strides = array<i32>} : memref<96x128xf32, #tpu.memory_space<vmem>>, vector<1x16xf32>,
        %get3A_456 = vector.shape_cast %get3A_455 : vector<1x16xf32> to vector<16xf32>
        %mul3A_457 = arith.mulf %get3A_122, %get3A_456 : vector<16xf32>
        %add3A_458 = arith.addf %add3A_452, %mul3A_457 : vector<16xf32>
        %swap3A_459 = arith.index_cast %scan3A_89 : i32 to index
        %swap3A_460 = arith.constant 80 : index
        %swap3A_461 = tpu.vector_load %arg8[%swap3A_459, %swap3A_460] {strides = array<i32>} : memref<8x192xf32, #tpu.memory_space<vmem>>, vector<1x16xf32>,
        %swap3A_462 = vector.shape_cast %swap3A_461 : vector<1x16xf32> to vector<16xf32>
        %swap3A_463 = vector.shape_cast %add3A_458 : vector<16xf32> to vector<1x16xf32>
        tpu.vector_store %arg8[%swap3A_459, %swap3A_460], %swap3A_463 {strides = array<i32>} : memref<8x192xf32, #tpu.memory_space<vmem>>, vector<1x16xf32>,
        %add3A_464 = arith.constant 1 : i32
        %add3A_465 = arith.addi %mul3A_91, %add3A_464 : i32
        %add3A_466 = arith.constant 6 : i32
        %add3A_467 = arith.addi %add3A_465, %add3A_466 : i32
        %get3A_468 = arith.index_cast %add3A_467 : i32 to index
        %get3A_469 = arith.constant 0 : index
        %get3A_470 = tpu.vector_load %arg6[%get3A_468, %get3A_469] {strides = array<i32>} : memref<96x128xf32, #tpu.memory_space<vmem>>, vector<1x16xf32>,
        %get3A_471 = vector.shape_cast %get3A_470 : vector<1x16xf32> to vector<16xf32>
        %mul3A_472 = arith.mulf %get3A_94, %get3A_471 : vector<16xf32>
        %get3A_473 = arith.index_cast %add3A_467 : i32 to index
        %get3A_474 = arith.constant 16 : index
        %get3A_475 = tpu.vector_load %arg6[%get3A_473, %get3A_474] {strides = array<i32>} : memref<96x128xf32, #tpu.memory_space<vmem>>, vector<1x16xf32>,
        %get3A_476 = vector.shape_cast %get3A_475 : vector<1x16xf32> to vector<16xf32>
        %mul3A_477 = arith.mulf %get3A_98, %get3A_476 : vector<16xf32>
        %add3A_478 = arith.addf %mul3A_472, %mul3A_477 : vector<16xf32>
        %get3A_479 = arith.index_cast %add3A_467 : i32 to index
        %get3A_480 = arith.constant 32 : index
        %get3A_481 = tpu.vector_load %arg6[%get3A_479, %get3A_480] {strides = array<i32>} : memref<96x128xf32, #tpu.memory_space<vmem>>, vector<1x16xf32>,
        %get3A_482 = vector.shape_cast %get3A_481 : vector<1x16xf32> to vector<16xf32>
        %mul3A_483 = arith.mulf %get3A_102, %get3A_482 : vector<16xf32>
        %add3A_484 = arith.addf %add3A_478, %mul3A_483 : vector<16xf32>
        %get3A_485 = arith.index_cast %add3A_467 : i32 to index
        %get3A_486 = arith.constant 48 : index
        %get3A_487 = tpu.vector_load %arg6[%get3A_485, %get3A_486] {strides = array<i32>} : memref<96x128xf32, #tpu.memory_space<vmem>>, vector<1x16xf32>,
        %get3A_488 = vector.shape_cast %get3A_487 : vector<1x16xf32> to vector<16xf32>
        %mul3A_489 = arith.mulf %get3A_106, %get3A_488 : vector<16xf32>
        %add3A_490 = arith.addf %add3A_484, %mul3A_489 : vector<16xf32>
        %get3A_491 = arith.index_cast %add3A_467 : i32 to index
        %get3A_492 = arith.constant 64 : index
        %get3A_493 = tpu.vector_load %arg6[%get3A_491, %get3A_492] {strides = array<i32>} : memref<96x128xf32, #tpu.memory_space<vmem>>, vector<1x16xf32>,
        %get3A_494 = vector.shape_cast %get3A_493 : vector<1x16xf32> to vector<16xf32>
        %mul3A_495 = arith.mulf %get3A_110, %get3A_494 : vector<16xf32>
        %add3A_496 = arith.addf %add3A_490, %mul3A_495 : vector<16xf32>
        %get3A_497 = arith.index_cast %add3A_467 : i32 to index
        %get3A_498 = arith.constant 80 : index
        %get3A_499 = tpu.vector_load %arg6[%get3A_497, %get3A_498] {strides = array<i32>} : memref<96x128xf32, #tpu.memory_space<vmem>>, vector<1x16xf32>,
        %get3A_500 = vector.shape_cast %get3A_499 : vector<1x16xf32> to vector<16xf32>
        %mul3A_501 = arith.mulf %get3A_114, %get3A_500 : vector<16xf32>
        %add3A_502 = arith.addf %add3A_496, %mul3A_501 : vector<16xf32>
        %get3A_503 = arith.index_cast %add3A_467 : i32 to index
        %get3A_504 = arith.constant 96 : index
        %get3A_505 = tpu.vector_load %arg6[%get3A_503, %get3A_504] {strides = array<i32>} : memref<96x128xf32, #tpu.memory_space<vmem>>, vector<1x16xf32>,
        %get3A_506 = vector.shape_cast %get3A_505 : vector<1x16xf32> to vector<16xf32>
        %mul3A_507 = arith.mulf %get3A_118, %get3A_506 : vector<16xf32>
        %add3A_508 = arith.addf %add3A_502, %mul3A_507 : vector<16xf32>
        %get3A_509 = arith.index_cast %add3A_467 : i32 to index
        %get3A_510 = arith.constant 112 : index
        %get3A_511 = tpu.vector_load %arg6[%get3A_509, %get3A_510] {strides = array<i32>} : memref<96x128xf32, #tpu.memory_space<vmem>>, vector<1x16xf32>,
        %get3A_512 = vector.shape_cast %get3A_511 : vector<1x16xf32> to vector<16xf32>
        %mul3A_513 = arith.mulf %get3A_122, %get3A_512 : vector<16xf32>
        %add3A_514 = arith.addf %add3A_508, %mul3A_513 : vector<16xf32>
        %swap3A_515 = arith.index_cast %scan3A_89 : i32 to index
        %swap3A_516 = arith.constant 96 : index
        %swap3A_517 = tpu.vector_load %arg8[%swap3A_515, %swap3A_516] {strides = array<i32>} : memref<8x192xf32, #tpu.memory_space<vmem>>, vector<1x16xf32>,
        %swap3A_518 = vector.shape_cast %swap3A_517 : vector<1x16xf32> to vector<16xf32>
        %swap3A_519 = vector.shape_cast %add3A_514 : vector<16xf32> to vector<1x16xf32>
        tpu.vector_store %arg8[%swap3A_515, %swap3A_516], %swap3A_519 {strides = array<i32>} : memref<8x192xf32, #tpu.memory_space<vmem>>, vector<1x16xf32>,
        %add3A_520 = arith.constant 1 : i32
        %add3A_521 = arith.addi %mul3A_91, %add3A_520 : i32
        %add3A_522 = arith.constant 7 : i32
        %add3A_523 = arith.addi %add3A_521, %add3A_522 : i32
        %get3A_524 = arith.index_cast %add3A_523 : i32 to index
        %get3A_525 = arith.constant 0 : index
        %get3A_526 = tpu.vector_load %arg6[%get3A_524, %get3A_525] {strides = array<i32>} : memref<96x128xf32, #tpu.memory_space<vmem>>, vector<1x16xf32>,
        %get3A_527 = vector.shape_cast %get3A_526 : vector<1x16xf32> to vector<16xf32>
        %mul3A_528 = arith.mulf %get3A_94, %get3A_527 : vector<16xf32>
        %get3A_529 = arith.index_cast %add3A_523 : i32 to index
        %get3A_530 = arith.constant 16 : index
        %get3A_531 = tpu.vector_load %arg6[%get3A_529, %get3A_530] {strides = array<i32>} : memref<96x128xf32, #tpu.memory_space<vmem>>, vector<1x16xf32>,
        %get3A_532 = vector.shape_cast %get3A_531 : vector<1x16xf32> to vector<16xf32>
        %mul3A_533 = arith.mulf %get3A_98, %get3A_532 : vector<16xf32>
        %add3A_534 = arith.addf %mul3A_528, %mul3A_533 : vector<16xf32>
        %get3A_535 = arith.index_cast %add3A_523 : i32 to index
        %get3A_536 = arith.constant 32 : index
        %get3A_537 = tpu.vector_load %arg6[%get3A_535, %get3A_536] {strides = array<i32>} : memref<96x128xf32, #tpu.memory_space<vmem>>, vector<1x16xf32>,
        %get3A_538 = vector.shape_cast %get3A_537 : vector<1x16xf32> to vector<16xf32>
        %mul3A_539 = arith.mulf %get3A_102, %get3A_538 : vector<16xf32>
        %add3A_540 = arith.addf %add3A_534, %mul3A_539 : vector<16xf32>
        %get3A_541 = arith.index_cast %add3A_523 : i32 to index
        %get3A_542 = arith.constant 48 : index
        %get3A_543 = tpu.vector_load %arg6[%get3A_541, %get3A_542] {strides = array<i32>} : memref<96x128xf32, #tpu.memory_space<vmem>>, vector<1x16xf32>,
        %get3A_544 = vector.shape_cast %get3A_543 : vector<1x16xf32> to vector<16xf32>
        %mul3A_545 = arith.mulf %get3A_106, %get3A_544 : vector<16xf32>
        %add3A_546 = arith.addf %add3A_540, %mul3A_545 : vector<16xf32>
        %get3A_547 = arith.index_cast %add3A_523 : i32 to index
        %get3A_548 = arith.constant 64 : index
        %get3A_549 = tpu.vector_load %arg6[%get3A_547, %get3A_548] {strides = array<i32>} : memref<96x128xf32, #tpu.memory_space<vmem>>, vector<1x16xf32>,
        %get3A_550 = vector.shape_cast %get3A_549 : vector<1x16xf32> to vector<16xf32>
        %mul3A_551 = arith.mulf %get3A_110, %get3A_550 : vector<16xf32>
        %add3A_552 = arith.addf %add3A_546, %mul3A_551 : vector<16xf32>
        %get3A_553 = arith.index_cast %add3A_523 : i32 to index
        %get3A_554 = arith.constant 80 : index
        %get3A_555 = tpu.vector_load %arg6[%get3A_553, %get3A_554] {strides = array<i32>} : memref<96x128xf32, #tpu.memory_space<vmem>>, vector<1x16xf32>,
        %get3A_556 = vector.shape_cast %get3A_555 : vector<1x16xf32> to vector<16xf32>
        %mul3A_557 = arith.mulf %get3A_114, %get3A_556 : vector<16xf32>
        %add3A_558 = arith.addf %add3A_552, %mul3A_557 : vector<16xf32>
        %get3A_559 = arith.index_cast %add3A_523 : i32 to index
        %get3A_560 = arith.constant 96 : index
        %get3A_561 = tpu.vector_load %arg6[%get3A_559, %get3A_560] {strides = array<i32>} : memref<96x128xf32, #tpu.memory_space<vmem>>, vector<1x16xf32>,
        %get3A_562 = vector.shape_cast %get3A_561 : vector<1x16xf32> to vector<16xf32>
        %mul3A_563 = arith.mulf %get3A_118, %get3A_562 : vector<16xf32>
        %add3A_564 = arith.addf %add3A_558, %mul3A_563 : vector<16xf32>
        %get3A_565 = arith.index_cast %add3A_523 : i32 to index
        %get3A_566 = arith.constant 112 : index
        %get3A_567 = tpu.vector_load %arg6[%get3A_565, %get3A_566] {strides = array<i32>} : memref<96x128xf32, #tpu.memory_space<vmem>>, vector<1x16xf32>,
        %get3A_568 = vector.shape_cast %get3A_567 : vector<1x16xf32> to vector<16xf32>
        %mul3A_569 = arith.mulf %get3A_122, %get3A_568 : vector<16xf32>
        %add3A_570 = arith.addf %add3A_564, %mul3A_569 : vector<16xf32>
        %swap3A_571 = arith.index_cast %scan3A_89 : i32 to index
        %swap3A_572 = arith.constant 112 : index
        %swap3A_573 = tpu.vector_load %arg8[%swap3A_571, %swap3A_572] {strides = array<i32>} : memref<8x192xf32, #tpu.memory_space<vmem>>, vector<1x16xf32>,
        %swap3A_574 = vector.shape_cast %swap3A_573 : vector<1x16xf32> to vector<16xf32>
        %swap3A_575 = vector.shape_cast %add3A_570 : vector<16xf32> to vector<1x16xf32>
        tpu.vector_store %arg8[%swap3A_571, %swap3A_572], %swap3A_575 {strides = array<i32>} : memref<8x192xf32, #tpu.memory_space<vmem>>, vector<1x16xf32>,
        %add3A_576 = arith.constant 1 : i32
        %add3A_577 = arith.addi %mul3A_91, %add3A_576 : i32
        %add3A_578 = arith.constant 8 : i32
        %add3A_579 = arith.addi %add3A_577, %add3A_578 : i32
        %get3A_580 = arith.index_cast %add3A_579 : i32 to index
        %get3A_581 = arith.constant 0 : index
        %get3A_582 = tpu.vector_load %arg6[%get3A_580, %get3A_581] {strides = array<i32>} : memref<96x128xf32, #tpu.memory_space<vmem>>, vector<1x16xf32>,
        %get3A_583 = vector.shape_cast %get3A_582 : vector<1x16xf32> to vector<16xf32>
        %mul3A_584 = arith.mulf %get3A_94, %get3A_583 : vector<16xf32>
        %get3A_585 = arith.index_cast %add3A_579 : i32 to index
        %get3A_586 = arith.constant 16 : index
        %get3A_587 = tpu.vector_load %arg6[%get3A_585, %get3A_586] {strides = array<i32>} : memref<96x128xf32, #tpu.memory_space<vmem>>, vector<1x16xf32>,
        %get3A_588 = vector.shape_cast %get3A_587 : vector<1x16xf32> to vector<16xf32>
        %mul3A_589 = arith.mulf %get3A_98, %get3A_588 : vector<16xf32>
        %add3A_590 = arith.addf %mul3A_584, %mul3A_589 : vector<16xf32>
        %get3A_591 = arith.index_cast %add3A_579 : i32 to index
        %get3A_592 = arith.constant 32 : index
        %get3A_593 = tpu.vector_load %arg6[%get3A_591, %get3A_592] {strides = array<i32>} : memref<96x128xf32, #tpu.memory_space<vmem>>, vector<1x16xf32>,
        %get3A_594 = vector.shape_cast %get3A_593 : vector<1x16xf32> to vector<16xf32>
        %mul3A_595 = arith.mulf %get3A_102, %get3A_594 : vector<16xf32>
        %add3A_596 = arith.addf %add3A_590, %mul3A_595 : vector<16xf32>
        %get3A_597 = arith.index_cast %add3A_579 : i32 to index
        %get3A_598 = arith.constant 48 : index
        %get3A_599 = tpu.vector_load %arg6[%get3A_597, %get3A_598] {strides = array<i32>} : memref<96x128xf32, #tpu.memory_space<vmem>>, vector<1x16xf32>,
        %get3A_600 = vector.shape_cast %get3A_599 : vector<1x16xf32> to vector<16xf32>
        %mul3A_601 = arith.mulf %get3A_106, %get3A_600 : vector<16xf32>
        %add3A_602 = arith.addf %add3A_596, %mul3A_601 : vector<16xf32>
        %get3A_603 = arith.index_cast %add3A_579 : i32 to index
        %get3A_604 = arith.constant 64 : index
        %get3A_605 = tpu.vector_load %arg6[%get3A_603, %get3A_604] {strides = array<i32>} : memref<96x128xf32, #tpu.memory_space<vmem>>, vector<1x16xf32>,
        %get3A_606 = vector.shape_cast %get3A_605 : vector<1x16xf32> to vector<16xf32>
        %mul3A_607 = arith.mulf %get3A_110, %get3A_606 : vector<16xf32>
        %add3A_608 = arith.addf %add3A_602, %mul3A_607 : vector<16xf32>
        %get3A_609 = arith.index_cast %add3A_579 : i32 to index
        %get3A_610 = arith.constant 80 : index
        %get3A_611 = tpu.vector_load %arg6[%get3A_609, %get3A_610] {strides = array<i32>} : memref<96x128xf32, #tpu.memory_space<vmem>>, vector<1x16xf32>,
        %get3A_612 = vector.shape_cast %get3A_611 : vector<1x16xf32> to vector<16xf32>
        %mul3A_613 = arith.mulf %get3A_114, %get3A_612 : vector<16xf32>
        %add3A_614 = arith.addf %add3A_608, %mul3A_613 : vector<16xf32>
        %get3A_615 = arith.index_cast %add3A_579 : i32 to index
        %get3A_616 = arith.constant 96 : index
        %get3A_617 = tpu.vector_load %arg6[%get3A_615, %get3A_616] {strides = array<i32>} : memref<96x128xf32, #tpu.memory_space<vmem>>, vector<1x16xf32>,
        %get3A_618 = vector.shape_cast %get3A_617 : vector<1x16xf32> to vector<16xf32>
        %mul3A_619 = arith.mulf %get3A_118, %get3A_618 : vector<16xf32>
        %add3A_620 = arith.addf %add3A_614, %mul3A_619 : vector<16xf32>
        %get3A_621 = arith.index_cast %add3A_579 : i32 to index
        %get3A_622 = arith.constant 112 : index
        %get3A_623 = tpu.vector_load %arg6[%get3A_621, %get3A_622] {strides = array<i32>} : memref<96x128xf32, #tpu.memory_space<vmem>>, vector<1x16xf32>,
        %get3A_624 = vector.shape_cast %get3A_623 : vector<1x16xf32> to vector<16xf32>
        %mul3A_625 = arith.mulf %get3A_122, %get3A_624 : vector<16xf32>
        %add3A_626 = arith.addf %add3A_620, %mul3A_625 : vector<16xf32>
        %swap3A_627 = arith.index_cast %scan3A_89 : i32 to index
        %swap3A_628 = arith.constant 128 : index
        %swap3A_629 = tpu.vector_load %arg8[%swap3A_627, %swap3A_628] {strides = array<i32>} : memref<8x192xf32, #tpu.memory_space<vmem>>, vector<1x16xf32>,
        %swap3A_630 = vector.shape_cast %swap3A_629 : vector<1x16xf32> to vector<16xf32>
        %swap3A_631 = vector.shape_cast %add3A_626 : vector<16xf32> to vector<1x16xf32>
        tpu.vector_store %arg8[%swap3A_627, %swap3A_628], %swap3A_631 {strides = array<i32>} : memref<8x192xf32, #tpu.memory_space<vmem>>, vector<1x16xf32>,
        %add3A_632 = arith.constant 1 : i32
        %add3A_633 = arith.addi %mul3A_91, %add3A_632 : i32
        %add3A_634 = arith.constant 9 : i32
        %add3A_635 = arith.addi %add3A_633, %add3A_634 : i32
        %get3A_636 = arith.index_cast %add3A_635 : i32 to index
        %get3A_637 = arith.constant 0 : index
        %get3A_638 = tpu.vector_load %arg6[%get3A_636, %get3A_637] {strides = array<i32>} : memref<96x128xf32, #tpu.memory_space<vmem>>, vector<1x16xf32>,
        %get3A_639 = vector.shape_cast %get3A_638 : vector<1x16xf32> to vector<16xf32>
        %mul3A_640 = arith.mulf %get3A_94, %get3A_639 : vector<16xf32>
        %get3A_641 = arith.index_cast %add3A_635 : i32 to index
        %get3A_642 = arith.constant 16 : index
        %get3A_643 = tpu.vector_load %arg6[%get3A_641, %get3A_642] {strides = array<i32>} : memref<96x128xf32, #tpu.memory_space<vmem>>, vector<1x16xf32>,
        %get3A_644 = vector.shape_cast %get3A_643 : vector<1x16xf32> to vector<16xf32>
        %mul3A_645 = arith.mulf %get3A_98, %get3A_644 : vector<16xf32>
        %add3A_646 = arith.addf %mul3A_640, %mul3A_645 : vector<16xf32>
        %get3A_647 = arith.index_cast %add3A_635 : i32 to index
        %get3A_648 = arith.constant 32 : index
        %get3A_649 = tpu.vector_load %arg6[%get3A_647, %get3A_648] {strides = array<i32>} : memref<96x128xf32, #tpu.memory_space<vmem>>, vector<1x16xf32>,
        %get3A_650 = vector.shape_cast %get3A_649 : vector<1x16xf32> to vector<16xf32>
        %mul3A_651 = arith.mulf %get3A_102, %get3A_650 : vector<16xf32>
        %add3A_652 = arith.addf %add3A_646, %mul3A_651 : vector<16xf32>
        %get3A_653 = arith.index_cast %add3A_635 : i32 to index
        %get3A_654 = arith.constant 48 : index
        %get3A_655 = tpu.vector_load %arg6[%get3A_653, %get3A_654] {strides = array<i32>} : memref<96x128xf32, #tpu.memory_space<vmem>>, vector<1x16xf32>,
        %get3A_656 = vector.shape_cast %get3A_655 : vector<1x16xf32> to vector<16xf32>
        %mul3A_657 = arith.mulf %get3A_106, %get3A_656 : vector<16xf32>
        %add3A_658 = arith.addf %add3A_652, %mul3A_657 : vector<16xf32>
        %get3A_659 = arith.index_cast %add3A_635 : i32 to index
        %get3A_660 = arith.constant 64 : index
        %get3A_661 = tpu.vector_load %arg6[%get3A_659, %get3A_660] {strides = array<i32>} : memref<96x128xf32, #tpu.memory_space<vmem>>, vector<1x16xf32>,
        %get3A_662 = vector.shape_cast %get3A_661 : vector<1x16xf32> to vector<16xf32>
        %mul3A_663 = arith.mulf %get3A_110, %get3A_662 : vector<16xf32>
        %add3A_664 = arith.addf %add3A_658, %mul3A_663 : vector<16xf32>
        %get3A_665 = arith.index_cast %add3A_635 : i32 to index
        %get3A_666 = arith.constant 80 : index
        %get3A_667 = tpu.vector_load %arg6[%get3A_665, %get3A_666] {strides = array<i32>} : memref<96x128xf32, #tpu.memory_space<vmem>>, vector<1x16xf32>,
        %get3A_668 = vector.shape_cast %get3A_667 : vector<1x16xf32> to vector<16xf32>
        %mul3A_669 = arith.mulf %get3A_114, %get3A_668 : vector<16xf32>
        %add3A_670 = arith.addf %add3A_664, %mul3A_669 : vector<16xf32>
        %get3A_671 = arith.index_cast %add3A_635 : i32 to index
        %get3A_672 = arith.constant 96 : index
        %get3A_673 = tpu.vector_load %arg6[%get3A_671, %get3A_672] {strides = array<i32>} : memref<96x128xf32, #tpu.memory_space<vmem>>, vector<1x16xf32>,
        %get3A_674 = vector.shape_cast %get3A_673 : vector<1x16xf32> to vector<16xf32>
        %mul3A_675 = arith.mulf %get3A_118, %get3A_674 : vector<16xf32>
        %add3A_676 = arith.addf %add3A_670, %mul3A_675 : vector<16xf32>
        %get3A_677 = arith.index_cast %add3A_635 : i32 to index
        %get3A_678 = arith.constant 112 : index
        %get3A_679 = tpu.vector_load %arg6[%get3A_677, %get3A_678] {strides = array<i32>} : memref<96x128xf32, #tpu.memory_space<vmem>>, vector<1x16xf32>,
        %get3A_680 = vector.shape_cast %get3A_679 : vector<1x16xf32> to vector<16xf32>
        %mul3A_681 = arith.mulf %get3A_122, %get3A_680 : vector<16xf32>
        %add3A_682 = arith.addf %add3A_676, %mul3A_681 : vector<16xf32>
        %swap3A_683 = arith.index_cast %scan3A_89 : i32 to index
        %swap3A_684 = arith.constant 144 : index
        %swap3A_685 = tpu.vector_load %arg8[%swap3A_683, %swap3A_684] {strides = array<i32>} : memref<8x192xf32, #tpu.memory_space<vmem>>, vector<1x16xf32>,
        %swap3A_686 = vector.shape_cast %swap3A_685 : vector<1x16xf32> to vector<16xf32>
        %swap3A_687 = vector.shape_cast %add3A_682 : vector<16xf32> to vector<1x16xf32>
        tpu.vector_store %arg8[%swap3A_683, %swap3A_684], %swap3A_687 {strides = array<i32>} : memref<8x192xf32, #tpu.memory_space<vmem>>, vector<1x16xf32>,
        %add3A_688 = arith.constant 1 : i32
        %add3A_689 = arith.addi %mul3A_91, %add3A_688 : i32
        %add3A_690 = arith.constant 10 : i32
        %add3A_691 = arith.addi %add3A_689, %add3A_690 : i32
        %get3A_692 = arith.index_cast %add3A_691 : i32 to index
        %get3A_693 = arith.constant 0 : index
        %get3A_694 = tpu.vector_load %arg6[%get3A_692, %get3A_693] {strides = array<i32>} : memref<96x128xf32, #tpu.memory_space<vmem>>, vector<1x16xf32>,
        %get3A_695 = vector.shape_cast %get3A_694 : vector<1x16xf32> to vector<16xf32>
        %mul3A_696 = arith.mulf %get3A_94, %get3A_695 : vector<16xf32>
        %get3A_697 = arith.index_cast %add3A_691 : i32 to index
        %get3A_698 = arith.constant 16 : index
        %get3A_699 = tpu.vector_load %arg6[%get3A_697, %get3A_698] {strides = array<i32>} : memref<96x128xf32, #tpu.memory_space<vmem>>, vector<1x16xf32>,
        %get3A_700 = vector.shape_cast %get3A_699 : vector<1x16xf32> to vector<16xf32>
        %mul3A_701 = arith.mulf %get3A_98, %get3A_700 : vector<16xf32>
        %add3A_702 = arith.addf %mul3A_696, %mul3A_701 : vector<16xf32>
        %get3A_703 = arith.index_cast %add3A_691 : i32 to index
        %get3A_704 = arith.constant 32 : index
        %get3A_705 = tpu.vector_load %arg6[%get3A_703, %get3A_704] {strides = array<i32>} : memref<96x128xf32, #tpu.memory_space<vmem>>, vector<1x16xf32>,
        %get3A_706 = vector.shape_cast %get3A_705 : vector<1x16xf32> to vector<16xf32>
        %mul3A_707 = arith.mulf %get3A_102, %get3A_706 : vector<16xf32>
        %add3A_708 = arith.addf %add3A_702, %mul3A_707 : vector<16xf32>
        %get3A_709 = arith.index_cast %add3A_691 : i32 to index
        %get3A_710 = arith.constant 48 : index
        %get3A_711 = tpu.vector_load %arg6[%get3A_709, %get3A_710] {strides = array<i32>} : memref<96x128xf32, #tpu.memory_space<vmem>>, vector<1x16xf32>,
        %get3A_712 = vector.shape_cast %get3A_711 : vector<1x16xf32> to vector<16xf32>
        %mul3A_713 = arith.mulf %get3A_106, %get3A_712 : vector<16xf32>
        %add3A_714 = arith.addf %add3A_708, %mul3A_713 : vector<16xf32>
        %get3A_715 = arith.index_cast %add3A_691 : i32 to index
        %get3A_716 = arith.constant 64 : index
        %get3A_717 = tpu.vector_load %arg6[%get3A_715, %get3A_716] {strides = array<i32>} : memref<96x128xf32, #tpu.memory_space<vmem>>, vector<1x16xf32>,
        %get3A_718 = vector.shape_cast %get3A_717 : vector<1x16xf32> to vector<16xf32>
        %mul3A_719 = arith.mulf %get3A_110, %get3A_718 : vector<16xf32>
        %add3A_720 = arith.addf %add3A_714, %mul3A_719 : vector<16xf32>
        %get3A_721 = arith.index_cast %add3A_691 : i32 to index
        %get3A_722 = arith.constant 80 : index
        %get3A_723 = tpu.vector_load %arg6[%get3A_721, %get3A_722] {strides = array<i32>} : memref<96x128xf32, #tpu.memory_space<vmem>>, vector<1x16xf32>,
        %get3A_724 = vector.shape_cast %get3A_723 : vector<1x16xf32> to vector<16xf32>
        %mul3A_725 = arith.mulf %get3A_114, %get3A_724 : vector<16xf32>
        %add3A_726 = arith.addf %add3A_720, %mul3A_725 : vector<16xf32>
        %get3A_727 = arith.index_cast %add3A_691 : i32 to index
        %get3A_728 = arith.constant 96 : index
        %get3A_729 = tpu.vector_load %arg6[%get3A_727, %get3A_728] {strides = array<i32>} : memref<96x128xf32, #tpu.memory_space<vmem>>, vector<1x16xf32>,
        %get3A_730 = vector.shape_cast %get3A_729 : vector<1x16xf32> to vector<16xf32>
        %mul3A_731 = arith.mulf %get3A_118, %get3A_730 : vector<16xf32>
        %add3A_732 = arith.addf %add3A_726, %mul3A_731 : vector<16xf32>
        %get3A_733 = arith.index_cast %add3A_691 : i32 to index
        %get3A_734 = arith.constant 112 : index
        %get3A_735 = tpu.vector_load %arg6[%get3A_733, %get3A_734] {strides = array<i32>} : memref<96x128xf32, #tpu.memory_space<vmem>>, vector<1x16xf32>,
        %get3A_736 = vector.shape_cast %get3A_735 : vector<1x16xf32> to vector<16xf32>
        %mul3A_737 = arith.mulf %get3A_122, %get3A_736 : vector<16xf32>
        %add3A_738 = arith.addf %add3A_732, %mul3A_737 : vector<16xf32>
        %swap3A_739 = arith.index_cast %scan3A_89 : i32 to index
        %swap3A_740 = arith.constant 160 : index
        %swap3A_741 = tpu.vector_load %arg8[%swap3A_739, %swap3A_740] {strides = array<i32>} : memref<8x192xf32, #tpu.memory_space<vmem>>, vector<1x16xf32>,
        %swap3A_742 = vector.shape_cast %swap3A_741 : vector<1x16xf32> to vector<16xf32>
        %swap3A_743 = vector.shape_cast %add3A_738 : vector<16xf32> to vector<1x16xf32>
        tpu.vector_store %arg8[%swap3A_739, %swap3A_740], %swap3A_743 {strides = array<i32>} : memref<8x192xf32, #tpu.memory_space<vmem>>, vector<1x16xf32>,
      }
      %scan3A_46 = arith.constant 8 : i32
      %mul3A_47 = arith.constant 8 : i32
      %mul3A_48 = arith.muli %mul3A_32, %mul3A_47 : i32
      %add3A_49 = arith.addi %mul3A_2, %mul3A_48 : i32
      %dma_start3A_50 = arith.constant 0 : i32
      %dma_start3A_51 = tpu.memref_slice %arg4[%add3A_49, %dma_start3A_50] : memref<4096x192xf32, #tpu.memory_space<hbm>> -> memref<8x192xf32, #tpu.memory_space<hbm>>
      %dma_start3A_52 = arith.constant 0 : i32
      %dma_start3A_53 = tpu.memref_slice %arg4[%add3A_49, %dma_start3A_52] : memref<4096x192xf32, #tpu.memory_space<hbm>> -> memref<8x192xf32, #tpu.memory_space<hbm>>
      tpu.enqueue_dma source(%arg8 : memref<8x192xf32, #tpu.memory_space<vmem>>) target(%dma_start3A_53 : memref<8x192xf32, #tpu.memory_space<hbm>>) target_semaphore(%arg12 : memref<!tpu.dma_semaphore, #tpu.memory_space<semaphore_mem>>)
      %lt3A = arith.constant 7 : i32
      %lt3A_54 = arith.cmpi slt, %scan3A_30, %lt3A : i32
      %convert_element_type3A_55 = arith.extui %lt3A_54 : i1 to i32
      %cond3A_56 = arith.constant 0 : i32
      %cond3A_57 = arith.cmpi ne, %convert_element_type3A_55, %cond3A_56 : i32
      scf.if %cond3A_57 {
        %add3A_89 = arith.constant 2 : i32
        %add3A_90 = arith.addi %mul3A_32, %add3A_89 : i32
        %mul3A_91 = arith.constant 96 : i32
        %mul3A_92 = arith.muli %add3A_90, %mul3A_91 : i32
        %dma_start3A_93 = tpu.memref_slice %arg5[%mul3A_92] : memref<1536xi32, #tpu.memory_space<vmem>> -> memref<96xi32, #tpu.memory_space<vmem>>
        %dma_start3A_94 = arith.constant 0 : i32
        %dma_start3A_95 = arith.constant 0 : i32
        %dma_start3A_96 = tpu.memref_slice %arg2[%dma_start3A_94, %dma_start3A_95] : memref<100000x128xf32, #tpu.memory_space<hbm>> -> memref<100000x128xf32, #tpu.memory_space<hbm>>
        tpu.enqueue_indirect_dma source(%dma_start3A_96 : memref<100000x128xf32, #tpu.memory_space<hbm>>) target(%arg6 : memref<96x128xf32, #tpu.memory_space<vmem>>) offsets(%dma_start3A_93 : memref<96xi32, #tpu.memory_space<vmem>>) semaphore(%arg10 : memref<!tpu.dma_semaphore, #tpu.memory_space<semaphore_mem>>)
      } else {
      }
      %dma_wait3A_58 = arith.constant 0 : i32
      %dma_wait3A_59 = arith.constant 0 : i32
      %dma_wait3A_60 = tpu.memref_slice %arg2[%dma_wait3A_58, %dma_wait3A_59] : memref<100000x128xf32, #tpu.memory_space<hbm>> -> memref<96x128xf32, #tpu.memory_space<hbm>>
      %dma_wait3A_61 = arith.constant 0 : i32
      %dma_wait3A_62 = arith.constant 0 : i32
      %dma_wait3A_63 = tpu.memref_slice %arg2[%dma_wait3A_61, %dma_wait3A_62] : memref<100000x128xf32, #tpu.memory_space<hbm>> -> memref<96x128xf32, #tpu.memory_space<hbm>>
      tpu.wait_dma2 semaphore(%arg11 : memref<!tpu.dma_semaphore, #tpu.memory_space<semaphore_mem>>) src(%dma_wait3A_63 : memref<96x128xf32, #tpu.memory_space<hbm>>) dst(%arg7 : memref<96x128xf32, #tpu.memory_space<vmem>>)
      %ge3A_64 = arith.constant 1 : i32
      %ge3A_65 = arith.cmpi sge, %scan3A_30, %ge3A_64 : i32
      %convert_element_type3A_66 = arith.extui %ge3A_65 : i1 to i32
      %cond3A_67 = arith.constant 0 : i32
      %cond3A_68 = arith.cmpi ne, %convert_element_type3A_66, %cond3A_67 : i32
      scf.if %cond3A_68 {
        %dma_wait3A_89 = arith.constant 0 : i32
        %dma_wait3A_90 = arith.constant 0 : i32
        %dma_wait3A_91 = tpu.memref_slice %arg4[%dma_wait3A_89, %dma_wait3A_90] : memref<4096x192xf32, #tpu.memory_space<hbm>> -> memref<8x192xf32, #tpu.memory_space<hbm>>
        %dma_wait3A_92 = arith.constant 0 : i32
        %dma_wait3A_93 = arith.constant 0 : i32
        %dma_wait3A_94 = tpu.memref_slice %arg4[%dma_wait3A_92, %dma_wait3A_93] : memref<4096x192xf32, #tpu.memory_space<hbm>> -> memref<8x192xf32, #tpu.memory_space<hbm>>
        tpu.wait_dma2 semaphore(%arg13 : memref<!tpu.dma_semaphore, #tpu.memory_space<semaphore_mem>>) src(%arg9 : memref<8x192xf32, #tpu.memory_space<vmem>>) dst(%dma_wait3A_94 : memref<8x192xf32, #tpu.memory_space<hbm>>)
      } else {
      }
      %scan3A_69 = arith.constant 0 : i32
      %scan3A_70 = arith.constant 0 : i32
      %scan3A_71 = arith.constant 8 : i32
      %scan3A_72 = arith.addi %scan3A_70, %scan3A_71 : i32
      %scan3A_73 = arith.constant 1 : i32
      scf.for %scan3A_89 = %scan3A_70 to %scan3A_72 step %scan3A_73  : i32 {
        %mul3A_90 = arith.constant 12 : i32
        %mul3A_91 = arith.muli %scan3A_89, %mul3A_90 : i32
        %get3A = arith.index_cast %mul3A_91 : i32 to index
        %get3A_92 = arith.constant 0 : index
        %get3A_93 = tpu.vector_load %arg7[%get3A, %get3A_92] {strides = array<i32>} : memref<96x128xf32, #tpu.memory_space<vmem>>, vector<1x16xf32>,
        %get3A_94 = vector.shape_cast %get3A_93 : vector<1x16xf32> to vector<16xf32>
        %get3A_95 = arith.index_cast %mul3A_91 : i32 to index
        %get3A_96 = arith.constant 16 : index
        %get3A_97 = tpu.vector_load %arg7[%get3A_95, %get3A_96] {strides = array<i32>} : memref<96x128xf32, #tpu.memory_space<vmem>>, vector<1x16xf32>,
        %get3A_98 = vector.shape_cast %get3A_97 : vector<1x16xf32> to vector<16xf32>
        %get3A_99 = arith.index_cast %mul3A_91 : i32 to index
        %get3A_100 = arith.constant 32 : index
        %get3A_101 = tpu.vector_load %arg7[%get3A_99, %get3A_100] {strides = array<i32>} : memref<96x128xf32, #tpu.memory_space<vmem>>, vector<1x16xf32>,
        %get3A_102 = vector.shape_cast %get3A_101 : vector<1x16xf32> to vector<16xf32>
        %get3A_103 = arith.index_cast %mul3A_91 : i32 to index
        %get3A_104 = arith.constant 48 : index
        %get3A_105 = tpu.vector_load %arg7[%get3A_103, %get3A_104] {strides = array<i32>} : memref<96x128xf32, #tpu.memory_space<vmem>>, vector<1x16xf32>,
        %get3A_106 = vector.shape_cast %get3A_105 : vector<1x16xf32> to vector<16xf32>
        %get3A_107 = arith.index_cast %mul3A_91 : i32 to index
        %get3A_108 = arith.constant 64 : index
        %get3A_109 = tpu.vector_load %arg7[%get3A_107, %get3A_108] {strides = array<i32>} : memref<96x128xf32, #tpu.memory_space<vmem>>, vector<1x16xf32>,
        %get3A_110 = vector.shape_cast %get3A_109 : vector<1x16xf32> to vector<16xf32>
        %get3A_111 = arith.index_cast %mul3A_91 : i32 to index
        %get3A_112 = arith.constant 80 : index
        %get3A_113 = tpu.vector_load %arg7[%get3A_111, %get3A_112] {strides = array<i32>} : memref<96x128xf32, #tpu.memory_space<vmem>>, vector<1x16xf32>,
        %get3A_114 = vector.shape_cast %get3A_113 : vector<1x16xf32> to vector<16xf32>
        %get3A_115 = arith.index_cast %mul3A_91 : i32 to index
        %get3A_116 = arith.constant 96 : index
        %get3A_117 = tpu.vector_load %arg7[%get3A_115, %get3A_116] {strides = array<i32>} : memref<96x128xf32, #tpu.memory_space<vmem>>, vector<1x16xf32>,
        %get3A_118 = vector.shape_cast %get3A_117 : vector<1x16xf32> to vector<16xf32>
        %get3A_119 = arith.index_cast %mul3A_91 : i32 to index
        %get3A_120 = arith.constant 112 : index
        %get3A_121 = tpu.vector_load %arg7[%get3A_119, %get3A_120] {strides = array<i32>} : memref<96x128xf32, #tpu.memory_space<vmem>>, vector<1x16xf32>,
        %get3A_122 = vector.shape_cast %get3A_121 : vector<1x16xf32> to vector<16xf32>
        %broadcast_in_dim3A = arith.constant 0.000000e+00 : f32
        %broadcast_in_dim3A_123 = vector.broadcast %broadcast_in_dim3A : f32 to vector<16xf32>
        %swap3A = arith.index_cast %scan3A_89 : i32 to index
        %swap3A_124 = arith.constant 176 : index
        %swap3A_125 = tpu.vector_load %arg9[%swap3A, %swap3A_124] {strides = array<i32>} : memref<8x192xf32, #tpu.memory_space<vmem>>, vector<1x16xf32>,
        %swap3A_126 = vector.shape_cast %swap3A_125 : vector<1x16xf32> to vector<16xf32>
        %swap3A_127 = vector.shape_cast %broadcast_in_dim3A_123 : vector<16xf32> to vector<1x16xf32>
        tpu.vector_store %arg9[%swap3A, %swap3A_124], %swap3A_127 {strides = array<i32>} : memref<8x192xf32, #tpu.memory_space<vmem>>, vector<1x16xf32>,
        %add3A_128 = arith.constant 1 : i32
        %add3A_129 = arith.addi %mul3A_91, %add3A_128 : i32
        %add3A_130 = arith.constant 0 : i32
        %add3A_131 = arith.addi %add3A_129, %add3A_130 : i32
        %get3A_132 = arith.index_cast %add3A_131 : i32 to index
        %get3A_133 = arith.constant 0 : index
        %get3A_134 = tpu.vector_load %arg7[%get3A_132, %get3A_133] {strides = array<i32>} : memref<96x128xf32, #tpu.memory_space<vmem>>, vector<1x16xf32>,
        %get3A_135 = vector.shape_cast %get3A_134 : vector<1x16xf32> to vector<16xf32>
        %mul3A_136 = arith.mulf %get3A_94, %get3A_135 : vector<16xf32>
        %get3A_137 = arith.index_cast %add3A_131 : i32 to index
        %get3A_138 = arith.constant 16 : index
        %get3A_139 = tpu.vector_load %arg7[%get3A_137, %get3A_138] {strides = array<i32>} : memref<96x128xf32, #tpu.memory_space<vmem>>, vector<1x16xf32>,
        %get3A_140 = vector.shape_cast %get3A_139 : vector<1x16xf32> to vector<16xf32>
        %mul3A_141 = arith.mulf %get3A_98, %get3A_140 : vector<16xf32>
        %add3A_142 = arith.addf %mul3A_136, %mul3A_141 : vector<16xf32>
        %get3A_143 = arith.index_cast %add3A_131 : i32 to index
        %get3A_144 = arith.constant 32 : index
        %get3A_145 = tpu.vector_load %arg7[%get3A_143, %get3A_144] {strides = array<i32>} : memref<96x128xf32, #tpu.memory_space<vmem>>, vector<1x16xf32>,
        %get3A_146 = vector.shape_cast %get3A_145 : vector<1x16xf32> to vector<16xf32>
        %mul3A_147 = arith.mulf %get3A_102, %get3A_146 : vector<16xf32>
        %add3A_148 = arith.addf %add3A_142, %mul3A_147 : vector<16xf32>
        %get3A_149 = arith.index_cast %add3A_131 : i32 to index
        %get3A_150 = arith.constant 48 : index
        %get3A_151 = tpu.vector_load %arg7[%get3A_149, %get3A_150] {strides = array<i32>} : memref<96x128xf32, #tpu.memory_space<vmem>>, vector<1x16xf32>,
        %get3A_152 = vector.shape_cast %get3A_151 : vector<1x16xf32> to vector<16xf32>
        %mul3A_153 = arith.mulf %get3A_106, %get3A_152 : vector<16xf32>
        %add3A_154 = arith.addf %add3A_148, %mul3A_153 : vector<16xf32>
        %get3A_155 = arith.index_cast %add3A_131 : i32 to index
        %get3A_156 = arith.constant 64 : index
        %get3A_157 = tpu.vector_load %arg7[%get3A_155, %get3A_156] {strides = array<i32>} : memref<96x128xf32, #tpu.memory_space<vmem>>, vector<1x16xf32>,
        %get3A_158 = vector.shape_cast %get3A_157 : vector<1x16xf32> to vector<16xf32>
        %mul3A_159 = arith.mulf %get3A_110, %get3A_158 : vector<16xf32>
        %add3A_160 = arith.addf %add3A_154, %mul3A_159 : vector<16xf32>
        %get3A_161 = arith.index_cast %add3A_131 : i32 to index
        %get3A_162 = arith.constant 80 : index
        %get3A_163 = tpu.vector_load %arg7[%get3A_161, %get3A_162] {strides = array<i32>} : memref<96x128xf32, #tpu.memory_space<vmem>>, vector<1x16xf32>,
        %get3A_164 = vector.shape_cast %get3A_163 : vector<1x16xf32> to vector<16xf32>
        %mul3A_165 = arith.mulf %get3A_114, %get3A_164 : vector<16xf32>
        %add3A_166 = arith.addf %add3A_160, %mul3A_165 : vector<16xf32>
        %get3A_167 = arith.index_cast %add3A_131 : i32 to index
        %get3A_168 = arith.constant 96 : index
        %get3A_169 = tpu.vector_load %arg7[%get3A_167, %get3A_168] {strides = array<i32>} : memref<96x128xf32, #tpu.memory_space<vmem>>, vector<1x16xf32>,
        %get3A_170 = vector.shape_cast %get3A_169 : vector<1x16xf32> to vector<16xf32>
        %mul3A_171 = arith.mulf %get3A_118, %get3A_170 : vector<16xf32>
        %add3A_172 = arith.addf %add3A_166, %mul3A_171 : vector<16xf32>
        %get3A_173 = arith.index_cast %add3A_131 : i32 to index
        %get3A_174 = arith.constant 112 : index
        %get3A_175 = tpu.vector_load %arg7[%get3A_173, %get3A_174] {strides = array<i32>} : memref<96x128xf32, #tpu.memory_space<vmem>>, vector<1x16xf32>,
        %get3A_176 = vector.shape_cast %get3A_175 : vector<1x16xf32> to vector<16xf32>
        %mul3A_177 = arith.mulf %get3A_122, %get3A_176 : vector<16xf32>
        %add3A_178 = arith.addf %add3A_172, %mul3A_177 : vector<16xf32>
        %swap3A_179 = arith.index_cast %scan3A_89 : i32 to index
        %swap3A_180 = arith.constant 0 : index
        %swap3A_181 = tpu.vector_load %arg9[%swap3A_179, %swap3A_180] {strides = array<i32>} : memref<8x192xf32, #tpu.memory_space<vmem>>, vector<1x16xf32>,
        %swap3A_182 = vector.shape_cast %swap3A_181 : vector<1x16xf32> to vector<16xf32>
        %swap3A_183 = vector.shape_cast %add3A_178 : vector<16xf32> to vector<1x16xf32>
        tpu.vector_store %arg9[%swap3A_179, %swap3A_180], %swap3A_183 {strides = array<i32>} : memref<8x192xf32, #tpu.memory_space<vmem>>, vector<1x16xf32>,
        %add3A_184 = arith.constant 1 : i32
        %add3A_185 = arith.addi %mul3A_91, %add3A_184 : i32
        %add3A_186 = arith.constant 1 : i32
        %add3A_187 = arith.addi %add3A_185, %add3A_186 : i32
        %get3A_188 = arith.index_cast %add3A_187 : i32 to index
        %get3A_189 = arith.constant 0 : index
        %get3A_190 = tpu.vector_load %arg7[%get3A_188, %get3A_189] {strides = array<i32>} : memref<96x128xf32, #tpu.memory_space<vmem>>, vector<1x16xf32>,
        %get3A_191 = vector.shape_cast %get3A_190 : vector<1x16xf32> to vector<16xf32>
        %mul3A_192 = arith.mulf %get3A_94, %get3A_191 : vector<16xf32>
        %get3A_193 = arith.index_cast %add3A_187 : i32 to index
        %get3A_194 = arith.constant 16 : index
        %get3A_195 = tpu.vector_load %arg7[%get3A_193, %get3A_194] {strides = array<i32>} : memref<96x128xf32, #tpu.memory_space<vmem>>, vector<1x16xf32>,
        %get3A_196 = vector.shape_cast %get3A_195 : vector<1x16xf32> to vector<16xf32>
        %mul3A_197 = arith.mulf %get3A_98, %get3A_196 : vector<16xf32>
        %add3A_198 = arith.addf %mul3A_192, %mul3A_197 : vector<16xf32>
        %get3A_199 = arith.index_cast %add3A_187 : i32 to index
        %get3A_200 = arith.constant 32 : index
        %get3A_201 = tpu.vector_load %arg7[%get3A_199, %get3A_200] {strides = array<i32>} : memref<96x128xf32, #tpu.memory_space<vmem>>, vector<1x16xf32>,
        %get3A_202 = vector.shape_cast %get3A_201 : vector<1x16xf32> to vector<16xf32>
        %mul3A_203 = arith.mulf %get3A_102, %get3A_202 : vector<16xf32>
        %add3A_204 = arith.addf %add3A_198, %mul3A_203 : vector<16xf32>
        %get3A_205 = arith.index_cast %add3A_187 : i32 to index
        %get3A_206 = arith.constant 48 : index
        %get3A_207 = tpu.vector_load %arg7[%get3A_205, %get3A_206] {strides = array<i32>} : memref<96x128xf32, #tpu.memory_space<vmem>>, vector<1x16xf32>,
        %get3A_208 = vector.shape_cast %get3A_207 : vector<1x16xf32> to vector<16xf32>
        %mul3A_209 = arith.mulf %get3A_106, %get3A_208 : vector<16xf32>
        %add3A_210 = arith.addf %add3A_204, %mul3A_209 : vector<16xf32>
        %get3A_211 = arith.index_cast %add3A_187 : i32 to index
        %get3A_212 = arith.constant 64 : index
        %get3A_213 = tpu.vector_load %arg7[%get3A_211, %get3A_212] {strides = array<i32>} : memref<96x128xf32, #tpu.memory_space<vmem>>, vector<1x16xf32>,
        %get3A_214 = vector.shape_cast %get3A_213 : vector<1x16xf32> to vector<16xf32>
        %mul3A_215 = arith.mulf %get3A_110, %get3A_214 : vector<16xf32>
        %add3A_216 = arith.addf %add3A_210, %mul3A_215 : vector<16xf32>
        %get3A_217 = arith.index_cast %add3A_187 : i32 to index
        %get3A_218 = arith.constant 80 : index
        %get3A_219 = tpu.vector_load %arg7[%get3A_217, %get3A_218] {strides = array<i32>} : memref<96x128xf32, #tpu.memory_space<vmem>>, vector<1x16xf32>,
        %get3A_220 = vector.shape_cast %get3A_219 : vector<1x16xf32> to vector<16xf32>
        %mul3A_221 = arith.mulf %get3A_114, %get3A_220 : vector<16xf32>
        %add3A_222 = arith.addf %add3A_216, %mul3A_221 : vector<16xf32>
        %get3A_223 = arith.index_cast %add3A_187 : i32 to index
        %get3A_224 = arith.constant 96 : index
        %get3A_225 = tpu.vector_load %arg7[%get3A_223, %get3A_224] {strides = array<i32>} : memref<96x128xf32, #tpu.memory_space<vmem>>, vector<1x16xf32>,
        %get3A_226 = vector.shape_cast %get3A_225 : vector<1x16xf32> to vector<16xf32>
        %mul3A_227 = arith.mulf %get3A_118, %get3A_226 : vector<16xf32>
        %add3A_228 = arith.addf %add3A_222, %mul3A_227 : vector<16xf32>
        %get3A_229 = arith.index_cast %add3A_187 : i32 to index
        %get3A_230 = arith.constant 112 : index
        %get3A_231 = tpu.vector_load %arg7[%get3A_229, %get3A_230] {strides = array<i32>} : memref<96x128xf32, #tpu.memory_space<vmem>>, vector<1x16xf32>,
        %get3A_232 = vector.shape_cast %get3A_231 : vector<1x16xf32> to vector<16xf32>
        %mul3A_233 = arith.mulf %get3A_122, %get3A_232 : vector<16xf32>
        %add3A_234 = arith.addf %add3A_228, %mul3A_233 : vector<16xf32>
        %swap3A_235 = arith.index_cast %scan3A_89 : i32 to index
        %swap3A_236 = arith.constant 16 : index
        %swap3A_237 = tpu.vector_load %arg9[%swap3A_235, %swap3A_236] {strides = array<i32>} : memref<8x192xf32, #tpu.memory_space<vmem>>, vector<1x16xf32>,
        %swap3A_238 = vector.shape_cast %swap3A_237 : vector<1x16xf32> to vector<16xf32>
        %swap3A_239 = vector.shape_cast %add3A_234 : vector<16xf32> to vector<1x16xf32>
        tpu.vector_store %arg9[%swap3A_235, %swap3A_236], %swap3A_239 {strides = array<i32>} : memref<8x192xf32, #tpu.memory_space<vmem>>, vector<1x16xf32>,
        %add3A_240 = arith.constant 1 : i32
        %add3A_241 = arith.addi %mul3A_91, %add3A_240 : i32
        %add3A_242 = arith.constant 2 : i32
        %add3A_243 = arith.addi %add3A_241, %add3A_242 : i32
        %get3A_244 = arith.index_cast %add3A_243 : i32 to index
        %get3A_245 = arith.constant 0 : index
        %get3A_246 = tpu.vector_load %arg7[%get3A_244, %get3A_245] {strides = array<i32>} : memref<96x128xf32, #tpu.memory_space<vmem>>, vector<1x16xf32>,
        %get3A_247 = vector.shape_cast %get3A_246 : vector<1x16xf32> to vector<16xf32>
        %mul3A_248 = arith.mulf %get3A_94, %get3A_247 : vector<16xf32>
        %get3A_249 = arith.index_cast %add3A_243 : i32 to index
        %get3A_250 = arith.constant 16 : index
        %get3A_251 = tpu.vector_load %arg7[%get3A_249, %get3A_250] {strides = array<i32>} : memref<96x128xf32, #tpu.memory_space<vmem>>, vector<1x16xf32>,
        %get3A_252 = vector.shape_cast %get3A_251 : vector<1x16xf32> to vector<16xf32>
        %mul3A_253 = arith.mulf %get3A_98, %get3A_252 : vector<16xf32>
        %add3A_254 = arith.addf %mul3A_248, %mul3A_253 : vector<16xf32>
        %get3A_255 = arith.index_cast %add3A_243 : i32 to index
        %get3A_256 = arith.constant 32 : index
        %get3A_257 = tpu.vector_load %arg7[%get3A_255, %get3A_256] {strides = array<i32>} : memref<96x128xf32, #tpu.memory_space<vmem>>, vector<1x16xf32>,
        %get3A_258 = vector.shape_cast %get3A_257 : vector<1x16xf32> to vector<16xf32>
        %mul3A_259 = arith.mulf %get3A_102, %get3A_258 : vector<16xf32>
        %add3A_260 = arith.addf %add3A_254, %mul3A_259 : vector<16xf32>
        %get3A_261 = arith.index_cast %add3A_243 : i32 to index
        %get3A_262 = arith.constant 48 : index
        %get3A_263 = tpu.vector_load %arg7[%get3A_261, %get3A_262] {strides = array<i32>} : memref<96x128xf32, #tpu.memory_space<vmem>>, vector<1x16xf32>,
        %get3A_264 = vector.shape_cast %get3A_263 : vector<1x16xf32> to vector<16xf32>
        %mul3A_265 = arith.mulf %get3A_106, %get3A_264 : vector<16xf32>
        %add3A_266 = arith.addf %add3A_260, %mul3A_265 : vector<16xf32>
        %get3A_267 = arith.index_cast %add3A_243 : i32 to index
        %get3A_268 = arith.constant 64 : index
        %get3A_269 = tpu.vector_load %arg7[%get3A_267, %get3A_268] {strides = array<i32>} : memref<96x128xf32, #tpu.memory_space<vmem>>, vector<1x16xf32>,
        %get3A_270 = vector.shape_cast %get3A_269 : vector<1x16xf32> to vector<16xf32>
        %mul3A_271 = arith.mulf %get3A_110, %get3A_270 : vector<16xf32>
        %add3A_272 = arith.addf %add3A_266, %mul3A_271 : vector<16xf32>
        %get3A_273 = arith.index_cast %add3A_243 : i32 to index
        %get3A_274 = arith.constant 80 : index
        %get3A_275 = tpu.vector_load %arg7[%get3A_273, %get3A_274] {strides = array<i32>} : memref<96x128xf32, #tpu.memory_space<vmem>>, vector<1x16xf32>,
        %get3A_276 = vector.shape_cast %get3A_275 : vector<1x16xf32> to vector<16xf32>
        %mul3A_277 = arith.mulf %get3A_114, %get3A_276 : vector<16xf32>
        %add3A_278 = arith.addf %add3A_272, %mul3A_277 : vector<16xf32>
        %get3A_279 = arith.index_cast %add3A_243 : i32 to index
        %get3A_280 = arith.constant 96 : index
        %get3A_281 = tpu.vector_load %arg7[%get3A_279, %get3A_280] {strides = array<i32>} : memref<96x128xf32, #tpu.memory_space<vmem>>, vector<1x16xf32>,
        %get3A_282 = vector.shape_cast %get3A_281 : vector<1x16xf32> to vector<16xf32>
        %mul3A_283 = arith.mulf %get3A_118, %get3A_282 : vector<16xf32>
        %add3A_284 = arith.addf %add3A_278, %mul3A_283 : vector<16xf32>
        %get3A_285 = arith.index_cast %add3A_243 : i32 to index
        %get3A_286 = arith.constant 112 : index
        %get3A_287 = tpu.vector_load %arg7[%get3A_285, %get3A_286] {strides = array<i32>} : memref<96x128xf32, #tpu.memory_space<vmem>>, vector<1x16xf32>,
        %get3A_288 = vector.shape_cast %get3A_287 : vector<1x16xf32> to vector<16xf32>
        %mul3A_289 = arith.mulf %get3A_122, %get3A_288 : vector<16xf32>
        %add3A_290 = arith.addf %add3A_284, %mul3A_289 : vector<16xf32>
        %swap3A_291 = arith.index_cast %scan3A_89 : i32 to index
        %swap3A_292 = arith.constant 32 : index
        %swap3A_293 = tpu.vector_load %arg9[%swap3A_291, %swap3A_292] {strides = array<i32>} : memref<8x192xf32, #tpu.memory_space<vmem>>, vector<1x16xf32>,
        %swap3A_294 = vector.shape_cast %swap3A_293 : vector<1x16xf32> to vector<16xf32>
        %swap3A_295 = vector.shape_cast %add3A_290 : vector<16xf32> to vector<1x16xf32>
        tpu.vector_store %arg9[%swap3A_291, %swap3A_292], %swap3A_295 {strides = array<i32>} : memref<8x192xf32, #tpu.memory_space<vmem>>, vector<1x16xf32>,
        %add3A_296 = arith.constant 1 : i32
        %add3A_297 = arith.addi %mul3A_91, %add3A_296 : i32
        %add3A_298 = arith.constant 3 : i32
        %add3A_299 = arith.addi %add3A_297, %add3A_298 : i32
        %get3A_300 = arith.index_cast %add3A_299 : i32 to index
        %get3A_301 = arith.constant 0 : index
        %get3A_302 = tpu.vector_load %arg7[%get3A_300, %get3A_301] {strides = array<i32>} : memref<96x128xf32, #tpu.memory_space<vmem>>, vector<1x16xf32>,
        %get3A_303 = vector.shape_cast %get3A_302 : vector<1x16xf32> to vector<16xf32>
        %mul3A_304 = arith.mulf %get3A_94, %get3A_303 : vector<16xf32>
        %get3A_305 = arith.index_cast %add3A_299 : i32 to index
        %get3A_306 = arith.constant 16 : index
        %get3A_307 = tpu.vector_load %arg7[%get3A_305, %get3A_306] {strides = array<i32>} : memref<96x128xf32, #tpu.memory_space<vmem>>, vector<1x16xf32>,
        %get3A_308 = vector.shape_cast %get3A_307 : vector<1x16xf32> to vector<16xf32>
        %mul3A_309 = arith.mulf %get3A_98, %get3A_308 : vector<16xf32>
        %add3A_310 = arith.addf %mul3A_304, %mul3A_309 : vector<16xf32>
        %get3A_311 = arith.index_cast %add3A_299 : i32 to index
        %get3A_312 = arith.constant 32 : index
        %get3A_313 = tpu.vector_load %arg7[%get3A_311, %get3A_312] {strides = array<i32>} : memref<96x128xf32, #tpu.memory_space<vmem>>, vector<1x16xf32>,
        %get3A_314 = vector.shape_cast %get3A_313 : vector<1x16xf32> to vector<16xf32>
        %mul3A_315 = arith.mulf %get3A_102, %get3A_314 : vector<16xf32>
        %add3A_316 = arith.addf %add3A_310, %mul3A_315 : vector<16xf32>
        %get3A_317 = arith.index_cast %add3A_299 : i32 to index
        %get3A_318 = arith.constant 48 : index
        %get3A_319 = tpu.vector_load %arg7[%get3A_317, %get3A_318] {strides = array<i32>} : memref<96x128xf32, #tpu.memory_space<vmem>>, vector<1x16xf32>,
        %get3A_320 = vector.shape_cast %get3A_319 : vector<1x16xf32> to vector<16xf32>
        %mul3A_321 = arith.mulf %get3A_106, %get3A_320 : vector<16xf32>
        %add3A_322 = arith.addf %add3A_316, %mul3A_321 : vector<16xf32>
        %get3A_323 = arith.index_cast %add3A_299 : i32 to index
        %get3A_324 = arith.constant 64 : index
        %get3A_325 = tpu.vector_load %arg7[%get3A_323, %get3A_324] {strides = array<i32>} : memref<96x128xf32, #tpu.memory_space<vmem>>, vector<1x16xf32>,
        %get3A_326 = vector.shape_cast %get3A_325 : vector<1x16xf32> to vector<16xf32>
        %mul3A_327 = arith.mulf %get3A_110, %get3A_326 : vector<16xf32>
        %add3A_328 = arith.addf %add3A_322, %mul3A_327 : vector<16xf32>
        %get3A_329 = arith.index_cast %add3A_299 : i32 to index
        %get3A_330 = arith.constant 80 : index
        %get3A_331 = tpu.vector_load %arg7[%get3A_329, %get3A_330] {strides = array<i32>} : memref<96x128xf32, #tpu.memory_space<vmem>>, vector<1x16xf32>,
        %get3A_332 = vector.shape_cast %get3A_331 : vector<1x16xf32> to vector<16xf32>
        %mul3A_333 = arith.mulf %get3A_114, %get3A_332 : vector<16xf32>
        %add3A_334 = arith.addf %add3A_328, %mul3A_333 : vector<16xf32>
        %get3A_335 = arith.index_cast %add3A_299 : i32 to index
        %get3A_336 = arith.constant 96 : index
        %get3A_337 = tpu.vector_load %arg7[%get3A_335, %get3A_336] {strides = array<i32>} : memref<96x128xf32, #tpu.memory_space<vmem>>, vector<1x16xf32>,
        %get3A_338 = vector.shape_cast %get3A_337 : vector<1x16xf32> to vector<16xf32>
        %mul3A_339 = arith.mulf %get3A_118, %get3A_338 : vector<16xf32>
        %add3A_340 = arith.addf %add3A_334, %mul3A_339 : vector<16xf32>
        %get3A_341 = arith.index_cast %add3A_299 : i32 to index
        %get3A_342 = arith.constant 112 : index
        %get3A_343 = tpu.vector_load %arg7[%get3A_341, %get3A_342] {strides = array<i32>} : memref<96x128xf32, #tpu.memory_space<vmem>>, vector<1x16xf32>,
        %get3A_344 = vector.shape_cast %get3A_343 : vector<1x16xf32> to vector<16xf32>
        %mul3A_345 = arith.mulf %get3A_122, %get3A_344 : vector<16xf32>
        %add3A_346 = arith.addf %add3A_340, %mul3A_345 : vector<16xf32>
        %swap3A_347 = arith.index_cast %scan3A_89 : i32 to index
        %swap3A_348 = arith.constant 48 : index
        %swap3A_349 = tpu.vector_load %arg9[%swap3A_347, %swap3A_348] {strides = array<i32>} : memref<8x192xf32, #tpu.memory_space<vmem>>, vector<1x16xf32>,
        %swap3A_350 = vector.shape_cast %swap3A_349 : vector<1x16xf32> to vector<16xf32>
        %swap3A_351 = vector.shape_cast %add3A_346 : vector<16xf32> to vector<1x16xf32>
        tpu.vector_store %arg9[%swap3A_347, %swap3A_348], %swap3A_351 {strides = array<i32>} : memref<8x192xf32, #tpu.memory_space<vmem>>, vector<1x16xf32>,
        %add3A_352 = arith.constant 1 : i32
        %add3A_353 = arith.addi %mul3A_91, %add3A_352 : i32
        %add3A_354 = arith.constant 4 : i32
        %add3A_355 = arith.addi %add3A_353, %add3A_354 : i32
        %get3A_356 = arith.index_cast %add3A_355 : i32 to index
        %get3A_357 = arith.constant 0 : index
        %get3A_358 = tpu.vector_load %arg7[%get3A_356, %get3A_357] {strides = array<i32>} : memref<96x128xf32, #tpu.memory_space<vmem>>, vector<1x16xf32>,
        %get3A_359 = vector.shape_cast %get3A_358 : vector<1x16xf32> to vector<16xf32>
        %mul3A_360 = arith.mulf %get3A_94, %get3A_359 : vector<16xf32>
        %get3A_361 = arith.index_cast %add3A_355 : i32 to index
        %get3A_362 = arith.constant 16 : index
        %get3A_363 = tpu.vector_load %arg7[%get3A_361, %get3A_362] {strides = array<i32>} : memref<96x128xf32, #tpu.memory_space<vmem>>, vector<1x16xf32>,
        %get3A_364 = vector.shape_cast %get3A_363 : vector<1x16xf32> to vector<16xf32>
        %mul3A_365 = arith.mulf %get3A_98, %get3A_364 : vector<16xf32>
        %add3A_366 = arith.addf %mul3A_360, %mul3A_365 : vector<16xf32>
        %get3A_367 = arith.index_cast %add3A_355 : i32 to index
        %get3A_368 = arith.constant 32 : index
        %get3A_369 = tpu.vector_load %arg7[%get3A_367, %get3A_368] {strides = array<i32>} : memref<96x128xf32, #tpu.memory_space<vmem>>, vector<1x16xf32>,
        %get3A_370 = vector.shape_cast %get3A_369 : vector<1x16xf32> to vector<16xf32>
        %mul3A_371 = arith.mulf %get3A_102, %get3A_370 : vector<16xf32>
        %add3A_372 = arith.addf %add3A_366, %mul3A_371 : vector<16xf32>
        %get3A_373 = arith.index_cast %add3A_355 : i32 to index
        %get3A_374 = arith.constant 48 : index
        %get3A_375 = tpu.vector_load %arg7[%get3A_373, %get3A_374] {strides = array<i32>} : memref<96x128xf32, #tpu.memory_space<vmem>>, vector<1x16xf32>,
        %get3A_376 = vector.shape_cast %get3A_375 : vector<1x16xf32> to vector<16xf32>
        %mul3A_377 = arith.mulf %get3A_106, %get3A_376 : vector<16xf32>
        %add3A_378 = arith.addf %add3A_372, %mul3A_377 : vector<16xf32>
        %get3A_379 = arith.index_cast %add3A_355 : i32 to index
        %get3A_380 = arith.constant 64 : index
        %get3A_381 = tpu.vector_load %arg7[%get3A_379, %get3A_380] {strides = array<i32>} : memref<96x128xf32, #tpu.memory_space<vmem>>, vector<1x16xf32>,
        %get3A_382 = vector.shape_cast %get3A_381 : vector<1x16xf32> to vector<16xf32>
        %mul3A_383 = arith.mulf %get3A_110, %get3A_382 : vector<16xf32>
        %add3A_384 = arith.addf %add3A_378, %mul3A_383 : vector<16xf32>
        %get3A_385 = arith.index_cast %add3A_355 : i32 to index
        %get3A_386 = arith.constant 80 : index
        %get3A_387 = tpu.vector_load %arg7[%get3A_385, %get3A_386] {strides = array<i32>} : memref<96x128xf32, #tpu.memory_space<vmem>>, vector<1x16xf32>,
        %get3A_388 = vector.shape_cast %get3A_387 : vector<1x16xf32> to vector<16xf32>
        %mul3A_389 = arith.mulf %get3A_114, %get3A_388 : vector<16xf32>
        %add3A_390 = arith.addf %add3A_384, %mul3A_389 : vector<16xf32>
        %get3A_391 = arith.index_cast %add3A_355 : i32 to index
        %get3A_392 = arith.constant 96 : index
        %get3A_393 = tpu.vector_load %arg7[%get3A_391, %get3A_392] {strides = array<i32>} : memref<96x128xf32, #tpu.memory_space<vmem>>, vector<1x16xf32>,
        %get3A_394 = vector.shape_cast %get3A_393 : vector<1x16xf32> to vector<16xf32>
        %mul3A_395 = arith.mulf %get3A_118, %get3A_394 : vector<16xf32>
        %add3A_396 = arith.addf %add3A_390, %mul3A_395 : vector<16xf32>
        %get3A_397 = arith.index_cast %add3A_355 : i32 to index
        %get3A_398 = arith.constant 112 : index
        %get3A_399 = tpu.vector_load %arg7[%get3A_397, %get3A_398] {strides = array<i32>} : memref<96x128xf32, #tpu.memory_space<vmem>>, vector<1x16xf32>,
        %get3A_400 = vector.shape_cast %get3A_399 : vector<1x16xf32> to vector<16xf32>
        %mul3A_401 = arith.mulf %get3A_122, %get3A_400 : vector<16xf32>
        %add3A_402 = arith.addf %add3A_396, %mul3A_401 : vector<16xf32>
        %swap3A_403 = arith.index_cast %scan3A_89 : i32 to index
        %swap3A_404 = arith.constant 64 : index
        %swap3A_405 = tpu.vector_load %arg9[%swap3A_403, %swap3A_404] {strides = array<i32>} : memref<8x192xf32, #tpu.memory_space<vmem>>, vector<1x16xf32>,
        %swap3A_406 = vector.shape_cast %swap3A_405 : vector<1x16xf32> to vector<16xf32>
        %swap3A_407 = vector.shape_cast %add3A_402 : vector<16xf32> to vector<1x16xf32>
        tpu.vector_store %arg9[%swap3A_403, %swap3A_404], %swap3A_407 {strides = array<i32>} : memref<8x192xf32, #tpu.memory_space<vmem>>, vector<1x16xf32>,
        %add3A_408 = arith.constant 1 : i32
        %add3A_409 = arith.addi %mul3A_91, %add3A_408 : i32
        %add3A_410 = arith.constant 5 : i32
        %add3A_411 = arith.addi %add3A_409, %add3A_410 : i32
        %get3A_412 = arith.index_cast %add3A_411 : i32 to index
        %get3A_413 = arith.constant 0 : index
        %get3A_414 = tpu.vector_load %arg7[%get3A_412, %get3A_413] {strides = array<i32>} : memref<96x128xf32, #tpu.memory_space<vmem>>, vector<1x16xf32>,
        %get3A_415 = vector.shape_cast %get3A_414 : vector<1x16xf32> to vector<16xf32>
        %mul3A_416 = arith.mulf %get3A_94, %get3A_415 : vector<16xf32>
        %get3A_417 = arith.index_cast %add3A_411 : i32 to index
        %get3A_418 = arith.constant 16 : index
        %get3A_419 = tpu.vector_load %arg7[%get3A_417, %get3A_418] {strides = array<i32>} : memref<96x128xf32, #tpu.memory_space<vmem>>, vector<1x16xf32>,
        %get3A_420 = vector.shape_cast %get3A_419 : vector<1x16xf32> to vector<16xf32>
        %mul3A_421 = arith.mulf %get3A_98, %get3A_420 : vector<16xf32>
        %add3A_422 = arith.addf %mul3A_416, %mul3A_421 : vector<16xf32>
        %get3A_423 = arith.index_cast %add3A_411 : i32 to index
        %get3A_424 = arith.constant 32 : index
        %get3A_425 = tpu.vector_load %arg7[%get3A_423, %get3A_424] {strides = array<i32>} : memref<96x128xf32, #tpu.memory_space<vmem>>, vector<1x16xf32>,
        %get3A_426 = vector.shape_cast %get3A_425 : vector<1x16xf32> to vector<16xf32>
        %mul3A_427 = arith.mulf %get3A_102, %get3A_426 : vector<16xf32>
        %add3A_428 = arith.addf %add3A_422, %mul3A_427 : vector<16xf32>
        %get3A_429 = arith.index_cast %add3A_411 : i32 to index
        %get3A_430 = arith.constant 48 : index
        %get3A_431 = tpu.vector_load %arg7[%get3A_429, %get3A_430] {strides = array<i32>} : memref<96x128xf32, #tpu.memory_space<vmem>>, vector<1x16xf32>,
        %get3A_432 = vector.shape_cast %get3A_431 : vector<1x16xf32> to vector<16xf32>
        %mul3A_433 = arith.mulf %get3A_106, %get3A_432 : vector<16xf32>
        %add3A_434 = arith.addf %add3A_428, %mul3A_433 : vector<16xf32>
        %get3A_435 = arith.index_cast %add3A_411 : i32 to index
        %get3A_436 = arith.constant 64 : index
        %get3A_437 = tpu.vector_load %arg7[%get3A_435, %get3A_436] {strides = array<i32>} : memref<96x128xf32, #tpu.memory_space<vmem>>, vector<1x16xf32>,
        %get3A_438 = vector.shape_cast %get3A_437 : vector<1x16xf32> to vector<16xf32>
        %mul3A_439 = arith.mulf %get3A_110, %get3A_438 : vector<16xf32>
        %add3A_440 = arith.addf %add3A_434, %mul3A_439 : vector<16xf32>
        %get3A_441 = arith.index_cast %add3A_411 : i32 to index
        %get3A_442 = arith.constant 80 : index
        %get3A_443 = tpu.vector_load %arg7[%get3A_441, %get3A_442] {strides = array<i32>} : memref<96x128xf32, #tpu.memory_space<vmem>>, vector<1x16xf32>,
        %get3A_444 = vector.shape_cast %get3A_443 : vector<1x16xf32> to vector<16xf32>
        %mul3A_445 = arith.mulf %get3A_114, %get3A_444 : vector<16xf32>
        %add3A_446 = arith.addf %add3A_440, %mul3A_445 : vector<16xf32>
        %get3A_447 = arith.index_cast %add3A_411 : i32 to index
        %get3A_448 = arith.constant 96 : index
        %get3A_449 = tpu.vector_load %arg7[%get3A_447, %get3A_448] {strides = array<i32>} : memref<96x128xf32, #tpu.memory_space<vmem>>, vector<1x16xf32>,
        %get3A_450 = vector.shape_cast %get3A_449 : vector<1x16xf32> to vector<16xf32>
        %mul3A_451 = arith.mulf %get3A_118, %get3A_450 : vector<16xf32>
        %add3A_452 = arith.addf %add3A_446, %mul3A_451 : vector<16xf32>
        %get3A_453 = arith.index_cast %add3A_411 : i32 to index
        %get3A_454 = arith.constant 112 : index
        %get3A_455 = tpu.vector_load %arg7[%get3A_453, %get3A_454] {strides = array<i32>} : memref<96x128xf32, #tpu.memory_space<vmem>>, vector<1x16xf32>,
        %get3A_456 = vector.shape_cast %get3A_455 : vector<1x16xf32> to vector<16xf32>
        %mul3A_457 = arith.mulf %get3A_122, %get3A_456 : vector<16xf32>
        %add3A_458 = arith.addf %add3A_452, %mul3A_457 : vector<16xf32>
        %swap3A_459 = arith.index_cast %scan3A_89 : i32 to index
        %swap3A_460 = arith.constant 80 : index
        %swap3A_461 = tpu.vector_load %arg9[%swap3A_459, %swap3A_460] {strides = array<i32>} : memref<8x192xf32, #tpu.memory_space<vmem>>, vector<1x16xf32>,
        %swap3A_462 = vector.shape_cast %swap3A_461 : vector<1x16xf32> to vector<16xf32>
        %swap3A_463 = vector.shape_cast %add3A_458 : vector<16xf32> to vector<1x16xf32>
        tpu.vector_store %arg9[%swap3A_459, %swap3A_460], %swap3A_463 {strides = array<i32>} : memref<8x192xf32, #tpu.memory_space<vmem>>, vector<1x16xf32>,
        %add3A_464 = arith.constant 1 : i32
        %add3A_465 = arith.addi %mul3A_91, %add3A_464 : i32
        %add3A_466 = arith.constant 6 : i32
        %add3A_467 = arith.addi %add3A_465, %add3A_466 : i32
        %get3A_468 = arith.index_cast %add3A_467 : i32 to index
        %get3A_469 = arith.constant 0 : index
        %get3A_470 = tpu.vector_load %arg7[%get3A_468, %get3A_469] {strides = array<i32>} : memref<96x128xf32, #tpu.memory_space<vmem>>, vector<1x16xf32>,
        %get3A_471 = vector.shape_cast %get3A_470 : vector<1x16xf32> to vector<16xf32>
        %mul3A_472 = arith.mulf %get3A_94, %get3A_471 : vector<16xf32>
        %get3A_473 = arith.index_cast %add3A_467 : i32 to index
        %get3A_474 = arith.constant 16 : index
        %get3A_475 = tpu.vector_load %arg7[%get3A_473, %get3A_474] {strides = array<i32>} : memref<96x128xf32, #tpu.memory_space<vmem>>, vector<1x16xf32>,
        %get3A_476 = vector.shape_cast %get3A_475 : vector<1x16xf32> to vector<16xf32>
        %mul3A_477 = arith.mulf %get3A_98, %get3A_476 : vector<16xf32>
        %add3A_478 = arith.addf %mul3A_472, %mul3A_477 : vector<16xf32>
        %get3A_479 = arith.index_cast %add3A_467 : i32 to index
        %get3A_480 = arith.constant 32 : index
        %get3A_481 = tpu.vector_load %arg7[%get3A_479, %get3A_480] {strides = array<i32>} : memref<96x128xf32, #tpu.memory_space<vmem>>, vector<1x16xf32>,
        %get3A_482 = vector.shape_cast %get3A_481 : vector<1x16xf32> to vector<16xf32>
        %mul3A_483 = arith.mulf %get3A_102, %get3A_482 : vector<16xf32>
        %add3A_484 = arith.addf %add3A_478, %mul3A_483 : vector<16xf32>
        %get3A_485 = arith.index_cast %add3A_467 : i32 to index
        %get3A_486 = arith.constant 48 : index
        %get3A_487 = tpu.vector_load %arg7[%get3A_485, %get3A_486] {strides = array<i32>} : memref<96x128xf32, #tpu.memory_space<vmem>>, vector<1x16xf32>,
        %get3A_488 = vector.shape_cast %get3A_487 : vector<1x16xf32> to vector<16xf32>
        %mul3A_489 = arith.mulf %get3A_106, %get3A_488 : vector<16xf32>
        %add3A_490 = arith.addf %add3A_484, %mul3A_489 : vector<16xf32>
        %get3A_491 = arith.index_cast %add3A_467 : i32 to index
        %get3A_492 = arith.constant 64 : index
        %get3A_493 = tpu.vector_load %arg7[%get3A_491, %get3A_492] {strides = array<i32>} : memref<96x128xf32, #tpu.memory_space<vmem>>, vector<1x16xf32>,
        %get3A_494 = vector.shape_cast %get3A_493 : vector<1x16xf32> to vector<16xf32>
        %mul3A_495 = arith.mulf %get3A_110, %get3A_494 : vector<16xf32>
        %add3A_496 = arith.addf %add3A_490, %mul3A_495 : vector<16xf32>
        %get3A_497 = arith.index_cast %add3A_467 : i32 to index
        %get3A_498 = arith.constant 80 : index
        %get3A_499 = tpu.vector_load %arg7[%get3A_497, %get3A_498] {strides = array<i32>} : memref<96x128xf32, #tpu.memory_space<vmem>>, vector<1x16xf32>,
        %get3A_500 = vector.shape_cast %get3A_499 : vector<1x16xf32> to vector<16xf32>
        %mul3A_501 = arith.mulf %get3A_114, %get3A_500 : vector<16xf32>
        %add3A_502 = arith.addf %add3A_496, %mul3A_501 : vector<16xf32>
        %get3A_503 = arith.index_cast %add3A_467 : i32 to index
        %get3A_504 = arith.constant 96 : index
        %get3A_505 = tpu.vector_load %arg7[%get3A_503, %get3A_504] {strides = array<i32>} : memref<96x128xf32, #tpu.memory_space<vmem>>, vector<1x16xf32>,
        %get3A_506 = vector.shape_cast %get3A_505 : vector<1x16xf32> to vector<16xf32>
        %mul3A_507 = arith.mulf %get3A_118, %get3A_506 : vector<16xf32>
        %add3A_508 = arith.addf %add3A_502, %mul3A_507 : vector<16xf32>
        %get3A_509 = arith.index_cast %add3A_467 : i32 to index
        %get3A_510 = arith.constant 112 : index
        %get3A_511 = tpu.vector_load %arg7[%get3A_509, %get3A_510] {strides = array<i32>} : memref<96x128xf32, #tpu.memory_space<vmem>>, vector<1x16xf32>,
        %get3A_512 = vector.shape_cast %get3A_511 : vector<1x16xf32> to vector<16xf32>
        %mul3A_513 = arith.mulf %get3A_122, %get3A_512 : vector<16xf32>
        %add3A_514 = arith.addf %add3A_508, %mul3A_513 : vector<16xf32>
        %swap3A_515 = arith.index_cast %scan3A_89 : i32 to index
        %swap3A_516 = arith.constant 96 : index
        %swap3A_517 = tpu.vector_load %arg9[%swap3A_515, %swap3A_516] {strides = array<i32>} : memref<8x192xf32, #tpu.memory_space<vmem>>, vector<1x16xf32>,
        %swap3A_518 = vector.shape_cast %swap3A_517 : vector<1x16xf32> to vector<16xf32>
        %swap3A_519 = vector.shape_cast %add3A_514 : vector<16xf32> to vector<1x16xf32>
        tpu.vector_store %arg9[%swap3A_515, %swap3A_516], %swap3A_519 {strides = array<i32>} : memref<8x192xf32, #tpu.memory_space<vmem>>, vector<1x16xf32>,
        %add3A_520 = arith.constant 1 : i32
        %add3A_521 = arith.addi %mul3A_91, %add3A_520 : i32
        %add3A_522 = arith.constant 7 : i32
        %add3A_523 = arith.addi %add3A_521, %add3A_522 : i32
        %get3A_524 = arith.index_cast %add3A_523 : i32 to index
        %get3A_525 = arith.constant 0 : index
        %get3A_526 = tpu.vector_load %arg7[%get3A_524, %get3A_525] {strides = array<i32>} : memref<96x128xf32, #tpu.memory_space<vmem>>, vector<1x16xf32>,
        %get3A_527 = vector.shape_cast %get3A_526 : vector<1x16xf32> to vector<16xf32>
        %mul3A_528 = arith.mulf %get3A_94, %get3A_527 : vector<16xf32>
        %get3A_529 = arith.index_cast %add3A_523 : i32 to index
        %get3A_530 = arith.constant 16 : index
        %get3A_531 = tpu.vector_load %arg7[%get3A_529, %get3A_530] {strides = array<i32>} : memref<96x128xf32, #tpu.memory_space<vmem>>, vector<1x16xf32>,
        %get3A_532 = vector.shape_cast %get3A_531 : vector<1x16xf32> to vector<16xf32>
        %mul3A_533 = arith.mulf %get3A_98, %get3A_532 : vector<16xf32>
        %add3A_534 = arith.addf %mul3A_528, %mul3A_533 : vector<16xf32>
        %get3A_535 = arith.index_cast %add3A_523 : i32 to index
        %get3A_536 = arith.constant 32 : index
        %get3A_537 = tpu.vector_load %arg7[%get3A_535, %get3A_536] {strides = array<i32>} : memref<96x128xf32, #tpu.memory_space<vmem>>, vector<1x16xf32>,
        %get3A_538 = vector.shape_cast %get3A_537 : vector<1x16xf32> to vector<16xf32>
        %mul3A_539 = arith.mulf %get3A_102, %get3A_538 : vector<16xf32>
        %add3A_540 = arith.addf %add3A_534, %mul3A_539 : vector<16xf32>
        %get3A_541 = arith.index_cast %add3A_523 : i32 to index
        %get3A_542 = arith.constant 48 : index
        %get3A_543 = tpu.vector_load %arg7[%get3A_541, %get3A_542] {strides = array<i32>} : memref<96x128xf32, #tpu.memory_space<vmem>>, vector<1x16xf32>,
        %get3A_544 = vector.shape_cast %get3A_543 : vector<1x16xf32> to vector<16xf32>
        %mul3A_545 = arith.mulf %get3A_106, %get3A_544 : vector<16xf32>
        %add3A_546 = arith.addf %add3A_540, %mul3A_545 : vector<16xf32>
        %get3A_547 = arith.index_cast %add3A_523 : i32 to index
        %get3A_548 = arith.constant 64 : index
        %get3A_549 = tpu.vector_load %arg7[%get3A_547, %get3A_548] {strides = array<i32>} : memref<96x128xf32, #tpu.memory_space<vmem>>, vector<1x16xf32>,
        %get3A_550 = vector.shape_cast %get3A_549 : vector<1x16xf32> to vector<16xf32>
        %mul3A_551 = arith.mulf %get3A_110, %get3A_550 : vector<16xf32>
        %add3A_552 = arith.addf %add3A_546, %mul3A_551 : vector<16xf32>
        %get3A_553 = arith.index_cast %add3A_523 : i32 to index
        %get3A_554 = arith.constant 80 : index
        %get3A_555 = tpu.vector_load %arg7[%get3A_553, %get3A_554] {strides = array<i32>} : memref<96x128xf32, #tpu.memory_space<vmem>>, vector<1x16xf32>,
        %get3A_556 = vector.shape_cast %get3A_555 : vector<1x16xf32> to vector<16xf32>
        %mul3A_557 = arith.mulf %get3A_114, %get3A_556 : vector<16xf32>
        %add3A_558 = arith.addf %add3A_552, %mul3A_557 : vector<16xf32>
        %get3A_559 = arith.index_cast %add3A_523 : i32 to index
        %get3A_560 = arith.constant 96 : index
        %get3A_561 = tpu.vector_load %arg7[%get3A_559, %get3A_560] {strides = array<i32>} : memref<96x128xf32, #tpu.memory_space<vmem>>, vector<1x16xf32>,
        %get3A_562 = vector.shape_cast %get3A_561 : vector<1x16xf32> to vector<16xf32>
        %mul3A_563 = arith.mulf %get3A_118, %get3A_562 : vector<16xf32>
        %add3A_564 = arith.addf %add3A_558, %mul3A_563 : vector<16xf32>
        %get3A_565 = arith.index_cast %add3A_523 : i32 to index
        %get3A_566 = arith.constant 112 : index
        %get3A_567 = tpu.vector_load %arg7[%get3A_565, %get3A_566] {strides = array<i32>} : memref<96x128xf32, #tpu.memory_space<vmem>>, vector<1x16xf32>,
        %get3A_568 = vector.shape_cast %get3A_567 : vector<1x16xf32> to vector<16xf32>
        %mul3A_569 = arith.mulf %get3A_122, %get3A_568 : vector<16xf32>
        %add3A_570 = arith.addf %add3A_564, %mul3A_569 : vector<16xf32>
        %swap3A_571 = arith.index_cast %scan3A_89 : i32 to index
        %swap3A_572 = arith.constant 112 : index
        %swap3A_573 = tpu.vector_load %arg9[%swap3A_571, %swap3A_572] {strides = array<i32>} : memref<8x192xf32, #tpu.memory_space<vmem>>, vector<1x16xf32>,
        %swap3A_574 = vector.shape_cast %swap3A_573 : vector<1x16xf32> to vector<16xf32>
        %swap3A_575 = vector.shape_cast %add3A_570 : vector<16xf32> to vector<1x16xf32>
        tpu.vector_store %arg9[%swap3A_571, %swap3A_572], %swap3A_575 {strides = array<i32>} : memref<8x192xf32, #tpu.memory_space<vmem>>, vector<1x16xf32>,
        %add3A_576 = arith.constant 1 : i32
        %add3A_577 = arith.addi %mul3A_91, %add3A_576 : i32
        %add3A_578 = arith.constant 8 : i32
        %add3A_579 = arith.addi %add3A_577, %add3A_578 : i32
        %get3A_580 = arith.index_cast %add3A_579 : i32 to index
        %get3A_581 = arith.constant 0 : index
        %get3A_582 = tpu.vector_load %arg7[%get3A_580, %get3A_581] {strides = array<i32>} : memref<96x128xf32, #tpu.memory_space<vmem>>, vector<1x16xf32>,
        %get3A_583 = vector.shape_cast %get3A_582 : vector<1x16xf32> to vector<16xf32>
        %mul3A_584 = arith.mulf %get3A_94, %get3A_583 : vector<16xf32>
        %get3A_585 = arith.index_cast %add3A_579 : i32 to index
        %get3A_586 = arith.constant 16 : index
        %get3A_587 = tpu.vector_load %arg7[%get3A_585, %get3A_586] {strides = array<i32>} : memref<96x128xf32, #tpu.memory_space<vmem>>, vector<1x16xf32>,
        %get3A_588 = vector.shape_cast %get3A_587 : vector<1x16xf32> to vector<16xf32>
        %mul3A_589 = arith.mulf %get3A_98, %get3A_588 : vector<16xf32>
        %add3A_590 = arith.addf %mul3A_584, %mul3A_589 : vector<16xf32>
        %get3A_591 = arith.index_cast %add3A_579 : i32 to index
        %get3A_592 = arith.constant 32 : index
        %get3A_593 = tpu.vector_load %arg7[%get3A_591, %get3A_592] {strides = array<i32>} : memref<96x128xf32, #tpu.memory_space<vmem>>, vector<1x16xf32>,
        %get3A_594 = vector.shape_cast %get3A_593 : vector<1x16xf32> to vector<16xf32>
        %mul3A_595 = arith.mulf %get3A_102, %get3A_594 : vector<16xf32>
        %add3A_596 = arith.addf %add3A_590, %mul3A_595 : vector<16xf32>
        %get3A_597 = arith.index_cast %add3A_579 : i32 to index
        %get3A_598 = arith.constant 48 : index
        %get3A_599 = tpu.vector_load %arg7[%get3A_597, %get3A_598] {strides = array<i32>} : memref<96x128xf32, #tpu.memory_space<vmem>>, vector<1x16xf32>,
        %get3A_600 = vector.shape_cast %get3A_599 : vector<1x16xf32> to vector<16xf32>
        %mul3A_601 = arith.mulf %get3A_106, %get3A_600 : vector<16xf32>
        %add3A_602 = arith.addf %add3A_596, %mul3A_601 : vector<16xf32>
        %get3A_603 = arith.index_cast %add3A_579 : i32 to index
        %get3A_604 = arith.constant 64 : index
        %get3A_605 = tpu.vector_load %arg7[%get3A_603, %get3A_604] {strides = array<i32>} : memref<96x128xf32, #tpu.memory_space<vmem>>, vector<1x16xf32>,
        %get3A_606 = vector.shape_cast %get3A_605 : vector<1x16xf32> to vector<16xf32>
        %mul3A_607 = arith.mulf %get3A_110, %get3A_606 : vector<16xf32>
        %add3A_608 = arith.addf %add3A_602, %mul3A_607 : vector<16xf32>
        %get3A_609 = arith.index_cast %add3A_579 : i32 to index
        %get3A_610 = arith.constant 80 : index
        %get3A_611 = tpu.vector_load %arg7[%get3A_609, %get3A_610] {strides = array<i32>} : memref<96x128xf32, #tpu.memory_space<vmem>>, vector<1x16xf32>,
        %get3A_612 = vector.shape_cast %get3A_611 : vector<1x16xf32> to vector<16xf32>
        %mul3A_613 = arith.mulf %get3A_114, %get3A_612 : vector<16xf32>
        %add3A_614 = arith.addf %add3A_608, %mul3A_613 : vector<16xf32>
        %get3A_615 = arith.index_cast %add3A_579 : i32 to index
        %get3A_616 = arith.constant 96 : index
        %get3A_617 = tpu.vector_load %arg7[%get3A_615, %get3A_616] {strides = array<i32>} : memref<96x128xf32, #tpu.memory_space<vmem>>, vector<1x16xf32>,
        %get3A_618 = vector.shape_cast %get3A_617 : vector<1x16xf32> to vector<16xf32>
        %mul3A_619 = arith.mulf %get3A_118, %get3A_618 : vector<16xf32>
        %add3A_620 = arith.addf %add3A_614, %mul3A_619 : vector<16xf32>
        %get3A_621 = arith.index_cast %add3A_579 : i32 to index
        %get3A_622 = arith.constant 112 : index
        %get3A_623 = tpu.vector_load %arg7[%get3A_621, %get3A_622] {strides = array<i32>} : memref<96x128xf32, #tpu.memory_space<vmem>>, vector<1x16xf32>,
        %get3A_624 = vector.shape_cast %get3A_623 : vector<1x16xf32> to vector<16xf32>
        %mul3A_625 = arith.mulf %get3A_122, %get3A_624 : vector<16xf32>
        %add3A_626 = arith.addf %add3A_620, %mul3A_625 : vector<16xf32>
        %swap3A_627 = arith.index_cast %scan3A_89 : i32 to index
        %swap3A_628 = arith.constant 128 : index
        %swap3A_629 = tpu.vector_load %arg9[%swap3A_627, %swap3A_628] {strides = array<i32>} : memref<8x192xf32, #tpu.memory_space<vmem>>, vector<1x16xf32>,
        %swap3A_630 = vector.shape_cast %swap3A_629 : vector<1x16xf32> to vector<16xf32>
        %swap3A_631 = vector.shape_cast %add3A_626 : vector<16xf32> to vector<1x16xf32>
        tpu.vector_store %arg9[%swap3A_627, %swap3A_628], %swap3A_631 {strides = array<i32>} : memref<8x192xf32, #tpu.memory_space<vmem>>, vector<1x16xf32>,
        %add3A_632 = arith.constant 1 : i32
        %add3A_633 = arith.addi %mul3A_91, %add3A_632 : i32
        %add3A_634 = arith.constant 9 : i32
        %add3A_635 = arith.addi %add3A_633, %add3A_634 : i32
        %get3A_636 = arith.index_cast %add3A_635 : i32 to index
        %get3A_637 = arith.constant 0 : index
        %get3A_638 = tpu.vector_load %arg7[%get3A_636, %get3A_637] {strides = array<i32>} : memref<96x128xf32, #tpu.memory_space<vmem>>, vector<1x16xf32>,
        %get3A_639 = vector.shape_cast %get3A_638 : vector<1x16xf32> to vector<16xf32>
        %mul3A_640 = arith.mulf %get3A_94, %get3A_639 : vector<16xf32>
        %get3A_641 = arith.index_cast %add3A_635 : i32 to index
        %get3A_642 = arith.constant 16 : index
        %get3A_643 = tpu.vector_load %arg7[%get3A_641, %get3A_642] {strides = array<i32>} : memref<96x128xf32, #tpu.memory_space<vmem>>, vector<1x16xf32>,
        %get3A_644 = vector.shape_cast %get3A_643 : vector<1x16xf32> to vector<16xf32>
        %mul3A_645 = arith.mulf %get3A_98, %get3A_644 : vector<16xf32>
        %add3A_646 = arith.addf %mul3A_640, %mul3A_645 : vector<16xf32>
        %get3A_647 = arith.index_cast %add3A_635 : i32 to index
        %get3A_648 = arith.constant 32 : index
        %get3A_649 = tpu.vector_load %arg7[%get3A_647, %get3A_648] {strides = array<i32>} : memref<96x128xf32, #tpu.memory_space<vmem>>, vector<1x16xf32>,
        %get3A_650 = vector.shape_cast %get3A_649 : vector<1x16xf32> to vector<16xf32>
        %mul3A_651 = arith.mulf %get3A_102, %get3A_650 : vector<16xf32>
        %add3A_652 = arith.addf %add3A_646, %mul3A_651 : vector<16xf32>
        %get3A_653 = arith.index_cast %add3A_635 : i32 to index
        %get3A_654 = arith.constant 48 : index
        %get3A_655 = tpu.vector_load %arg7[%get3A_653, %get3A_654] {strides = array<i32>} : memref<96x128xf32, #tpu.memory_space<vmem>>, vector<1x16xf32>,
        %get3A_656 = vector.shape_cast %get3A_655 : vector<1x16xf32> to vector<16xf32>
        %mul3A_657 = arith.mulf %get3A_106, %get3A_656 : vector<16xf32>
        %add3A_658 = arith.addf %add3A_652, %mul3A_657 : vector<16xf32>
        %get3A_659 = arith.index_cast %add3A_635 : i32 to index
        %get3A_660 = arith.constant 64 : index
        %get3A_661 = tpu.vector_load %arg7[%get3A_659, %get3A_660] {strides = array<i32>} : memref<96x128xf32, #tpu.memory_space<vmem>>, vector<1x16xf32>,
        %get3A_662 = vector.shape_cast %get3A_661 : vector<1x16xf32> to vector<16xf32>
        %mul3A_663 = arith.mulf %get3A_110, %get3A_662 : vector<16xf32>
        %add3A_664 = arith.addf %add3A_658, %mul3A_663 : vector<16xf32>
        %get3A_665 = arith.index_cast %add3A_635 : i32 to index
        %get3A_666 = arith.constant 80 : index
        %get3A_667 = tpu.vector_load %arg7[%get3A_665, %get3A_666] {strides = array<i32>} : memref<96x128xf32, #tpu.memory_space<vmem>>, vector<1x16xf32>,
        %get3A_668 = vector.shape_cast %get3A_667 : vector<1x16xf32> to vector<16xf32>
        %mul3A_669 = arith.mulf %get3A_114, %get3A_668 : vector<16xf32>
        %add3A_670 = arith.addf %add3A_664, %mul3A_669 : vector<16xf32>
        %get3A_671 = arith.index_cast %add3A_635 : i32 to index
        %get3A_672 = arith.constant 96 : index
        %get3A_673 = tpu.vector_load %arg7[%get3A_671, %get3A_672] {strides = array<i32>} : memref<96x128xf32, #tpu.memory_space<vmem>>, vector<1x16xf32>,
        %get3A_674 = vector.shape_cast %get3A_673 : vector<1x16xf32> to vector<16xf32>
        %mul3A_675 = arith.mulf %get3A_118, %get3A_674 : vector<16xf32>
        %add3A_676 = arith.addf %add3A_670, %mul3A_675 : vector<16xf32>
        %get3A_677 = arith.index_cast %add3A_635 : i32 to index
        %get3A_678 = arith.constant 112 : index
        %get3A_679 = tpu.vector_load %arg7[%get3A_677, %get3A_678] {strides = array<i32>} : memref<96x128xf32, #tpu.memory_space<vmem>>, vector<1x16xf32>,
        %get3A_680 = vector.shape_cast %get3A_679 : vector<1x16xf32> to vector<16xf32>
        %mul3A_681 = arith.mulf %get3A_122, %get3A_680 : vector<16xf32>
        %add3A_682 = arith.addf %add3A_676, %mul3A_681 : vector<16xf32>
        %swap3A_683 = arith.index_cast %scan3A_89 : i32 to index
        %swap3A_684 = arith.constant 144 : index
        %swap3A_685 = tpu.vector_load %arg9[%swap3A_683, %swap3A_684] {strides = array<i32>} : memref<8x192xf32, #tpu.memory_space<vmem>>, vector<1x16xf32>,
        %swap3A_686 = vector.shape_cast %swap3A_685 : vector<1x16xf32> to vector<16xf32>
        %swap3A_687 = vector.shape_cast %add3A_682 : vector<16xf32> to vector<1x16xf32>
        tpu.vector_store %arg9[%swap3A_683, %swap3A_684], %swap3A_687 {strides = array<i32>} : memref<8x192xf32, #tpu.memory_space<vmem>>, vector<1x16xf32>,
        %add3A_688 = arith.constant 1 : i32
        %add3A_689 = arith.addi %mul3A_91, %add3A_688 : i32
        %add3A_690 = arith.constant 10 : i32
        %add3A_691 = arith.addi %add3A_689, %add3A_690 : i32
        %get3A_692 = arith.index_cast %add3A_691 : i32 to index
        %get3A_693 = arith.constant 0 : index
        %get3A_694 = tpu.vector_load %arg7[%get3A_692, %get3A_693] {strides = array<i32>} : memref<96x128xf32, #tpu.memory_space<vmem>>, vector<1x16xf32>,
        %get3A_695 = vector.shape_cast %get3A_694 : vector<1x16xf32> to vector<16xf32>
        %mul3A_696 = arith.mulf %get3A_94, %get3A_695 : vector<16xf32>
        %get3A_697 = arith.index_cast %add3A_691 : i32 to index
        %get3A_698 = arith.constant 16 : index
        %get3A_699 = tpu.vector_load %arg7[%get3A_697, %get3A_698] {strides = array<i32>} : memref<96x128xf32, #tpu.memory_space<vmem>>, vector<1x16xf32>,
        %get3A_700 = vector.shape_cast %get3A_699 : vector<1x16xf32> to vector<16xf32>
        %mul3A_701 = arith.mulf %get3A_98, %get3A_700 : vector<16xf32>
        %add3A_702 = arith.addf %mul3A_696, %mul3A_701 : vector<16xf32>
        %get3A_703 = arith.index_cast %add3A_691 : i32 to index
        %get3A_704 = arith.constant 32 : index
        %get3A_705 = tpu.vector_load %arg7[%get3A_703, %get3A_704] {strides = array<i32>} : memref<96x128xf32, #tpu.memory_space<vmem>>, vector<1x16xf32>,
        %get3A_706 = vector.shape_cast %get3A_705 : vector<1x16xf32> to vector<16xf32>
        %mul3A_707 = arith.mulf %get3A_102, %get3A_706 : vector<16xf32>
        %add3A_708 = arith.addf %add3A_702, %mul3A_707 : vector<16xf32>
        %get3A_709 = arith.index_cast %add3A_691 : i32 to index
        %get3A_710 = arith.constant 48 : index
        %get3A_711 = tpu.vector_load %arg7[%get3A_709, %get3A_710] {strides = array<i32>} : memref<96x128xf32, #tpu.memory_space<vmem>>, vector<1x16xf32>,
        %get3A_712 = vector.shape_cast %get3A_711 : vector<1x16xf32> to vector<16xf32>
        %mul3A_713 = arith.mulf %get3A_106, %get3A_712 : vector<16xf32>
        %add3A_714 = arith.addf %add3A_708, %mul3A_713 : vector<16xf32>
        %get3A_715 = arith.index_cast %add3A_691 : i32 to index
        %get3A_716 = arith.constant 64 : index
        %get3A_717 = tpu.vector_load %arg7[%get3A_715, %get3A_716] {strides = array<i32>} : memref<96x128xf32, #tpu.memory_space<vmem>>, vector<1x16xf32>,
        %get3A_718 = vector.shape_cast %get3A_717 : vector<1x16xf32> to vector<16xf32>
        %mul3A_719 = arith.mulf %get3A_110, %get3A_718 : vector<16xf32>
        %add3A_720 = arith.addf %add3A_714, %mul3A_719 : vector<16xf32>
        %get3A_721 = arith.index_cast %add3A_691 : i32 to index
        %get3A_722 = arith.constant 80 : index
        %get3A_723 = tpu.vector_load %arg7[%get3A_721, %get3A_722] {strides = array<i32>} : memref<96x128xf32, #tpu.memory_space<vmem>>, vector<1x16xf32>,
        %get3A_724 = vector.shape_cast %get3A_723 : vector<1x16xf32> to vector<16xf32>
        %mul3A_725 = arith.mulf %get3A_114, %get3A_724 : vector<16xf32>
        %add3A_726 = arith.addf %add3A_720, %mul3A_725 : vector<16xf32>
        %get3A_727 = arith.index_cast %add3A_691 : i32 to index
        %get3A_728 = arith.constant 96 : index
        %get3A_729 = tpu.vector_load %arg7[%get3A_727, %get3A_728] {strides = array<i32>} : memref<96x128xf32, #tpu.memory_space<vmem>>, vector<1x16xf32>,
        %get3A_730 = vector.shape_cast %get3A_729 : vector<1x16xf32> to vector<16xf32>
        %mul3A_731 = arith.mulf %get3A_118, %get3A_730 : vector<16xf32>
        %add3A_732 = arith.addf %add3A_726, %mul3A_731 : vector<16xf32>
        %get3A_733 = arith.index_cast %add3A_691 : i32 to index
        %get3A_734 = arith.constant 112 : index
        %get3A_735 = tpu.vector_load %arg7[%get3A_733, %get3A_734] {strides = array<i32>} : memref<96x128xf32, #tpu.memory_space<vmem>>, vector<1x16xf32>,
        %get3A_736 = vector.shape_cast %get3A_735 : vector<1x16xf32> to vector<16xf32>
        %mul3A_737 = arith.mulf %get3A_122, %get3A_736 : vector<16xf32>
        %add3A_738 = arith.addf %add3A_732, %mul3A_737 : vector<16xf32>
        %swap3A_739 = arith.index_cast %scan3A_89 : i32 to index
        %swap3A_740 = arith.constant 160 : index
        %swap3A_741 = tpu.vector_load %arg9[%swap3A_739, %swap3A_740] {strides = array<i32>} : memref<8x192xf32, #tpu.memory_space<vmem>>, vector<1x16xf32>,
        %swap3A_742 = vector.shape_cast %swap3A_741 : vector<1x16xf32> to vector<16xf32>
        %swap3A_743 = vector.shape_cast %add3A_738 : vector<16xf32> to vector<1x16xf32>
        tpu.vector_store %arg9[%swap3A_739, %swap3A_740], %swap3A_743 {strides = array<i32>} : memref<8x192xf32, #tpu.memory_space<vmem>>, vector<1x16xf32>,
      }
      %scan3A_74 = arith.constant 8 : i32
      %add3A_75 = arith.constant 1 : i32
      %add3A_76 = arith.addi %mul3A_32, %add3A_75 : i32
      %mul3A_77 = arith.constant 8 : i32
      %mul3A_78 = arith.muli %add3A_76, %mul3A_77 : i32
      %add3A_79 = arith.addi %mul3A_2, %mul3A_78 : i32
      %dma_start3A_80 = arith.constant 0 : i32
      %dma_start3A_81 = tpu.memref_slice %arg4[%add3A_79, %dma_start3A_80] : memref<4096x192xf32, #tpu.memory_space<hbm>> -> memref<8x192xf32, #tpu.memory_space<hbm>>
      %dma_start3A_82 = arith.constant 0 : i32
      %dma_start3A_83 = tpu.memref_slice %arg4[%add3A_79, %dma_start3A_82] : memref<4096x192xf32, #tpu.memory_space<hbm>> -> memref<8x192xf32, #tpu.memory_space<hbm>>
      tpu.enqueue_dma source(%arg9 : memref<8x192xf32, #tpu.memory_space<vmem>>) target(%dma_start3A_83 : memref<8x192xf32, #tpu.memory_space<hbm>>) target_semaphore(%arg13 : memref<!tpu.dma_semaphore, #tpu.memory_space<semaphore_mem>>)
      %lt3A_84 = arith.constant 7 : i32
      %lt3A_85 = arith.cmpi slt, %scan3A_30, %lt3A_84 : i32
      %convert_element_type3A_86 = arith.extui %lt3A_85 : i1 to i32
      %cond3A_87 = arith.constant 0 : i32
      %cond3A_88 = arith.cmpi ne, %convert_element_type3A_86, %cond3A_87 : i32
      scf.if %cond3A_88 {
        %add3A_89 = arith.constant 3 : i32
        %add3A_90 = arith.addi %mul3A_32, %add3A_89 : i32
        %mul3A_91 = arith.constant 96 : i32
        %mul3A_92 = arith.muli %add3A_90, %mul3A_91 : i32
        %dma_start3A_93 = tpu.memref_slice %arg5[%mul3A_92] : memref<1536xi32, #tpu.memory_space<vmem>> -> memref<96xi32, #tpu.memory_space<vmem>>
        %dma_start3A_94 = arith.constant 0 : i32
        %dma_start3A_95 = arith.constant 0 : i32
        %dma_start3A_96 = tpu.memref_slice %arg2[%dma_start3A_94, %dma_start3A_95] : memref<100000x128xf32, #tpu.memory_space<hbm>> -> memref<100000x128xf32, #tpu.memory_space<hbm>>
        tpu.enqueue_indirect_dma source(%dma_start3A_96 : memref<100000x128xf32, #tpu.memory_space<hbm>>) target(%arg7 : memref<96x128xf32, #tpu.memory_space<vmem>>) offsets(%dma_start3A_93 : memref<96xi32, #tpu.memory_space<vmem>>) semaphore(%arg11 : memref<!tpu.dma_semaphore, #tpu.memory_space<semaphore_mem>>)
      } else {
      }
    }
    %scan3A_18 = arith.constant 8 : i32
    %dma_wait3A = arith.constant 0 : i32
    %dma_wait3A_19 = arith.constant 0 : i32
    %dma_wait3A_20 = tpu.memref_slice %arg4[%dma_wait3A, %dma_wait3A_19] : memref<4096x192xf32, #tpu.memory_space<hbm>> -> memref<8x192xf32, #tpu.memory_space<hbm>>
    %dma_wait3A_21 = arith.constant 0 : i32
    %dma_wait3A_22 = arith.constant 0 : i32
    %dma_wait3A_23 = tpu.memref_slice %arg4[%dma_wait3A_21, %dma_wait3A_22] : memref<4096x192xf32, #tpu.memory_space<hbm>> -> memref<8x192xf32, #tpu.memory_space<hbm>>
    tpu.wait_dma2 semaphore(%arg12 : memref<!tpu.dma_semaphore, #tpu.memory_space<semaphore_mem>>) src(%arg8 : memref<8x192xf32, #tpu.memory_space<vmem>>) dst(%dma_wait3A_23 : memref<8x192xf32, #tpu.memory_space<hbm>>)
    %dma_wait3A_24 = arith.constant 0 : i32
    %dma_wait3A_25 = arith.constant 0 : i32
    %dma_wait3A_26 = tpu.memref_slice %arg4[%dma_wait3A_24, %dma_wait3A_25] : memref<4096x192xf32, #tpu.memory_space<hbm>> -> memref<8x192xf32, #tpu.memory_space<hbm>>
    %dma_wait3A_27 = arith.constant 0 : i32
    %dma_wait3A_28 = arith.constant 0 : i32
    %dma_wait3A_29 = tpu.memref_slice %arg4[%dma_wait3A_27, %dma_wait3A_28] : memref<4096x192xf32, #tpu.memory_space<hbm>> -> memref<8x192xf32, #tpu.memory_space<hbm>>
    tpu.wait_dma2 semaphore(%arg13 : memref<!tpu.dma_semaphore, #tpu.memory_space<semaphore_mem>>) src(%arg9 : memref<8x192xf32, #tpu.memory_space<vmem>>) dst(%dma_wait3A_29 : memref<8x192xf32, #tpu.memory_space<hbm>>)
    return
  }
}

module attributes {stable_mosaic.version = 14 : i64} {
  func.func @_proj_body(%arg0: i32, %arg1: memref<4000x128xf32, #tpu.memory_space<vmem>>, %arg2: memref<128x16xf32, #tpu.memory_space<vmem>>, %arg3: memref<4000x16xbf16, #tpu.memory_space<vmem>>) attributes {dimension_semantics = [#tpu.dimension_semantics<arbitrary>], iteration_bounds = array<i64: 25>, scalar_prefetch = 0 : i64, scratch_operands = 0 : i64, tpu.core_type = #tpu.core_type<tc>, window_params = [{transform_indices = @transform_0, window_bounds = array<i64: 4000, 128>}, {pipeline_mode = #tpu.pipeline_mode<synchronous>, transform_indices = @transform_1, window_bounds = array<i64: 128, 16>}, {transform_indices = @transform_2, window_bounds = array<i64: 4000, 16>}]} {
    %get3A = arith.constant 0 : index
    %get3A_0 = arith.constant 0 : index
    %get3A_1 = vector.load %arg1[%get3A, %get3A_0] : memref<4000x128xf32, #tpu.memory_space<vmem>>, vector<4000x128xf32>
    %get3A_2 = arith.constant 0 : index
    %get3A_3 = arith.constant 0 : index
    %get3A_4 = vector.load %arg2[%get3A_2, %get3A_3] : memref<128x16xf32, #tpu.memory_space<vmem>>, vector<128x16xf32>
    %dot_general3A = arith.constant dense<0.000000e+00> : vector<4000x16xf32>
    %dot_general3A_5 = tpu.matmul %get3A_1, %get3A_4, %dot_general3A {dimension_numbers = #tpu.dot_dimension_numbers<[1], [0], [0], [1], [0, 0, 1, 1], [], []>, transpose_lhs_hint = false} : vector<4000x128xf32>, vector<128x16xf32>, vector<4000x16xf32> -> vector<4000x16xf32>
    %convert_element_type3A = arith.truncf %dot_general3A_5 : vector<4000x16xf32> to vector<4000x16xbf16>
    %swap3A = arith.constant 0 : index
    %swap3A_6 = arith.constant 0 : index
    %swap3A_7 = vector.load %arg3[%swap3A, %swap3A_6] : memref<4000x16xbf16, #tpu.memory_space<vmem>>, vector<4000x16xbf16>
    tpu.vector_store %arg3[%swap3A, %swap3A_6], %convert_element_type3A {strides = array<i32>} : memref<4000x16xbf16, #tpu.memory_space<vmem>>, vector<4000x16xbf16>,
    return
  }
  func.func @transform_0(%arg0: i32) -> (i32, i32) {
    %c0_i32 = arith.constant 0 : i32
    %c0_i32_0 = arith.constant 0 : i32
    return %arg0, %c0_i32 : i32, i32
  }
  func.func @transform_1(%arg0: i32) -> (i32, i32) {
    %c0_i32 = arith.constant 0 : i32
    %c0_i32_0 = arith.constant 0 : i32
    %c0_i32_1 = arith.constant 0 : i32
    return %c0_i32, %c0_i32_0 : i32, i32
  }
  func.func @transform_2(%arg0: i32) -> (i32, i32) {
    %c0_i32 = arith.constant 0 : i32
    %c0_i32_0 = arith.constant 0 : i32
    return %arg0, %c0_i32 : i32, i32
  }
}

module attributes {stable_mosaic.version = 14 : i64} {
  func.func @_final_body(%arg0: memref<4096x192xf32, #tpu.memory_space<vmem>>, %arg1: memref<4096x32xf32, #tpu.memory_space<vmem>>, %arg2: memref<4096x1xf32, #tpu.memory_space<vmem>>, %arg3: memref<1x32xf32, #tpu.memory_space<vmem>>, %arg4: memref<1x1xf32, #tpu.memory_space<vmem>>, %arg5: memref<1x1xf32, #tpu.memory_space<vmem>>, %arg6: memref<1x1xf32, #tpu.memory_space<vmem>>) attributes {dimension_semantics = [], scalar_prefetch = 0 : i64, scratch_operands = 0 : i64, tpu.core_type = #tpu.core_type<tc>} {
    %get3A = arith.constant 0 : index
    %get3A_0 = arith.constant 0 : index
    %get3A_1 = vector.load %arg0[%get3A, %get3A_0] : memref<4096x192xf32, #tpu.memory_space<vmem>>, vector<4096x192xf32>
    %iota3A = tpu.iota {dimensions = array<i32: 0>} : vector<192x12xi32>
    %jit3A = arith.constant 16 : i32
    %div3A = vector.broadcast %jit3A : i32 to vector<192x12xi32>
    %div3A_2 = arith.divsi %iota3A, %div3A : vector<192x12xi32>
    %sign3A = arith.constant 0 : i32
    %sign3A_3 = vector.broadcast %sign3A : i32 to vector<192x12xi32>
    %sign3A_4 = arith.cmpi sgt, %iota3A, %sign3A_3 : vector<192x12xi32>
    %sign3A_5 = arith.extui %sign3A_4 : vector<192x12xi1> to vector<192x12xi32>
    %sign3A_6 = arith.constant 0 : i32
    %sign3A_7 = vector.broadcast %sign3A_6 : i32 to vector<192x12xi32>
    %sign3A_8 = arith.cmpi slt, %iota3A, %sign3A_7 : vector<192x12xi32>
    %sign3A_9 = arith.extui %sign3A_8 : vector<192x12xi1> to vector<192x12xi32>
    %sign3A_10 = arith.subi %sign3A_5, %sign3A_9 : vector<192x12xi32>
    %sign3A_11 = arith.constant 0 : i32
    %sign3A_12 = arith.cmpi sgt, %jit3A, %sign3A_11 : i32
    %sign3A_13 = arith.extui %sign3A_12 : i1 to i32
    %sign3A_14 = arith.constant 0 : i32
    %sign3A_15 = arith.cmpi slt, %jit3A, %sign3A_14 : i32
    %sign3A_16 = arith.extui %sign3A_15 : i1 to i32
    %sign3A_17 = arith.subi %sign3A_13, %sign3A_16 : i32
    %ne3A = vector.broadcast %sign3A_17 : i32 to vector<192x12xi32>
    %ne3A_18 = arith.cmpi ne, %sign3A_10, %ne3A : vector<192x12xi32>
    %rem3A = vector.broadcast %jit3A : i32 to vector<192x12xi32>
    %rem3A_19 = arith.remsi %iota3A, %rem3A : vector<192x12xi32>
    %ne3A_20 = arith.constant 0 : i32
    %ne3A_21 = vector.broadcast %ne3A_20 : i32 to vector<192x12xi32>
    %ne3A_22 = arith.cmpi ne, %rem3A_19, %ne3A_21 : vector<192x12xi32>
    %and3A = arith.andi %ne3A_18, %ne3A_22 : vector<192x12xi1>
    %sub3A = arith.constant 1 : i32
    %sub3A_23 = vector.broadcast %sub3A : i32 to vector<192x12xi32>
    %sub3A_24 = arith.subi %div3A_2, %sub3A_23 : vector<192x12xi32>
    %select_n3A = arith.select %and3A, %sub3A_24, %div3A_2 : vector<192x12xi1>, vector<192x12xi32>
    %iota3A_25 = tpu.iota {dimensions = array<i32: 1>} : vector<192x12xi32>
    %eq3A = arith.cmpi eq, %select_n3A, %iota3A_25 : vector<192x12xi32>
    %convert_element_type3A = arith.extui %eq3A : vector<192x12xi1> to vector<192x12xi32>
    %convert_element_type3A_26 = arith.sitofp %convert_element_type3A : vector<192x12xi32> to vector<192x12xf32>
    %dot_general3A = arith.constant dense<0.000000e+00> : vector<4096x12xf32>
    %dot_general3A_27 = tpu.matmul %get3A_1, %convert_element_type3A_26, %dot_general3A {dimension_numbers = #tpu.dot_dimension_numbers<[1], [0], [0], [1], [0, 0, 1, 1], [], []>, transpose_lhs_hint = false} : vector<4096x192xf32>, vector<192x12xf32>, vector<4096x12xf32> -> vector<4096x12xf32>
    %iota3A_28 = tpu.iota {dimensions = array<i32: 1>} : vector<4096x12xi32>
    %neg3A = arith.constant 0.000000e+00 : f32
    %neg3A_29 = vector.broadcast %neg3A : f32 to vector<4096x12xf32>
    %neg3A_30 = arith.subf %neg3A_29, %dot_general3A_27 : vector<4096x12xf32>
    %custom_jvp_call3A = arith.constant 0.000000e+00 : f32
    %max3A = vector.broadcast %custom_jvp_call3A : f32 to vector<4096x12xf32>
    %max3A_31 = arith.maximumf %neg3A_30, %max3A : vector<4096x12xf32>
    %sub3A_32 = vector.broadcast %custom_jvp_call3A : f32 to vector<4096x12xf32>
    %sub3A_33 = arith.subf %neg3A_30, %sub3A_32 : vector<4096x12xf32>
    %ne3A_34 = arith.cmpf one, %sub3A_33, %sub3A_33 : vector<4096x12xf32>
    %add3A = vector.broadcast %custom_jvp_call3A : f32 to vector<4096x12xf32>
    %add3A_35 = arith.addf %neg3A_30, %add3A : vector<4096x12xf32>
    %abs3A = math.absf %sub3A_33 : vector<4096x12xf32>
    %neg3A_36 = arith.constant 0.000000e+00 : f32
    %neg3A_37 = vector.broadcast %neg3A_36 : f32 to vector<4096x12xf32>
    %neg3A_38 = arith.subf %neg3A_37, %abs3A : vector<4096x12xf32>
    %exp3A = math.exp %neg3A_38 : vector<4096x12xf32>
    %log1p3A = math.log1p %exp3A : vector<4096x12xf32>
    %add3A_39 = arith.addf %max3A_31, %log1p3A : vector<4096x12xf32>
    %select_n3A_40 = arith.select %ne3A_34, %add3A_35, %add3A_39 : vector<4096x12xi1>, vector<4096x12xf32>
    %neg3A_41 = arith.constant 0.000000e+00 : f32
    %neg3A_42 = vector.broadcast %neg3A_41 : f32 to vector<4096x12xf32>
    %neg3A_43 = arith.subf %neg3A_42, %select_n3A_40 : vector<4096x12xf32>
    %neg3A_44 = arith.constant 0.000000e+00 : f32
    %neg3A_45 = vector.broadcast %neg3A_44 : f32 to vector<4096x12xf32>
    %neg3A_46 = arith.subf %neg3A_45, %dot_general3A_27 : vector<4096x12xf32>
    %neg3A_47 = arith.constant 0.000000e+00 : f32
    %neg3A_48 = vector.broadcast %neg3A_47 : f32 to vector<4096x12xf32>
    %neg3A_49 = arith.subf %neg3A_48, %neg3A_46 : vector<4096x12xf32>
    %custom_jvp_call3A_50 = arith.constant 0.000000e+00 : f32
    %max3A_51 = vector.broadcast %custom_jvp_call3A_50 : f32 to vector<4096x12xf32>
    %max3A_52 = arith.maximumf %neg3A_49, %max3A_51 : vector<4096x12xf32>
    %sub3A_53 = vector.broadcast %custom_jvp_call3A_50 : f32 to vector<4096x12xf32>
    %sub3A_54 = arith.subf %neg3A_49, %sub3A_53 : vector<4096x12xf32>
    %ne3A_55 = arith.cmpf one, %sub3A_54, %sub3A_54 : vector<4096x12xf32>
    %add3A_56 = vector.broadcast %custom_jvp_call3A_50 : f32 to vector<4096x12xf32>
    %add3A_57 = arith.addf %neg3A_49, %add3A_56 : vector<4096x12xf32>
    %abs3A_58 = math.absf %sub3A_54 : vector<4096x12xf32>
    %neg3A_59 = arith.constant 0.000000e+00 : f32
    %neg3A_60 = vector.broadcast %neg3A_59 : f32 to vector<4096x12xf32>
    %neg3A_61 = arith.subf %neg3A_60, %abs3A_58 : vector<4096x12xf32>
    %exp3A_62 = math.exp %neg3A_61 : vector<4096x12xf32>
    %log1p3A_63 = math.log1p %exp3A_62 : vector<4096x12xf32>
    %add3A_64 = arith.addf %max3A_52, %log1p3A_63 : vector<4096x12xf32>
    %select_n3A_65 = arith.select %ne3A_55, %add3A_57, %add3A_64 : vector<4096x12xi1>, vector<4096x12xf32>
    %neg3A_66 = arith.constant 0.000000e+00 : f32
    %neg3A_67 = vector.broadcast %neg3A_66 : f32 to vector<4096x12xf32>
    %neg3A_68 = arith.subf %neg3A_67, %select_n3A_65 : vector<4096x12xf32>
    %eq3A_69 = arith.constant 0 : i32
    %eq3A_70 = vector.broadcast %eq3A_69 : i32 to vector<4096x12xi32>
    %eq3A_71 = arith.cmpi eq, %iota3A_28, %eq3A_70 : vector<4096x12xi32>
    %jit3A_72 = arith.constant 0.000000e+00 : f32
    %broadcast_in_dim3A = vector.broadcast %jit3A_72 : f32 to vector<4096x12xf32>
    %select_n3A_73 = arith.select %eq3A_71, %neg3A_43, %broadcast_in_dim3A : vector<4096x12xi1>, vector<4096x12xf32>
    %ge3A = arith.constant 1 : i32
    %ge3A_74 = vector.broadcast %ge3A : i32 to vector<4096x12xi32>
    %ge3A_75 = arith.cmpi sge, %iota3A_28, %ge3A_74 : vector<4096x12xi32>
    %le3A = arith.constant 10 : i32
    %le3A_76 = vector.broadcast %le3A : i32 to vector<4096x12xi32>
    %le3A_77 = arith.cmpi sle, %iota3A_28, %le3A_76 : vector<4096x12xi32>
    %and3A_78 = arith.andi %ge3A_75, %le3A_77 : vector<4096x12xi1>
    %jit3A_79 = arith.constant 0.000000e+00 : f32
    %broadcast_in_dim3A_80 = vector.broadcast %jit3A_79 : f32 to vector<4096x12xf32>
    %select_n3A_81 = arith.select %and3A_78, %neg3A_68, %broadcast_in_dim3A_80 : vector<4096x12xi1>, vector<4096x12xf32>
    %add3A_82 = arith.addf %select_n3A_73, %select_n3A_81 : vector<4096x12xf32>
    %reduce_sum3A = vector.shape_cast %add3A_82 : vector<4096x12xf32> to vector<1x4096x12xf32>
    %reduce_sum3A_83 = arith.constant dense<0.000000e+00> : vector<1xf32>
    %reduce_sum3A_84 = vector.multi_reduction <add>, %reduce_sum3A, %reduce_sum3A_83 [1, 2] : vector<1x4096x12xf32> to vector<1xf32>
    %reduce_sum3A_85 = vector.shape_cast %reduce_sum3A_84 : vector<1xf32> to vector<1x1x1xf32>
    %reduce_sum3A_86 = vector.extract %reduce_sum3A_85[0, 0, 0] : f32 from vector<1x1x1xf32>
    %neg3A_87 = arith.constant 0.000000e+00 : f32
    %neg3A_88 = arith.subf %neg3A_87, %reduce_sum3A_86 : f32
    %div3A_89 = arith.constant 4.096000e+03 : f32
    %div3A_90 = arith.divf %neg3A_88, %div3A_89 : f32
    %get3A_91 = arith.constant 0 : index
    %get3A_92 = arith.constant 0 : index
    %get3A_93 = vector.load %arg1[%get3A_91, %get3A_92] : memref<4096x32xf32, #tpu.memory_space<vmem>>, vector<4096x32xf32>
    %mul3A = arith.constant 2.000000e-02 : f32
    %mul3A_94 = vector.broadcast %mul3A : f32 to vector<4096x32xf32>
    %mul3A_95 = arith.mulf %get3A_93, %mul3A_94 : vector<4096x32xf32>
    %get3A_96 = arith.constant 0 : index
    %get3A_97 = arith.constant 0 : index
    %get3A_98 = vector.load %arg3[%get3A_96, %get3A_97] : memref<1x32xf32, #tpu.memory_space<vmem>>, vector<1x32xf32>
    %add3A_99 = vector.broadcast %get3A_98 : vector<1x32xf32> to vector<4096x32xf32>
    %add3A_100 = arith.addf %mul3A_95, %add3A_99 : vector<4096x32xf32>
    %iota3A_101 = tpu.iota {dimensions = array<i32: 1>} : vector<4096x32xi32>
    %eq3A_102 = arith.constant 0 : i32
    %eq3A_103 = vector.broadcast %eq3A_102 : i32 to vector<4096x32xi32>
    %eq3A_104 = arith.cmpi eq, %iota3A_101, %eq3A_103 : vector<4096x32xi32>
    %jit3A_105 = arith.constant 0.000000e+00 : f32
    %broadcast_in_dim3A_106 = vector.broadcast %jit3A_105 : f32 to vector<4096x32xf32>
    %select_n3A_107 = arith.select %eq3A_104, %add3A_100, %broadcast_in_dim3A_106 : vector<4096x32xi1>, vector<4096x32xf32>
    %reduce_sum3A_108 = arith.constant dense<0.000000e+00> : vector<4096xf32>
    %reduce_sum3A_109 = vector.multi_reduction <add>, %select_n3A_107, %reduce_sum3A_108 [1] : vector<4096x32xf32> to vector<4096xf32>
    %broadcast_in_dim3A_110 = vector.shape_cast %reduce_sum3A_109 : vector<4096xf32> to vector<4096x1xf32>
    %eq3A_111 = arith.constant 1 : i32
    %eq3A_112 = vector.broadcast %eq3A_111 : i32 to vector<4096x32xi32>
    %eq3A_113 = arith.cmpi eq, %iota3A_101, %eq3A_112 : vector<4096x32xi32>
    %jit3A_114 = arith.constant 0.000000e+00 : f32
    %broadcast_in_dim3A_115 = vector.broadcast %jit3A_114 : f32 to vector<4096x32xf32>
    %select_n3A_116 = arith.select %eq3A_113, %add3A_100, %broadcast_in_dim3A_115 : vector<4096x32xi1>, vector<4096x32xf32>
    %reduce_sum3A_117 = arith.constant dense<0.000000e+00> : vector<4096xf32>
    %reduce_sum3A_118 = vector.multi_reduction <add>, %select_n3A_116, %reduce_sum3A_117 [1] : vector<4096x32xf32> to vector<4096xf32>
    %broadcast_in_dim3A_119 = vector.shape_cast %reduce_sum3A_118 : vector<4096xf32> to vector<4096x1xf32>
    %max3A_120 = arith.maximumf %broadcast_in_dim3A_110, %broadcast_in_dim3A_119 : vector<4096x1xf32>
    %sub3A_121 = arith.subf %broadcast_in_dim3A_110, %max3A_120 : vector<4096x1xf32>
    %exp3A_122 = math.exp %sub3A_121 : vector<4096x1xf32>
    %sub3A_123 = arith.subf %broadcast_in_dim3A_119, %max3A_120 : vector<4096x1xf32>
    %exp3A_124 = math.exp %sub3A_123 : vector<4096x1xf32>
    %add3A_125 = arith.addf %exp3A_122, %exp3A_124 : vector<4096x1xf32>
    %log3A = math.log %add3A_125 : vector<4096x1xf32>
    %add3A_126 = arith.addf %max3A_120, %log3A : vector<4096x1xf32>
    %get3A_127 = arith.constant 0 : index
    %get3A_128 = arith.constant 0 : index
    %get3A_129 = vector.load %arg2[%get3A_127, %get3A_128] : memref<4096x1xf32, #tpu.memory_space<vmem>>, vector<4096x1xf32>
    %sub3A_130 = arith.constant 1.000000e+00 : f32
    %sub3A_131 = vector.broadcast %sub3A_130 : f32 to vector<4096x1xf32>
    %sub3A_132 = arith.subf %sub3A_131, %get3A_129 : vector<4096x1xf32>
    %mul3A_133 = arith.mulf %sub3A_132, %broadcast_in_dim3A_110 : vector<4096x1xf32>
    %mul3A_134 = arith.mulf %get3A_129, %broadcast_in_dim3A_119 : vector<4096x1xf32>
    %add3A_135 = arith.addf %mul3A_133, %mul3A_134 : vector<4096x1xf32>
    %sub3A_136 = arith.subf %add3A_126, %add3A_135 : vector<4096x1xf32>
    %reduce_sum3A_137 = vector.shape_cast %sub3A_136 : vector<4096x1xf32> to vector<1x4096x1xf32>
    %reduce_sum3A_138 = arith.constant dense<0.000000e+00> : vector<1xf32>
    %reduce_sum3A_139 = vector.multi_reduction <add>, %reduce_sum3A_137, %reduce_sum3A_138 [1, 2] : vector<1x4096x1xf32> to vector<1xf32>
    %reduce_sum3A_140 = vector.shape_cast %reduce_sum3A_139 : vector<1xf32> to vector<1x1x1xf32>
    %reduce_sum3A_141 = vector.extract %reduce_sum3A_140[0, 0, 0] : f32 from vector<1x1x1xf32>
    %div3A_142 = arith.constant 4.096000e+03 : f32
    %div3A_143 = arith.divf %reduce_sum3A_141, %div3A_142 : f32
    %broadcast_in_dim3A_144 = vector.broadcast %div3A_90 : f32 to vector<1x1xf32>
    %swap3A = arith.constant 0 : index
    %swap3A_145 = arith.constant 0 : index
    %swap3A_146 = vector.load %arg5[%swap3A, %swap3A_145] : memref<1x1xf32, #tpu.memory_space<vmem>>, vector<1x1xf32>
    tpu.vector_store %arg5[%swap3A, %swap3A_145], %broadcast_in_dim3A_144 {strides = array<i32>} : memref<1x1xf32, #tpu.memory_space<vmem>>, vector<1x1xf32>,
    %broadcast_in_dim3A_147 = vector.broadcast %div3A_143 : f32 to vector<1x1xf32>
    %swap3A_148 = arith.constant 0 : index
    %swap3A_149 = arith.constant 0 : index
    %swap3A_150 = vector.load %arg6[%swap3A_148, %swap3A_149] : memref<1x1xf32, #tpu.memory_space<vmem>>, vector<1x1xf32>
    tpu.vector_store %arg6[%swap3A_148, %swap3A_149], %broadcast_in_dim3A_147 {strides = array<i32>} : memref<1x1xf32, #tpu.memory_space<vmem>>, vector<1x1xf32>,
    %add3A_151 = arith.addf %div3A_90, %div3A_143 : f32
    %broadcast_in_dim3A_152 = vector.broadcast %add3A_151 : f32 to vector<1x1xf32>
    %swap3A_153 = arith.constant 0 : index
    %swap3A_154 = arith.constant 0 : index
    %swap3A_155 = vector.load %arg4[%swap3A_153, %swap3A_154] : memref<1x1xf32, #tpu.memory_space<vmem>>, vector<1x1xf32>
    tpu.vector_store %arg4[%swap3A_153, %swap3A_154], %broadcast_in_dim3A_152 {strides = array<i32>} : memref<1x1xf32, #tpu.memory_space<vmem>>, vector<1x1xf32>,
    return
  }
}

</mosaic_0001>

<sc_bundles>
// kernel: kernel.6.cloned.1.call-start
scs
__scs_entry_jumppad:
0x0: {  	(pc) =	sbr.rel $0x88, $3  }
0x1: {  	(tag) =	ssettag $0x0;
	lr =	simm.s32 $0x1  }
0x2: {  	[smem:$0x3F99] =	sst lr;
	_ =	strace $0xD0000000  }
0x3: {  	_ = 	snop  }
0x4: {  	_ = 	snop  }
0x5: {  	_ = 	snop  }
0x6: {  	_ = 	snop  }
0x7: {  	_ = 	snop  }
__scs_overlays_trampoline_lowered:
0x8: {  	[smem:$0x3FA8] =	sst s0  }
0x9: {  	[smem:$0x3FA9] =	sst s1  }
0xa: {  	[smem:$0x3FAA] =	sst s2  }
0xb: {  	[smem:$0x3FAB] =	sst s3  }
0xc: {  	[smem:$0x3FAC] =	sst s4  }
0xd: {  	[smem:$0x3FAD] =	sst s5  }
0xe: {  	[smem:$0x3FAE] =	sst s6  }
0xf: {  	[smem:$0x3FAF] =	sst s7  }
0x10: {  	[smem:$0x3FB0] =	sst s8  }
0x11: {  	[smem:$0x3FB1] =	sst s9;
	s0 =	simm.s32 @!p0 $0x0  }
0x12: {  	s1 =	sld [smem:$0x3F97];
	s0 =	simm.s32 @p0 $0x1  }
0x13: {  	[smem:$0x3FB2] =	sst s0;
	s0 =	simm.s32 @!p1 $0x0  }
0x14: {  	s2 =	sld [smem:$0x3F96];
	s0 =	simm.s32 @p1 $0x1  }
0x15: {  	[smem:$0x3FB3] =	sst s0;
	s0 =	simm.s32 @!p2 $0x0  }
0x16: {  	s3 =	sld [smem:$0x3FDB];
	s0 =	simm.s32 @p2 $0x1  }
0x17: {  	s4 =	simm.s32 $0x1BF5;
	[smem:$0x3FB5] =	sst s0  }
0x18: {  	s0 =	sld [smem:$0x3F98];
	_ =	swait.ge [sflag:s4], $0x0  }
0x19: {  	s7 =	sld [smem:$0x3F99]  }
0x1a: {  	s8 =	sadd.s32 $0xFFFFE003, lr  }
0x1b: {  	s9 =	sadd.s32 $0xFFFFFEF7, lr;
	s5 =	simm.s32 $0xFFFFFFFF;
	p2 =	slt.u32 s8, $0xFFFFF086  }
0x1c: {  	p1 =	slt.u32 s9, $0xF7A;
	s5 =	simm.s32 @!p2 $0x0  }
0x1d: {  	s5 =	simm.s32 @p1 $0x1;
	p0 =	seq.s32 s7, s2  }
0x1e: {  	s7 =	smul.u32 @!p0 $0xF7A, s2;
	p2 =	seq.s32 @!p0 s5, $0x0  }
0x1f: {  	s9 =	smul.u32 $0xF7A, s1;
	s8 =	simm.s32 @!p0 $0x1BF5;
	p2 =	por !p2, p0  }
0x20: {  	[sflag:s8] =	ssyncset.s32 @!p0 $0xFFFFF086;
	s6 =	sadd.s32 @!p0 s3, s7;
	s7 =	simm.s32 @!p0 $0x108  }
0x21: {  	s3 =	sadd.s32 s3, s9;
	s6 =	sadd.s32 @!p0 $0x88, s6;
	s7 =	simm.s32 @p2 $0x1082  }
0x22: {  	[simem:s7], [sflag:s8] =	dma.local @!p0 [hbm:s6], $0xF7A  }
0x23: {  	s9 =	sor.u32 $0xD0000000, s2;
	s6 =	simm.s32 $0x108;
	_ =	swait.ge @!p0 [sflag:s8], $0x0  }
0x24: {  	s3 =	sadd.s32 $0x88, s3;
	s6 =	simm.s32 @!p1 $0x1082;
	[sflag:s4] =	ssyncset.s32 $0xFFFFF086  }
0x25: {  	[simem:s6], [sflag:s4] =	dma.local [hbm:s3], $0xF7A  }
0x26: {  	[smem:$0x3F99] =	sst s1;
	(tag) =	ssettag s2;
	_ =	strace s9  }
0x27: {  	s1 =	sld [smem:$0x3FA9]  }
0x28: {  	s2 =	sld [smem:$0x3FAA]  }
0x29: {  	s4 =	sld [smem:$0x3FAC]  }
0x2a: {  	p0 =	seq.s32 s5, $0x0;
	s5 =	sld [smem:$0x3FAD]  }
0x2b: {  	s6 =	sld [smem:$0x3FAE]  }
0x2c: {  	s7 =	sld [smem:$0x3FAF]  }
0x2d: {  	s3 =	simm.s32 $0x108;
	s8 =	sld [smem:$0x3FB0]  }
0x2e: {  	s3 =	simm.s32 @!p0 $0x1082;
	s9 =	sld [smem:$0x3FB1]  }
0x2f: {  	lr =	sadd.s32 s0, s3;
	s0 =	sld [smem:$0x3FA8]  }
0x30: {  	s3 =	sld [smem:$0x3FAB]  }
0x31: {  	[smem:$0x3FB4] =	sst s10  }
0x32: {  	s10 =	sld [smem:$0x3FB2];
	_ =	sdelay $0x3  }
0x33: {  	p0 =	seq.s32 s10, $0x1;
	s10 =	sld [smem:$0x3FB4];
	_ =	sdelay $0x3  }
0x34: {  	[smem:$0x3FB4] =	sst s10  }
0x35: {  	s10 =	sld [smem:$0x3FB3];
	_ =	sdelay $0x3  }
0x36: {  	p1 =	seq.s32 s10, $0x1;
	s10 =	sld [smem:$0x3FB4];
	_ =	sdelay $0x3  }
0x37: {  	[smem:$0x3FB4] =	sst s10  }
0x38: {  	s10 =	sld [smem:$0x3FB5]  }
0x39: {  	_ = 	snop;
	(pc) =	sbr.ind lr, $3  }
0x3a: {  	_ = 	snop  }
0x3b: {  	_ = 	snop  }
0x3c: {  	p2 =	seq.s32 s10, $0x1;
	s10 =	sld [smem:$0x3FB4]  }
0x3d: {  	_ =	shalt  }
0x3e: {  	_ =	shalt  }
0x3f: {  	_ =	shalt  }
0x40: {  	_ =	shalt  }
0x41: {  	_ =	shalt  }
0x42: {  	_ =	shalt  }
0x43: {  	_ =	shalt  }
0x44: {  	_ =	shalt  }
0x45: {  	_ =	shalt  }
0x46: {  	_ =	shalt  }
0x47: {  	_ =	shalt  }
0x48: {  	_ =	shalt  }
0x49: {  	_ =	shalt  }
0x4a: {  	_ =	shalt  }
0x4b: {  	_ =	shalt  }
0x4c: {  	_ =	shalt  }
0x4d: {  	_ =	shalt  }
0x4e: {  	_ =	shalt  }
0x4f: {  	_ =	shalt  }
0x50: {  	_ =	shalt  }
0x51: {  	_ =	shalt  }
0x52: {  	_ =	shalt  }
0x53: {  	_ =	shalt  }
0x54: {  	_ =	shalt  }
0x55: {  	_ =	shalt  }
0x56: {  	_ =	shalt  }
0x57: {  	_ =	shalt  }
0x58: {  	_ =	shalt  }
0x59: {  	_ =	shalt  }
0x5a: {  	_ =	shalt  }
0x5b: {  	_ =	shalt  }
0x5c: {  	_ =	shalt  }
0x5d: {  	_ =	shalt  }
0x5e: {  	_ =	shalt  }
0x5f: {  	_ =	shalt  }
0x60: {  	_ =	shalt  }
0x61: {  	_ =	shalt  }
0x62: {  	_ =	shalt  }
0x63: {  	_ =	shalt  }
0x64: {  	_ =	shalt  }
0x65: {  	_ =	shalt  }
0x66: {  	_ =	shalt  }
0x67: {  	_ =	shalt  }
0x68: {  	_ =	shalt  }
0x69: {  	_ =	shalt  }
0x6a: {  	_ =	shalt  }
0x6b: {  	_ =	shalt  }
0x6c: {  	_ =	shalt  }
0x6d: {  	_ =	shalt  }
0x6e: {  	_ =	shalt  }
0x6f: {  	_ =	shalt  }
0x70: {  	_ =	shalt  }
0x71: {  	_ =	shalt  }
0x72: {  	_ =	shalt  }
0x73: {  	_ =	shalt  }
0x74: {  	_ =	shalt  }
0x75: {  	_ =	shalt  }
0x76: {  	_ =	shalt  }
0x77: {  	_ =	shalt  }
0x78: {  	_ =	shalt  }
0x79: {  	_ =	shalt  }
0x7a: {  	_ =	shalt  }
0x7b: {  	_ =	shalt  }
0x7c: {  	_ =	shalt  }
0x7d: {  	_ =	shalt  }
0x7e: {  	_ =	shalt  }
0x7f: {  	_ =	shalt  }
0x80: {  	_ =	shalt  }
0x81: {  	_ =	shalt  }
0x82: {  	_ =	shalt  }
0x83: {  	_ =	shalt  }
0x84: {  	_ =	shalt  }
0x85: {  	_ =	shalt  }
0x86: {  	_ =	shalt  }
0x87: {  	_ =	shalt  }
.Lfunc_end0:
.L_simem_size_0:
called_computation_lowered:
.L_overlay_start_0:
0x88: {  	s2 =	sld [smem:$0x3FD9]  }
0x89: {  	s3 =	sld [smem:$0x3FFE];
	_ =	sdelay $0x1  }
0x8a: {  	s1 =	srdreg.scid  }
0x8b: {  	s0 =	sand.u32 $0x1, s1  }
0x8c: {  	s17 =	sshll.u32 s0, $0xA;
	s2 =	sadd.s32 s3, s2  }
0x8d: {  	s2 =	sadd.s32 s2, s17  }
0x8e: {  	[smem:$0x3FC0] =	sst s2  }
0x8f: {  	_ = 	snop  }
0x90: {  	s18 =	sld [smem:$0x3FC9];
	(tm) =	ssettm $0x1  }
0x91: {  	s19 =	sld [smem:$0x3FFB];
	_ =	sdelay $0x3  }
0x92: {  	_ =	strace s19  }
0x93: {  	s2 =	sld [smem:$0x3FFC];
	_ =	sdelay $0x3  }
0x94: {  	_ =	strace s2  }
0x95: {  	s2 =	sld [smem:$0x3FFD];
	_ =	sdelay $0x3  }
0x96: {  	_ =	strace s2  }
0x97: {  	_ =	strace $0x8FFFFFFF  }
0x98: {  	s20 =	sld [smem:$0x3FDB];
	_ =	sdelay $0x1  }
0x99: {  	s4 =	simm.s32 $_scs_section_size  }
0x9a: {  	s5 =	simm.s32 $_size__tile_overlayer_lowered;
	s6 =	simm.s32 $_tile_overlayer_lowered  }
0x9b: {  	s7 =	simm.s32 $0x1BFF;
	s21 =	sshll.u32 s6, $0x1;
	s4 =	sadd.s32 s4, s20  }
0x9c: {  	s22 =	simm.s32 $0x0;
	s5 =	sshll.u32 s5, $0x1;
	s6 =	sadd.s32 s21, s4  }
0x9d: {  	[timem:s22], [sflag:s7] =	dma.local [hbm:s6], s5  }
0x9e: {  	_ =	swait.ge [sflag:s7], s5  }
0x9f: {  	s5 =	ssub.s32 $0x0, s5;
	[sflag:s7] =	ssyncset.done $0x0  }
0xa0: {  	[sflag:s7] =	ssyncadd.s32 s5;
	_ =	sdelay $0x1  }
0xa1: {  	s23 =	simm.s32 $0x1B8B  }
0xa2: {  	_ =	swait.ge [sflag:s23], $0x1  }
0xa3: {  	[sflag:s23] =	ssyncset.done $0x0  }
0xa4: {  	[sflag:s23] =	ssyncadd.s32 $0xFFFFFFFF  }
0xa5: {  	s5 =	sld [smem:$0x0]  }
0xa6: {  	s6 =	sand.u32 $0xFFFFFFFE, s1  }
0xa7: {  	p0 =	sne.s32 s1, s6  }
0xa8: {  	s6 =	sshll.u32 @p0 s6, $0xE  }
0xa9: {  	s6 =	sadd.s32 @p0 $0x11B8D, s6;
	s7 =	sshll.u32 @p0 s5, $0x11  }
0xaa: {  	s6 =	sor.u32 @p0 s7, s6  }
0xab: {  	[sflag:s6] =	ssyncadd.remote.s32 @p0 $0x1;
	_ =	sdelay $0x1  }
0xac: {  	s6 =	simm.s32 @p0 $0x1B8D  }
0xad: {  	_ =	swait.eq @p0 [sflag:s6], $0x1  }
0xae: {  	[sflag:s6] =	ssyncadd.s32 @p0 $0xFFFFFFFF  }
0xaf: {  	s7 =	sshll.u32 @!p0 s1, $0xE  }
0xb0: {  	s7 =	sor.u32 @!p0 $0x4000, s7;
	s6 =	simm.s32 @!p0 $0x1B8D  }
0xb1: {  	s5 =	sshll.u32 @!p0 s5, $0x11;
	s7 =	sadd.s32 @!p0 $0x11B8D, s7;
	_ =	swait.eq @!p0 [sflag:s6], $0x1  }
0xb2: {  	s5 =	sor.u32 @!p0 s5, s7;
	[sflag:s6] =	ssyncadd.s32 @!p0 $0xFFFFFFFF  }
0xb3: {  	s25 =	simm.s32 $0x1B8E;
	s24 =	sld [smem:$0x3FFE];
	[sflag:s5] =	ssyncadd.remote.s32 @!p0 $0x1  }
0xb4: {  	s26 =	simm.s32 $execute0_lowered;
	[smem:$0x3FD2] =	sst s25  }
0xb5: {  	s6 =	sshll.u32 s26, $0x1;
	_ =	strace $0x80000049;
	[dreg:$0x1] =	wrdreg $0xFFFFFFFF  }
0xb6: {  	s28 =	simm.s32 $_size_execute0_lowered;
	s4 =	sadd.s32 s4, s6;
	[dreg:$0x0] =	wrdreg $0x0  }
0xb7: {  	s6 =	sshll.u32 s28, $0x1;
	[dreg:$0x2] =	wrdreg s4  }
0xb8: {  	[dreg:$0x3] =	wrdreg s6  }
0xb9: {  	[dreg:$0x4] =	wrdreg $0xC0  }
0xba: {  	_ =	task [dreg:s22], $0x5FFFF  }
0xbb: {  	[dreg:$0x1] =	wrdreg $0xFFFFFFFF  }
0xbc: {  	[dreg:$0x0] =	wrdreg $0x60  }
0xbd: {  	[dreg:$0x2] =	wrdreg s18  }
0xbe: {  	[dreg:$0x3] =	wrdreg s24  }
0xbf: {  	[dreg:$0x4] =	wrdreg $0x9  }
0xc0: {  	_ =	task.clear_ibuf [dreg:s22], $0x5FFFF;
	_ =	strace $0x90000049  }
0xc1: {  	s29 =	simm.s32 $0x9;
	_ =	strace $0x8000004B  }
0xc2: {  	_ =	swait.ge [sflag:s29], $0x1  }
0xc3: {  	[sflag:s29] =	ssyncadd.s32 $0xFFFFFFFF  }
0xc4: {  	_ =	strace $0x9000004B  }
0xc5: {  	_ =	sfence  }
0xc6: {  	s30 =	sld [smem:$0x0];
	_ =	sdelay $0x2  }
0xc7: {  	s31 =	sshll.u32 s1, $0xD;
	s1 =	sshrl.u32 s1, $0x2  }
0xc8: {  	s4 =	sand.u32 $0x4000, s31;
	s1 =	sadd.s32 s1, s30  }
0xc9: {  	s0 =	sor.u32 s4, s0;
	s1 =	sshll.u32 s1, $0x11  }
0xca: {  	s0 =	sor.u32 s1, s0  }
0xcb: {  	s0 =	sadd.s32 $0x8F2B, s0  }
0xcc: {  	[sflag:s0] =	ssyncadd.remote.s32 $0x1  }
0xcd: {  	_ =	sfence.sel $0xFFFF  }
0xce: {  	[dreg:$0x0] =	wrdreg $0xFFFFFFFF;
	(pc) =	sbr.abs _section_cstart, $3  }
0xcf: {  	[dreg:$0x1] =	wrdreg $0xFFFFFFFF  }
0xd0: {  	_ =	task.clear_ibuf [dreg:s22], $0x2FFFF;
	_ =	strace $0x9FFFFFFF  }
0xd1: {  	(tm) =	ssettm $0x7FFFFFFF  }
tec
execute0_lowered:
.L_overlay_start_1:
0x0: {  	(tag) =	ssettag $0x1  }
0x1: {  	s2 =	rddreg [dreg:$0x0];
	s1 =	srdreg.scid  }
0x2: {  	s0 =	stileid.u32;
	s4 =	rddreg [dreg:$0x1];
	s3 =	simm.s32 $0x0  }
0x3: {  	s9 =	simm.s32 $0x60;
	s10 =	simm.s32 $0x600;
	s11 =	simm.s32 $0x3600  }
0x4: {  	s12 =	simm.s32 $0x1;
	s13 =	simm.s32 $0x6600;
	s14 =	simm.s32 $0x2  }
0x5: {  	s15 =	simm.s32 $0x4;
	s16 =	simm.s32 $0x6C00;
	s17 =	simm.s32 $0x3  }
0x6: {  	s18 =	simm.s32 $0x0;
	s5 =	sand.u32 $0x1, s1;
	s6 =	sshll.u32 s0, $0x1  }
.Ltmp0:
0x7: {  	s6 =	sor.u32 s5, s6;
	s5 =	ssub.s32 $0x2, s5;
	(pc) =	sbr.rel .LBB2_1-.Ltmp0, $4  }
0x8: {  	[smem:$0x7FF] =	sst s3;
	s7 =	smul.u32 $0xC0, s6;
	s8 =	sshrl.u32 s5, $0x1  }
0x9: {  	s1 =	rddreg [dreg:$0x2];
	_ =	strace $0x8000004A;
	s8 =	ssub.s32 s5, s8  }
0xa: {  	s5 =	sshll.u32 s6, $0x7;
	s7 =	sadd.s32 s7, s4;
	s4 =	sadd.s32 $0x23A00, s4  }
0xb: {  	v0 =	vimm.f32 $0.0e+00;
	s6 =	sadd.s32 $0x22200, s7;
	s7 =	smax.u32 s8, $0x1;
	s8 =	simm.s32 $0x5  }
.LBB2_12:
0xc: {  	s18 =	sadd.s32 $0x1, s18  }
0xd: {  	_ =	swait.ge [sflag:s17], $0x600;
	p0 =	sne.s32 s18, s7  }
.Ltmp1:
0xe: {  	[sflag:s17] =	ssyncset.done $0x0;
	(pc) =	sbr.rel @!p0 .LBB2_13-.Ltmp1, $4  }
0xf: {  	[sflag:s17] =	ssyncadd.s32 $0xFFFFFA00  }
0x10: {  	_ =	swait.ge [sflag:s15], $0x600  }
0x11: {  	[sflag:s15] =	ssyncset.done $0x0  }
0x12: {  	[sflag:s15] =	ssyncadd.s32 $0xFFFFFA00  }
.LBB2_1:
0x13: {  	[tilespmem:s3], [sflag:$0x5] =	stream.linear.gather [hbm4b:s6+s3], $0x600, $0x38;
	[tilespmem:$0x7200] =	vst v63  }
0x14: {  	_ =	swait.ge [sflag:s8], $0x600  }
0x15: {  	[sflag:s8] =	ssyncset.done $0x0  }
0x16: {  	[sflag:s8] =	ssyncadd.s32 $0xFFFFFA00  }
0x17: {  	[tilespmem:s10], [sflag:$0x1] =	stream.indirect.gather [hbm4b:s2+s9], $0x80, s3, s9, $0xb8;
	[tilespmem:$0x7200] =	vst v63  }
0x18: {  	s19 =	simm.s32 $0x0  }
0x19: {  	[tilespmem:s11], [sflag:$0x2] =	stream.indirect.gather [hbm4b:s2+s9], $0x80, s9, s9, $0xb8;
	[tilespmem:$0x7200] =	vst v63  }
.LBB2_2:
0x1a: {  	_ =	swait.ge [sflag:s12], $0x3000  }
0x1b: {  	p0 =	seq.s32 s19, $0x0;
	[sflag:s12] =	ssyncset.done $0x0  }
0x1c: {  	s20 =	simm.s32 @!p0 $0x3;
	[sflag:s12] =	ssyncadd.s32 $0xFFFFD000  }
0x1d: {  	_ =	swait.ge @!p0 [sflag:s20], $0x600  }
0x1e: {  	[sflag:s20] =	ssyncset.done @!p0 $0x0  }
0x1f: {  	[sflag:s20] =	ssyncadd.s32 @!p0 $0xFFFFFA00;
	s20 =	simm.s32 $0x900  }
0x20: {  	v1 =	vld [tilespmem:s20+$0xFFFFFD70]  }
0x21: {  	v2 =	vld [tilespmem:s20+$0xFFFFFD60]  }
0x22: {  	v3 =	vld [tilespmem:s20+$0xFFFFFD50]  }
0x23: {  	v4 =	vld [tilespmem:s20+$0xFFFFFD40]  }
0x24: {  	v5 =	vld [tilespmem:s20+$0xFFFFFD30]  }
0x25: {  	v6 =	vld [tilespmem:s20+$0xFFFFFD20]  }
0x26: {  	s21 =	simm.s32 $0xB0;
	v8 =	vld [tilespmem:s20+$0xFFFFFD00]  }
0x27: {  	v7 =	vld [tilespmem:s20+$0xFFFFFD10];
	[tilespmem:s21+$0x6600] =	vst v0  }
0x28: {  	v9 =	vld [tilespmem:s20+$0xFFFFFD80]  }
0x29: {  	v10 =	vld [tilespmem:s20+$0xFFFFFD90];
	_ =	sdelay $0x1  }
0x2a: {  	v11 =	vld [tilespmem:s20+$0xFFFFFDA0];
	_ =	sdelay $0x1  }
0x2b: {  	v12 =	vld [tilespmem:s20+$0xFFFFFDB0]  }
0x2c: {  	v9 =	vmul.f32 v9, v8;
	v10 =	vmul.f32 v10, v7  }
0x2d: {  	v13 =	vld [tilespmem:s20+$0xFFFFFDC0]  }
0x2e: {  	v9 =	vadd.f32 v10, v9;
	v10 =	vmul.f32 v11, v6  }
0x2f: {  	v11 =	vld [tilespmem:s20+$0xFFFFFDD0]  }
0x30: {  	v9 =	vadd.f32 v10, v9;
	v10 =	vmul.f32 v12, v5  }
0x31: {  	v34 =	vld [tilespmem:s20+$0xFFFFFDE0]  }
0x32: {  	v9 =	vadd.f32 v10, v9;
	v10 =	vmul.f32 v13, v4  }
0x33: {  	v35 =	vld [tilespmem:s20+$0xFFFFFDF0]  }
0x34: {  	v9 =	vadd.f32 v10, v9;
	v10 =	vmul.f32 v11, v3;
	_ =	sdelay $0x1  }
0x35: {  	v9 =	vadd.f32 v10, v9;
	v10 =	vmul.f32 v34, v2;
	_ =	sdelay $0x1  }
0x36: {  	v9 =	vadd.f32 v10, v9;
	v10 =	vmul.f32 v35, v1;
	_ =	sdelay $0x1  }
0x37: {  	v9 =	vadd.f32 v10, v9;
	_ =	sdelay $0x1  }
0x38: {  	[tilespmem:s21+$0x6550] =	vst v9  }
0x39: {  	v9 =	vld [tilespmem:s20+$0xFFFFFE00]  }
0x3a: {  	v10 =	vld [tilespmem:s20+$0xFFFFFE10];
	_ =	sdelay $0x1  }
0x3b: {  	v11 =	vld [tilespmem:s20+$0xFFFFFE20];
	_ =	sdelay $0x1  }
0x3c: {  	v36 =	vld [tilespmem:s20+$0xFFFFFE30]  }
0x3d: {  	v9 =	vmul.f32 v9, v8;
	v10 =	vmul.f32 v10, v7  }
0x3e: {  	v37 =	vld [tilespmem:s20+$0xFFFFFE40]  }
0x3f: {  	v9 =	vadd.f32 v10, v9;
	v10 =	vmul.f32 v11, v6  }
0x40: {  	v11 =	vld [tilespmem:s20+$0xFFFFFE50]  }
0x41: {  	v9 =	vadd.f32 v10, v9;
	v10 =	vmul.f32 v36, v5  }
0x42: {  	v38 =	vld [tilespmem:s20+$0xFFFFFE60]  }
0x43: {  	v9 =	vadd.f32 v10, v9;
	v10 =	vmul.f32 v37, v4  }
0x44: {  	v39 =	vld [tilespmem:s20+$0xFFFFFE70]  }
0x45: {  	v9 =	vadd.f32 v10, v9;
	v10 =	vmul.f32 v11, v3;
	_ =	sdelay $0x1  }
0x46: {  	v9 =	vadd.f32 v10, v9;
	v10 =	vmul.f32 v38, v2;
	_ =	sdelay $0x1  }
0x47: {  	v9 =	vadd.f32 v10, v9;
	v10 =	vmul.f32 v39, v1;
	_ =	sdelay $0x1  }
0x48: {  	v9 =	vadd.f32 v10, v9;
	_ =	sdelay $0x1  }
0x49: {  	[tilespmem:s21+$0x6560] =	vst v9  }
0x4a: {  	v9 =	vld [tilespmem:s20+$0xFFFFFE80]  }
0x4b: {  	v10 =	vld [tilespmem:s20+$0xFFFFFE90];
	_ =	sdelay $0x1  }
0x4c: {  	v11 =	vld [tilespmem:s20+$0xFFFFFEA0];
	_ =	sdelay $0x1  }
0x4d: {  	v40 =	vld [tilespmem:s20+$0xFFFFFEB0]  }
0x4e: {  	v9 =	vmul.f32 v9, v8;
	v10 =	vmul.f32 v10, v7  }
0x4f: {  	v41 =	vld [tilespmem:s20+$0xFFFFFEC0]  }
0x50: {  	v9 =	vadd.f32 v10, v9;
	v10 =	vmul.f32 v11, v6  }
0x51: {  	v11 =	vld [tilespmem:s20+$0xFFFFFED0]  }
0x52: {  	v9 =	vadd.f32 v10, v9;
	v10 =	vmul.f32 v40, v5  }
0x53: {  	v42 =	vld [tilespmem:s20+$0xFFFFFEE0]  }
0x54: {  	v9 =	vadd.f32 v10, v9;
	v10 =	vmul.f32 v41, v4  }
0x55: {  	v43 =	vld [tilespmem:s20+$0xFFFFFEF0]  }
0x56: {  	v9 =	vadd.f32 v10, v9;
	v10 =	vmul.f32 v11, v3;
	_ =	sdelay $0x1  }
0x57: {  	v9 =	vadd.f32 v10, v9;
	v10 =	vmul.f32 v42, v2;
	_ =	sdelay $0x1  }
0x58: {  	v9 =	vadd.f32 v10, v9;
	v10 =	vmul.f32 v43, v1;
	_ =	sdelay $0x1  }
0x59: {  	v9 =	vadd.f32 v10, v9;
	_ =	sdelay $0x1  }
0x5a: {  	[tilespmem:s21+$0x6570] =	vst v9  }
0x5b: {  	v9 =	vld [tilespmem:s20+$0xFFFFFF00]  }
0x5c: {  	v10 =	vld [tilespmem:s20+$0xFFFFFF10];
	_ =	sdelay $0x1  }
0x5d: {  	v11 =	vld [tilespmem:s20+$0xFFFFFF20];
	_ =	sdelay $0x1  }
0x5e: {  	v44 =	vld [tilespmem:s20+$0xFFFFFF30]  }
0x5f: {  	v9 =	vmul.f32 v9, v8;
	v10 =	vmul.f32 v10, v7  }
0x60: {  	v45 =	vld [tilespmem:s20+$0xFFFFFF40]  }
0x61: {  	v9 =	vadd.f32 v10, v9;
	v10 =	vmul.f32 v11, v6  }
0x62: {  	v11 =	vld [tilespmem:s20+$0xFFFFFF50]  }
0x63: {  	v9 =	vadd.f32 v10, v9;
	v10 =	vmul.f32 v44, v5  }
0x64: {  	v46 =	vld [tilespmem:s20+$0xFFFFFF60]  }
0x65: {  	v9 =	vadd.f32 v10, v9;
	v10 =	vmul.f32 v45, v4  }
0x66: {  	v47 =	vld [tilespmem:s20+$0xFFFFFF70]  }
0x67: {  	v9 =	vadd.f32 v10, v9;
	v10 =	vmul.f32 v11, v3;
	_ =	sdelay $0x1  }
0x68: {  	v9 =	vadd.f32 v10, v9;
	v10 =	vmul.f32 v46, v2;
	_ =	sdelay $0x1  }
0x69: {  	v9 =	vadd.f32 v10, v9;
	v10 =	vmul.f32 v47, v1;
	_ =	sdelay $0x1  }
0x6a: {  	v9 =	vadd.f32 v10, v9;
	_ =	sdelay $0x1  }
0x6b: {  	[tilespmem:s21+$0x6580] =	vst v9  }
0x6c: {  	v9 =	vld [tilespmem:s20+$0xFFFFFF90]  }
0x6d: {  	v10 =	vld [tilespmem:s20+$0xFFFFFF80];
	_ =	sdelay $0x1  }
0x6e: {  	v11 =	vld [tilespmem:s20+$0xFFFFFFA0];
	_ =	sdelay $0x1  }
0x6f: {  	v48 =	vld [tilespmem:s20+$0xFFFFFFB0]  }
0x70: {  	v10 =	vmul.f32 v10, v8;
	v9 =	vmul.f32 v9, v7  }
0x71: {  	v49 =	vld [tilespmem:s20+$0xFFFFFFC0]  }
0x72: {  	v11 =	vmul.f32 v11, v6;
	v9 =	vadd.f32 v9, v10  }
0x73: {  	v10 =	vld [tilespmem:s20+$0xFFFFFFD0]  }
0x74: {  	v9 =	vadd.f32 v11, v9;
	v11 =	vmul.f32 v48, v5  }
0x75: {  	v50 =	vld [tilespmem:s20+$0xFFFFFFE0]  }
0x76: {  	v13 =	vmul.f32 v49, v4;
	v9 =	vadd.f32 v11, v9  }
0x77: {  	v11 =	vld [tilespmem:s20+$0xFFFFFFF0]  }
0x78: {  	v10 =	vmul.f32 v10, v3;
	v9 =	vadd.f32 v13, v9;
	_ =	sdelay $0x1  }
0x79: {  	v9 =	vadd.f32 v10, v9;
	v10 =	vmul.f32 v50, v2;
	_ =	sdelay $0x1  }
0x7a: {  	v9 =	vadd.f32 v10, v9;
	v10 =	vmul.f32 v11, v1;
	_ =	sdelay $0x1  }
0x7b: {  	v9 =	vadd.f32 v10, v9;
	_ =	sdelay $0x1  }
0x7c: {  	[tilespmem:s21+$0x6590] =	vst v9  }
0x7d: {  	v9 =	vld [tilespmem:s20+$0x0]  }
0x7e: {  	v10 =	vld [tilespmem:s20+$0x10];
	_ =	sdelay $0x1  }
0x7f: {  	v11 =	vld [tilespmem:s20+$0x20];
	_ =	sdelay $0x1  }
0x80: {  	v51 =	vld [tilespmem:s20+$0x30]  }
0x81: {  	v9 =	vmul.f32 v9, v8;
	v10 =	vmul.f32 v10, v7  }
0x82: {  	v52 =	vld [tilespmem:s20+$0x40]  }
0x83: {  	v9 =	vadd.f32 v10, v9;
	v10 =	vmul.f32 v11, v6  }
0x84: {  	v11 =	vld [tilespmem:s20+$0x50]  }
0x85: {  	v12 =	vmul.f32 v51, v5;
	v9 =	vadd.f32 v10, v9  }
0x86: {  	v10 =	vld [tilespmem:s20+$0x60]  }
0x87: {  	v53 =	vmul.f32 v52, v4;
	v9 =	vadd.f32 v12, v9  }
0x88: {  	v54 =	vld [tilespmem:s20+$0x70]  }
0x89: {  	v11 =	vmul.f32 v11, v3;
	v9 =	vadd.f32 v53, v9;
	_ =	sdelay $0x1  }
0x8a: {  	v10 =	vmul.f32 v10, v2;
	v9 =	vadd.f32 v11, v9;
	_ =	sdelay $0x1  }
0x8b: {  	v9 =	vadd.f32 v10, v9;
	v10 =	vmul.f32 v54, v1;
	_ =	sdelay $0x1  }
0x8c: {  	v9 =	vadd.f32 v10, v9;
	_ =	sdelay $0x1  }
0x8d: {  	[tilespmem:s21+$0x65A0] =	vst v9  }
0x8e: {  	v9 =	vld [tilespmem:s20+$0x80]  }
0x8f: {  	v10 =	vld [tilespmem:s20+$0x90];
	_ =	sdelay $0x1  }
0x90: {  	v11 =	vld [tilespmem:s20+$0xA0];
	_ =	sdelay $0x1  }
0x91: {  	v55 =	vld [tilespmem:s20+$0xB0]  }
0x92: {  	v9 =	vmul.f32 v9, v8;
	v10 =	vmul.f32 v10, v7  }
0x93: {  	v56 =	vld [tilespmem:s20+$0xC0]  }
0x94: {  	v9 =	vadd.f32 v10, v9;
	v10 =	vmul.f32 v11, v6  }
0x95: {  	v11 =	vld [tilespmem:s20+$0xD0]  }
0x96: {  	v12 =	vmul.f32 v55, v5;
	v9 =	vadd.f32 v10, v9  }
0x97: {  	v10 =	vld [tilespmem:s20+$0xE0]  }
0x98: {  	v13 =	vmul.f32 v56, v4;
	v9 =	vadd.f32 v12, v9  }
0x99: {  	v57 =	vld [tilespmem:s20+$0xF0]  }
0x9a: {  	v11 =	vmul.f32 v11, v3;
	v9 =	vadd.f32 v13, v9;
	_ =	sdelay $0x1  }
0x9b: {  	v10 =	vmul.f32 v10, v2;
	v9 =	vadd.f32 v11, v9;
	_ =	sdelay $0x1  }
0x9c: {  	v11 =	vmul.f32 v57, v1;
	v9 =	vadd.f32 v10, v9;
	_ =	sdelay $0x1  }
0x9d: {  	v9 =	vadd.f32 v11, v9;
	_ =	sdelay $0x1  }
0x9e: {  	[tilespmem:s21+$0x65B0] =	vst v9  }
0x9f: {  	v9 =	vld [tilespmem:s20+$0x100]  }
0xa0: {  	v10 =	vld [tilespmem:s20+$0x110];
	_ =	sdelay $0x1  }
0xa1: {  	v11 =	vld [tilespmem:s20+$0x120];
	_ =	sdelay $0x1  }
0xa2: {  	v58 =	vld [tilespmem:s20+$0x130]  }
0xa3: {  	v9 =	vmul.f32 v9, v8;
	v10 =	vmul.f32 v10, v7  }
0xa4: {  	v59 =	vld [tilespmem:s20+$0x140]  }
0xa5: {  	v9 =	vadd.f32 v10, v9;
	v10 =	vmul.f32 v11, v6  }
0xa6: {  	v11 =	vld [tilespmem:s20+$0x150]  }
0xa7: {  	v12 =	vmul.f32 v58, v5;
	v9 =	vadd.f32 v10, v9  }
0xa8: {  	v10 =	vld [tilespmem:s20+$0x160]  }
0xa9: {  	v13 =	vmul.f32 v59, v4;
	v9 =	vadd.f32 v12, v9  }
0xaa: {  	v60 =	vld [tilespmem:s20+$0x170]  }
0xab: {  	v11 =	vmul.f32 v11, v3;
	v9 =	vadd.f32 v13, v9;
	_ =	sdelay $0x1  }
0xac: {  	v10 =	vmul.f32 v10, v2;
	v9 =	vadd.f32 v11, v9;
	_ =	sdelay $0x1  }
0xad: {  	v11 =	vmul.f32 v60, v1;
	v9 =	vadd.f32 v10, v9;
	_ =	sdelay $0x1  }
0xae: {  	v9 =	vadd.f32 v11, v9;
	_ =	sdelay $0x1  }
0xaf: {  	[tilespmem:s21+$0x65C0] =	vst v9  }
0xb0: {  	v9 =	vld [tilespmem:s20+$0x180]  }
0xb1: {  	v10 =	vld [tilespmem:s20+$0x190];
	_ =	sdelay $0x1  }
0xb2: {  	v11 =	vld [tilespmem:s20+$0x1A0];
	_ =	sdelay $0x1  }
0xb3: {  	v61 =	vld [tilespmem:s20+$0x1B0]  }
0xb4: {  	v9 =	vmul.f32 v9, v8;
	v10 =	vmul.f32 v10, v7  }
0xb5: {  	v62 =	vld [tilespmem:s20+$0x1C0]  }
0xb6: {  	v11 =	vmul.f32 v11, v6;
	v9 =	vadd.f32 v10, v9  }
0xb7: {  	v10 =	vld [tilespmem:s20+$0x1D0]  }
0xb8: {  	v12 =	vmul.f32 v61, v5;
	v9 =	vadd.f32 v11, v9  }
0xb9: {  	v11 =	vld [tilespmem:s20+$0x1E0]  }
0xba: {  	v13 =	vmul.f32 v62, v4;
	v9 =	vadd.f32 v12, v9  }
0xbb: {  	v63 =	vld [tilespmem:s20+$0x1F0]  }
0xbc: {  	v10 =	vmul.f32 v10, v3;
	v9 =	vadd.f32 v13, v9;
	_ =	sdelay $0x1  }
0xbd: {  	v11 =	vmul.f32 v11, v2;
	v9 =	vadd.f32 v10, v9;
	_ =	sdelay $0x1  }
0xbe: {  	v10 =	vmul.f32 v63, v1;
	v9 =	vadd.f32 v11, v9;
	_ =	sdelay $0x1  }
0xbf: {  	s23 =	simm.s32 $0x5C0;
	s22 =	simm.s32 $0x900;
	v9 =	vadd.f32 v10, v9  }
.LBB2_3:
0xc0: {  	p1 =	sne.s32 s23, $0x17C0  }
0xc1: {  	s20 =	sadd.s32 $0x600, s20;
	s24 =	smov.u32 s23;
	s23 =	sadd.s32 $0x300, s23  }
0xc2: {  	[tilespmem:s21+$0x65D0] =	vst v9  }
0xc3: {  	v9 =	vld [tilespmem:s22+$0x200]  }
0xc4: {  	v10 =	vld [tilespmem:s22+$0x210]  }
0xc5: {  	v11 =	vld [tilespmem:s22+$0x220]  }
0xc6: {  	v12 =	vld [tilespmem:s22+$0x230]  }
0xc7: {  	v13 =	vld [tilespmem:s22+$0x240]  }
0xc8: {  	v9 =	vmul.f32 v9, v8;
	v14 =	vld [tilespmem:s22+$0x250]  }
0xc9: {  	v10 =	vmul.f32 v10, v7;
	v15 =	vld [tilespmem:s22+$0x260]  }
0xca: {  	v11 =	vmul.f32 v11, v6;
	v16 =	vld [tilespmem:s22+$0x270]  }
0xcb: {  	v9 =	vadd.f32 v10, v9;
	v10 =	vmul.f32 v12, v5  }
0xcc: {  	v12 =	vmul.f32 v13, v4  }
0xcd: {  	v9 =	vadd.f32 v11, v9;
	v11 =	vmul.f32 v14, v3  }
0xce: {  	v13 =	vmul.f32 v15, v2  }
0xcf: {  	v9 =	vadd.f32 v10, v9;
	v10 =	vmul.f32 v16, v1;
	_ =	sdelay $0x1  }
0xd0: {  	v9 =	vadd.f32 v12, v9;
	_ =	sdelay $0x1  }
0xd1: {  	v9 =	vadd.f32 v11, v9;
	_ =	sdelay $0x1  }
0xd2: {  	v9 =	vadd.f32 v13, v9;
	_ =	sdelay $0x1  }
0xd3: {  	v9 =	vadd.f32 v10, v9;
	_ =	sdelay $0x1  }
0xd4: {  	[tilespmem:s21+$0x65E0] =	vst v9  }
0xd5: {  	v9 =	vld [tilespmem:s22+$0x280]  }
0xd6: {  	v10 =	vld [tilespmem:s22+$0x290]  }
0xd7: {  	v11 =	vld [tilespmem:s22+$0x2A0]  }
0xd8: {  	v12 =	vld [tilespmem:s22+$0x2B0]  }
0xd9: {  	v13 =	vld [tilespmem:s22+$0x2C0]  }
0xda: {  	v8 =	vmul.f32 v9, v8;
	v9 =	vld [tilespmem:s22+$0x2D0]  }
0xdb: {  	v7 =	vmul.f32 v10, v7;
	v10 =	vld [tilespmem:s22+$0x2E0]  }
0xdc: {  	v6 =	vmul.f32 v11, v6;
	v11 =	vld [tilespmem:s22+$0x2F0];
	s22 =	smov.u32 s20  }
0xdd: {  	v7 =	vadd.f32 v7, v8;
	v5 =	vmul.f32 v12, v5  }
0xde: {  	v4 =	vmul.f32 v13, v4  }
0xdf: {  	v6 =	vadd.f32 v6, v7;
	v3 =	vmul.f32 v9, v3  }
0xe0: {  	v2 =	vmul.f32 v10, v2  }
0xe1: {  	v5 =	vadd.f32 v5, v6;
	v1 =	vmul.f32 v11, v1;
	_ =	sdelay $0x1  }
0xe2: {  	v4 =	vadd.f32 v4, v5;
	_ =	sdelay $0x1  }
0xe3: {  	v3 =	vadd.f32 v3, v4;
	_ =	sdelay $0x1  }
0xe4: {  	v2 =	vadd.f32 v2, v3;
	_ =	sdelay $0x1  }
0xe5: {  	v1 =	vadd.f32 v1, v2;
	_ =	sdelay $0x1  }
0xe6: {  	[tilespmem:s21+$0x65F0] =	vst v1  }
0xe7: {  	v1 =	vld [tilespmem:s20+$0xFFFFFD70]  }
0xe8: {  	v2 =	vld [tilespmem:s20+$0xFFFFFD60]  }
0xe9: {  	v3 =	vld [tilespmem:s20+$0xFFFFFD50]  }
0xea: {  	v4 =	vld [tilespmem:s20+$0xFFFFFD40]  }
0xeb: {  	v5 =	vld [tilespmem:s20+$0xFFFFFD30]  }
0xec: {  	v6 =	vld [tilespmem:s20+$0xFFFFFD20]  }
0xed: {  	v8 =	vld [tilespmem:s20+$0xFFFFFD00]  }
0xee: {  	s21 =	sshra.s32 s24, $0x2;
	v7 =	vld [tilespmem:s20+$0xFFFFFD10]  }
0xef: {  	[tilespmem:s21+$0x6600] =	vst v0  }
0xf0: {  	v9 =	vld [tilespmem:s20+$0xFFFFFD80]  }
0xf1: {  	v10 =	vld [tilespmem:s20+$0xFFFFFD90];
	_ =	sdelay $0x1  }
0xf2: {  	v11 =	vld [tilespmem:s20+$0xFFFFFDA0];
	_ =	sdelay $0x1  }
0xf3: {  	v9 =	vmul.f32 v9, v8;
	v12 =	vld [tilespmem:s20+$0xFFFFFDB0]  }
0xf4: {  	v10 =	vmul.f32 v10, v7  }
0xf5: {  	v13 =	vld [tilespmem:s20+$0xFFFFFDC0]  }
0xf6: {  	v9 =	vadd.f32 v10, v9;
	v10 =	vmul.f32 v11, v6  }
0xf7: {  	v11 =	vld [tilespmem:s20+$0xFFFFFDD0]  }
0xf8: {  	v9 =	vadd.f32 v10, v9;
	v10 =	vmul.f32 v12, v5  }
0xf9: {  	v12 =	vld [tilespmem:s20+$0xFFFFFDE0]  }
0xfa: {  	v9 =	vadd.f32 v10, v9;
	v10 =	vmul.f32 v13, v4  }
0xfb: {  	v13 =	vld [tilespmem:s20+$0xFFFFFDF0]  }
0xfc: {  	v9 =	vadd.f32 v10, v9;
	v10 =	vmul.f32 v11, v3;
	_ =	sdelay $0x1  }
0xfd: {  	v9 =	vadd.f32 v10, v9;
	v10 =	vmul.f32 v12, v2;
	_ =	sdelay $0x1  }
0xfe: {  	v9 =	vadd.f32 v10, v9;
	v10 =	vmul.f32 v13, v1;
	_ =	sdelay $0x1  }
0xff: {  	v9 =	vadd.f32 v10, v9;
	_ =	sdelay $0x1  }
0x100: {  	[tilespmem:s21+$0x6550] =	vst v9  }
0x101: {  	v9 =	vld [tilespmem:s20+$0xFFFFFE00]  }
0x102: {  	v10 =	vld [tilespmem:s20+$0xFFFFFE10];
	_ =	sdelay $0x1  }
0x103: {  	v11 =	vld [tilespmem:s20+$0xFFFFFE20];
	_ =	sdelay $0x1  }
0x104: {  	v9 =	vmul.f32 v9, v8;
	v12 =	vld [tilespmem:s20+$0xFFFFFE30]  }
0x105: {  	v10 =	vmul.f32 v10, v7  }
0x106: {  	v13 =	vld [tilespmem:s20+$0xFFFFFE40]  }
0x107: {  	v9 =	vadd.f32 v10, v9;
	v10 =	vmul.f32 v11, v6  }
0x108: {  	v11 =	vld [tilespmem:s20+$0xFFFFFE50]  }
0x109: {  	v9 =	vadd.f32 v10, v9;
	v10 =	vmul.f32 v12, v5  }
0x10a: {  	v12 =	vld [tilespmem:s20+$0xFFFFFE60]  }
0x10b: {  	v9 =	vadd.f32 v10, v9;
	v10 =	vmul.f32 v13, v4  }
0x10c: {  	v13 =	vld [tilespmem:s20+$0xFFFFFE70]  }
0x10d: {  	v9 =	vadd.f32 v10, v9;
	v10 =	vmul.f32 v11, v3;
	_ =	sdelay $0x1  }
0x10e: {  	v9 =	vadd.f32 v10, v9;
	v10 =	vmul.f32 v12, v2;
	_ =	sdelay $0x1  }
0x10f: {  	v9 =	vadd.f32 v10, v9;
	v10 =	vmul.f32 v13, v1;
	_ =	sdelay $0x1  }
0x110: {  	v9 =	vadd.f32 v10, v9;
	_ =	sdelay $0x1  }
0x111: {  	[tilespmem:s21+$0x6560] =	vst v9  }
0x112: {  	v9 =	vld [tilespmem:s20+$0xFFFFFE80]  }
0x113: {  	v10 =	vld [tilespmem:s20+$0xFFFFFE90]  }
0x114: {  	v11 =	vld [tilespmem:s20+$0xFFFFFED0]  }
0x115: {  	v12 =	vld [tilespmem:s20+$0xFFFFFEA0];
	_ =	sdelay $0x1  }
0x116: {  	v9 =	vmul.f32 v9, v8;
	v13 =	vld [tilespmem:s20+$0xFFFFFEB0]  }
0x117: {  	v10 =	vmul.f32 v10, v7  }
0x118: {  	v14 =	vld [tilespmem:s20+$0xFFFFFEC0]  }
0x119: {  	v9 =	vadd.f32 v10, v9;
	v10 =	vmul.f32 v12, v6;
	_ =	sdelay $0x1  }
0x11a: {  	v9 =	vadd.f32 v10, v9;
	v10 =	vmul.f32 v13, v5  }
0x11b: {  	v12 =	vld [tilespmem:s20+$0xFFFFFEE0]  }
0x11c: {  	v9 =	vadd.f32 v10, v9;
	v10 =	vmul.f32 v14, v4  }
0x11d: {  	v13 =	vld [tilespmem:s20+$0xFFFFFEF0]  }
0x11e: {  	v9 =	vadd.f32 v10, v9;
	v10 =	vmul.f32 v11, v3;
	_ =	sdelay $0x1  }
0x11f: {  	v9 =	vadd.f32 v10, v9;
	v10 =	vmul.f32 v12, v2;
	_ =	sdelay $0x1  }
0x120: {  	v9 =	vadd.f32 v10, v9;
	v10 =	vmul.f32 v13, v1;
	_ =	sdelay $0x1  }
0x121: {  	v9 =	vadd.f32 v10, v9;
	_ =	sdelay $0x1  }
0x122: {  	[tilespmem:s21+$0x6570] =	vst v9  }
0x123: {  	v9 =	vld [tilespmem:s20+$0xFFFFFF00]  }
0x124: {  	v10 =	vld [tilespmem:s20+$0xFFFFFF10]  }
0x125: {  	v11 =	vld [tilespmem:s20+$0xFFFFFF30]  }
0x126: {  	v12 =	vld [tilespmem:s20+$0xFFFFFF20]  }
0x127: {  	v13 =	vld [tilespmem:s20+$0xFFFFFF40]  }
0x128: {  	v9 =	vmul.f32 v9, v8;
	v14 =	vld [tilespmem:s20+$0xFFFFFF50]  }
0x129: {  	v10 =	vmul.f32 v10, v7;
	_ =	sdelay $0x1  }
0x12a: {  	v9 =	vadd.f32 v10, v9;
	v10 =	vmul.f32 v12, v6;
	_ =	sdelay $0x1  }
0x12b: {  	v9 =	vadd.f32 v10, v9;
	v10 =	vmul.f32 v11, v5  }
0x12c: {  	v11 =	vld [tilespmem:s20+$0xFFFFFF60]  }
0x12d: {  	v9 =	vadd.f32 v10, v9;
	v10 =	vmul.f32 v13, v4  }
0x12e: {  	v12 =	vld [tilespmem:s20+$0xFFFFFF70]  }
0x12f: {  	v9 =	vadd.f32 v10, v9;
	v10 =	vmul.f32 v14, v3;
	_ =	sdelay $0x1  }
0x130: {  	v9 =	vadd.f32 v10, v9;
	v10 =	vmul.f32 v11, v2;
	_ =	sdelay $0x1  }
0x131: {  	v9 =	vadd.f32 v10, v9;
	v10 =	vmul.f32 v12, v1;
	_ =	sdelay $0x1  }
0x132: {  	v9 =	vadd.f32 v10, v9;
	_ =	sdelay $0x1  }
0x133: {  	[tilespmem:s21+$0x6580] =	vst v9  }
0x134: {  	v9 =	vld [tilespmem:s20+$0xFFFFFF90]  }
0x135: {  	v10 =	vld [tilespmem:s20+$0xFFFFFF80]  }
0x136: {  	v11 =	vld [tilespmem:s20+$0xFFFFFFA0]  }
0x137: {  	v12 =	vld [tilespmem:s20+$0xFFFFFFC0]  }
0x138: {  	v13 =	vld [tilespmem:s20+$0xFFFFFFB0];
	_ =	sdelay $0x1  }
0x139: {  	v9 =	vmul.f32 v9, v7;
	v10 =	vmul.f32 v10, v8  }
0x13a: {  	v11 =	vmul.f32 v11, v6  }
0x13b: {  	v9 =	vadd.f32 v9, v10;
	v10 =	vmul.f32 v12, v4  }
0x13c: {  	v12 =	vld [tilespmem:s20+$0xFFFFFFD0]  }
0x13d: {  	v9 =	vadd.f32 v11, v9;
	v11 =	vmul.f32 v13, v5  }
0x13e: {  	v13 =	vld [tilespmem:s20+$0xFFFFFFE0]  }
0x13f: {  	v9 =	vadd.f32 v11, v9  }
0x140: {  	v11 =	vld [tilespmem:s20+$0xFFFFFFF0]  }
0x141: {  	v9 =	vadd.f32 v10, v9;
	v10 =	vmul.f32 v12, v3;
	_ =	sdelay $0x1  }
0x142: {  	v9 =	vadd.f32 v10, v9;
	v10 =	vmul.f32 v13, v2;
	_ =	sdelay $0x1  }
0x143: {  	v9 =	vadd.f32 v10, v9;
	v10 =	vmul.f32 v11, v1;
	_ =	sdelay $0x1  }
0x144: {  	v9 =	vadd.f32 v10, v9;
	_ =	sdelay $0x1  }
0x145: {  	[tilespmem:s21+$0x6590] =	vst v9  }
0x146: {  	v9 =	vld [tilespmem:s20+$0x0]  }
0x147: {  	v10 =	vld [tilespmem:s20+$0x10]  }
0x148: {  	v11 =	vld [tilespmem:s20+$0x30]  }
0x149: {  	v12 =	vld [tilespmem:s20+$0x20];
	_ =	sdelay $0x1  }
0x14a: {  	v9 =	vmul.f32 v9, v8  }
0x14b: {  	v10 =	vmul.f32 v10, v7  }
0x14c: {  	v11 =	vmul.f32 v11, v5;
	v13 =	vld [tilespmem:s20+$0x40]  }
0x14d: {  	v9 =	vadd.f32 v10, v9;
	v10 =	vmul.f32 v12, v6  }
0x14e: {  	v12 =	vld [tilespmem:s20+$0x50]  }
0x14f: {  	v9 =	vadd.f32 v10, v9  }
0x150: {  	v10 =	vld [tilespmem:s20+$0x60]  }
0x151: {  	v9 =	vadd.f32 v11, v9;
	v11 =	vmul.f32 v13, v4  }
0x152: {  	v13 =	vld [tilespmem:s20+$0x70]  }
0x153: {  	v9 =	vadd.f32 v11, v9;
	v11 =	vmul.f32 v12, v3;
	_ =	sdelay $0x1  }
0x154: {  	v9 =	vadd.f32 v11, v9;
	v10 =	vmul.f32 v10, v2;
	_ =	sdelay $0x1  }
0x155: {  	v9 =	vadd.f32 v10, v9;
	v10 =	vmul.f32 v13, v1;
	_ =	sdelay $0x1  }
0x156: {  	v9 =	vadd.f32 v10, v9;
	_ =	sdelay $0x1  }
0x157: {  	[tilespmem:s21+$0x65A0] =	vst v9  }
0x158: {  	v9 =	vld [tilespmem:s20+$0x80]  }
0x159: {  	v10 =	vld [tilespmem:s20+$0x90]  }
0x15a: {  	v11 =	vld [tilespmem:s20+$0xA0]  }
0x15b: {  	v12 =	vld [tilespmem:s20+$0xB0]  }
0x15c: {  	v13 =	vld [tilespmem:s20+$0xC0]  }
0x15d: {  	v9 =	vmul.f32 v9, v8;
	v14 =	vld [tilespmem:s20+$0xD0]  }
0x15e: {  	v10 =	vmul.f32 v10, v7;
	v15 =	vld [tilespmem:s20+$0xE0]  }
0x15f: {  	v16 =	vld [tilespmem:s20+$0xF0]  }
0x160: {  	v9 =	vadd.f32 v10, v9;
	v10 =	vmul.f32 v11, v6;
	v11 =	vmul.f32 v12, v5  }
0x161: {  	v12 =	vmul.f32 v13, v4  }
0x162: {  	v9 =	vadd.f32 v10, v9;
	v10 =	vmul.f32 v14, v3  }
0x163: {  	v13 =	vmul.f32 v15, v2  }
0x164: {  	v9 =	vadd.f32 v11, v9;
	v11 =	vmul.f32 v16, v1;
	_ =	sdelay $0x1  }
0x165: {  	v9 =	vadd.f32 v12, v9;
	_ =	sdelay $0x1  }
0x166: {  	v9 =	vadd.f32 v10, v9;
	_ =	sdelay $0x1  }
0x167: {  	v9 =	vadd.f32 v13, v9;
	_ =	sdelay $0x1  }
0x168: {  	v9 =	vadd.f32 v11, v9;
	_ =	sdelay $0x1  }
0x169: {  	[tilespmem:s21+$0x65B0] =	vst v9  }
0x16a: {  	v9 =	vld [tilespmem:s20+$0x100]  }
0x16b: {  	v10 =	vld [tilespmem:s20+$0x110]  }
0x16c: {  	v11 =	vld [tilespmem:s20+$0x120]  }
0x16d: {  	v12 =	vld [tilespmem:s20+$0x130]  }
0x16e: {  	v13 =	vld [tilespmem:s20+$0x140]  }
0x16f: {  	v9 =	vmul.f32 v9, v8;
	v14 =	vld [tilespmem:s20+$0x150]  }
0x170: {  	v10 =	vmul.f32 v10, v7;
	v15 =	vld [tilespmem:s20+$0x160]  }
0x171: {  	v16 =	vld [tilespmem:s20+$0x170]  }
0x172: {  	v9 =	vadd.f32 v10, v9;
	v10 =	vmul.f32 v11, v6;
	v11 =	vmul.f32 v12, v5  }
0x173: {  	v12 =	vmul.f32 v13, v4  }
0x174: {  	v9 =	vadd.f32 v10, v9;
	v10 =	vmul.f32 v14, v3  }
0x175: {  	v13 =	vmul.f32 v15, v2  }
0x176: {  	v9 =	vadd.f32 v11, v9;
	v11 =	vmul.f32 v16, v1;
	_ =	sdelay $0x1  }
0x177: {  	v9 =	vadd.f32 v12, v9;
	_ =	sdelay $0x1  }
0x178: {  	v9 =	vadd.f32 v10, v9;
	_ =	sdelay $0x1  }
0x179: {  	v9 =	vadd.f32 v13, v9;
	_ =	sdelay $0x1  }
0x17a: {  	v9 =	vadd.f32 v11, v9;
	_ =	sdelay $0x1  }
0x17b: {  	[tilespmem:s21+$0x65C0] =	vst v9  }
0x17c: {  	v9 =	vld [tilespmem:s20+$0x180]  }
0x17d: {  	v10 =	vld [tilespmem:s20+$0x190]  }
0x17e: {  	v11 =	vld [tilespmem:s20+$0x1A0]  }
0x17f: {  	v12 =	vld [tilespmem:s20+$0x1B0]  }
0x180: {  	v13 =	vld [tilespmem:s20+$0x1C0]  }
0x181: {  	v9 =	vmul.f32 v9, v8;
	v14 =	vld [tilespmem:s20+$0x1D0]  }
0x182: {  	v10 =	vmul.f32 v10, v7;
	v15 =	vld [tilespmem:s20+$0x1E0]  }
0x183: {  	v11 =	vmul.f32 v11, v6;
	v16 =	vld [tilespmem:s20+$0x1F0]  }
0x184: {  	v9 =	vadd.f32 v10, v9;
	v10 =	vmul.f32 v12, v5  }
0x185: {  	v12 =	vmul.f32 v13, v4  }
0x186: {  	v9 =	vadd.f32 v11, v9;
	v11 =	vmul.f32 v14, v3  }
0x187: {  	v13 =	vmul.f32 v15, v2  }
0x188: {  	v9 =	vadd.f32 v10, v9;
	v10 =	vmul.f32 v16, v1;
	_ =	sdelay $0x1  }
0x189: {  	v9 =	vadd.f32 v12, v9;
	_ =	sdelay $0x1  }
.Ltmp2:
0x18a: {  	v9 =	vadd.f32 v11, v9;
	(pc) =	sbr.rel @p1 .LBB2_3-.Ltmp2, $3  }
0x18b: {  	_ = 	snop  }
0x18c: {  	v9 =	vadd.f32 v13, v9;
	_ =	sdelay $0x1  }
0x18d: {  	v9 =	vadd.f32 v10, v9  }
0x18e: {  	_ = 	snop  }
0x18f: {  	[tilespmem:s21+$0x65D0] =	vst v9  }
0x190: {  	v9 =	vld [tilespmem:s22+$0x200]  }
0x191: {  	v10 =	vld [tilespmem:s22+$0x210];
	_ =	sdelay $0x1  }
0x192: {  	v11 =	vld [tilespmem:s22+$0x220];
	_ =	sdelay $0x1  }
0x193: {  	v12 =	vld [tilespmem:s22+$0x230]  }
0x194: {  	v9 =	vmul.f32 v9, v8;
	v10 =	vmul.f32 v10, v7  }
0x195: {  	v13 =	vld [tilespmem:s22+$0x240]  }
0x196: {  	v11 =	vmul.f32 v11, v6;
	v9 =	vadd.f32 v10, v9  }
0x197: {  	v48 =	vld [tilespmem:s22+$0x250]  }
0x198: {  	v12 =	vmul.f32 v12, v5;
	v9 =	vadd.f32 v11, v9  }
0x199: {  	v49 =	vld [tilespmem:s22+$0x260]  }
0x19a: {  	v13 =	vmul.f32 v13, v4;
	v9 =	vadd.f32 v12, v9  }
0x19b: {  	v50 =	vld [tilespmem:s22+$0x270]  }
0x19c: {  	v10 =	vmul.f32 v48, v3;
	v9 =	vadd.f32 v13, v9;
	_ =	sdelay $0x1  }
0x19d: {  	v11 =	vmul.f32 v49, v2;
	v9 =	vadd.f32 v10, v9;
	_ =	sdelay $0x1  }
0x19e: {  	v51 =	vmul.f32 v50, v1;
	v9 =	vadd.f32 v11, v9;
	_ =	sdelay $0x1  }
0x19f: {  	v9 =	vadd.f32 v51, v9;
	_ =	sdelay $0x1  }
0x1a0: {  	[tilespmem:s21+$0x65E0] =	vst v9  }
0x1a1: {  	v9 =	vld [tilespmem:s22+$0x280]  }
0x1a2: {  	v52 =	vld [tilespmem:s22+$0x290];
	_ =	sdelay $0x1  }
0x1a3: {  	v53 =	vld [tilespmem:s22+$0x2A0];
	_ =	sdelay $0x1  }
0x1a4: {  	v54 =	vld [tilespmem:s22+$0x2B0]  }
0x1a5: {  	v55 =	vmul.f32 v9, v8;
	v56 =	vmul.f32 v52, v7  }
0x1a6: {  	v57 =	vld [tilespmem:s22+$0x2C0]  }
0x1a7: {  	v58 =	vmul.f32 v53, v6;
	v7 =	vadd.f32 v56, v55  }
0x1a8: {  	v59 =	vld [tilespmem:s22+$0x2D0]  }
0x1a9: {  	v60 =	vmul.f32 v54, v5;
	v6 =	vadd.f32 v58, v7  }
0x1aa: {  	v61 =	vld [tilespmem:s22+$0x2E0]  }
0x1ab: {  	v62 =	vmul.f32 v57, v4;
	v5 =	vadd.f32 v60, v6  }
0x1ac: {  	v63 =	vld [tilespmem:s22+$0x2F0]  }
0x1ad: {  	v3 =	vmul.f32 v59, v3;
	v4 =	vadd.f32 v62, v5;
	_ =	sdelay $0x1  }
0x1ae: {  	v2 =	vmul.f32 v61, v2;
	v3 =	vadd.f32 v3, v4;
	_ =	sdelay $0x1  }
0x1af: {  	s20 =	sshll.u32 s19, $0x4;
	p1 =	sne.s32 s19, $0x7;
	v1 =	vmul.f32 v63, v1;
	v2 =	vadd.f32 v2, v3  }
.Ltmp3:
0x1b0: {  	s30 =	sadd.s32 s5, s20;
	(pc) =	sbr.rel @p1 .LBB2_6-.Ltmp3, $3  }
0x1b1: {  	s22 =	smul.u32 $0x18, s30;
	v1 =	vadd.f32 v1, v2;
	_ =	sdelay $0x1  }
0x1b2: {  	s31 =	sadd.s32 s4, s22;
	[tilespmem:s21+$0x65F0] =	vst v1  }
0x1b3: {  	[hbm4b:s31+s3] =	stream.linear.scatter [tilespmem:s13], [sflag:$0x3], $0x600, $0x38;
	[tilespmem:$0x7200] =	vst v63  }
.Ltmp4:
0x1b4: {  	(pc) =	sbr.rel .LBB2_7-.Ltmp4, $4  }
0x1b5: {  	_ = 	snop  }
0x1b6: {  	_ =	swait.ge [sflag:s14], $0x3000  }
0x1b7: {  	[sflag:s14] =	ssyncset.done $0x0  }
0x1b8: {  	[sflag:s14] =	ssyncadd.s32 $0xFFFFD000  }
.LBB2_6:
0x1b9: {  	s21 =	smul.u32 $0x300, s19;
	_ =	sdelay $0x1  }
0x1ba: {  	s21 =	sshra.s32 s21, $0x2  }
.Ltmp5:
0x1bb: {  	s21 =	sadd.s32 $0xC0, s21;
	(pc) =	sbr.rel @p0 .LBB2_8-.Ltmp5, $4  }
0x1bc: {  	[tilespmem:s10], [sflag:$0x1] =	stream.indirect.gather [hbm4b:s2+s9], $0x80, s21, s9, $0xb8;
	[tilespmem:$0x7200] =	vst v63  }
0x1bd: {  	_ =	swait.ge [sflag:s14], $0x3000  }
0x1be: {  	[sflag:s14] =	ssyncset.done $0x0  }
0x1bf: {  	[sflag:s14] =	ssyncadd.s32 $0xFFFFD000  }
.LBB2_7:
0x1c0: {  	_ =	swait.ge [sflag:s15], $0x600  }
0x1c1: {  	[sflag:s15] =	ssyncset.done $0x0  }
0x1c2: {  	[sflag:s15] =	ssyncadd.s32 $0xFFFFFA00  }
.LBB2_8:
0x1c3: {  	s22 =	simm.s32 $0x3900  }
0x1c4: {  	v1 =	vld [tilespmem:s22+$0xFFFFFD70]  }
0x1c5: {  	v2 =	vld [tilespmem:s22+$0xFFFFFD60]  }
0x1c6: {  	v3 =	vld [tilespmem:s22+$0xFFFFFD50]  }
0x1c7: {  	v4 =	vld [tilespmem:s22+$0xFFFFFD40]  }
0x1c8: {  	v5 =	vld [tilespmem:s22+$0xFFFFFD30]  }
0x1c9: {  	v6 =	vld [tilespmem:s22+$0xFFFFFD20]  }
0x1ca: {  	s21 =	simm.s32 $0xB0;
	v8 =	vld [tilespmem:s22+$0xFFFFFD00]  }
0x1cb: {  	v7 =	vld [tilespmem:s22+$0xFFFFFD10];
	[tilespmem:s21+$0x6C00] =	vst v0  }
0x1cc: {  	v9 =	vld [tilespmem:s22+$0xFFFFFD80]  }
0x1cd: {  	v10 =	vld [tilespmem:s22+$0xFFFFFD90];
	_ =	sdelay $0x1  }
0x1ce: {  	v11 =	vld [tilespmem:s22+$0xFFFFFDA0];
	_ =	sdelay $0x1  }
0x1cf: {  	v12 =	vld [tilespmem:s22+$0xFFFFFDB0]  }
0x1d0: {  	v9 =	vmul.f32 v9, v8;
	v10 =	vmul.f32 v10, v7  }
0x1d1: {  	v13 =	vld [tilespmem:s22+$0xFFFFFDC0]  }
0x1d2: {  	v9 =	vadd.f32 v10, v9;
	v10 =	vmul.f32 v11, v6  }
0x1d3: {  	v11 =	vld [tilespmem:s22+$0xFFFFFDD0]  }
0x1d4: {  	v9 =	vadd.f32 v10, v9;
	v10 =	vmul.f32 v12, v5  }
0x1d5: {  	v34 =	vld [tilespmem:s22+$0xFFFFFDE0]  }
0x1d6: {  	v9 =	vadd.f32 v10, v9;
	v10 =	vmul.f32 v13, v4  }
0x1d7: {  	v35 =	vld [tilespmem:s22+$0xFFFFFDF0]  }
0x1d8: {  	v9 =	vadd.f32 v10, v9;
	v10 =	vmul.f32 v11, v3;
	_ =	sdelay $0x1  }
0x1d9: {  	v9 =	vadd.f32 v10, v9;
	v10 =	vmul.f32 v34, v2;
	_ =	sdelay $0x1  }
0x1da: {  	v9 =	vadd.f32 v10, v9;
	v10 =	vmul.f32 v35, v1;
	_ =	sdelay $0x1  }
0x1db: {  	v9 =	vadd.f32 v10, v9;
	_ =	sdelay $0x1  }
0x1dc: {  	[tilespmem:s21+$0x6B50] =	vst v9  }
0x1dd: {  	v9 =	vld [tilespmem:s22+$0xFFFFFE00]  }
0x1de: {  	v10 =	vld [tilespmem:s22+$0xFFFFFE10];
	_ =	sdelay $0x1  }
0x1df: {  	v11 =	vld [tilespmem:s22+$0xFFFFFE20];
	_ =	sdelay $0x1  }
0x1e0: {  	v36 =	vld [tilespmem:s22+$0xFFFFFE30]  }
0x1e1: {  	v9 =	vmul.f32 v9, v8;
	v10 =	vmul.f32 v10, v7  }
0x1e2: {  	v37 =	vld [tilespmem:s22+$0xFFFFFE40]  }
0x1e3: {  	v9 =	vadd.f32 v10, v9;
	v10 =	vmul.f32 v11, v6  }
0x1e4: {  	v11 =	vld [tilespmem:s22+$0xFFFFFE50]  }
0x1e5: {  	v9 =	vadd.f32 v10, v9;
	v10 =	vmul.f32 v36, v5  }
0x1e6: {  	v38 =	vld [tilespmem:s22+$0xFFFFFE60]  }
0x1e7: {  	v9 =	vadd.f32 v10, v9;
	v10 =	vmul.f32 v37, v4  }
0x1e8: {  	v39 =	vld [tilespmem:s22+$0xFFFFFE70]  }
0x1e9: {  	v9 =	vadd.f32 v10, v9;
	v10 =	vmul.f32 v11, v3;
	_ =	sdelay $0x1  }
0x1ea: {  	v9 =	vadd.f32 v10, v9;
	v10 =	vmul.f32 v38, v2;
	_ =	sdelay $0x1  }
0x1eb: {  	v9 =	vadd.f32 v10, v9;
	v10 =	vmul.f32 v39, v1;
	_ =	sdelay $0x1  }
0x1ec: {  	v9 =	vadd.f32 v10, v9;
	_ =	sdelay $0x1  }
0x1ed: {  	[tilespmem:s21+$0x6B60] =	vst v9  }
0x1ee: {  	v9 =	vld [tilespmem:s22+$0xFFFFFE80]  }
0x1ef: {  	v10 =	vld [tilespmem:s22+$0xFFFFFE90];
	_ =	sdelay $0x1  }
0x1f0: {  	v11 =	vld [tilespmem:s22+$0xFFFFFEA0];
	_ =	sdelay $0x1  }
0x1f1: {  	v40 =	vld [tilespmem:s22+$0xFFFFFEB0]  }
0x1f2: {  	v9 =	vmul.f32 v9, v8;
	v10 =	vmul.f32 v10, v7  }
0x1f3: {  	v41 =	vld [tilespmem:s22+$0xFFFFFEC0]  }
0x1f4: {  	v9 =	vadd.f32 v10, v9;
	v10 =	vmul.f32 v11, v6  }
0x1f5: {  	v11 =	vld [tilespmem:s22+$0xFFFFFED0]  }
0x1f6: {  	v9 =	vadd.f32 v10, v9;
	v10 =	vmul.f32 v40, v5  }
0x1f7: {  	v42 =	vld [tilespmem:s22+$0xFFFFFEE0]  }
0x1f8: {  	v9 =	vadd.f32 v10, v9;
	v10 =	vmul.f32 v41, v4  }
0x1f9: {  	v43 =	vld [tilespmem:s22+$0xFFFFFEF0]  }
0x1fa: {  	v9 =	vadd.f32 v10, v9;
	v10 =	vmul.f32 v11, v3;
	_ =	sdelay $0x1  }
0x1fb: {  	v9 =	vadd.f32 v10, v9;
	v10 =	vmul.f32 v42, v2;
	_ =	sdelay $0x1  }
0x1fc: {  	v9 =	vadd.f32 v10, v9;
	v10 =	vmul.f32 v43, v1;
	_ =	sdelay $0x1  }
0x1fd: {  	v9 =	vadd.f32 v10, v9;
	_ =	sdelay $0x1  }
0x1fe: {  	[tilespmem:s21+$0x6B70] =	vst v9  }
0x1ff: {  	v9 =	vld [tilespmem:s22+$0xFFFFFF00]  }
0x200: {  	v10 =	vld [tilespmem:s22+$0xFFFFFF10];
	_ =	sdelay $0x1  }
0x201: {  	v11 =	vld [tilespmem:s22+$0xFFFFFF20];
	_ =	sdelay $0x1  }
0x202: {  	v44 =	vld [tilespmem:s22+$0xFFFFFF30]  }
0x203: {  	v9 =	vmul.f32 v9, v8;
	v10 =	vmul.f32 v10, v7  }
0x204: {  	v45 =	vld [tilespmem:s22+$0xFFFFFF40]  }
0x205: {  	v9 =	vadd.f32 v10, v9;
	v10 =	vmul.f32 v11, v6  }
0x206: {  	v11 =	vld [tilespmem:s22+$0xFFFFFF50]  }
0x207: {  	v9 =	vadd.f32 v10, v9;
	v10 =	vmul.f32 v44, v5  }
0x208: {  	v46 =	vld [tilespmem:s22+$0xFFFFFF60]  }
0x209: {  	v9 =	vadd.f32 v10, v9;
	v10 =	vmul.f32 v45, v4  }
0x20a: {  	v47 =	vld [tilespmem:s22+$0xFFFFFF70]  }
0x20b: {  	v9 =	vadd.f32 v10, v9;
	v10 =	vmul.f32 v11, v3;
	_ =	sdelay $0x1  }
0x20c: {  	v9 =	vadd.f32 v10, v9;
	v10 =	vmul.f32 v46, v2;
	_ =	sdelay $0x1  }
0x20d: {  	v9 =	vadd.f32 v10, v9;
	v10 =	vmul.f32 v47, v1;
	_ =	sdelay $0x1  }
0x20e: {  	v9 =	vadd.f32 v10, v9;
	_ =	sdelay $0x1  }
0x20f: {  	[tilespmem:s21+$0x6B80] =	vst v9  }
0x210: {  	v9 =	vld [tilespmem:s22+$0xFFFFFF90]  }
0x211: {  	v10 =	vld [tilespmem:s22+$0xFFFFFF80];
	_ =	sdelay $0x1  }
0x212: {  	v11 =	vld [tilespmem:s22+$0xFFFFFFA0];
	_ =	sdelay $0x1  }
0x213: {  	v48 =	vld [tilespmem:s22+$0xFFFFFFB0]  }
0x214: {  	v10 =	vmul.f32 v10, v8;
	v9 =	vmul.f32 v9, v7  }
0x215: {  	v49 =	vld [tilespmem:s22+$0xFFFFFFC0]  }
0x216: {  	v11 =	vmul.f32 v11, v6;
	v9 =	vadd.f32 v9, v10  }
0x217: {  	v10 =	vld [tilespmem:s22+$0xFFFFFFD0]  }
0x218: {  	v9 =	vadd.f32 v11, v9;
	v11 =	vmul.f32 v48, v5  }
0x219: {  	v50 =	vld [tilespmem:s22+$0xFFFFFFE0]  }
0x21a: {  	v13 =	vmul.f32 v49, v4;
	v9 =	vadd.f32 v11, v9  }
0x21b: {  	v11 =	vld [tilespmem:s22+$0xFFFFFFF0]  }
0x21c: {  	v10 =	vmul.f32 v10, v3;
	v9 =	vadd.f32 v13, v9;
	_ =	sdelay $0x1  }
0x21d: {  	v9 =	vadd.f32 v10, v9;
	v10 =	vmul.f32 v50, v2;
	_ =	sdelay $0x1  }
0x21e: {  	v9 =	vadd.f32 v10, v9;
	v10 =	vmul.f32 v11, v1;
	_ =	sdelay $0x1  }
0x21f: {  	v9 =	vadd.f32 v10, v9;
	_ =	sdelay $0x1  }
0x220: {  	[tilespmem:s21+$0x6B90] =	vst v9  }
0x221: {  	v9 =	vld [tilespmem:s22+$0x0]  }
0x222: {  	v10 =	vld [tilespmem:s22+$0x10];
	_ =	sdelay $0x1  }
0x223: {  	v11 =	vld [tilespmem:s22+$0x20];
	_ =	sdelay $0x1  }
0x224: {  	v51 =	vld [tilespmem:s22+$0x30]  }
0x225: {  	v9 =	vmul.f32 v9, v8;
	v10 =	vmul.f32 v10, v7  }
0x226: {  	v52 =	vld [tilespmem:s22+$0x40]  }
0x227: {  	v9 =	vadd.f32 v10, v9;
	v10 =	vmul.f32 v11, v6  }
0x228: {  	v11 =	vld [tilespmem:s22+$0x50]  }
0x229: {  	v12 =	vmul.f32 v51, v5;
	v9 =	vadd.f32 v10, v9  }
0x22a: {  	v10 =	vld [tilespmem:s22+$0x60]  }
0x22b: {  	v53 =	vmul.f32 v52, v4;
	v9 =	vadd.f32 v12, v9  }
0x22c: {  	v54 =	vld [tilespmem:s22+$0x70]  }
0x22d: {  	v11 =	vmul.f32 v11, v3;
	v9 =	vadd.f32 v53, v9;
	_ =	sdelay $0x1  }
0x22e: {  	v10 =	vmul.f32 v10, v2;
	v9 =	vadd.f32 v11, v9;
	_ =	sdelay $0x1  }
0x22f: {  	v9 =	vadd.f32 v10, v9;
	v10 =	vmul.f32 v54, v1;
	_ =	sdelay $0x1  }
0x230: {  	v9 =	vadd.f32 v10, v9;
	_ =	sdelay $0x1  }
0x231: {  	[tilespmem:s21+$0x6BA0] =	vst v9  }
0x232: {  	v9 =	vld [tilespmem:s22+$0x80]  }
0x233: {  	v10 =	vld [tilespmem:s22+$0x90];
	_ =	sdelay $0x1  }
0x234: {  	v11 =	vld [tilespmem:s22+$0xA0];
	_ =	sdelay $0x1  }
0x235: {  	v55 =	vld [tilespmem:s22+$0xB0]  }
0x236: {  	v9 =	vmul.f32 v9, v8;
	v10 =	vmul.f32 v10, v7  }
0x237: {  	v56 =	vld [tilespmem:s22+$0xC0]  }
0x238: {  	v9 =	vadd.f32 v10, v9;
	v10 =	vmul.f32 v11, v6  }
0x239: {  	v11 =	vld [tilespmem:s22+$0xD0]  }
0x23a: {  	v12 =	vmul.f32 v55, v5;
	v9 =	vadd.f32 v10, v9  }
0x23b: {  	v10 =	vld [tilespmem:s22+$0xE0]  }
0x23c: {  	v13 =	vmul.f32 v56, v4;
	v9 =	vadd.f32 v12, v9  }
0x23d: {  	v57 =	vld [tilespmem:s22+$0xF0]  }
0x23e: {  	v11 =	vmul.f32 v11, v3;
	v9 =	vadd.f32 v13, v9;
	_ =	sdelay $0x1  }
0x23f: {  	v10 =	vmul.f32 v10, v2;
	v9 =	vadd.f32 v11, v9;
	_ =	sdelay $0x1  }
0x240: {  	v11 =	vmul.f32 v57, v1;
	v9 =	vadd.f32 v10, v9;
	_ =	sdelay $0x1  }
0x241: {  	v9 =	vadd.f32 v11, v9;
	_ =	sdelay $0x1  }
0x242: {  	[tilespmem:s21+$0x6BB0] =	vst v9  }
0x243: {  	v9 =	vld [tilespmem:s22+$0x100]  }
0x244: {  	v10 =	vld [tilespmem:s22+$0x110];
	_ =	sdelay $0x1  }
0x245: {  	v11 =	vld [tilespmem:s22+$0x120];
	_ =	sdelay $0x1  }
0x246: {  	v58 =	vld [tilespmem:s22+$0x130]  }
0x247: {  	v9 =	vmul.f32 v9, v8;
	v10 =	vmul.f32 v10, v7  }
0x248: {  	v59 =	vld [tilespmem:s22+$0x140]  }
0x249: {  	v9 =	vadd.f32 v10, v9;
	v10 =	vmul.f32 v11, v6  }
0x24a: {  	v11 =	vld [tilespmem:s22+$0x150]  }
0x24b: {  	v12 =	vmul.f32 v58, v5;
	v9 =	vadd.f32 v10, v9  }
0x24c: {  	v10 =	vld [tilespmem:s22+$0x160]  }
0x24d: {  	v13 =	vmul.f32 v59, v4;
	v9 =	vadd.f32 v12, v9  }
0x24e: {  	v60 =	vld [tilespmem:s22+$0x170]  }
0x24f: {  	v11 =	vmul.f32 v11, v3;
	v9 =	vadd.f32 v13, v9;
	_ =	sdelay $0x1  }
0x250: {  	v10 =	vmul.f32 v10, v2;
	v9 =	vadd.f32 v11, v9;
	_ =	sdelay $0x1  }
0x251: {  	v11 =	vmul.f32 v60, v1;
	v9 =	vadd.f32 v10, v9;
	_ =	sdelay $0x1  }
0x252: {  	v9 =	vadd.f32 v11, v9;
	_ =	sdelay $0x1  }
0x253: {  	[tilespmem:s21+$0x6BC0] =	vst v9  }
0x254: {  	v9 =	vld [tilespmem:s22+$0x180]  }
0x255: {  	v10 =	vld [tilespmem:s22+$0x190];
	_ =	sdelay $0x1  }
0x256: {  	v11 =	vld [tilespmem:s22+$0x1A0];
	_ =	sdelay $0x1  }
0x257: {  	v61 =	vld [tilespmem:s22+$0x1B0]  }
0x258: {  	v9 =	vmul.f32 v9, v8;
	v10 =	vmul.f32 v10, v7  }
0x259: {  	v62 =	vld [tilespmem:s22+$0x1C0]  }
0x25a: {  	v11 =	vmul.f32 v11, v6;
	v9 =	vadd.f32 v10, v9  }
0x25b: {  	v10 =	vld [tilespmem:s22+$0x1D0]  }
0x25c: {  	v12 =	vmul.f32 v61, v5;
	v9 =	vadd.f32 v11, v9  }
0x25d: {  	v11 =	vld [tilespmem:s22+$0x1E0]  }
0x25e: {  	v13 =	vmul.f32 v62, v4;
	v9 =	vadd.f32 v12, v9  }
0x25f: {  	v63 =	vld [tilespmem:s22+$0x1F0]  }
0x260: {  	v10 =	vmul.f32 v10, v3;
	v9 =	vadd.f32 v13, v9;
	_ =	sdelay $0x1  }
0x261: {  	v11 =	vmul.f32 v11, v2;
	v9 =	vadd.f32 v10, v9;
	_ =	sdelay $0x1  }
0x262: {  	v10 =	vmul.f32 v63, v1;
	v9 =	vadd.f32 v11, v9;
	_ =	sdelay $0x1  }
0x263: {  	s24 =	simm.s32 $0x5C0;
	s23 =	simm.s32 $0x3900;
	v9 =	vadd.f32 v10, v9  }
.LBB2_9:
0x264: {  	p0 =	sne.s32 s24, $0x17C0  }
0x265: {  	s22 =	sadd.s32 $0x600, s22;
	s25 =	smov.u32 s24;
	s24 =	sadd.s32 $0x300, s24  }
0x266: {  	[tilespmem:s21+$0x6BD0] =	vst v9  }
0x267: {  	v9 =	vld [tilespmem:s23+$0x200]  }
0x268: {  	v10 =	vld [tilespmem:s23+$0x210]  }
0x269: {  	v11 =	vld [tilespmem:s23+$0x220]  }
0x26a: {  	v12 =	vld [tilespmem:s23+$0x230]  }
0x26b: {  	v13 =	vld [tilespmem:s23+$0x240]  }
0x26c: {  	v9 =	vmul.f32 v9, v8;
	v14 =	vld [tilespmem:s23+$0x250]  }
0x26d: {  	v10 =	vmul.f32 v10, v7;
	v15 =	vld [tilespmem:s23+$0x260]  }
0x26e: {  	v11 =	vmul.f32 v11, v6;
	v16 =	vld [tilespmem:s23+$0x270]  }
0x26f: {  	v9 =	vadd.f32 v10, v9;
	v10 =	vmul.f32 v12, v5  }
0x270: {  	v12 =	vmul.f32 v13, v4  }
0x271: {  	v9 =	vadd.f32 v11, v9;
	v11 =	vmul.f32 v14, v3  }
0x272: {  	v13 =	vmul.f32 v15, v2  }
0x273: {  	v9 =	vadd.f32 v10, v9;
	v10 =	vmul.f32 v16, v1;
	_ =	sdelay $0x1  }
0x274: {  	v9 =	vadd.f32 v12, v9;
	_ =	sdelay $0x1  }
0x275: {  	v9 =	vadd.f32 v11, v9;
	_ =	sdelay $0x1  }
0x276: {  	v9 =	vadd.f32 v13, v9;
	_ =	sdelay $0x1  }
0x277: {  	v9 =	vadd.f32 v10, v9;
	_ =	sdelay $0x1  }
0x278: {  	[tilespmem:s21+$0x6BE0] =	vst v9  }
0x279: {  	v9 =	vld [tilespmem:s23+$0x280]  }
0x27a: {  	v10 =	vld [tilespmem:s23+$0x290]  }
0x27b: {  	v11 =	vld [tilespmem:s23+$0x2A0]  }
0x27c: {  	v12 =	vld [tilespmem:s23+$0x2B0]  }
0x27d: {  	v13 =	vld [tilespmem:s23+$0x2C0]  }
0x27e: {  	v8 =	vmul.f32 v9, v8;
	v9 =	vld [tilespmem:s23+$0x2D0]  }
0x27f: {  	v7 =	vmul.f32 v10, v7;
	v10 =	vld [tilespmem:s23+$0x2E0]  }
0x280: {  	v6 =	vmul.f32 v11, v6;
	v11 =	vld [tilespmem:s23+$0x2F0];
	s23 =	smov.u32 s22  }
0x281: {  	v7 =	vadd.f32 v7, v8;
	v5 =	vmul.f32 v12, v5  }
0x282: {  	v4 =	vmul.f32 v13, v4  }
0x283: {  	v6 =	vadd.f32 v6, v7;
	v3 =	vmul.f32 v9, v3  }
0x284: {  	v2 =	vmul.f32 v10, v2  }
0x285: {  	v5 =	vadd.f32 v5, v6;
	v1 =	vmul.f32 v11, v1;
	_ =	sdelay $0x1  }
0x286: {  	v4 =	vadd.f32 v4, v5;
	_ =	sdelay $0x1  }
0x287: {  	v3 =	vadd.f32 v3, v4;
	_ =	sdelay $0x1  }
0x288: {  	v2 =	vadd.f32 v2, v3;
	_ =	sdelay $0x1  }
0x289: {  	v1 =	vadd.f32 v1, v2;
	_ =	sdelay $0x1  }
0x28a: {  	[tilespmem:s21+$0x6BF0] =	vst v1  }
0x28b: {  	v1 =	vld [tilespmem:s22+$0xFFFFFD70]  }
0x28c: {  	v2 =	vld [tilespmem:s22+$0xFFFFFD60]  }
0x28d: {  	v3 =	vld [tilespmem:s22+$0xFFFFFD50]  }
0x28e: {  	v4 =	vld [tilespmem:s22+$0xFFFFFD40]  }
0x28f: {  	v5 =	vld [tilespmem:s22+$0xFFFFFD30]  }
0x290: {  	v6 =	vld [tilespmem:s22+$0xFFFFFD20]  }
0x291: {  	v8 =	vld [tilespmem:s22+$0xFFFFFD00]  }
0x292: {  	s21 =	sshra.s32 s25, $0x2;
	v7 =	vld [tilespmem:s22+$0xFFFFFD10]  }
0x293: {  	[tilespmem:s21+$0x6C00] =	vst v0  }
0x294: {  	v9 =	vld [tilespmem:s22+$0xFFFFFD80]  }
0x295: {  	v10 =	vld [tilespmem:s22+$0xFFFFFD90];
	_ =	sdelay $0x1  }
0x296: {  	v11 =	vld [tilespmem:s22+$0xFFFFFDA0];
	_ =	sdelay $0x1  }
0x297: {  	v9 =	vmul.f32 v9, v8;
	v12 =	vld [tilespmem:s22+$0xFFFFFDB0]  }
0x298: {  	v10 =	vmul.f32 v10, v7  }
0x299: {  	v13 =	vld [tilespmem:s22+$0xFFFFFDC0]  }
0x29a: {  	v9 =	vadd.f32 v10, v9;
	v10 =	vmul.f32 v11, v6  }
0x29b: {  	v11 =	vld [tilespmem:s22+$0xFFFFFDD0]  }
0x29c: {  	v9 =	vadd.f32 v10, v9;
	v10 =	vmul.f32 v12, v5  }
0x29d: {  	v12 =	vld [tilespmem:s22+$0xFFFFFDE0]  }
0x29e: {  	v9 =	vadd.f32 v10, v9;
	v10 =	vmul.f32 v13, v4  }
0x29f: {  	v13 =	vld [tilespmem:s22+$0xFFFFFDF0]  }
0x2a0: {  	v9 =	vadd.f32 v10, v9;
	v10 =	vmul.f32 v11, v3;
	_ =	sdelay $0x1  }
0x2a1: {  	v9 =	vadd.f32 v10, v9;
	v10 =	vmul.f32 v12, v2;
	_ =	sdelay $0x1  }
0x2a2: {  	v9 =	vadd.f32 v10, v9;
	v10 =	vmul.f32 v13, v1;
	_ =	sdelay $0x1  }
0x2a3: {  	v9 =	vadd.f32 v10, v9;
	_ =	sdelay $0x1  }
0x2a4: {  	[tilespmem:s21+$0x6B50] =	vst v9  }
0x2a5: {  	v9 =	vld [tilespmem:s22+$0xFFFFFE00]  }
0x2a6: {  	v10 =	vld [tilespmem:s22+$0xFFFFFE10];
	_ =	sdelay $0x1  }
0x2a7: {  	v11 =	vld [tilespmem:s22+$0xFFFFFE20];
	_ =	sdelay $0x1  }
0x2a8: {  	v9 =	vmul.f32 v9, v8;
	v12 =	vld [tilespmem:s22+$0xFFFFFE30]  }
0x2a9: {  	v10 =	vmul.f32 v10, v7  }
0x2aa: {  	v13 =	vld [tilespmem:s22+$0xFFFFFE40]  }
0x2ab: {  	v9 =	vadd.f32 v10, v9;
	v10 =	vmul.f32 v11, v6  }
0x2ac: {  	v11 =	vld [tilespmem:s22+$0xFFFFFE50]  }
0x2ad: {  	v9 =	vadd.f32 v10, v9;
	v10 =	vmul.f32 v12, v5  }
0x2ae: {  	v12 =	vld [tilespmem:s22+$0xFFFFFE60]  }
0x2af: {  	v9 =	vadd.f32 v10, v9;
	v10 =	vmul.f32 v13, v4  }
0x2b0: {  	v13 =	vld [tilespmem:s22+$0xFFFFFE70]  }
0x2b1: {  	v9 =	vadd.f32 v10, v9;
	v10 =	vmul.f32 v11, v3;
	_ =	sdelay $0x1  }
0x2b2: {  	v9 =	vadd.f32 v10, v9;
	v10 =	vmul.f32 v12, v2;
	_ =	sdelay $0x1  }
0x2b3: {  	v9 =	vadd.f32 v10, v9;
	v10 =	vmul.f32 v13, v1;
	_ =	sdelay $0x1  }
0x2b4: {  	v9 =	vadd.f32 v10, v9;
	_ =	sdelay $0x1  }
0x2b5: {  	[tilespmem:s21+$0x6B60] =	vst v9  }
0x2b6: {  	v9 =	vld [tilespmem:s22+$0xFFFFFE80]  }
0x2b7: {  	v10 =	vld [tilespmem:s22+$0xFFFFFE90]  }
0x2b8: {  	v11 =	vld [tilespmem:s22+$0xFFFFFED0]  }
0x2b9: {  	v12 =	vld [tilespmem:s22+$0xFFFFFEA0];
	_ =	sdelay $0x1  }
0x2ba: {  	v9 =	vmul.f32 v9, v8;
	v13 =	vld [tilespmem:s22+$0xFFFFFEB0]  }
0x2bb: {  	v10 =	vmul.f32 v10, v7  }
0x2bc: {  	v14 =	vld [tilespmem:s22+$0xFFFFFEC0]  }
0x2bd: {  	v9 =	vadd.f32 v10, v9;
	v10 =	vmul.f32 v12, v6;
	_ =	sdelay $0x1  }
0x2be: {  	v9 =	vadd.f32 v10, v9;
	v10 =	vmul.f32 v13, v5  }
0x2bf: {  	v12 =	vld [tilespmem:s22+$0xFFFFFEE0]  }
0x2c0: {  	v9 =	vadd.f32 v10, v9;
	v10 =	vmul.f32 v14, v4  }
0x2c1: {  	v13 =	vld [tilespmem:s22+$0xFFFFFEF0]  }
0x2c2: {  	v9 =	vadd.f32 v10, v9;
	v10 =	vmul.f32 v11, v3;
	_ =	sdelay $0x1  }
0x2c3: {  	v9 =	vadd.f32 v10, v9;
	v10 =	vmul.f32 v12, v2;
	_ =	sdelay $0x1  }
0x2c4: {  	v9 =	vadd.f32 v10, v9;
	v10 =	vmul.f32 v13, v1;
	_ =	sdelay $0x1  }
0x2c5: {  	v9 =	vadd.f32 v10, v9;
	_ =	sdelay $0x1  }
0x2c6: {  	[tilespmem:s21+$0x6B70] =	vst v9  }
0x2c7: {  	v9 =	vld [tilespmem:s22+$0xFFFFFF00]  }
0x2c8: {  	v10 =	vld [tilespmem:s22+$0xFFFFFF10]  }
0x2c9: {  	v11 =	vld [tilespmem:s22+$0xFFFFFF30]  }
0x2ca: {  	v12 =	vld [tilespmem:s22+$0xFFFFFF20]  }
0x2cb: {  	v13 =	vld [tilespmem:s22+$0xFFFFFF40]  }
0x2cc: {  	v9 =	vmul.f32 v9, v8;
	v14 =	vld [tilespmem:s22+$0xFFFFFF50]  }
0x2cd: {  	v10 =	vmul.f32 v10, v7;
	_ =	sdelay $0x1  }
0x2ce: {  	v9 =	vadd.f32 v10, v9;
	v10 =	vmul.f32 v12, v6;
	_ =	sdelay $0x1  }
0x2cf: {  	v9 =	vadd.f32 v10, v9;
	v10 =	vmul.f32 v11, v5  }
0x2d0: {  	v11 =	vld [tilespmem:s22+$0xFFFFFF60]  }
0x2d1: {  	v9 =	vadd.f32 v10, v9;
	v10 =	vmul.f32 v13, v4  }
0x2d2: {  	v12 =	vld [tilespmem:s22+$0xFFFFFF70]  }
0x2d3: {  	v9 =	vadd.f32 v10, v9;
	v10 =	vmul.f32 v14, v3;
	_ =	sdelay $0x1  }
0x2d4: {  	v9 =	vadd.f32 v10, v9;
	v10 =	vmul.f32 v11, v2;
	_ =	sdelay $0x1  }
0x2d5: {  	v9 =	vadd.f32 v10, v9;
	v10 =	vmul.f32 v12, v1;
	_ =	sdelay $0x1  }
0x2d6: {  	v9 =	vadd.f32 v10, v9;
	_ =	sdelay $0x1  }
0x2d7: {  	[tilespmem:s21+$0x6B80] =	vst v9  }
0x2d8: {  	v9 =	vld [tilespmem:s22+$0xFFFFFF90]  }
0x2d9: {  	v10 =	vld [tilespmem:s22+$0xFFFFFF80]  }
0x2da: {  	v11 =	vld [tilespmem:s22+$0xFFFFFFA0]  }
0x2db: {  	v12 =	vld [tilespmem:s22+$0xFFFFFFC0]  }
0x2dc: {  	v13 =	vld [tilespmem:s22+$0xFFFFFFB0];
	_ =	sdelay $0x1  }
0x2dd: {  	v9 =	vmul.f32 v9, v7;
	v10 =	vmul.f32 v10, v8  }
0x2de: {  	v11 =	vmul.f32 v11, v6  }
0x2df: {  	v9 =	vadd.f32 v9, v10;
	v10 =	vmul.f32 v12, v4  }
0x2e0: {  	v12 =	vld [tilespmem:s22+$0xFFFFFFD0]  }
0x2e1: {  	v9 =	vadd.f32 v11, v9;
	v11 =	vmul.f32 v13, v5  }
0x2e2: {  	v13 =	vld [tilespmem:s22+$0xFFFFFFE0]  }
0x2e3: {  	v9 =	vadd.f32 v11, v9  }
0x2e4: {  	v11 =	vld [tilespmem:s22+$0xFFFFFFF0]  }
0x2e5: {  	v9 =	vadd.f32 v10, v9;
	v10 =	vmul.f32 v12, v3;
	_ =	sdelay $0x1  }
0x2e6: {  	v9 =	vadd.f32 v10, v9;
	v10 =	vmul.f32 v13, v2;
	_ =	sdelay $0x1  }
0x2e7: {  	v9 =	vadd.f32 v10, v9;
	v10 =	vmul.f32 v11, v1;
	_ =	sdelay $0x1  }
0x2e8: {  	v9 =	vadd.f32 v10, v9;
	_ =	sdelay $0x1  }
0x2e9: {  	[tilespmem:s21+$0x6B90] =	vst v9  }
0x2ea: {  	v9 =	vld [tilespmem:s22+$0x0]  }
0x2eb: {  	v10 =	vld [tilespmem:s22+$0x10]  }
0x2ec: {  	v11 =	vld [tilespmem:s22+$0x30]  }
0x2ed: {  	v12 =	vld [tilespmem:s22+$0x20];
	_ =	sdelay $0x1  }
0x2ee: {  	v9 =	vmul.f32 v9, v8  }
0x2ef: {  	v10 =	vmul.f32 v10, v7  }
0x2f0: {  	v11 =	vmul.f32 v11, v5;
	v13 =	vld [tilespmem:s22+$0x40]  }
0x2f1: {  	v9 =	vadd.f32 v10, v9;
	v10 =	vmul.f32 v12, v6  }
0x2f2: {  	v12 =	vld [tilespmem:s22+$0x50]  }
0x2f3: {  	v9 =	vadd.f32 v10, v9  }
0x2f4: {  	v10 =	vld [tilespmem:s22+$0x60]  }
0x2f5: {  	v9 =	vadd.f32 v11, v9;
	v11 =	vmul.f32 v13, v4  }
0x2f6: {  	v13 =	vld [tilespmem:s22+$0x70]  }
0x2f7: {  	v9 =	vadd.f32 v11, v9;
	v11 =	vmul.f32 v12, v3;
	_ =	sdelay $0x1  }
0x2f8: {  	v9 =	vadd.f32 v11, v9;
	v10 =	vmul.f32 v10, v2;
	_ =	sdelay $0x1  }
0x2f9: {  	v9 =	vadd.f32 v10, v9;
	v10 =	vmul.f32 v13, v1;
	_ =	sdelay $0x1  }
0x2fa: {  	v9 =	vadd.f32 v10, v9;
	_ =	sdelay $0x1  }
0x2fb: {  	[tilespmem:s21+$0x6BA0] =	vst v9  }
0x2fc: {  	v9 =	vld [tilespmem:s22+$0x80]  }
0x2fd: {  	v10 =	vld [tilespmem:s22+$0x90]  }
0x2fe: {  	v11 =	vld [tilespmem:s22+$0xA0]  }
0x2ff: {  	v12 =	vld [tilespmem:s22+$0xB0]  }
0x300: {  	v13 =	vld [tilespmem:s22+$0xC0]  }
0x301: {  	v9 =	vmul.f32 v9, v8;
	v14 =	vld [tilespmem:s22+$0xD0]  }
0x302: {  	v10 =	vmul.f32 v10, v7;
	v15 =	vld [tilespmem:s22+$0xE0]  }
0x303: {  	v16 =	vld [tilespmem:s22+$0xF0]  }
0x304: {  	v9 =	vadd.f32 v10, v9;
	v10 =	vmul.f32 v11, v6;
	v11 =	vmul.f32 v12, v5  }
0x305: {  	v12 =	vmul.f32 v13, v4  }
0x306: {  	v9 =	vadd.f32 v10, v9;
	v10 =	vmul.f32 v14, v3  }
0x307: {  	v13 =	vmul.f32 v15, v2  }
0x308: {  	v9 =	vadd.f32 v11, v9;
	v11 =	vmul.f32 v16, v1;
	_ =	sdelay $0x1  }
0x309: {  	v9 =	vadd.f32 v12, v9;
	_ =	sdelay $0x1  }
0x30a: {  	v9 =	vadd.f32 v10, v9;
	_ =	sdelay $0x1  }
0x30b: {  	v9 =	vadd.f32 v13, v9;
	_ =	sdelay $0x1  }
0x30c: {  	v9 =	vadd.f32 v11, v9;
	_ =	sdelay $0x1  }
0x30d: {  	[tilespmem:s21+$0x6BB0] =	vst v9  }
0x30e: {  	v9 =	vld [tilespmem:s22+$0x100]  }
0x30f: {  	v10 =	vld [tilespmem:s22+$0x110]  }
0x310: {  	v11 =	vld [tilespmem:s22+$0x120]  }
0x311: {  	v12 =	vld [tilespmem:s22+$0x130]  }
0x312: {  	v13 =	vld [tilespmem:s22+$0x140]  }
0x313: {  	v9 =	vmul.f32 v9, v8;
	v14 =	vld [tilespmem:s22+$0x150]  }
0x314: {  	v10 =	vmul.f32 v10, v7;
	v15 =	vld [tilespmem:s22+$0x160]  }
0x315: {  	v16 =	vld [tilespmem:s22+$0x170]  }
0x316: {  	v9 =	vadd.f32 v10, v9;
	v10 =	vmul.f32 v11, v6;
	v11 =	vmul.f32 v12, v5  }
0x317: {  	v12 =	vmul.f32 v13, v4  }
0x318: {  	v9 =	vadd.f32 v10, v9;
	v10 =	vmul.f32 v14, v3  }
0x319: {  	v13 =	vmul.f32 v15, v2  }
0x31a: {  	v9 =	vadd.f32 v11, v9;
	v11 =	vmul.f32 v16, v1;
	_ =	sdelay $0x1  }
0x31b: {  	v9 =	vadd.f32 v12, v9;
	_ =	sdelay $0x1  }
0x31c: {  	v9 =	vadd.f32 v10, v9;
	_ =	sdelay $0x1  }
0x31d: {  	v9 =	vadd.f32 v13, v9;
	_ =	sdelay $0x1  }
0x31e: {  	v9 =	vadd.f32 v11, v9;
	_ =	sdelay $0x1  }
0x31f: {  	[tilespmem:s21+$0x6BC0] =	vst v9  }
0x320: {  	v9 =	vld [tilespmem:s22+$0x180]  }
0x321: {  	v10 =	vld [tilespmem:s22+$0x190]  }
0x322: {  	v11 =	vld [tilespmem:s22+$0x1A0]  }
0x323: {  	v12 =	vld [tilespmem:s22+$0x1B0]  }
0x324: {  	v13 =	vld [tilespmem:s22+$0x1C0]  }
0x325: {  	v9 =	vmul.f32 v9, v8;
	v14 =	vld [tilespmem:s22+$0x1D0]  }
0x326: {  	v10 =	vmul.f32 v10, v7;
	v15 =	vld [tilespmem:s22+$0x1E0]  }
0x327: {  	v11 =	vmul.f32 v11, v6;
	v16 =	vld [tilespmem:s22+$0x1F0]  }
0x328: {  	v9 =	vadd.f32 v10, v9;
	v10 =	vmul.f32 v12, v5  }
0x329: {  	v12 =	vmul.f32 v13, v4  }
0x32a: {  	v9 =	vadd.f32 v11, v9;
	v11 =	vmul.f32 v14, v3  }
0x32b: {  	v13 =	vmul.f32 v15, v2  }
0x32c: {  	v9 =	vadd.f32 v10, v9;
	v10 =	vmul.f32 v16, v1;
	_ =	sdelay $0x1  }
0x32d: {  	v9 =	vadd.f32 v12, v9;
	_ =	sdelay $0x1  }
.Ltmp6:
0x32e: {  	v9 =	vadd.f32 v11, v9;
	(pc) =	sbr.rel @p0 .LBB2_9-.Ltmp6, $3  }
0x32f: {  	_ = 	snop  }
0x330: {  	v9 =	vadd.f32 v13, v9;
	_ =	sdelay $0x1  }
0x331: {  	v9 =	vadd.f32 v10, v9  }
0x332: {  	_ = 	snop  }
0x333: {  	[tilespmem:s21+$0x6BD0] =	vst v9  }
0x334: {  	v9 =	vld [tilespmem:s23+$0x200]  }
0x335: {  	v10 =	vld [tilespmem:s23+$0x210];
	_ =	sdelay $0x1  }
0x336: {  	v11 =	vld [tilespmem:s23+$0x220];
	_ =	sdelay $0x1  }
0x337: {  	v12 =	vld [tilespmem:s23+$0x230]  }
0x338: {  	v9 =	vmul.f32 v9, v8;
	v10 =	vmul.f32 v10, v7  }
0x339: {  	v13 =	vld [tilespmem:s23+$0x240]  }
0x33a: {  	v11 =	vmul.f32 v11, v6;
	v9 =	vadd.f32 v10, v9  }
0x33b: {  	v48 =	vld [tilespmem:s23+$0x250]  }
0x33c: {  	v12 =	vmul.f32 v12, v5;
	v9 =	vadd.f32 v11, v9  }
0x33d: {  	v49 =	vld [tilespmem:s23+$0x260]  }
0x33e: {  	v13 =	vmul.f32 v13, v4;
	v9 =	vadd.f32 v12, v9  }
0x33f: {  	v50 =	vld [tilespmem:s23+$0x270]  }
0x340: {  	v10 =	vmul.f32 v48, v3;
	v9 =	vadd.f32 v13, v9;
	_ =	sdelay $0x1  }
0x341: {  	v11 =	vmul.f32 v49, v2;
	v9 =	vadd.f32 v10, v9;
	_ =	sdelay $0x1  }
0x342: {  	v51 =	vmul.f32 v50, v1;
	v9 =	vadd.f32 v11, v9;
	_ =	sdelay $0x1  }
0x343: {  	v9 =	vadd.f32 v51, v9;
	_ =	sdelay $0x1  }
0x344: {  	[tilespmem:s21+$0x6BE0] =	vst v9  }
0x345: {  	v9 =	vld [tilespmem:s23+$0x280]  }
0x346: {  	v52 =	vld [tilespmem:s23+$0x290];
	_ =	sdelay $0x1  }
0x347: {  	v53 =	vld [tilespmem:s23+$0x2A0];
	_ =	sdelay $0x1  }
0x348: {  	v54 =	vld [tilespmem:s23+$0x2B0]  }
0x349: {  	v55 =	vmul.f32 v9, v8;
	v56 =	vmul.f32 v52, v7  }
0x34a: {  	v57 =	vld [tilespmem:s23+$0x2C0]  }
0x34b: {  	v58 =	vmul.f32 v53, v6;
	v7 =	vadd.f32 v56, v55  }
0x34c: {  	v59 =	vld [tilespmem:s23+$0x2D0]  }
0x34d: {  	v60 =	vmul.f32 v54, v5;
	v6 =	vadd.f32 v58, v7  }
0x34e: {  	v61 =	vld [tilespmem:s23+$0x2E0]  }
0x34f: {  	v62 =	vmul.f32 v57, v4;
	v5 =	vadd.f32 v60, v6  }
0x350: {  	v63 =	vld [tilespmem:s23+$0x2F0]  }
0x351: {  	v3 =	vmul.f32 v59, v3;
	v4 =	vadd.f32 v62, v5;
	_ =	sdelay $0x1  }
0x352: {  	v2 =	vmul.f32 v61, v2;
	v3 =	vadd.f32 v3, v4  }
0x353: {  	s20 =	sadd.s32 s20, s5  }
0x354: {  	p0 =	seq.s32 s19, $0x7;
	s20 =	smul.u32 $0x18, s20;
	v1 =	vmul.f32 v63, v1;
	v2 =	vadd.f32 v2, v3  }
.Ltmp7:
0x355: {  	_ = 	snop;
	(pc) =	sbr.rel @p0 .LBB2_12-.Ltmp7, $4  }
0x356: {  	v1 =	vadd.f32 v1, v2  }
0x357: {  	s20 =	sadd.s32 s4, s20  }
0x358: {  	s20 =	sadd.s32 $0xC0, s20;
	[tilespmem:s21+$0x6BF0] =	vst v1  }
0x359: {  	[hbm4b:s20+s3] =	stream.linear.scatter [tilespmem:s16], [sflag:$0x4], $0x600, $0x38;
	[tilespmem:$0x7200] =	vst v63  }
0x35a: {  	s20 =	smul.u32 $0x300, s19  }
.Ltmp8:
0x35b: {  	_ = 	snop;
	(pc) =	sbr.rel .LBB2_2-.Ltmp8, $4  }
0x35c: {  	_ = 	snop  }
0x35d: {  	s20 =	sshra.s32 s20, $0x2  }
0x35e: {  	s19 =	sadd.s32 $0x1, s19;
	s20 =	sadd.s32 $0x120, s20  }
0x35f: {  	[tilespmem:s11], [sflag:$0x2] =	stream.indirect.gather [hbm4b:s2+s9], $0x80, s20, s9, $0xb8;
	[tilespmem:$0x7200] =	vst v63  }
.LBB2_13:
0x360: {  	_ =	sfence.sel $0x180000  }
0x361: {  	[bflag:$0x0] =	sbarrier.arrive $0xFFFF  }
0x362: {  	p0 =	sne.s32 s0, $0x0;
	_ =	strace $0x9000004A  }
0x363: {  	s0 =	sadd.s32 @!p0 $0x100000, s1;
	[bflag:$0x2] =	sbarrier.arrive $0xFFFF  }
0x364: {  	[sflag:s0] =	ssyncadd.tile.s32 @!p0 $0x1;
	_ =	shalt  }
.Lfunc_end2:
_tile_overlayer_lowered:
.L_overlay_start_2:
0x365: {  	(tag) =	ssettag $0x2  }
0x366: {  	s0 =	rddreg [dreg:$0x0];
	s2 =	stileid.u32  }
0x367: {  	s1 =	rddreg [dreg:$0x1];
	p0 =	sne.s32 s2, $0x0  }
0x368: {  	s3 =	rddreg [dreg:$0x2];
	[bflag:$0x3] =	sbarrier.arrive $0xFFFF;
	s2 =	simm.s32 @!p0 $0x1C05  }
0x369: {  	[timem:s3], [sflag:s2] =	dma.local @!p0 [hbm:s0], s1  }
0x36a: {  	s0 =	simm.s32 @!p0 $0x5  }
0x36b: {  	_ =	swait.ge @!p0 [sflag:s0], s1  }
0x36c: {  	s1 =	ssub.s32 @!p0 $0x0, s1;
	[sflag:s0] =	ssyncset.done @!p0 $0x0  }
0x36d: {  	[sflag:s0] =	ssyncadd.s32 @!p0 s1  }
0x36e: {  	[bflag:$0x3] =	sbarrier.arrive $0xFFFF  }
0x36f: {  	_ =	shalt  }

// kernel: kernel.9.cloned.1.call-start
scs
__scs_entry_jumppad:
0x0: {  	(pc) =	sbr.rel $0x88, $3  }
0x1: {  	(tag) =	ssettag $0x0;
	lr =	simm.s32 $0x1  }
0x2: {  	[smem:$0x3F99] =	sst lr;
	_ =	strace $0xD0000000  }
0x3: {  	_ = 	snop  }
0x4: {  	_ = 	snop  }
0x5: {  	_ = 	snop  }
0x6: {  	_ = 	snop  }
0x7: {  	_ = 	snop  }
__scs_overlays_trampoline_lowered:
0x8: {  	[smem:$0x3FA8] =	sst s0  }
0x9: {  	[smem:$0x3FA9] =	sst s1  }
0xa: {  	[smem:$0x3FAA] =	sst s2  }
0xb: {  	[smem:$0x3FAB] =	sst s3  }
0xc: {  	[smem:$0x3FAC] =	sst s4  }
0xd: {  	[smem:$0x3FAD] =	sst s5  }
0xe: {  	[smem:$0x3FAE] =	sst s6  }
0xf: {  	[smem:$0x3FAF] =	sst s7  }
0x10: {  	[smem:$0x3FB0] =	sst s8  }
0x11: {  	[smem:$0x3FB1] =	sst s9;
	s0 =	simm.s32 @!p0 $0x0  }
0x12: {  	s1 =	sld [smem:$0x3F97];
	s0 =	simm.s32 @p0 $0x1  }
0x13: {  	[smem:$0x3FB2] =	sst s0;
	s0 =	simm.s32 @!p1 $0x0  }
0x14: {  	s2 =	sld [smem:$0x3F96];
	s0 =	simm.s32 @p1 $0x1  }
0x15: {  	[smem:$0x3FB3] =	sst s0;
	s0 =	simm.s32 @!p2 $0x0  }
0x16: {  	s3 =	sld [smem:$0x3FDB];
	s0 =	simm.s32 @p2 $0x1  }
0x17: {  	s4 =	simm.s32 $0x1BF5;
	[smem:$0x3FB5] =	sst s0  }
0x18: {  	s0 =	sld [smem:$0x3F98];
	_ =	swait.ge [sflag:s4], $0x0  }
0x19: {  	s7 =	sld [smem:$0x3F99]  }
0x1a: {  	s8 =	sadd.s32 $0xFFFFE003, lr  }
0x1b: {  	s9 =	sadd.s32 $0xFFFFFEF7, lr;
	s5 =	simm.s32 $0xFFFFFFFF;
	p2 =	slt.u32 s8, $0xFFFFF086  }
0x1c: {  	p1 =	slt.u32 s9, $0xF7A;
	s5 =	simm.s32 @!p2 $0x0  }
0x1d: {  	s5 =	simm.s32 @p1 $0x1;
	p0 =	seq.s32 s7, s2  }
0x1e: {  	s7 =	smul.u32 @!p0 $0xF7A, s2;
	p2 =	seq.s32 @!p0 s5, $0x0  }
0x1f: {  	s9 =	smul.u32 $0xF7A, s1;
	s8 =	simm.s32 @!p0 $0x1BF5;
	p2 =	por !p2, p0  }
0x20: {  	[sflag:s8] =	ssyncset.s32 @!p0 $0xFFFFF086;
	s6 =	sadd.s32 @!p0 s3, s7;
	s7 =	simm.s32 @!p0 $0x108  }
0x21: {  	s3 =	sadd.s32 s3, s9;
	s6 =	sadd.s32 @!p0 $0x88, s6;
	s7 =	simm.s32 @p2 $0x1082  }
0x22: {  	[simem:s7], [sflag:s8] =	dma.local @!p0 [hbm:s6], $0xF7A  }
0x23: {  	s9 =	sor.u32 $0xD0000000, s2;
	s6 =	simm.s32 $0x108;
	_ =	swait.ge @!p0 [sflag:s8], $0x0  }
0x24: {  	s3 =	sadd.s32 $0x88, s3;
	s6 =	simm.s32 @!p1 $0x1082;
	[sflag:s4] =	ssyncset.s32 $0xFFFFF086  }
0x25: {  	[simem:s6], [sflag:s4] =	dma.local [hbm:s3], $0xF7A  }
0x26: {  	[smem:$0x3F99] =	sst s1;
	(tag) =	ssettag s2;
	_ =	strace s9  }
0x27: {  	s1 =	sld [smem:$0x3FA9]  }
0x28: {  	s2 =	sld [smem:$0x3FAA]  }
0x29: {  	s4 =	sld [smem:$0x3FAC]  }
0x2a: {  	p0 =	seq.s32 s5, $0x0;
	s5 =	sld [smem:$0x3FAD]  }
0x2b: {  	s6 =	sld [smem:$0x3FAE]  }
0x2c: {  	s7 =	sld [smem:$0x3FAF]  }
0x2d: {  	s3 =	simm.s32 $0x108;
	s8 =	sld [smem:$0x3FB0]  }
0x2e: {  	s3 =	simm.s32 @!p0 $0x1082;
	s9 =	sld [smem:$0x3FB1]  }
0x2f: {  	lr =	sadd.s32 s0, s3;
	s0 =	sld [smem:$0x3FA8]  }
0x30: {  	s3 =	sld [smem:$0x3FAB]  }
0x31: {  	[smem:$0x3FB4] =	sst s10  }
0x32: {  	s10 =	sld [smem:$0x3FB2];
	_ =	sdelay $0x3  }
0x33: {  	p0 =	seq.s32 s10, $0x1;
	s10 =	sld [smem:$0x3FB4];
	_ =	sdelay $0x3  }
0x34: {  	[smem:$0x3FB4] =	sst s10  }
0x35: {  	s10 =	sld [smem:$0x3FB3];
	_ =	sdelay $0x3  }
0x36: {  	p1 =	seq.s32 s10, $0x1;
	s10 =	sld [smem:$0x3FB4];
	_ =	sdelay $0x3  }
0x37: {  	[smem:$0x3FB4] =	sst s10  }
0x38: {  	s10 =	sld [smem:$0x3FB5]  }
0x39: {  	_ = 	snop;
	(pc) =	sbr.ind lr, $3  }
0x3a: {  	_ = 	snop  }
0x3b: {  	_ = 	snop  }
0x3c: {  	p2 =	seq.s32 s10, $0x1;
	s10 =	sld [smem:$0x3FB4]  }
0x3d: {  	_ =	shalt  }
0x3e: {  	_ =	shalt  }
0x3f: {  	_ =	shalt  }
0x40: {  	_ =	shalt  }
0x41: {  	_ =	shalt  }
0x42: {  	_ =	shalt  }
0x43: {  	_ =	shalt  }
0x44: {  	_ =	shalt  }
0x45: {  	_ =	shalt  }
0x46: {  	_ =	shalt  }
0x47: {  	_ =	shalt  }
0x48: {  	_ =	shalt  }
0x49: {  	_ =	shalt  }
0x4a: {  	_ =	shalt  }
0x4b: {  	_ =	shalt  }
0x4c: {  	_ =	shalt  }
0x4d: {  	_ =	shalt  }
0x4e: {  	_ =	shalt  }
0x4f: {  	_ =	shalt  }
0x50: {  	_ =	shalt  }
0x51: {  	_ =	shalt  }
0x52: {  	_ =	shalt  }
0x53: {  	_ =	shalt  }
0x54: {  	_ =	shalt  }
0x55: {  	_ =	shalt  }
0x56: {  	_ =	shalt  }
0x57: {  	_ =	shalt  }
0x58: {  	_ =	shalt  }
0x59: {  	_ =	shalt  }
0x5a: {  	_ =	shalt  }
0x5b: {  	_ =	shalt  }
0x5c: {  	_ =	shalt  }
0x5d: {  	_ =	shalt  }
0x5e: {  	_ =	shalt  }
0x5f: {  	_ =	shalt  }
0x60: {  	_ =	shalt  }
0x61: {  	_ =	shalt  }
0x62: {  	_ =	shalt  }
0x63: {  	_ =	shalt  }
0x64: {  	_ =	shalt  }
0x65: {  	_ =	shalt  }
0x66: {  	_ =	shalt  }
0x67: {  	_ =	shalt  }
0x68: {  	_ =	shalt  }
0x69: {  	_ =	shalt  }
0x6a: {  	_ =	shalt  }
0x6b: {  	_ =	shalt  }
0x6c: {  	_ =	shalt  }
0x6d: {  	_ =	shalt  }
0x6e: {  	_ =	shalt  }
0x6f: {  	_ =	shalt  }
0x70: {  	_ =	shalt  }
0x71: {  	_ =	shalt  }
0x72: {  	_ =	shalt  }
0x73: {  	_ =	shalt  }
0x74: {  	_ =	shalt  }
0x75: {  	_ =	shalt  }
0x76: {  	_ =	shalt  }
0x77: {  	_ =	shalt  }
0x78: {  	_ =	shalt  }
0x79: {  	_ =	shalt  }
0x7a: {  	_ =	shalt  }
0x7b: {  	_ =	shalt  }
0x7c: {  	_ =	shalt  }
0x7d: {  	_ =	shalt  }
0x7e: {  	_ =	shalt  }
0x7f: {  	_ =	shalt  }
0x80: {  	_ =	shalt  }
0x81: {  	_ =	shalt  }
0x82: {  	_ =	shalt  }
0x83: {  	_ =	shalt  }
0x84: {  	_ =	shalt  }
0x85: {  	_ =	shalt  }
0x86: {  	_ =	shalt  }
0x87: {  	_ =	shalt  }
.Lfunc_end0:
.L_simem_size_0:
called_computation.1_lowered:
.L_overlay_start_0:
0x88: {  	s2 =	sld [smem:$0x3FD9]  }
0x89: {  	s3 =	sld [smem:$0x3FFE];
	_ =	sdelay $0x1  }
0x8a: {  	s1 =	srdreg.scid  }
0x8b: {  	s0 =	sand.u32 $0x1, s1  }
0x8c: {  	s16 =	sshll.u32 s0, $0xA;
	s2 =	sadd.s32 s3, s2  }
0x8d: {  	s2 =	sadd.s32 s2, s16  }
0x8e: {  	[smem:$0x3FC0] =	sst s2  }
0x8f: {  	_ = 	snop  }
0x90: {  	(tm) =	ssettm $0x1  }
0x91: {  	s17 =	sld [smem:$0x3FFB];
	_ =	sdelay $0x3  }
0x92: {  	_ =	strace s17  }
0x93: {  	s2 =	sld [smem:$0x3FFC];
	_ =	sdelay $0x3  }
0x94: {  	_ =	strace s2  }
0x95: {  	s2 =	sld [smem:$0x3FFD];
	_ =	sdelay $0x3  }
0x96: {  	_ =	strace s2  }
0x97: {  	_ =	strace $0x8FFFFFFF  }
0x98: {  	s18 =	sld [smem:$0x3FDB];
	_ =	sdelay $0x1  }
0x99: {  	s19 =	simm.s32 $_scs_section_size  }
0x9a: {  	s4 =	simm.s32 $_size__tile_overlayer_lowered;
	s5 =	simm.s32 $_tile_overlayer_lowered  }
0x9b: {  	s22 =	simm.s32 $0x1BFF;
	s21 =	sshll.u32 s5, $0x1;
	s2 =	sadd.s32 s19, s18  }
0x9c: {  	s6 =	simm.s32 $0x0;
	s20 =	sshll.u32 s4, $0x1;
	s4 =	sadd.s32 s21, s2  }
0x9d: {  	[timem:s6], [sflag:s22] =	dma.local [hbm:s4], s20  }
0x9e: {  	_ =	swait.ge [sflag:s22], s20  }
0x9f: {  	s3 =	ssub.s32 $0x0, s20;
	[sflag:s22] =	ssyncset.done $0x0  }
0xa0: {  	[sflag:s22] =	ssyncadd.s32 s3;
	_ =	sdelay $0x1  }
0xa1: {  	s23 =	simm.s32 $0x1B8B  }
0xa2: {  	_ =	swait.ge [sflag:s23], $0x1  }
0xa3: {  	[sflag:s23] =	ssyncset.done $0x0  }
0xa4: {  	s25 =	simm.s32 $0x1B8E;
	s24 =	sld [smem:$0x3FFE];
	[sflag:s23] =	ssyncadd.s32 $0xFFFFFFFF  }
0xa5: {  	s26 =	simm.s32 $execute0_lowered;
	[smem:$0x3FD2] =	sst s25  }
0xa6: {  	s4 =	sshll.u32 s26, $0x1;
	_ =	strace $0x80000046;
	[dreg:$0x1] =	wrdreg $0xFFFFFFFF  }
0xa7: {  	s28 =	simm.s32 $_size_execute0_lowered;
	s2 =	sadd.s32 s2, s4;
	[dreg:$0x0] =	wrdreg $0x0  }
0xa8: {  	s4 =	sshll.u32 s28, $0x1;
	[dreg:$0x2] =	wrdreg s2  }
0xa9: {  	[dreg:$0x3] =	wrdreg s4  }
0xaa: {  	[dreg:$0x4] =	wrdreg $0xC0  }
0xab: {  	_ =	task [dreg:s6], $0x5FFFF  }
0xac: {  	[dreg:$0x1] =	wrdreg $0xFFFFFFFF  }
0xad: {  	[dreg:$0x0] =	wrdreg $0x60  }
0xae: {  	[dreg:$0x2] =	wrdreg s24  }
0xaf: {  	[dreg:$0x3] =	wrdreg $0x0  }
0xb0: {  	[dreg:$0x4] =	wrdreg $0xA  }
0xb1: {  	_ =	task.clear_ibuf [dreg:s6], $0x5FFFF;
	_ =	strace $0x90000046  }
0xb2: {  	s29 =	simm.s32 $0xA;
	_ =	strace $0x80000048  }
0xb3: {  	_ =	swait.ge [sflag:s29], $0x1  }
0xb4: {  	[sflag:s29] =	ssyncadd.s32 $0xFFFFFFFF  }
0xb5: {  	_ =	strace $0x90000048  }
0xb6: {  	_ =	sfence  }
0xb7: {  	s30 =	sld [smem:$0x0];
	_ =	sdelay $0x2  }
0xb8: {  	s31 =	sshll.u32 s1, $0xD;
	s1 =	sshrl.u32 s1, $0x2  }
0xb9: {  	s3 =	sand.u32 $0x4000, s31;
	s1 =	sadd.s32 s1, s30  }
0xba: {  	s0 =	sor.u32 s3, s0;
	s1 =	sshll.u32 s1, $0x11  }
0xbb: {  	s0 =	sor.u32 s1, s0  }
0xbc: {  	s0 =	sadd.s32 $0x8F2B, s0  }
0xbd: {  	[sflag:s0] =	ssyncadd.remote.s32 $0x1  }
0xbe: {  	_ =	sfence.sel $0xFFFF  }
0xbf: {  	[dreg:$0x0] =	wrdreg $0xFFFFFFFF;
	(pc) =	sbr.abs _section_cstart, $3  }
0xc0: {  	[dreg:$0x1] =	wrdreg $0xFFFFFFFF  }
0xc1: {  	_ =	task.clear_ibuf [dreg:s6], $0x2FFFF;
	_ =	strace $0x9FFFFFFF  }
0xc2: {  	(tm) =	ssettm $0x7FFFFFFF  }
0xc3: {  	_ =	shalt  }
tec
execute0_lowered:
.L_overlay_start_1:
0x0: {  	(tag) =	ssettag $0x1  }
0x1: {  	s0 =	rddreg [dreg:$0x0]  }
0x2: {  	s2 =	rddreg [dreg:$0x1];
	s3 =	simm.s32 $0x0  }
0x3: {  	s7 =	simm.s32 $0xE8D0;
	[smem:$0x7FF] =	sst s3  }
0x4: {  	s23 =	simm.s32 $0xEC10;
	_ =	strace $0x80000047;
	[dreg:$0x3] =	wrdreg s7  }
0x5: {  	s24 =	simm.s32 $0xEF50;
	[dreg:$0x4] =	wrdreg s23  }
0x6: {  	s25 =	simm.s32 $0xF290;
	[dreg:$0x5] =	wrdreg s24  }
0x7: {  	s12 =	stileid.u32;
	s26 =	simm.s32 $0xF558;
	[dreg:$0x6] =	wrdreg s25  }
0x8: {  	s1 =	srdreg.scid;
	s11 =	simm.s32 $0xF560;
	[dreg:$0x7] =	wrdreg s26  }
0x9: {  	s13 =	simm.s32 $0xF568;
	s14 =	simm.s32 $0xF570;
	[dreg:$0x8] =	wrdreg s11  }
0xa: {  	s15 =	simm.s32 $0xF578;
	s16 =	simm.s32 $0xF580;
	[dreg:$0x9] =	wrdreg s13  }
0xb: {  	s17 =	simm.s32 $0xF588;
	s18 =	simm.s32 $0xF590;
	[dreg:$0xa] =	wrdreg s14  }
0xc: {  	s19 =	simm.s32 $0xF598;
	s20 =	simm.s32 $0xF5A0;
	[dreg:$0xb] =	wrdreg s15  }
0xd: {  	s21 =	simm.s32 $0xF5A8;
	s22 =	simm.s32 $0xF5B0;
	[dreg:$0xc] =	wrdreg s16  }
0xe: {  	s28 =	simm.s32 $0xF550;
	s29 =	simm.s32 $0x2;
	[dreg:$0xd] =	wrdreg s17  }
0xf: {  	s30 =	simm.s32 $0xF670;
	s31 =	simm.s32 $0xF678;
	[dreg:$0xe] =	wrdreg s18  }
0x10: {  	s1 =	sand.u32 $0x1, s1;
	s4 =	sshll.u32 s12, $0x1;
	[dreg:$0xf] =	wrdreg s19  }
0x11: {  	s5 =	smul.u32 $0x18700, s12;
	s8 =	sshll.u32 s12, $0x9;
	[dreg:$0x10] =	wrdreg s20  }
0x12: {  	p0 =	seq.s32 s12, $0xF;
	s4 =	sor.u32 s1, s4;
	[dreg:$0x11] =	wrdreg s21  }
0x13: {  	s8 =	sadd.s32 s8, s0;
	[dreg:$0x12] =	wrdreg s22;
	s23 =	simm.s32 $0xF5B8  }
0x14: {  	s9 =	ssub.s32 $0x2, s1;
	s24 =	simm.s32 $0xF5C0;
	[dreg:$0x13] =	wrdreg s23  }
0x15: {  	s11 =	sadd.s32 $0xB7480, s2;
	s25 =	simm.s32 $0xF5C8;
	[dreg:$0x14] =	wrdreg s24  }
0x16: {  	s1 =	sshll.u32 s1, $0x8;
	s26 =	simm.s32 $0xF5F0;
	[dreg:$0x15] =	wrdreg s25  }
0x17: {  	s14 =	simm.s32 $0x68;
	s15 =	simm.s32 $0xF610;
	[dreg:$0x16] =	wrdreg s26  }
0x18: {  	s16 =	simm.s32 $0xF618;
	s17 =	simm.s32 $0xF620;
	[dreg:$0x1a] =	wrdreg s15  }
0x19: {  	s19 =	simm.s32 $0xF628;
	s20 =	simm.s32 $0xF630;
	[dreg:$0x1b] =	wrdreg s16  }
0x1a: {  	s21 =	simm.s32 $0xF638;
	s22 =	simm.s32 $0xF640;
	[dreg:$0x1c] =	wrdreg s17  }
0x1b: {  	s4 =	smul.u32 $0x320, s4;
	s6 =	sshrl.u32 s5, $0x4;
	[dreg:$0x1d] =	wrdreg s19  }
0x1c: {  	s10 =	sshrl.u32 s9, $0x1;
	s5 =	sshrl.u32 s5, $0x1;
	[dreg:$0x1e] =	wrdreg s20  }
0x1d: {  	s1 =	sadd.s32 s1, s8;
	s11 =	sshrl.u32 @p0 s11, $0x3;
	[dreg:$0x1f] =	wrdreg s21  }
0x1e: {  	s8 =	simm.s32 $0xF600;
	s20 =	simm.s32 $0x58;
	[smem:$0x7F9] =	sst s22  }
0x1f: {  	s23 =	simm.s32 $0xF648;
	s24 =	simm.s32 $0xF650;
	s25 =	simm.s32 $0xF658  }
0x20: {  	s26 =	simm.s32 $0xF660;
	s15 =	simm.s32 $0x3;
	s16 =	simm.s32 $0x4  }
0x21: {  	s17 =	simm.s32 $0x0;
	s6 =	sadd.s32 s6, s0;
	[dreg:$0x18] =	wrdreg s8  }
0x22: {  	s9 =	ssub.s32 s9, s10;
	s13 =	sadd.s32 s5, s2;
	[smem:$0x7FA] =	sst s23  }
0x23: {  	s18 =	sadd.s32 $0x20200, s1;
	s10 =	simm.s32 $0x5;
	[smem:$0x7FB] =	sst s24  }
0x24: {  	s1 =	sshll.u32 @!p0 s12, $0x6;
	s23 =	simm.s32 $0x1;
	[smem:$0x7FC] =	sst s25  }
0x25: {  	s24 =	simm.s32 $0xF5D8;
	[smem:$0x7FD] =	sst s26;
	s25 =	simm.s32 $0xF5E0  }
0x26: {  	s26 =	simm.s32 $0xF5D0;
	s4 =	sadd.s32 s4, s0;
	s5 =	sadd.s32 $0x1600, s6  }
0x27: {  	s6 =	sadd.s32 $0x18490, s0;
	s7 =	smax.u32 s9, $0x1;
	s9 =	simm.s32 $0xF608  }
0x28: {  	s12 =	sor.u32 @!p0 $0x1C05, s1;
	s4 =	sadd.s32 $0x19E00, s4;
	[dreg:$0x19] =	wrdreg s9  }
0x29: {  	s13 =	sshrl.u32 @!p0 s13, $0x3;
	[smem:$0x7F8] =	sst s4;
	s4 =	simm.s32 $0xF5F8  }
0x2a: {  	v0 =	vimm.bf16 $0.0e+00;
	s0 =	simm.s32 $0xF668;
	s1 =	simm.s32 $0xF5E8;
	[dreg:$0x17] =	wrdreg s4  }
.LBB2_1:
0x2b: {  	s4 =	sld [smem:$0x7F8];
	_ =	sdelay $0x1  }
0x2c: {  	s9 =	simm.s32 $0xC350  }
0x2d: {  	[tilespmem:s9], [sflag:$0x5] =	stream.linear.gather [hbm4b:s4+s3], $0x1900, $0x38;
	[tilespmem:$0xF680] =	vst v63  }
0x2e: {  	_ =	swait.ge [sflag:s10], $0x1900  }
0x2f: {  	[sflag:s10] =	ssyncset.done $0x0  }
0x30: {  	s8 =	simm.s32 @p0 $0x1FC5;
	[sflag:s10] =	ssyncadd.s32 $0xFFFFE700  }
0x31: {  	[spmem:s11], [sflag:s8] =	dma.local @p0 [hbm:s6], $0x1810  }
0x32: {  	s8 =	simm.s32 @p0 $0x5  }
0x33: {  	_ =	swait.ge @p0 [sflag:s8], $0x1810  }
0x34: {  	[sflag:s8] =	ssyncset.done @p0 $0x0  }
0x35: {  	[sflag:s8] =	ssyncadd.s32 @p0 $0xFFFFE7F0;
	s8 =	simm.s32 @!p0 $0x5  }
0x36: {  	[spmem:s13], [sflag:s12] =	dma.local @!p0 [hbm:s5], $0x1870  }
0x37: {  	_ =	swait.ge @!p0 [sflag:s8], $0x1870  }
0x38: {  	[sflag:s8] =	ssyncset.done @!p0 $0x0  }
0x39: {  	[sflag:s8] =	ssyncadd.s32 @!p0 $0xFFFFE790  }
0x3a: {  	s19 =	simm.s32 $0xDC50;
	[bflag:$0x0] =	sbarrier.arrive $0xFFFF  }
0x3b: {  	[tilespmem:s19], [sflag:$0x1] =	stream.indirect.gather [spmem:s2], $0x8, s9, s14, $0xb8;
	[tilespmem:$0xF680] =	vst v63  }
0x3c: {  	s21 =	simm.s32 $0xC3B8;
	s22 =	simm.s32 $0xDF90  }
0x3d: {  	[tilespmem:s22], [sflag:$0x1] =	stream.indirect.gather [spmem:s2], $0x8, s21, s14, $0xb8;
	[tilespmem:$0xF680] =	vst v63  }
0x3e: {  	s8 =	smov.u32 s18;
	s9 =	simm.s32 $0xC420;
	s19 =	simm.s32 $0xE2D0  }
0x3f: {  	[tilespmem:s19], [sflag:$0x1] =	stream.indirect.gather [spmem:s2], $0x8, s9, s14, $0xb8;
	[tilespmem:$0xF680] =	vst v63  }
0x40: {  	s21 =	simm.s32 $0xC488;
	s22 =	simm.s32 $0xE610;
	s19 =	simm.s32 $0x0  }
0x41: {  	[tilespmem:s22], [sflag:$0x1] =	stream.indirect.gather [spmem:s2], $0x8, s21, s20, $0xb8;
	[tilespmem:$0xF680] =	vst v63  }
.LBB2_2:
0x42: {  	s22 =	sshra.s32 s19, $0x2  }
0x43: {  	s21 =	rddreg [dreg:$0x3];
	s4 =	sadd.s32 $0xC4E0, s22  }
0x44: {  	[tilespmem:s21], [sflag:$0x2] =	stream.indirect.gather [spmem:s2], $0x8, s4, s14, $0xb8;
	[tilespmem:$0xF680] =	vst v63  }
0x45: {  	s9 =	rddreg [dreg:$0x4];
	s4 =	sadd.s32 $0xC548, s22  }
0x46: {  	[tilespmem:s9], [sflag:$0x2] =	stream.indirect.gather [spmem:s2], $0x8, s4, s14, $0xb8;
	[tilespmem:$0xF680] =	vst v63  }
0x47: {  	s21 =	rddreg [dreg:$0x5];
	s4 =	sadd.s32 $0xC5B0, s22  }
0x48: {  	[tilespmem:s21], [sflag:$0x2] =	stream.indirect.gather [spmem:s2], $0x8, s4, s14, $0xb8;
	[tilespmem:$0xF680] =	vst v63  }
0x49: {  	s9 =	rddreg [dreg:$0x6];
	s22 =	sadd.s32 $0xC618, s22  }
0x4a: {  	[tilespmem:s9], [sflag:$0x2] =	stream.indirect.gather [spmem:s2], $0x8, s22, s20, $0xb8;
	[tilespmem:$0xF680] =	vst v63  }
0x4b: {  	_ =	swait.ge [sflag:s23], $0x340  }
0x4c: {  	[sflag:s23] =	ssyncset.done $0x0  }
0x4d: {  	[sflag:s23] =	ssyncadd.s32 $0xFFFFFCC0  }
0x4e: {  	_ =	swait.ge [sflag:s23], $0x340  }
0x4f: {  	[sflag:s23] =	ssyncset.done $0x0  }
0x50: {  	[sflag:s23] =	ssyncadd.s32 $0xFFFFFCC0  }
0x51: {  	_ =	swait.ge [sflag:s23], $0x340  }
0x52: {  	[sflag:s23] =	ssyncset.done $0x0  }
0x53: {  	[sflag:s23] =	ssyncadd.s32 $0xFFFFFCC0  }
0x54: {  	_ =	swait.ge [sflag:s23], $0x2C0  }
0x55: {  	p1 =	seq.s32 s19, $0x0;
	[sflag:s23] =	ssyncset.done $0x0  }
0x56: {  	s4 =	simm.s32 @!p1 $0x3;
	[sflag:s23] =	ssyncadd.s32 $0xFFFFFD40  }
0x57: {  	_ =	swait.ge @!p1 [sflag:s4], $0x80  }
0x58: {  	[sflag:s4] =	ssyncset.done @!p1 $0x0  }
0x59: {  	[sflag:s4] =	ssyncadd.s32 @!p1 $0xFFFFFF80  }
0x5a: {  	v1 =	vld.msk [tilespmem:$0xDC50], $0xff  }
0x5b: {  	v2 =	vld.msk [tilespmem:$0xDC58], $0xff  }
0x5c: {  	v3 =	vld.msk [tilespmem:$0xDC60], $0xff  }
0x5d: {  	v4 =	vld.msk [tilespmem:$0xDC68], $0xff  }
0x5e: {  	v5 =	vld.msk [tilespmem:$0xDC70], $0xff  }
0x5f: {  	v6 =	vld.msk [tilespmem:$0xDC78], $0xff  }
0x60: {  	v7 =	vld.msk [tilespmem:$0xDC80], $0xff  }
0x61: {  	v1 =	vadd.bf16 v3, v1;
	v3 =	vld.msk [tilespmem:$0xDC88], $0xff  }
0x62: {  	v50 =	vld.msk [tilespmem:$0xDC90], $0xff;
	v2 =	vadd.bf16 v4, v2  }
0x63: {  	v51 =	vld.msk [tilespmem:$0xDC98], $0xff;
	v1 =	vadd.bf16 v5, v1  }
0x64: {  	v52 =	vld.msk [tilespmem:$0xDCA0], $0xff;
	v2 =	vadd.bf16 v6, v2  }
0x65: {  	v53 =	vld.msk [tilespmem:$0xDCA8], $0xff;
	v1 =	vadd.bf16 v7, v1  }
0x66: {  	v2 =	vadd.bf16 v3, v2;
	v3 =	vld.msk [tilespmem:$0xDCB0], $0xff  }
0x67: {  	v54 =	vld.msk [tilespmem:$0xDCB8], $0xff;
	v1 =	vadd.bf16 v50, v1  }
0x68: {  	v55 =	vld.msk [tilespmem:$0xDCC0], $0xff;
	v2 =	vadd.bf16 v51, v2  }
0x69: {  	v56 =	vld.msk [tilespmem:$0xDCC8], $0xff;
	v1 =	vadd.bf16 v52, v1  }
0x6a: {  	v57 =	vld.msk [tilespmem:$0xDCD0], $0xff;
	v2 =	vadd.bf16 v53, v2  }
0x6b: {  	v1 =	vadd.bf16 v3, v1;
	v3 =	vld.msk [tilespmem:$0xDCD8], $0xff  }
0x6c: {  	v58 =	vld.msk [tilespmem:$0xDCE0], $0xff;
	v2 =	vadd.bf16 v54, v2  }
0x6d: {  	v59 =	vld.msk [tilespmem:$0xDCE8], $0xff;
	v1 =	vadd.bf16 v55, v1  }
0x6e: {  	v60 =	vld.msk [tilespmem:$0xDCF0], $0xff;
	v2 =	vadd.bf16 v56, v2  }
0x6f: {  	v61 =	vld.msk [tilespmem:$0xDCF8], $0xff;
	v1 =	vadd.bf16 v57, v1  }
0x70: {  	v2 =	vadd.bf16 v3, v2;
	v3 =	vld.msk [tilespmem:$0xDD00], $0xff  }
0x71: {  	v62 =	vld.msk [tilespmem:$0xDD08], $0xff;
	v1 =	vadd.bf16 v58, v1  }
0x72: {  	v63 =	vld.msk [tilespmem:$0xDD10], $0xff;
	v2 =	vadd.bf16 v59, v2  }
0x73: {  	v9 =	vld.msk [tilespmem:$0xDD18], $0xff;
	v1 =	vadd.bf16 v60, v1  }
0x74: {  	v10 =	vld.msk [tilespmem:$0xDD20], $0xff;
	v2 =	vadd.bf16 v61, v2  }
0x75: {  	v1 =	vadd.bf16 v3, v1;
	v3 =	vld.msk [tilespmem:$0xDD28], $0xff  }
0x76: {  	v11 =	vld.msk [tilespmem:$0xDD30], $0xff;
	v2 =	vadd.bf16 v62, v2  }
0x77: {  	v12 =	vld.msk [tilespmem:$0xDD38], $0xff;
	v1 =	vadd.bf16 v63, v1  }
0x78: {  	v13 =	vld.msk [tilespmem:$0xDD40], $0xff;
	v2 =	vadd.bf16 v9, v2  }
0x79: {  	v14 =	vld.msk [tilespmem:$0xDD48], $0xff;
	v1 =	vadd.bf16 v10, v1  }
0x7a: {  	v2 =	vadd.bf16 v3, v2;
	v3 =	vld.msk [tilespmem:$0xDD50], $0xff  }
0x7b: {  	v15 =	vld.msk [tilespmem:$0xDD58], $0xff;
	v1 =	vadd.bf16 v11, v1  }
0x7c: {  	v16 =	vld.msk [tilespmem:$0xDD60], $0xff;
	v2 =	vadd.bf16 v12, v2  }
0x7d: {  	v17 =	vld.msk [tilespmem:$0xDD68], $0xff;
	v1 =	vadd.bf16 v13, v1  }
0x7e: {  	v18 =	vld.msk [tilespmem:$0xDD70], $0xff;
	v2 =	vadd.bf16 v14, v2  }
0x7f: {  	v1 =	vadd.bf16 v3, v1;
	v3 =	vld.msk [tilespmem:$0xDD78], $0xff  }
0x80: {  	v19 =	vld.msk [tilespmem:$0xDD80], $0xff;
	v2 =	vadd.bf16 v15, v2  }
0x81: {  	v20 =	vld.msk [tilespmem:$0xDD88], $0xff;
	v1 =	vadd.bf16 v16, v1  }
0x82: {  	v21 =	vld.msk [tilespmem:$0xDD90], $0xff;
	v2 =	vadd.bf16 v17, v2  }
0x83: {  	v22 =	vld.msk [tilespmem:$0xDD98], $0xff;
	v1 =	vadd.bf16 v18, v1  }
0x84: {  	v2 =	vadd.bf16 v3, v2;
	v3 =	vld.msk [tilespmem:$0xDDA0], $0xff  }
0x85: {  	v23 =	vld.msk [tilespmem:$0xDDA8], $0xff;
	v1 =	vadd.bf16 v19, v1  }
0x86: {  	v24 =	vld.msk [tilespmem:$0xDDB0], $0xff;
	v2 =	vadd.bf16 v20, v2  }
0x87: {  	v25 =	vld.msk [tilespmem:$0xDDB8], $0xff;
	v1 =	vadd.bf16 v21, v1  }
0x88: {  	v26 =	vld.msk [tilespmem:$0xDDC0], $0xff;
	v2 =	vadd.bf16 v22, v2  }
0x89: {  	v1 =	vadd.bf16 v3, v1;
	v3 =	vld.msk [tilespmem:$0xDDC8], $0xff  }
0x8a: {  	v27 =	vld.msk [tilespmem:$0xDDD0], $0xff;
	v2 =	vadd.bf16 v23, v2  }
0x8b: {  	v28 =	vld.msk [tilespmem:$0xDDD8], $0xff;
	v1 =	vadd.bf16 v24, v1  }
0x8c: {  	v2 =	vadd.bf16 v25, v2  }
0x8d: {  	v1 =	vadd.bf16 v26, v1  }
0x8e: {  	v2 =	vadd.bf16 v3, v2  }
0x8f: {  	[tilespmem:s24+$0x0] =	vst.msk $0xff, v0;
	v1 =	vadd.bf16 v27, v1  }
0x90: {  	[tilespmem:s25+$0x0] =	vst.msk $0xff, v0;
	v2 =	vadd.bf16 v28, v2  }
0x91: {  	[tilespmem:s26+$0x0] =	vst.msk $0xff, v1  }
0x92: {  	[tilespmem:s24+$0x0] =	vst.msk $0xff, v2  }
0x93: {  	v3 =	vld.msk [tilespmem:$0xF5D8], $0xff  }
0x94: {  	v29 =	vld.msk [tilespmem:$0xF5E0], $0xff;
	_ =	sdelay $0x3  }
0x95: {  	v1 =	vadd.bf16 v3, v1  }
0x96: {  	v2 =	vadd.bf16 v29, v2  }
0x97: {  	s9 =	rddreg [dreg:$0x7];
	[tilespmem:s28+$0x0] =	vst.msk $0xff, v1  }
0x98: {  	[tilespmem:s9+$0x0] =	vst.msk $0xff, v2  }
0x99: {  	v1 =	vld.msk [tilespmem:$0xDDE0], $0xff  }
0x9a: {  	v2 =	vld.msk [tilespmem:$0xDDE8], $0xff  }
0x9b: {  	v3 =	vld.msk [tilespmem:$0xDDF0], $0xff  }
0x9c: {  	v30 =	vld.msk [tilespmem:$0xDDF8], $0xff  }
0x9d: {  	v31 =	vld.msk [tilespmem:$0xDE00], $0xff  }
0x9e: {  	v32 =	vld.msk [tilespmem:$0xDE08], $0xff  }
0x9f: {  	v33 =	vld.msk [tilespmem:$0xDE10], $0xff  }
0xa0: {  	v1 =	vadd.bf16 v3, v1;
	v3 =	vld.msk [tilespmem:$0xDE18], $0xff  }
0xa1: {  	v34 =	vld.msk [tilespmem:$0xDE20], $0xff;
	v2 =	vadd.bf16 v30, v2  }
0xa2: {  	v35 =	vld.msk [tilespmem:$0xDE28], $0xff;
	v1 =	vadd.bf16 v31, v1  }
0xa3: {  	v36 =	vld.msk [tilespmem:$0xDE30], $0xff;
	v2 =	vadd.bf16 v32, v2  }
0xa4: {  	v37 =	vld.msk [tilespmem:$0xDE38], $0xff;
	v1 =	vadd.bf16 v33, v1  }
0xa5: {  	v2 =	vadd.bf16 v3, v2;
	v3 =	vld.msk [tilespmem:$0xDE40], $0xff  }
0xa6: {  	v38 =	vld.msk [tilespmem:$0xDE48], $0xff;
	v1 =	vadd.bf16 v34, v1  }
0xa7: {  	v39 =	vld.msk [tilespmem:$0xDE50], $0xff;
	v2 =	vadd.bf16 v35, v2  }
0xa8: {  	v40 =	vld.msk [tilespmem:$0xDE58], $0xff;
	v1 =	vadd.bf16 v36, v1  }
0xa9: {  	v41 =	vld.msk [tilespmem:$0xDE60], $0xff;
	v2 =	vadd.bf16 v37, v2  }
0xaa: {  	v1 =	vadd.bf16 v3, v1;
	v3 =	vld.msk [tilespmem:$0xDE68], $0xff  }
0xab: {  	v42 =	vld.msk [tilespmem:$0xDE70], $0xff;
	v2 =	vadd.bf16 v38, v2  }
0xac: {  	v43 =	vld.msk [tilespmem:$0xDE78], $0xff;
	v1 =	vadd.bf16 v39, v1  }
0xad: {  	v44 =	vld.msk [tilespmem:$0xDE80], $0xff;
	v2 =	vadd.bf16 v40, v2  }
0xae: {  	v45 =	vld.msk [tilespmem:$0xDE88], $0xff;
	v1 =	vadd.bf16 v41, v1  }
0xaf: {  	v2 =	vadd.bf16 v3, v2;
	v3 =	vld.msk [tilespmem:$0xDE90], $0xff  }
0xb0: {  	v46 =	vld.msk [tilespmem:$0xDE98], $0xff;
	v1 =	vadd.bf16 v42, v1  }
0xb1: {  	v47 =	vld.msk [tilespmem:$0xDEA0], $0xff;
	v2 =	vadd.bf16 v43, v2  }
0xb2: {  	v48 =	vld.msk [tilespmem:$0xDEA8], $0xff;
	v1 =	vadd.bf16 v44, v1  }
0xb3: {  	v49 =	vld.msk [tilespmem:$0xDEB0], $0xff;
	v2 =	vadd.bf16 v45, v2  }
0xb4: {  	v1 =	vadd.bf16 v3, v1;
	v3 =	vld.msk [tilespmem:$0xDEB8], $0xff  }
0xb5: {  	v50 =	vld.msk [tilespmem:$0xDEC0], $0xff;
	v2 =	vadd.bf16 v46, v2  }
0xb6: {  	v51 =	vld.msk [tilespmem:$0xDEC8], $0xff;
	v1 =	vadd.bf16 v47, v1  }
0xb7: {  	v52 =	vld.msk [tilespmem:$0xDED0], $0xff;
	v2 =	vadd.bf16 v48, v2  }
0xb8: {  	v53 =	vld.msk [tilespmem:$0xDED8], $0xff;
	v1 =	vadd.bf16 v49, v1  }
0xb9: {  	v2 =	vadd.bf16 v3, v2;
	v3 =	vld.msk [tilespmem:$0xDEE0], $0xff  }
0xba: {  	v54 =	vld.msk [tilespmem:$0xDEE8], $0xff;
	v1 =	vadd.bf16 v50, v1  }
0xbb: {  	v55 =	vld.msk [tilespmem:$0xDEF0], $0xff;
	v2 =	vadd.bf16 v51, v2  }
0xbc: {  	v56 =	vld.msk [tilespmem:$0xDEF8], $0xff;
	v1 =	vadd.bf16 v52, v1  }
0xbd: {  	v57 =	vld.msk [tilespmem:$0xDF00], $0xff;
	v2 =	vadd.bf16 v53, v2  }
0xbe: {  	v1 =	vadd.bf16 v3, v1;
	v3 =	vld.msk [tilespmem:$0xDF08], $0xff  }
0xbf: {  	v58 =	vld.msk [tilespmem:$0xDF10], $0xff;
	v2 =	vadd.bf16 v54, v2  }
0xc0: {  	v59 =	vld.msk [tilespmem:$0xDF18], $0xff;
	v1 =	vadd.bf16 v55, v1  }
0xc1: {  	v60 =	vld.msk [tilespmem:$0xDF20], $0xff;
	v2 =	vadd.bf16 v56, v2  }
0xc2: {  	v61 =	vld.msk [tilespmem:$0xDF28], $0xff;
	v1 =	vadd.bf16 v57, v1  }
0xc3: {  	v2 =	vadd.bf16 v3, v2;
	v3 =	vld.msk [tilespmem:$0xDF30], $0xff  }
0xc4: {  	v62 =	vld.msk [tilespmem:$0xDF38], $0xff;
	v1 =	vadd.bf16 v58, v1  }
0xc5: {  	v63 =	vld.msk [tilespmem:$0xDF40], $0xff;
	v2 =	vadd.bf16 v59, v2  }
0xc6: {  	v9 =	vld.msk [tilespmem:$0xDF48], $0xff;
	v1 =	vadd.bf16 v60, v1  }
0xc7: {  	v10 =	vld.msk [tilespmem:$0xDF50], $0xff;
	v2 =	vadd.bf16 v61, v2  }
0xc8: {  	v1 =	vadd.bf16 v3, v1;
	v3 =	vld.msk [tilespmem:$0xDF58], $0xff  }
0xc9: {  	v11 =	vld.msk [tilespmem:$0xDF60], $0xff;
	v2 =	vadd.bf16 v62, v2  }
0xca: {  	v12 =	vld.msk [tilespmem:$0xDF68], $0xff;
	v1 =	vadd.bf16 v63, v1  }
0xcb: {  	v2 =	vadd.bf16 v9, v2  }
0xcc: {  	v1 =	vadd.bf16 v10, v1  }
0xcd: {  	v2 =	vadd.bf16 v3, v2  }
0xce: {  	[tilespmem:s24+$0x0] =	vst.msk $0xff, v0;
	v1 =	vadd.bf16 v11, v1  }
0xcf: {  	[tilespmem:s25+$0x0] =	vst.msk $0xff, v0;
	v2 =	vadd.bf16 v12, v2  }
0xd0: {  	[tilespmem:s26+$0x0] =	vst.msk $0xff, v1  }
0xd1: {  	[tilespmem:s24+$0x0] =	vst.msk $0xff, v2  }
0xd2: {  	v3 =	vld.msk [tilespmem:$0xF5D8], $0xff  }
0xd3: {  	v13 =	vld.msk [tilespmem:$0xF5E0], $0xff;
	_ =	sdelay $0x3  }
0xd4: {  	v1 =	vadd.bf16 v3, v1  }
0xd5: {  	s21 =	rddreg [dreg:$0x8];
	v2 =	vadd.bf16 v13, v2  }
0xd6: {  	s22 =	rddreg [dreg:$0x9];
	[tilespmem:s21+$0x0] =	vst.msk $0xff, v1  }
0xd7: {  	[tilespmem:s22+$0x0] =	vst.msk $0xff, v2  }
0xd8: {  	v1 =	vld.msk [tilespmem:$0xDF70], $0xff  }
0xd9: {  	v2 =	vld.msk [tilespmem:$0xDF78], $0xff  }
0xda: {  	v3 =	vld.msk [tilespmem:$0xDF80], $0xff  }
0xdb: {  	v14 =	vld.msk [tilespmem:$0xDF88], $0xff  }
0xdc: {  	v15 =	vld.msk [tilespmem:$0xDF90], $0xff  }
0xdd: {  	v16 =	vld.msk [tilespmem:$0xDF98], $0xff  }
0xde: {  	v17 =	vld.msk [tilespmem:$0xDFA0], $0xff  }
0xdf: {  	v1 =	vadd.bf16 v3, v1;
	v3 =	vld.msk [tilespmem:$0xDFA8], $0xff  }
0xe0: {  	v18 =	vld.msk [tilespmem:$0xDFB0], $0xff;
	v2 =	vadd.bf16 v14, v2  }
0xe1: {  	v19 =	vld.msk [tilespmem:$0xDFB8], $0xff;
	v1 =	vadd.bf16 v15, v1  }
0xe2: {  	v20 =	vld.msk [tilespmem:$0xDFC0], $0xff;
	v2 =	vadd.bf16 v16, v2  }
0xe3: {  	v21 =	vld.msk [tilespmem:$0xDFC8], $0xff;
	v1 =	vadd.bf16 v17, v1  }
0xe4: {  	v2 =	vadd.bf16 v3, v2;
	v3 =	vld.msk [tilespmem:$0xDFD0], $0xff  }
0xe5: {  	v22 =	vld.msk [tilespmem:$0xDFD8], $0xff;
	v1 =	vadd.bf16 v18, v1  }
0xe6: {  	v23 =	vld.msk [tilespmem:$0xDFE0], $0xff;
	v2 =	vadd.bf16 v19, v2  }
0xe7: {  	v24 =	vld.msk [tilespmem:$0xDFE8], $0xff;
	v1 =	vadd.bf16 v20, v1  }
0xe8: {  	v25 =	vld.msk [tilespmem:$0xDFF0], $0xff;
	v2 =	vadd.bf16 v21, v2  }
0xe9: {  	v1 =	vadd.bf16 v3, v1;
	v3 =	vld.msk [tilespmem:$0xDFF8], $0xff  }
0xea: {  	v26 =	vld.msk [tilespmem:$0xE000], $0xff;
	v2 =	vadd.bf16 v22, v2  }
0xeb: {  	v27 =	vld.msk [tilespmem:$0xE008], $0xff;
	v1 =	vadd.bf16 v23, v1  }
0xec: {  	v28 =	vld.msk [tilespmem:$0xE010], $0xff;
	v2 =	vadd.bf16 v24, v2  }
0xed: {  	v29 =	vld.msk [tilespmem:$0xE018], $0xff;
	v1 =	vadd.bf16 v25, v1  }
0xee: {  	v2 =	vadd.bf16 v3, v2;
	v3 =	vld.msk [tilespmem:$0xE020], $0xff  }
0xef: {  	v30 =	vld.msk [tilespmem:$0xE028], $0xff;
	v1 =	vadd.bf16 v26, v1  }
0xf0: {  	v31 =	vld.msk [tilespmem:$0xE030], $0xff;
	v2 =	vadd.bf16 v27, v2  }
0xf1: {  	v32 =	vld.msk [tilespmem:$0xE038], $0xff;
	v1 =	vadd.bf16 v28, v1  }
0xf2: {  	v33 =	vld.msk [tilespmem:$0xE040], $0xff;
	v2 =	vadd.bf16 v29, v2  }
0xf3: {  	v1 =	vadd.bf16 v3, v1;
	v3 =	vld.msk [tilespmem:$0xE048], $0xff  }
0xf4: {  	v34 =	vld.msk [tilespmem:$0xE050], $0xff;
	v2 =	vadd.bf16 v30, v2  }
0xf5: {  	v35 =	vld.msk [tilespmem:$0xE058], $0xff;
	v1 =	vadd.bf16 v31, v1  }
0xf6: {  	v36 =	vld.msk [tilespmem:$0xE060], $0xff;
	v2 =	vadd.bf16 v32, v2  }
0xf7: {  	v37 =	vld.msk [tilespmem:$0xE068], $0xff;
	v1 =	vadd.bf16 v33, v1  }
0xf8: {  	v2 =	vadd.bf16 v3, v2;
	v3 =	vld.msk [tilespmem:$0xE070], $0xff  }
0xf9: {  	v38 =	vld.msk [tilespmem:$0xE078], $0xff;
	v1 =	vadd.bf16 v34, v1  }
0xfa: {  	v39 =	vld.msk [tilespmem:$0xE080], $0xff;
	v2 =	vadd.bf16 v35, v2  }
0xfb: {  	v40 =	vld.msk [tilespmem:$0xE088], $0xff;
	v1 =	vadd.bf16 v36, v1  }
0xfc: {  	v41 =	vld.msk [tilespmem:$0xE090], $0xff;
	v2 =	vadd.bf16 v37, v2  }
0xfd: {  	v1 =	vadd.bf16 v3, v1;
	v3 =	vld.msk [tilespmem:$0xE098], $0xff  }
0xfe: {  	v42 =	vld.msk [tilespmem:$0xE0A0], $0xff;
	v2 =	vadd.bf16 v38, v2  }
0xff: {  	v43 =	vld.msk [tilespmem:$0xE0A8], $0xff;
	v1 =	vadd.bf16 v39, v1  }
0x100: {  	v44 =	vld.msk [tilespmem:$0xE0B0], $0xff;
	v2 =	vadd.bf16 v40, v2  }
0x101: {  	v45 =	vld.msk [tilespmem:$0xE0B8], $0xff;
	v1 =	vadd.bf16 v41, v1  }
0x102: {  	v2 =	vadd.bf16 v3, v2;
	v3 =	vld.msk [tilespmem:$0xE0C0], $0xff  }
0x103: {  	v46 =	vld.msk [tilespmem:$0xE0C8], $0xff;
	v1 =	vadd.bf16 v42, v1  }
0x104: {  	v47 =	vld.msk [tilespmem:$0xE0D0], $0xff;
	v2 =	vadd.bf16 v43, v2  }
0x105: {  	v48 =	vld.msk [tilespmem:$0xE0D8], $0xff;
	v1 =	vadd.bf16 v44, v1  }
0x106: {  	v49 =	vld.msk [tilespmem:$0xE0E0], $0xff;
	v2 =	vadd.bf16 v45, v2  }
0x107: {  	v1 =	vadd.bf16 v3, v1;
	v3 =	vld.msk [tilespmem:$0xE0E8], $0xff  }
0x108: {  	v50 =	vld.msk [tilespmem:$0xE0F0], $0xff;
	v2 =	vadd.bf16 v46, v2  }
0x109: {  	v51 =	vld.msk [tilespmem:$0xE0F8], $0xff;
	v1 =	vadd.bf16 v47, v1  }
0x10a: {  	v2 =	vadd.bf16 v48, v2  }
0x10b: {  	v1 =	vadd.bf16 v49, v1  }
0x10c: {  	v2 =	vadd.bf16 v3, v2  }
0x10d: {  	[tilespmem:s24+$0x0] =	vst.msk $0xff, v0;
	v1 =	vadd.bf16 v50, v1  }
0x10e: {  	[tilespmem:s25+$0x0] =	vst.msk $0xff, v0;
	v2 =	vadd.bf16 v51, v2  }
0x10f: {  	[tilespmem:s26+$0x0] =	vst.msk $0xff, v1  }
0x110: {  	[tilespmem:s24+$0x0] =	vst.msk $0xff, v2  }
0x111: {  	v3 =	vld.msk [tilespmem:$0xF5D8], $0xff  }
0x112: {  	v52 =	vld.msk [tilespmem:$0xF5E0], $0xff;
	_ =	sdelay $0x3  }
0x113: {  	v1 =	vadd.bf16 v3, v1  }
0x114: {  	s21 =	rddreg [dreg:$0xa];
	v2 =	vadd.bf16 v52, v2  }
0x115: {  	s22 =	rddreg [dreg:$0xb];
	[tilespmem:s21+$0x0] =	vst.msk $0xff, v1  }
0x116: {  	[tilespmem:s22+$0x0] =	vst.msk $0xff, v2  }
0x117: {  	v1 =	vld.msk [tilespmem:$0xE100], $0xff  }
0x118: {  	v2 =	vld.msk [tilespmem:$0xE108], $0xff  }
0x119: {  	v3 =	vld.msk [tilespmem:$0xE110], $0xff  }
0x11a: {  	v53 =	vld.msk [tilespmem:$0xE118], $0xff  }
0x11b: {  	v54 =	vld.msk [tilespmem:$0xE120], $0xff  }
0x11c: {  	v55 =	vld.msk [tilespmem:$0xE128], $0xff  }
0x11d: {  	v56 =	vld.msk [tilespmem:$0xE130], $0xff  }
0x11e: {  	v1 =	vadd.bf16 v3, v1;
	v3 =	vld.msk [tilespmem:$0xE138], $0xff  }
0x11f: {  	v57 =	vld.msk [tilespmem:$0xE140], $0xff;
	v2 =	vadd.bf16 v53, v2  }
0x120: {  	v58 =	vld.msk [tilespmem:$0xE148], $0xff;
	v1 =	vadd.bf16 v54, v1  }
0x121: {  	v59 =	vld.msk [tilespmem:$0xE150], $0xff;
	v2 =	vadd.bf16 v55, v2  }
0x122: {  	v60 =	vld.msk [tilespmem:$0xE158], $0xff;
	v1 =	vadd.bf16 v56, v1  }
0x123: {  	v2 =	vadd.bf16 v3, v2;
	v3 =	vld.msk [tilespmem:$0xE160], $0xff  }
0x124: {  	v61 =	vld.msk [tilespmem:$0xE168], $0xff;
	v1 =	vadd.bf16 v57, v1  }
0x125: {  	v62 =	vld.msk [tilespmem:$0xE170], $0xff;
	v2 =	vadd.bf16 v58, v2  }
0x126: {  	v63 =	vld.msk [tilespmem:$0xE178], $0xff;
	v1 =	vadd.bf16 v59, v1  }
0x127: {  	v9 =	vld.msk [tilespmem:$0xE180], $0xff;
	v2 =	vadd.bf16 v60, v2  }
0x128: {  	v1 =	vadd.bf16 v3, v1;
	v3 =	vld.msk [tilespmem:$0xE188], $0xff  }
0x129: {  	v10 =	vld.msk [tilespmem:$0xE190], $0xff;
	v2 =	vadd.bf16 v61, v2  }
0x12a: {  	v11 =	vld.msk [tilespmem:$0xE198], $0xff;
	v1 =	vadd.bf16 v62, v1  }
0x12b: {  	v12 =	vld.msk [tilespmem:$0xE1A0], $0xff;
	v2 =	vadd.bf16 v63, v2  }
0x12c: {  	v13 =	vld.msk [tilespmem:$0xE1A8], $0xff;
	v1 =	vadd.bf16 v9, v1  }
0x12d: {  	v2 =	vadd.bf16 v3, v2;
	v3 =	vld.msk [tilespmem:$0xE1B0], $0xff  }
0x12e: {  	v14 =	vld.msk [tilespmem:$0xE1B8], $0xff;
	v1 =	vadd.bf16 v10, v1  }
0x12f: {  	v15 =	vld.msk [tilespmem:$0xE1C0], $0xff;
	v2 =	vadd.bf16 v11, v2  }
0x130: {  	v16 =	vld.msk [tilespmem:$0xE1C8], $0xff;
	v1 =	vadd.bf16 v12, v1  }
0x131: {  	v17 =	vld.msk [tilespmem:$0xE1D0], $0xff;
	v2 =	vadd.bf16 v13, v2  }
0x132: {  	v1 =	vadd.bf16 v3, v1;
	v3 =	vld.msk [tilespmem:$0xE1D8], $0xff  }
0x133: {  	v18 =	vld.msk [tilespmem:$0xE1E0], $0xff;
	v2 =	vadd.bf16 v14, v2  }
0x134: {  	v19 =	vld.msk [tilespmem:$0xE1E8], $0xff;
	v1 =	vadd.bf16 v15, v1  }
0x135: {  	v20 =	vld.msk [tilespmem:$0xE1F0], $0xff;
	v2 =	vadd.bf16 v16, v2  }
0x136: {  	v21 =	vld.msk [tilespmem:$0xE1F8], $0xff;
	v1 =	vadd.bf16 v17, v1  }
0x137: {  	v2 =	vadd.bf16 v3, v2;
	v3 =	vld.msk [tilespmem:$0xE200], $0xff  }
0x138: {  	v22 =	vld.msk [tilespmem:$0xE208], $0xff;
	v1 =	vadd.bf16 v18, v1  }
0x139: {  	v23 =	vld.msk [tilespmem:$0xE210], $0xff;
	v2 =	vadd.bf16 v19, v2  }
0x13a: {  	v24 =	vld.msk [tilespmem:$0xE218], $0xff;
	v1 =	vadd.bf16 v20, v1  }
0x13b: {  	v25 =	vld.msk [tilespmem:$0xE220], $0xff;
	v2 =	vadd.bf16 v21, v2  }
0x13c: {  	v1 =	vadd.bf16 v3, v1;
	v3 =	vld.msk [tilespmem:$0xE228], $0xff  }
0x13d: {  	v26 =	vld.msk [tilespmem:$0xE230], $0xff;
	v2 =	vadd.bf16 v22, v2  }
0x13e: {  	v27 =	vld.msk [tilespmem:$0xE238], $0xff;
	v1 =	vadd.bf16 v23, v1  }
0x13f: {  	v28 =	vld.msk [tilespmem:$0xE240], $0xff;
	v2 =	vadd.bf16 v24, v2  }
0x140: {  	v29 =	vld.msk [tilespmem:$0xE248], $0xff;
	v1 =	vadd.bf16 v25, v1  }
0x141: {  	v2 =	vadd.bf16 v3, v2;
	v3 =	vld.msk [tilespmem:$0xE250], $0xff  }
0x142: {  	v30 =	vld.msk [tilespmem:$0xE258], $0xff;
	v1 =	vadd.bf16 v26, v1  }
0x143: {  	v31 =	vld.msk [tilespmem:$0xE260], $0xff;
	v2 =	vadd.bf16 v27, v2  }
0x144: {  	v32 =	vld.msk [tilespmem:$0xE268], $0xff;
	v1 =	vadd.bf16 v28, v1  }
0x145: {  	v33 =	vld.msk [tilespmem:$0xE270], $0xff;
	v2 =	vadd.bf16 v29, v2  }
0x146: {  	v1 =	vadd.bf16 v3, v1;
	v3 =	vld.msk [tilespmem:$0xE278], $0xff  }
0x147: {  	v34 =	vld.msk [tilespmem:$0xE280], $0xff;
	v2 =	vadd.bf16 v30, v2  }
0x148: {  	v35 =	vld.msk [tilespmem:$0xE288], $0xff;
	v1 =	vadd.bf16 v31, v1  }
0x149: {  	v2 =	vadd.bf16 v32, v2  }
0x14a: {  	v1 =	vadd.bf16 v33, v1  }
0x14b: {  	v2 =	vadd.bf16 v3, v2  }
0x14c: {  	[tilespmem:s24+$0x0] =	vst.msk $0xff, v0;
	v1 =	vadd.bf16 v34, v1  }
0x14d: {  	[tilespmem:s25+$0x0] =	vst.msk $0xff, v0;
	v2 =	vadd.bf16 v35, v2  }
0x14e: {  	[tilespmem:s26+$0x0] =	vst.msk $0xff, v1  }
0x14f: {  	[tilespmem:s24+$0x0] =	vst.msk $0xff, v2  }
0x150: {  	v3 =	vld.msk [tilespmem:$0xF5D8], $0xff  }
0x151: {  	v36 =	vld.msk [tilespmem:$0xF5E0], $0xff;
	_ =	sdelay $0x3  }
0x152: {  	v1 =	vadd.bf16 v3, v1  }
0x153: {  	s21 =	rddreg [dreg:$0xc];
	v2 =	vadd.bf16 v36, v2  }
0x154: {  	s22 =	rddreg [dreg:$0xd];
	[tilespmem:s21+$0x0] =	vst.msk $0xff, v1  }
0x155: {  	[tilespmem:s22+$0x0] =	vst.msk $0xff, v2  }
0x156: {  	v1 =	vld.msk [tilespmem:$0xE290], $0xff  }
0x157: {  	v2 =	vld.msk [tilespmem:$0xE298], $0xff  }
0x158: {  	v3 =	vld.msk [tilespmem:$0xE2A0], $0xff  }
0x159: {  	v37 =	vld.msk [tilespmem:$0xE2A8], $0xff  }
0x15a: {  	v38 =	vld.msk [tilespmem:$0xE2B0], $0xff  }
0x15b: {  	v39 =	vld.msk [tilespmem:$0xE2B8], $0xff  }
0x15c: {  	v40 =	vld.msk [tilespmem:$0xE2C0], $0xff  }
0x15d: {  	v1 =	vadd.bf16 v3, v1;
	v3 =	vld.msk [tilespmem:$0xE2C8], $0xff  }
0x15e: {  	v41 =	vld.msk [tilespmem:$0xE2D0], $0xff;
	v2 =	vadd.bf16 v37, v2  }
0x15f: {  	v42 =	vld.msk [tilespmem:$0xE2D8], $0xff;
	v1 =	vadd.bf16 v38, v1  }
0x160: {  	v43 =	vld.msk [tilespmem:$0xE2E0], $0xff;
	v2 =	vadd.bf16 v39, v2  }
0x161: {  	v44 =	vld.msk [tilespmem:$0xE2E8], $0xff;
	v1 =	vadd.bf16 v40, v1  }
0x162: {  	v2 =	vadd.bf16 v3, v2;
	v3 =	vld.msk [tilespmem:$0xE2F0], $0xff  }
0x163: {  	v45 =	vld.msk [tilespmem:$0xE2F8], $0xff;
	v1 =	vadd.bf16 v41, v1  }
0x164: {  	v46 =	vld.msk [tilespmem:$0xE300], $0xff;
	v2 =	vadd.bf16 v42, v2  }
0x165: {  	v47 =	vld.msk [tilespmem:$0xE308], $0xff;
	v1 =	vadd.bf16 v43, v1  }
0x166: {  	v48 =	vld.msk [tilespmem:$0xE310], $0xff;
	v2 =	vadd.bf16 v44, v2  }
0x167: {  	v1 =	vadd.bf16 v3, v1;
	v3 =	vld.msk [tilespmem:$0xE318], $0xff  }
0x168: {  	v49 =	vld.msk [tilespmem:$0xE320], $0xff;
	v2 =	vadd.bf16 v45, v2  }
0x169: {  	v50 =	vld.msk [tilespmem:$0xE328], $0xff;
	v1 =	vadd.bf16 v46, v1  }
0x16a: {  	v51 =	vld.msk [tilespmem:$0xE330], $0xff;
	v2 =	vadd.bf16 v47, v2  }
0x16b: {  	v52 =	vld.msk [tilespmem:$0xE338], $0xff;
	v1 =	vadd.bf16 v48, v1  }
0x16c: {  	v2 =	vadd.bf16 v3, v2;
	v3 =	vld.msk [tilespmem:$0xE340], $0xff  }
0x16d: {  	v53 =	vld.msk [tilespmem:$0xE348], $0xff;
	v1 =	vadd.bf16 v49, v1  }
0x16e: {  	v54 =	vld.msk [tilespmem:$0xE350], $0xff;
	v2 =	vadd.bf16 v50, v2  }
0x16f: {  	v55 =	vld.msk [tilespmem:$0xE358], $0xff;
	v1 =	vadd.bf16 v51, v1  }
0x170: {  	v56 =	vld.msk [tilespmem:$0xE360], $0xff;
	v2 =	vadd.bf16 v52, v2  }
0x171: {  	v1 =	vadd.bf16 v3, v1;
	v3 =	vld.msk [tilespmem:$0xE368], $0xff  }
0x172: {  	v57 =	vld.msk [tilespmem:$0xE370], $0xff;
	v2 =	vadd.bf16 v53, v2  }
0x173: {  	v58 =	vld.msk [tilespmem:$0xE378], $0xff;
	v1 =	vadd.bf16 v54, v1  }
0x174: {  	v59 =	vld.msk [tilespmem:$0xE380], $0xff;
	v2 =	vadd.bf16 v55, v2  }
0x175: {  	v60 =	vld.msk [tilespmem:$0xE388], $0xff;
	v1 =	vadd.bf16 v56, v1  }
0x176: {  	v2 =	vadd.bf16 v3, v2;
	v3 =	vld.msk [tilespmem:$0xE390], $0xff  }
0x177: {  	v61 =	vld.msk [tilespmem:$0xE398], $0xff;
	v1 =	vadd.bf16 v57, v1  }
0x178: {  	v62 =	vld.msk [tilespmem:$0xE3A0], $0xff;
	v2 =	vadd.bf16 v58, v2  }
0x179: {  	v63 =	vld.msk [tilespmem:$0xE3A8], $0xff;
	v1 =	vadd.bf16 v59, v1  }
0x17a: {  	v9 =	vld.msk [tilespmem:$0xE3B0], $0xff;
	v2 =	vadd.bf16 v60, v2  }
0x17b: {  	v1 =	vadd.bf16 v3, v1;
	v3 =	vld.msk [tilespmem:$0xE3B8], $0xff  }
0x17c: {  	v10 =	vld.msk [tilespmem:$0xE3C0], $0xff;
	v2 =	vadd.bf16 v61, v2  }
0x17d: {  	v11 =	vld.msk [tilespmem:$0xE3C8], $0xff;
	v1 =	vadd.bf16 v62, v1  }
0x17e: {  	v12 =	vld.msk [tilespmem:$0xE3D0], $0xff;
	v2 =	vadd.bf16 v63, v2  }
0x17f: {  	v13 =	vld.msk [tilespmem:$0xE3D8], $0xff;
	v1 =	vadd.bf16 v9, v1  }
0x180: {  	v2 =	vadd.bf16 v3, v2;
	v3 =	vld.msk [tilespmem:$0xE3E0], $0xff  }
0x181: {  	v14 =	vld.msk [tilespmem:$0xE3E8], $0xff;
	v1 =	vadd.bf16 v10, v1  }
0x182: {  	v15 =	vld.msk [tilespmem:$0xE3F0], $0xff;
	v2 =	vadd.bf16 v11, v2  }
0x183: {  	v16 =	vld.msk [tilespmem:$0xE3F8], $0xff;
	v1 =	vadd.bf16 v12, v1  }
0x184: {  	v17 =	vld.msk [tilespmem:$0xE400], $0xff;
	v2 =	vadd.bf16 v13, v2  }
0x185: {  	v1 =	vadd.bf16 v3, v1;
	v3 =	vld.msk [tilespmem:$0xE408], $0xff  }
0x186: {  	v18 =	vld.msk [tilespmem:$0xE410], $0xff;
	v2 =	vadd.bf16 v14, v2  }
0x187: {  	v19 =	vld.msk [tilespmem:$0xE418], $0xff;
	v1 =	vadd.bf16 v15, v1  }
0x188: {  	v2 =	vadd.bf16 v16, v2  }
0x189: {  	v1 =	vadd.bf16 v17, v1  }
0x18a: {  	v2 =	vadd.bf16 v3, v2  }
0x18b: {  	[tilespmem:s24+$0x0] =	vst.msk $0xff, v0;
	v1 =	vadd.bf16 v18, v1  }
0x18c: {  	[tilespmem:s25+$0x0] =	vst.msk $0xff, v0;
	v2 =	vadd.bf16 v19, v2  }
0x18d: {  	[tilespmem:s26+$0x0] =	vst.msk $0xff, v1  }
0x18e: {  	[tilespmem:s24+$0x0] =	vst.msk $0xff, v2  }
0x18f: {  	v3 =	vld.msk [tilespmem:$0xF5D8], $0xff  }
0x190: {  	v20 =	vld.msk [tilespmem:$0xF5E0], $0xff;
	_ =	sdelay $0x3  }
0x191: {  	v1 =	vadd.bf16 v3, v1  }
0x192: {  	s21 =	rddreg [dreg:$0xe];
	v2 =	vadd.bf16 v20, v2  }
0x193: {  	s22 =	rddreg [dreg:$0xf];
	[tilespmem:s21+$0x0] =	vst.msk $0xff, v1  }
0x194: {  	[tilespmem:s22+$0x0] =	vst.msk $0xff, v2  }
0x195: {  	v1 =	vld.msk [tilespmem:$0xE420], $0xff  }
0x196: {  	v2 =	vld.msk [tilespmem:$0xE428], $0xff  }
0x197: {  	v3 =	vld.msk [tilespmem:$0xE430], $0xff  }
0x198: {  	v21 =	vld.msk [tilespmem:$0xE438], $0xff  }
0x199: {  	v22 =	vld.msk [tilespmem:$0xE440], $0xff  }
0x19a: {  	v23 =	vld.msk [tilespmem:$0xE448], $0xff  }
0x19b: {  	v24 =	vld.msk [tilespmem:$0xE450], $0xff  }
0x19c: {  	v1 =	vadd.bf16 v3, v1;
	v3 =	vld.msk [tilespmem:$0xE458], $0xff  }
0x19d: {  	v25 =	vld.msk [tilespmem:$0xE460], $0xff;
	v2 =	vadd.bf16 v21, v2  }
0x19e: {  	v26 =	vld.msk [tilespmem:$0xE468], $0xff;
	v1 =	vadd.bf16 v22, v1  }
0x19f: {  	v27 =	vld.msk [tilespmem:$0xE470], $0xff;
	v2 =	vadd.bf16 v23, v2  }
0x1a0: {  	v28 =	vld.msk [tilespmem:$0xE478], $0xff;
	v1 =	vadd.bf16 v24, v1  }
0x1a1: {  	v2 =	vadd.bf16 v3, v2;
	v3 =	vld.msk [tilespmem:$0xE480], $0xff  }
0x1a2: {  	v29 =	vld.msk [tilespmem:$0xE488], $0xff;
	v1 =	vadd.bf16 v25, v1  }
0x1a3: {  	v30 =	vld.msk [tilespmem:$0xE490], $0xff;
	v2 =	vadd.bf16 v26, v2  }
0x1a4: {  	v31 =	vld.msk [tilespmem:$0xE498], $0xff;
	v1 =	vadd.bf16 v27, v1  }
0x1a5: {  	v32 =	vld.msk [tilespmem:$0xE4A0], $0xff;
	v2 =	vadd.bf16 v28, v2  }
0x1a6: {  	v1 =	vadd.bf16 v3, v1;
	v3 =	vld.msk [tilespmem:$0xE4A8], $0xff  }
0x1a7: {  	v33 =	vld.msk [tilespmem:$0xE4B0], $0xff;
	v2 =	vadd.bf16 v29, v2  }
0x1a8: {  	v34 =	vld.msk [tilespmem:$0xE4B8], $0xff;
	v1 =	vadd.bf16 v30, v1  }
0x1a9: {  	v35 =	vld.msk [tilespmem:$0xE4C0], $0xff;
	v2 =	vadd.bf16 v31, v2  }
0x1aa: {  	v36 =	vld.msk [tilespmem:$0xE4C8], $0xff;
	v1 =	vadd.bf16 v32, v1  }
0x1ab: {  	v2 =	vadd.bf16 v3, v2;
	v3 =	vld.msk [tilespmem:$0xE4D0], $0xff  }
0x1ac: {  	v37 =	vld.msk [tilespmem:$0xE4D8], $0xff;
	v1 =	vadd.bf16 v33, v1  }
0x1ad: {  	v38 =	vld.msk [tilespmem:$0xE4E0], $0xff;
	v2 =	vadd.bf16 v34, v2  }
0x1ae: {  	v39 =	vld.msk [tilespmem:$0xE4E8], $0xff;
	v1 =	vadd.bf16 v35, v1  }
0x1af: {  	v40 =	vld.msk [tilespmem:$0xE4F0], $0xff;
	v2 =	vadd.bf16 v36, v2  }
0x1b0: {  	v1 =	vadd.bf16 v3, v1;
	v3 =	vld.msk [tilespmem:$0xE4F8], $0xff  }
0x1b1: {  	v41 =	vld.msk [tilespmem:$0xE500], $0xff;
	v2 =	vadd.bf16 v37, v2  }
0x1b2: {  	v42 =	vld.msk [tilespmem:$0xE508], $0xff;
	v1 =	vadd.bf16 v38, v1  }
0x1b3: {  	v43 =	vld.msk [tilespmem:$0xE510], $0xff;
	v2 =	vadd.bf16 v39, v2  }
0x1b4: {  	v44 =	vld.msk [tilespmem:$0xE518], $0xff;
	v1 =	vadd.bf16 v40, v1  }
0x1b5: {  	v2 =	vadd.bf16 v3, v2;
	v3 =	vld.msk [tilespmem:$0xE520], $0xff  }
0x1b6: {  	v45 =	vld.msk [tilespmem:$0xE528], $0xff;
	v1 =	vadd.bf16 v41, v1  }
0x1b7: {  	v46 =	vld.msk [tilespmem:$0xE530], $0xff;
	v2 =	vadd.bf16 v42, v2  }
0x1b8: {  	v47 =	vld.msk [tilespmem:$0xE538], $0xff;
	v1 =	vadd.bf16 v43, v1  }
0x1b9: {  	v48 =	vld.msk [tilespmem:$0xE540], $0xff;
	v2 =	vadd.bf16 v44, v2  }
0x1ba: {  	v1 =	vadd.bf16 v3, v1;
	v3 =	vld.msk [tilespmem:$0xE548], $0xff  }
0x1bb: {  	v49 =	vld.msk [tilespmem:$0xE550], $0xff;
	v2 =	vadd.bf16 v45, v2  }
0x1bc: {  	v50 =	vld.msk [tilespmem:$0xE558], $0xff;
	v1 =	vadd.bf16 v46, v1  }
0x1bd: {  	v51 =	vld.msk [tilespmem:$0xE560], $0xff;
	v2 =	vadd.bf16 v47, v2  }
0x1be: {  	v52 =	vld.msk [tilespmem:$0xE568], $0xff;
	v1 =	vadd.bf16 v48, v1  }
0x1bf: {  	v2 =	vadd.bf16 v3, v2;
	v3 =	vld.msk [tilespmem:$0xE570], $0xff  }
0x1c0: {  	v53 =	vld.msk [tilespmem:$0xE578], $0xff;
	v1 =	vadd.bf16 v49, v1  }
0x1c1: {  	v54 =	vld.msk [tilespmem:$0xE580], $0xff;
	v2 =	vadd.bf16 v50, v2  }
0x1c2: {  	v55 =	vld.msk [tilespmem:$0xE588], $0xff;
	v1 =	vadd.bf16 v51, v1  }
0x1c3: {  	v56 =	vld.msk [tilespmem:$0xE590], $0xff;
	v2 =	vadd.bf16 v52, v2  }
0x1c4: {  	v1 =	vadd.bf16 v3, v1;
	v3 =	vld.msk [tilespmem:$0xE598], $0xff  }
0x1c5: {  	v57 =	vld.msk [tilespmem:$0xE5A0], $0xff;
	v2 =	vadd.bf16 v53, v2  }
0x1c6: {  	v58 =	vld.msk [tilespmem:$0xE5A8], $0xff;
	v1 =	vadd.bf16 v54, v1  }
0x1c7: {  	v2 =	vadd.bf16 v55, v2  }
0x1c8: {  	v1 =	vadd.bf16 v56, v1  }
0x1c9: {  	v2 =	vadd.bf16 v3, v2  }
0x1ca: {  	[tilespmem:s24+$0x0] =	vst.msk $0xff, v0;
	v1 =	vadd.bf16 v57, v1  }
0x1cb: {  	[tilespmem:s25+$0x0] =	vst.msk $0xff, v0;
	v2 =	vadd.bf16 v58, v2  }
0x1cc: {  	[tilespmem:s26+$0x0] =	vst.msk $0xff, v1  }
0x1cd: {  	[tilespmem:s24+$0x0] =	vst.msk $0xff, v2  }
0x1ce: {  	v3 =	vld.msk [tilespmem:$0xF5D8], $0xff  }
0x1cf: {  	v59 =	vld.msk [tilespmem:$0xF5E0], $0xff;
	_ =	sdelay $0x3  }
0x1d0: {  	v1 =	vadd.bf16 v3, v1  }
0x1d1: {  	s21 =	rddreg [dreg:$0x10];
	v2 =	vadd.bf16 v59, v2  }
0x1d2: {  	s22 =	rddreg [dreg:$0x11];
	[tilespmem:s21+$0x0] =	vst.msk $0xff, v1  }
0x1d3: {  	[tilespmem:s22+$0x0] =	vst.msk $0xff, v2  }
0x1d4: {  	v1 =	vld.msk [tilespmem:$0xE5B0], $0xff  }
0x1d5: {  	v2 =	vld.msk [tilespmem:$0xE5B8], $0xff  }
0x1d6: {  	v3 =	vld.msk [tilespmem:$0xE5C0], $0xff  }
0x1d7: {  	v60 =	vld.msk [tilespmem:$0xE5C8], $0xff  }
0x1d8: {  	v61 =	vld.msk [tilespmem:$0xE5D0], $0xff  }
0x1d9: {  	v62 =	vld.msk [tilespmem:$0xE5D8], $0xff  }
0x1da: {  	v63 =	vld.msk [tilespmem:$0xE5E0], $0xff  }
0x1db: {  	v1 =	vadd.bf16 v3, v1;
	v3 =	vld.msk [tilespmem:$0xE5E8], $0xff  }
0x1dc: {  	v9 =	vld.msk [tilespmem:$0xE5F0], $0xff;
	v2 =	vadd.bf16 v60, v2  }
0x1dd: {  	v10 =	vld.msk [tilespmem:$0xE5F8], $0xff;
	v1 =	vadd.bf16 v61, v1  }
0x1de: {  	v11 =	vld.msk [tilespmem:$0xE600], $0xff;
	v2 =	vadd.bf16 v62, v2  }
0x1df: {  	v12 =	vld.msk [tilespmem:$0xE608], $0xff;
	v1 =	vadd.bf16 v63, v1  }
0x1e0: {  	v2 =	vadd.bf16 v3, v2;
	v3 =	vld.msk [tilespmem:$0xE610], $0xff  }
0x1e1: {  	v13 =	vld.msk [tilespmem:$0xE618], $0xff;
	v1 =	vadd.bf16 v9, v1  }
0x1e2: {  	v14 =	vld.msk [tilespmem:$0xE620], $0xff;
	v2 =	vadd.bf16 v10, v2  }
0x1e3: {  	v15 =	vld.msk [tilespmem:$0xE628], $0xff;
	v1 =	vadd.bf16 v11, v1  }
0x1e4: {  	v16 =	vld.msk [tilespmem:$0xE630], $0xff;
	v2 =	vadd.bf16 v12, v2  }
0x1e5: {  	v1 =	vadd.bf16 v3, v1;
	v3 =	vld.msk [tilespmem:$0xE638], $0xff  }
0x1e6: {  	v17 =	vld.msk [tilespmem:$0xE640], $0xff;
	v2 =	vadd.bf16 v13, v2  }
0x1e7: {  	v18 =	vld.msk [tilespmem:$0xE648], $0xff;
	v1 =	vadd.bf16 v14, v1  }
0x1e8: {  	v19 =	vld.msk [tilespmem:$0xE650], $0xff;
	v2 =	vadd.bf16 v15, v2  }
0x1e9: {  	v20 =	vld.msk [tilespmem:$0xE658], $0xff;
	v1 =	vadd.bf16 v16, v1  }
0x1ea: {  	v2 =	vadd.bf16 v3, v2;
	v3 =	vld.msk [tilespmem:$0xE660], $0xff  }
0x1eb: {  	v21 =	vld.msk [tilespmem:$0xE668], $0xff;
	v1 =	vadd.bf16 v17, v1  }
0x1ec: {  	v22 =	vld.msk [tilespmem:$0xE670], $0xff;
	v2 =	vadd.bf16 v18, v2  }
0x1ed: {  	v23 =	vld.msk [tilespmem:$0xE678], $0xff;
	v1 =	vadd.bf16 v19, v1  }
0x1ee: {  	v24 =	vld.msk [tilespmem:$0xE680], $0xff;
	v2 =	vadd.bf16 v20, v2  }
0x1ef: {  	v1 =	vadd.bf16 v3, v1;
	v3 =	vld.msk [tilespmem:$0xE688], $0xff  }
0x1f0: {  	v25 =	vld.msk [tilespmem:$0xE690], $0xff;
	v2 =	vadd.bf16 v21, v2  }
0x1f1: {  	v26 =	vld.msk [tilespmem:$0xE698], $0xff;
	v1 =	vadd.bf16 v22, v1  }
0x1f2: {  	v27 =	vld.msk [tilespmem:$0xE6A0], $0xff;
	v2 =	vadd.bf16 v23, v2  }
0x1f3: {  	v28 =	vld.msk [tilespmem:$0xE6A8], $0xff;
	v1 =	vadd.bf16 v24, v1  }
0x1f4: {  	v2 =	vadd.bf16 v3, v2;
	v3 =	vld.msk [tilespmem:$0xE6B0], $0xff  }
0x1f5: {  	v29 =	vld.msk [tilespmem:$0xE6B8], $0xff;
	v1 =	vadd.bf16 v25, v1  }
0x1f6: {  	v30 =	vld.msk [tilespmem:$0xE6C0], $0xff;
	v2 =	vadd.bf16 v26, v2  }
0x1f7: {  	v31 =	vld.msk [tilespmem:$0xE6C8], $0xff;
	v1 =	vadd.bf16 v27, v1  }
0x1f8: {  	v32 =	vld.msk [tilespmem:$0xE6D0], $0xff;
	v2 =	vadd.bf16 v28, v2  }
0x1f9: {  	v1 =	vadd.bf16 v3, v1;
	v3 =	vld.msk [tilespmem:$0xE6D8], $0xff  }
0x1fa: {  	v33 =	vld.msk [tilespmem:$0xE6E0], $0xff;
	v2 =	vadd.bf16 v29, v2  }
0x1fb: {  	v34 =	vld.msk [tilespmem:$0xE6E8], $0xff;
	v1 =	vadd.bf16 v30, v1  }
0x1fc: {  	v35 =	vld.msk [tilespmem:$0xE6F0], $0xff;
	v2 =	vadd.bf16 v31, v2  }
0x1fd: {  	v36 =	vld.msk [tilespmem:$0xE6F8], $0xff;
	v1 =	vadd.bf16 v32, v1  }
0x1fe: {  	v2 =	vadd.bf16 v3, v2;
	v3 =	vld.msk [tilespmem:$0xE700], $0xff  }
0x1ff: {  	v37 =	vld.msk [tilespmem:$0xE708], $0xff;
	v1 =	vadd.bf16 v33, v1  }
0x200: {  	v38 =	vld.msk [tilespmem:$0xE710], $0xff;
	v2 =	vadd.bf16 v34, v2  }
0x201: {  	v39 =	vld.msk [tilespmem:$0xE718], $0xff;
	v1 =	vadd.bf16 v35, v1  }
0x202: {  	v40 =	vld.msk [tilespmem:$0xE720], $0xff;
	v2 =	vadd.bf16 v36, v2  }
0x203: {  	v1 =	vadd.bf16 v3, v1;
	v3 =	vld.msk [tilespmem:$0xE728], $0xff  }
0x204: {  	v41 =	vld.msk [tilespmem:$0xE730], $0xff;
	v2 =	vadd.bf16 v37, v2  }
0x205: {  	v42 =	vld.msk [tilespmem:$0xE738], $0xff;
	v1 =	vadd.bf16 v38, v1  }
0x206: {  	v2 =	vadd.bf16 v39, v2  }
0x207: {  	v1 =	vadd.bf16 v40, v1  }
0x208: {  	v2 =	vadd.bf16 v3, v2  }
0x209: {  	[tilespmem:s24+$0x0] =	vst.msk $0xff, v0;
	v1 =	vadd.bf16 v41, v1  }
0x20a: {  	[tilespmem:s25+$0x0] =	vst.msk $0xff, v0;
	v2 =	vadd.bf16 v42, v2  }
0x20b: {  	[tilespmem:s26+$0x0] =	vst.msk $0xff, v1  }
0x20c: {  	[tilespmem:s24+$0x0] =	vst.msk $0xff, v2  }
0x20d: {  	v3 =	vld.msk [tilespmem:$0xF5D8], $0xff  }
0x20e: {  	v43 =	vld.msk [tilespmem:$0xF5E0], $0xff;
	_ =	sdelay $0x3  }
0x20f: {  	v1 =	vadd.bf16 v3, v1  }
0x210: {  	s21 =	rddreg [dreg:$0x12];
	v2 =	vadd.bf16 v43, v2  }
0x211: {  	s22 =	rddreg [dreg:$0x13];
	[tilespmem:s21+$0x0] =	vst.msk $0xff, v1  }
0x212: {  	[tilespmem:s22+$0x0] =	vst.msk $0xff, v2  }
0x213: {  	v1 =	vld.msk [tilespmem:$0xE740], $0xff  }
0x214: {  	v2 =	vld.msk [tilespmem:$0xE748], $0xff  }
0x215: {  	v3 =	vld.msk [tilespmem:$0xE750], $0xff  }
0x216: {  	v44 =	vld.msk [tilespmem:$0xE758], $0xff  }
0x217: {  	v45 =	vld.msk [tilespmem:$0xE760], $0xff  }
0x218: {  	v46 =	vld.msk [tilespmem:$0xE768], $0xff  }
0x219: {  	v47 =	vld.msk [tilespmem:$0xE770], $0xff  }
0x21a: {  	v1 =	vadd.bf16 v3, v1;
	v3 =	vld.msk [tilespmem:$0xE778], $0xff  }
0x21b: {  	v48 =	vld.msk [tilespmem:$0xE780], $0xff;
	v2 =	vadd.bf16 v44, v2  }
0x21c: {  	v49 =	vld.msk [tilespmem:$0xE788], $0xff;
	v1 =	vadd.bf16 v45, v1  }
0x21d: {  	v50 =	vld.msk [tilespmem:$0xE790], $0xff;
	v2 =	vadd.bf16 v46, v2  }
0x21e: {  	v51 =	vld.msk [tilespmem:$0xE798], $0xff;
	v1 =	vadd.bf16 v47, v1  }
0x21f: {  	v2 =	vadd.bf16 v3, v2;
	v3 =	vld.msk [tilespmem:$0xE7A0], $0xff  }
0x220: {  	v52 =	vld.msk [tilespmem:$0xE7A8], $0xff;
	v1 =	vadd.bf16 v48, v1  }
0x221: {  	v53 =	vld.msk [tilespmem:$0xE7B0], $0xff;
	v2 =	vadd.bf16 v49, v2  }
0x222: {  	v54 =	vld.msk [tilespmem:$0xE7B8], $0xff;
	v1 =	vadd.bf16 v50, v1  }
0x223: {  	v55 =	vld.msk [tilespmem:$0xE7C0], $0xff;
	v2 =	vadd.bf16 v51, v2  }
0x224: {  	v1 =	vadd.bf16 v3, v1;
	v3 =	vld.msk [tilespmem:$0xE7C8], $0xff  }
0x225: {  	v56 =	vld.msk [tilespmem:$0xE7D0], $0xff;
	v2 =	vadd.bf16 v52, v2  }
0x226: {  	v57 =	vld.msk [tilespmem:$0xE7D8], $0xff;
	v1 =	vadd.bf16 v53, v1  }
0x227: {  	v58 =	vld.msk [tilespmem:$0xE7E0], $0xff;
	v2 =	vadd.bf16 v54, v2  }
0x228: {  	v59 =	vld.msk [tilespmem:$0xE7E8], $0xff;
	v1 =	vadd.bf16 v55, v1  }
0x229: {  	v2 =	vadd.bf16 v3, v2;
	v3 =	vld.msk [tilespmem:$0xE7F0], $0xff  }
0x22a: {  	v60 =	vld.msk [tilespmem:$0xE7F8], $0xff;
	v1 =	vadd.bf16 v56, v1  }
0x22b: {  	v61 =	vld.msk [tilespmem:$0xE800], $0xff;
	v2 =	vadd.bf16 v57, v2  }
0x22c: {  	v62 =	vld.msk [tilespmem:$0xE808], $0xff;
	v1 =	vadd.bf16 v58, v1  }
0x22d: {  	v63 =	vld.msk [tilespmem:$0xE810], $0xff;
	v2 =	vadd.bf16 v59, v2  }
0x22e: {  	v1 =	vadd.bf16 v3, v1;
	v3 =	vld.msk [tilespmem:$0xE818], $0xff  }
0x22f: {  	v9 =	vld.msk [tilespmem:$0xE820], $0xff;
	v2 =	vadd.bf16 v60, v2  }
0x230: {  	v10 =	vld.msk [tilespmem:$0xE828], $0xff;
	v1 =	vadd.bf16 v61, v1  }
0x231: {  	v11 =	vld.msk [tilespmem:$0xE830], $0xff;
	v2 =	vadd.bf16 v62, v2  }
0x232: {  	v12 =	vld.msk [tilespmem:$0xE838], $0xff;
	v1 =	vadd.bf16 v63, v1  }
0x233: {  	v2 =	vadd.bf16 v3, v2;
	v3 =	vld.msk [tilespmem:$0xE840], $0xff  }
0x234: {  	v13 =	vld.msk [tilespmem:$0xE848], $0xff;
	v1 =	vadd.bf16 v9, v1  }
0x235: {  	v14 =	vld.msk [tilespmem:$0xE850], $0xff;
	v2 =	vadd.bf16 v10, v2  }
0x236: {  	v15 =	vld.msk [tilespmem:$0xE858], $0xff;
	v1 =	vadd.bf16 v11, v1  }
0x237: {  	v16 =	vld.msk [tilespmem:$0xE860], $0xff;
	v2 =	vadd.bf16 v12, v2  }
0x238: {  	v1 =	vadd.bf16 v3, v1;
	v3 =	vld.msk [tilespmem:$0xE868], $0xff  }
0x239: {  	v17 =	vld.msk [tilespmem:$0xE870], $0xff;
	v2 =	vadd.bf16 v13, v2  }
0x23a: {  	v18 =	vld.msk [tilespmem:$0xE878], $0xff;
	v1 =	vadd.bf16 v14, v1  }
0x23b: {  	v19 =	vld.msk [tilespmem:$0xE880], $0xff;
	v2 =	vadd.bf16 v15, v2  }
0x23c: {  	v20 =	vld.msk [tilespmem:$0xE888], $0xff;
	v1 =	vadd.bf16 v16, v1  }
0x23d: {  	v2 =	vadd.bf16 v3, v2;
	v3 =	vld.msk [tilespmem:$0xE890], $0xff  }
0x23e: {  	v21 =	vld.msk [tilespmem:$0xE898], $0xff;
	v1 =	vadd.bf16 v17, v1  }
0x23f: {  	v22 =	vld.msk [tilespmem:$0xE8A0], $0xff;
	v2 =	vadd.bf16 v18, v2  }
0x240: {  	v23 =	vld.msk [tilespmem:$0xE8A8], $0xff;
	v1 =	vadd.bf16 v19, v1  }
0x241: {  	v24 =	vld.msk [tilespmem:$0xE8B0], $0xff;
	v2 =	vadd.bf16 v20, v2  }
0x242: {  	v1 =	vadd.bf16 v3, v1;
	v3 =	vld.msk [tilespmem:$0xE8B8], $0xff  }
0x243: {  	v25 =	vld.msk [tilespmem:$0xE8C0], $0xff;
	v2 =	vadd.bf16 v21, v2  }
0x244: {  	v26 =	vld.msk [tilespmem:$0xE8C8], $0xff;
	v1 =	vadd.bf16 v22, v1  }
0x245: {  	v2 =	vadd.bf16 v23, v2  }
0x246: {  	v1 =	vadd.bf16 v24, v1  }
0x247: {  	v2 =	vadd.bf16 v3, v2  }
0x248: {  	[tilespmem:s24+$0x0] =	vst.msk $0xff, v0;
	v1 =	vadd.bf16 v25, v1  }
0x249: {  	[tilespmem:s25+$0x0] =	vst.msk $0xff, v0;
	v2 =	vadd.bf16 v26, v2  }
0x24a: {  	[tilespmem:s26+$0x0] =	vst.msk $0xff, v1  }
0x24b: {  	[tilespmem:s24+$0x0] =	vst.msk $0xff, v2  }
0x24c: {  	v3 =	vld.msk [tilespmem:$0xF5D8], $0xff  }
0x24d: {  	v27 =	vld.msk [tilespmem:$0xF5E0], $0xff;
	_ =	sdelay $0x3  }
0x24e: {  	v1 =	vadd.bf16 v3, v1  }
0x24f: {  	s21 =	rddreg [dreg:$0x14];
	v2 =	vadd.bf16 v27, v2  }
0x250: {  	p2 =	seq.s32 s19, $0x5780;
	s22 =	rddreg [dreg:$0x15];
	[tilespmem:s21+$0x0] =	vst.msk $0xff, v1  }
0x251: {  	s4 =	sshra.s32 @!p2 s19, $0x2;
	[tilespmem:s22+$0x0] =	vst.msk $0xff, v2  }
0x252: {  	[hbm4b:s8+s3] =	stream.linear.scatter [tilespmem:s28], [sflag:$0x3], $0x80, $0x38;
	[tilespmem:$0xF680] =	vst v63  }
0x253: {  	s9 =	sadd.s32 @!p2 $0xC670, s4;
	s21 =	simm.s32 @!p2 $0x68;
	s22 =	simm.s32 @!p2 $0xDC50  }
0x254: {  	[tilespmem:s22], [sflag:$0x1] =	stream.indirect.gather @!p2 [spmem:s2], $0x8, s9, s21, $0xb8;
	[tilespmem:$0xF680] =	vst v63  }
0x255: {  	s9 =	sadd.s32 @!p2 $0xC6D8, s4;
	s22 =	simm.s32 @!p2 $0xDF90  }
0x256: {  	[tilespmem:s22], [sflag:$0x1] =	stream.indirect.gather @!p2 [spmem:s2], $0x8, s9, s21, $0xb8;
	[tilespmem:$0xF680] =	vst v63  }
0x257: {  	s9 =	sadd.s32 @!p2 $0xC740, s4;
	s22 =	simm.s32 @!p2 $0xE2D0  }
0x258: {  	[tilespmem:s22], [sflag:$0x1] =	stream.indirect.gather @!p2 [spmem:s2], $0x8, s9, s21, $0xb8;
	[tilespmem:$0xF680] =	vst v63  }
0x259: {  	s4 =	sadd.s32 @!p2 $0xC7A8, s4;
	s9 =	simm.s32 @!p2 $0x58;
	s21 =	simm.s32 @!p2 $0xE610  }
0x25a: {  	[tilespmem:s21], [sflag:$0x1] =	stream.indirect.gather @!p2 [spmem:s2], $0x8, s4, s9, $0xb8;
	[tilespmem:$0xF680] =	vst v63  }
0x25b: {  	_ =	swait.ge [sflag:s29], $0x340  }
0x25c: {  	[sflag:s29] =	ssyncset.done $0x0  }
0x25d: {  	[sflag:s29] =	ssyncadd.s32 $0xFFFFFCC0  }
0x25e: {  	_ =	swait.ge [sflag:s29], $0x340  }
0x25f: {  	[sflag:s29] =	ssyncset.done $0x0  }
0x260: {  	[sflag:s29] =	ssyncadd.s32 $0xFFFFFCC0  }
0x261: {  	_ =	swait.ge [sflag:s29], $0x340  }
0x262: {  	[sflag:s29] =	ssyncset.done $0x0  }
0x263: {  	[sflag:s29] =	ssyncadd.s32 $0xFFFFFCC0  }
0x264: {  	_ =	swait.ge [sflag:s29], $0x2C0  }
0x265: {  	[sflag:s29] =	ssyncset.done $0x0  }
0x266: {  	s4 =	simm.s32 @!p1 $0x4;
	[sflag:s29] =	ssyncadd.s32 $0xFFFFFD40  }
0x267: {  	_ =	swait.ge @!p1 [sflag:s4], $0x80  }
0x268: {  	[sflag:s4] =	ssyncset.done @!p1 $0x0  }
0x269: {  	[sflag:s4] =	ssyncadd.s32 @!p1 $0xFFFFFF80  }
0x26a: {  	v1 =	vld.msk [tilespmem:$0xE8D0], $0xff  }
0x26b: {  	v2 =	vld.msk [tilespmem:$0xE8D8], $0xff  }
0x26c: {  	v3 =	vld.msk [tilespmem:$0xE8E0], $0xff  }
0x26d: {  	v28 =	vld.msk [tilespmem:$0xE8E8], $0xff  }
0x26e: {  	v29 =	vld.msk [tilespmem:$0xE8F0], $0xff  }
0x26f: {  	v30 =	vld.msk [tilespmem:$0xE8F8], $0xff  }
0x270: {  	v31 =	vld.msk [tilespmem:$0xE900], $0xff  }
0x271: {  	v1 =	vadd.bf16 v3, v1;
	v3 =	vld.msk [tilespmem:$0xE908], $0xff  }
0x272: {  	v32 =	vld.msk [tilespmem:$0xE910], $0xff;
	v2 =	vadd.bf16 v28, v2  }
0x273: {  	v33 =	vld.msk [tilespmem:$0xE918], $0xff;
	v1 =	vadd.bf16 v29, v1  }
0x274: {  	v34 =	vld.msk [tilespmem:$0xE920], $0xff;
	v2 =	vadd.bf16 v30, v2  }
0x275: {  	v35 =	vld.msk [tilespmem:$0xE928], $0xff;
	v1 =	vadd.bf16 v31, v1  }
0x276: {  	v2 =	vadd.bf16 v3, v2;
	v3 =	vld.msk [tilespmem:$0xE930], $0xff  }
0x277: {  	v36 =	vld.msk [tilespmem:$0xE938], $0xff;
	v1 =	vadd.bf16 v32, v1  }
0x278: {  	v37 =	vld.msk [tilespmem:$0xE940], $0xff;
	v2 =	vadd.bf16 v33, v2  }
0x279: {  	v38 =	vld.msk [tilespmem:$0xE948], $0xff;
	v1 =	vadd.bf16 v34, v1  }
0x27a: {  	v39 =	vld.msk [tilespmem:$0xE950], $0xff;
	v2 =	vadd.bf16 v35, v2  }
0x27b: {  	v1 =	vadd.bf16 v3, v1;
	v3 =	vld.msk [tilespmem:$0xE958], $0xff  }
0x27c: {  	v40 =	vld.msk [tilespmem:$0xE960], $0xff;
	v2 =	vadd.bf16 v36, v2  }
0x27d: {  	v41 =	vld.msk [tilespmem:$0xE968], $0xff;
	v1 =	vadd.bf16 v37, v1  }
0x27e: {  	v42 =	vld.msk [tilespmem:$0xE970], $0xff;
	v2 =	vadd.bf16 v38, v2  }
0x27f: {  	v43 =	vld.msk [tilespmem:$0xE978], $0xff;
	v1 =	vadd.bf16 v39, v1  }
0x280: {  	v2 =	vadd.bf16 v3, v2;
	v3 =	vld.msk [tilespmem:$0xE980], $0xff  }
0x281: {  	v44 =	vld.msk [tilespmem:$0xE988], $0xff;
	v1 =	vadd.bf16 v40, v1  }
0x282: {  	v45 =	vld.msk [tilespmem:$0xE990], $0xff;
	v2 =	vadd.bf16 v41, v2  }
0x283: {  	v46 =	vld.msk [tilespmem:$0xE998], $0xff;
	v1 =	vadd.bf16 v42, v1  }
0x284: {  	v47 =	vld.msk [tilespmem:$0xE9A0], $0xff;
	v2 =	vadd.bf16 v43, v2  }
0x285: {  	v1 =	vadd.bf16 v3, v1;
	v3 =	vld.msk [tilespmem:$0xE9A8], $0xff  }
0x286: {  	v48 =	vld.msk [tilespmem:$0xE9B0], $0xff;
	v2 =	vadd.bf16 v44, v2  }
0x287: {  	v49 =	vld.msk [tilespmem:$0xE9B8], $0xff;
	v1 =	vadd.bf16 v45, v1  }
0x288: {  	v50 =	vld.msk [tilespmem:$0xE9C0], $0xff;
	v2 =	vadd.bf16 v46, v2  }
0x289: {  	v51 =	vld.msk [tilespmem:$0xE9C8], $0xff;
	v1 =	vadd.bf16 v47, v1  }
0x28a: {  	v2 =	vadd.bf16 v3, v2;
	v3 =	vld.msk [tilespmem:$0xE9D0], $0xff  }
0x28b: {  	v52 =	vld.msk [tilespmem:$0xE9D8], $0xff;
	v1 =	vadd.bf16 v48, v1  }
0x28c: {  	v53 =	vld.msk [tilespmem:$0xE9E0], $0xff;
	v2 =	vadd.bf16 v49, v2  }
0x28d: {  	v54 =	vld.msk [tilespmem:$0xE9E8], $0xff;
	v1 =	vadd.bf16 v50, v1  }
0x28e: {  	v55 =	vld.msk [tilespmem:$0xE9F0], $0xff;
	v2 =	vadd.bf16 v51, v2  }
0x28f: {  	v1 =	vadd.bf16 v3, v1;
	v3 =	vld.msk [tilespmem:$0xE9F8], $0xff  }
0x290: {  	v56 =	vld.msk [tilespmem:$0xEA00], $0xff;
	v2 =	vadd.bf16 v52, v2  }
0x291: {  	v57 =	vld.msk [tilespmem:$0xEA08], $0xff;
	v1 =	vadd.bf16 v53, v1  }
0x292: {  	v58 =	vld.msk [tilespmem:$0xEA10], $0xff;
	v2 =	vadd.bf16 v54, v2  }
0x293: {  	v59 =	vld.msk [tilespmem:$0xEA18], $0xff;
	v1 =	vadd.bf16 v55, v1  }
0x294: {  	v2 =	vadd.bf16 v3, v2;
	v3 =	vld.msk [tilespmem:$0xEA20], $0xff  }
0x295: {  	v60 =	vld.msk [tilespmem:$0xEA28], $0xff;
	v1 =	vadd.bf16 v56, v1  }
0x296: {  	v61 =	vld.msk [tilespmem:$0xEA30], $0xff;
	v2 =	vadd.bf16 v57, v2  }
0x297: {  	v62 =	vld.msk [tilespmem:$0xEA38], $0xff;
	v1 =	vadd.bf16 v58, v1  }
0x298: {  	v63 =	vld.msk [tilespmem:$0xEA40], $0xff;
	v2 =	vadd.bf16 v59, v2  }
0x299: {  	v1 =	vadd.bf16 v3, v1;
	v3 =	vld.msk [tilespmem:$0xEA48], $0xff  }
0x29a: {  	v8 =	vld.msk [tilespmem:$0xEA50], $0xff;
	v2 =	vadd.bf16 v60, v2  }
0x29b: {  	v9 =	vld.msk [tilespmem:$0xEA58], $0xff;
	v1 =	vadd.bf16 v61, v1  }
0x29c: {  	v2 =	vadd.bf16 v62, v2  }
0x29d: {  	v1 =	vadd.bf16 v63, v1  }
0x29e: {  	v2 =	vadd.bf16 v3, v2  }
0x29f: {  	[tilespmem:s30+$0x0] =	vst.msk $0xff, v0;
	v1 =	vadd.bf16 v8, v1  }
0x2a0: {  	[tilespmem:s31+$0x0] =	vst.msk $0xff, v0;
	v2 =	vadd.bf16 v9, v2  }
0x2a1: {  	[tilespmem:s0+$0x0] =	vst.msk $0xff, v1  }
0x2a2: {  	[tilespmem:s30+$0x0] =	vst.msk $0xff, v2  }
0x2a3: {  	v3 =	vld.msk [tilespmem:$0xF670], $0xff  }
0x2a4: {  	v10 =	vld.msk [tilespmem:$0xF678], $0xff;
	_ =	sdelay $0x3  }
0x2a5: {  	v1 =	vadd.bf16 v3, v1  }
0x2a6: {  	v2 =	vadd.bf16 v10, v2  }
0x2a7: {  	s9 =	rddreg [dreg:$0x16];
	[tilespmem:s1+$0x0] =	vst.msk $0xff, v1  }
0x2a8: {  	[tilespmem:s9+$0x0] =	vst.msk $0xff, v2  }
0x2a9: {  	v1 =	vld.msk [tilespmem:$0xEA60], $0xff  }
0x2aa: {  	v2 =	vld.msk [tilespmem:$0xEA68], $0xff  }
0x2ab: {  	v3 =	vld.msk [tilespmem:$0xEA70], $0xff  }
0x2ac: {  	v11 =	vld.msk [tilespmem:$0xEA78], $0xff  }
0x2ad: {  	v12 =	vld.msk [tilespmem:$0xEA80], $0xff  }
0x2ae: {  	v13 =	vld.msk [tilespmem:$0xEA88], $0xff  }
0x2af: {  	v14 =	vld.msk [tilespmem:$0xEA90], $0xff  }
0x2b0: {  	v1 =	vadd.bf16 v3, v1;
	v3 =	vld.msk [tilespmem:$0xEA98], $0xff  }
0x2b1: {  	v15 =	vld.msk [tilespmem:$0xEAA0], $0xff;
	v2 =	vadd.bf16 v11, v2  }
0x2b2: {  	v16 =	vld.msk [tilespmem:$0xEAA8], $0xff;
	v1 =	vadd.bf16 v12, v1  }
0x2b3: {  	v17 =	vld.msk [tilespmem:$0xEAB0], $0xff;
	v2 =	vadd.bf16 v13, v2  }
0x2b4: {  	v18 =	vld.msk [tilespmem:$0xEAB8], $0xff;
	v1 =	vadd.bf16 v14, v1  }
0x2b5: {  	v2 =	vadd.bf16 v3, v2;
	v3 =	vld.msk [tilespmem:$0xEAC0], $0xff  }
0x2b6: {  	v19 =	vld.msk [tilespmem:$0xEAC8], $0xff;
	v1 =	vadd.bf16 v15, v1  }
0x2b7: {  	v20 =	vld.msk [tilespmem:$0xEAD0], $0xff;
	v2 =	vadd.bf16 v16, v2  }
0x2b8: {  	v21 =	vld.msk [tilespmem:$0xEAD8], $0xff;
	v1 =	vadd.bf16 v17, v1  }
0x2b9: {  	v22 =	vld.msk [tilespmem:$0xEAE0], $0xff;
	v2 =	vadd.bf16 v18, v2  }
0x2ba: {  	v1 =	vadd.bf16 v3, v1;
	v3 =	vld.msk [tilespmem:$0xEAE8], $0xff  }
0x2bb: {  	v23 =	vld.msk [tilespmem:$0xEAF0], $0xff;
	v2 =	vadd.bf16 v19, v2  }
0x2bc: {  	v24 =	vld.msk [tilespmem:$0xEAF8], $0xff;
	v1 =	vadd.bf16 v20, v1  }
0x2bd: {  	v25 =	vld.msk [tilespmem:$0xEB00], $0xff;
	v2 =	vadd.bf16 v21, v2  }
0x2be: {  	v26 =	vld.msk [tilespmem:$0xEB08], $0xff;
	v1 =	vadd.bf16 v22, v1  }
0x2bf: {  	v2 =	vadd.bf16 v3, v2;
	v3 =	vld.msk [tilespmem:$0xEB10], $0xff  }
0x2c0: {  	v27 =	vld.msk [tilespmem:$0xEB18], $0xff;
	v1 =	vadd.bf16 v23, v1  }
0x2c1: {  	v28 =	vld.msk [tilespmem:$0xEB20], $0xff;
	v2 =	vadd.bf16 v24, v2  }
0x2c2: {  	v29 =	vld.msk [tilespmem:$0xEB28], $0xff;
	v1 =	vadd.bf16 v25, v1  }
0x2c3: {  	v30 =	vld.msk [tilespmem:$0xEB30], $0xff;
	v2 =	vadd.bf16 v26, v2  }
0x2c4: {  	v1 =	vadd.bf16 v3, v1;
	v3 =	vld.msk [tilespmem:$0xEB38], $0xff  }
0x2c5: {  	v31 =	vld.msk [tilespmem:$0xEB40], $0xff;
	v2 =	vadd.bf16 v27, v2  }
0x2c6: {  	v32 =	vld.msk [tilespmem:$0xEB48], $0xff;
	v1 =	vadd.bf16 v28, v1  }
0x2c7: {  	v33 =	vld.msk [tilespmem:$0xEB50], $0xff;
	v2 =	vadd.bf16 v29, v2  }
0x2c8: {  	v34 =	vld.msk [tilespmem:$0xEB58], $0xff;
	v1 =	vadd.bf16 v30, v1  }
0x2c9: {  	v2 =	vadd.bf16 v3, v2;
	v3 =	vld.msk [tilespmem:$0xEB60], $0xff  }
0x2ca: {  	v35 =	vld.msk [tilespmem:$0xEB68], $0xff;
	v1 =	vadd.bf16 v31, v1  }
0x2cb: {  	v36 =	vld.msk [tilespmem:$0xEB70], $0xff;
	v2 =	vadd.bf16 v32, v2  }
0x2cc: {  	v37 =	vld.msk [tilespmem:$0xEB78], $0xff;
	v1 =	vadd.bf16 v33, v1  }
0x2cd: {  	v38 =	vld.msk [tilespmem:$0xEB80], $0xff;
	v2 =	vadd.bf16 v34, v2  }
0x2ce: {  	v1 =	vadd.bf16 v3, v1;
	v3 =	vld.msk [tilespmem:$0xEB88], $0xff  }
0x2cf: {  	v39 =	vld.msk [tilespmem:$0xEB90], $0xff;
	v2 =	vadd.bf16 v35, v2  }
0x2d0: {  	v40 =	vld.msk [tilespmem:$0xEB98], $0xff;
	v1 =	vadd.bf16 v36, v1  }
0x2d1: {  	v41 =	vld.msk [tilespmem:$0xEBA0], $0xff;
	v2 =	vadd.bf16 v37, v2  }
0x2d2: {  	v42 =	vld.msk [tilespmem:$0xEBA8], $0xff;
	v1 =	vadd.bf16 v38, v1  }
0x2d3: {  	v2 =	vadd.bf16 v3, v2;
	v3 =	vld.msk [tilespmem:$0xEBB0], $0xff  }
0x2d4: {  	v43 =	vld.msk [tilespmem:$0xEBB8], $0xff;
	v1 =	vadd.bf16 v39, v1  }
0x2d5: {  	v44 =	vld.msk [tilespmem:$0xEBC0], $0xff;
	v2 =	vadd.bf16 v40, v2  }
0x2d6: {  	v45 =	vld.msk [tilespmem:$0xEBC8], $0xff;
	v1 =	vadd.bf16 v41, v1  }
0x2d7: {  	v46 =	vld.msk [tilespmem:$0xEBD0], $0xff;
	v2 =	vadd.bf16 v42, v2  }
0x2d8: {  	v1 =	vadd.bf16 v3, v1;
	v3 =	vld.msk [tilespmem:$0xEBD8], $0xff  }
0x2d9: {  	v47 =	vld.msk [tilespmem:$0xEBE0], $0xff;
	v2 =	vadd.bf16 v43, v2  }
0x2da: {  	v48 =	vld.msk [tilespmem:$0xEBE8], $0xff;
	v1 =	vadd.bf16 v44, v1  }
0x2db: {  	v2 =	vadd.bf16 v45, v2  }
0x2dc: {  	v1 =	vadd.bf16 v46, v1  }
0x2dd: {  	v2 =	vadd.bf16 v3, v2  }
0x2de: {  	[tilespmem:s30+$0x0] =	vst.msk $0xff, v0;
	v1 =	vadd.bf16 v47, v1  }
0x2df: {  	[tilespmem:s31+$0x0] =	vst.msk $0xff, v0;
	v2 =	vadd.bf16 v48, v2  }
0x2e0: {  	[tilespmem:s0+$0x0] =	vst.msk $0xff, v1  }
0x2e1: {  	[tilespmem:s30+$0x0] =	vst.msk $0xff, v2  }
0x2e2: {  	v3 =	vld.msk [tilespmem:$0xF670], $0xff  }
0x2e3: {  	v49 =	vld.msk [tilespmem:$0xF678], $0xff;
	_ =	sdelay $0x3  }
0x2e4: {  	v1 =	vadd.bf16 v3, v1  }
0x2e5: {  	s21 =	rddreg [dreg:$0x17];
	v2 =	vadd.bf16 v49, v2  }
0x2e6: {  	s22 =	rddreg [dreg:$0x18];
	[tilespmem:s21+$0x0] =	vst.msk $0xff, v1  }
0x2e7: {  	[tilespmem:s22+$0x0] =	vst.msk $0xff, v2  }
0x2e8: {  	v1 =	vld.msk [tilespmem:$0xEBF0], $0xff  }
0x2e9: {  	v2 =	vld.msk [tilespmem:$0xEBF8], $0xff  }
0x2ea: {  	v3 =	vld.msk [tilespmem:$0xEC00], $0xff  }
0x2eb: {  	v50 =	vld.msk [tilespmem:$0xEC08], $0xff  }
0x2ec: {  	v51 =	vld.msk [tilespmem:$0xEC10], $0xff  }
0x2ed: {  	v52 =	vld.msk [tilespmem:$0xEC18], $0xff  }
0x2ee: {  	v53 =	vld.msk [tilespmem:$0xEC20], $0xff  }
0x2ef: {  	v1 =	vadd.bf16 v3, v1;
	v3 =	vld.msk [tilespmem:$0xEC28], $0xff  }
0x2f0: {  	v54 =	vld.msk [tilespmem:$0xEC30], $0xff;
	v2 =	vadd.bf16 v50, v2  }
0x2f1: {  	v55 =	vld.msk [tilespmem:$0xEC38], $0xff;
	v1 =	vadd.bf16 v51, v1  }
0x2f2: {  	v56 =	vld.msk [tilespmem:$0xEC40], $0xff;
	v2 =	vadd.bf16 v52, v2  }
0x2f3: {  	v57 =	vld.msk [tilespmem:$0xEC48], $0xff;
	v1 =	vadd.bf16 v53, v1  }
0x2f4: {  	v2 =	vadd.bf16 v3, v2;
	v3 =	vld.msk [tilespmem:$0xEC50], $0xff  }
0x2f5: {  	v58 =	vld.msk [tilespmem:$0xEC58], $0xff;
	v1 =	vadd.bf16 v54, v1  }
0x2f6: {  	v59 =	vld.msk [tilespmem:$0xEC60], $0xff;
	v2 =	vadd.bf16 v55, v2  }
0x2f7: {  	v60 =	vld.msk [tilespmem:$0xEC68], $0xff;
	v1 =	vadd.bf16 v56, v1  }
0x2f8: {  	v61 =	vld.msk [tilespmem:$0xEC70], $0xff;
	v2 =	vadd.bf16 v57, v2  }
0x2f9: {  	v1 =	vadd.bf16 v3, v1;
	v3 =	vld.msk [tilespmem:$0xEC78], $0xff  }
0x2fa: {  	v62 =	vld.msk [tilespmem:$0xEC80], $0xff;
	v2 =	vadd.bf16 v58, v2  }
0x2fb: {  	v63 =	vld.msk [tilespmem:$0xEC88], $0xff;
	v1 =	vadd.bf16 v59, v1  }
0x2fc: {  	v9 =	vld.msk [tilespmem:$0xEC90], $0xff;
	v2 =	vadd.bf16 v60, v2  }
0x2fd: {  	v10 =	vld.msk [tilespmem:$0xEC98], $0xff;
	v1 =	vadd.bf16 v61, v1  }
0x2fe: {  	v2 =	vadd.bf16 v3, v2;
	v3 =	vld.msk [tilespmem:$0xECA0], $0xff  }
0x2ff: {  	v11 =	vld.msk [tilespmem:$0xECA8], $0xff;
	v1 =	vadd.bf16 v62, v1  }
0x300: {  	v12 =	vld.msk [tilespmem:$0xECB0], $0xff;
	v2 =	vadd.bf16 v63, v2  }
0x301: {  	v13 =	vld.msk [tilespmem:$0xECB8], $0xff;
	v1 =	vadd.bf16 v9, v1  }
0x302: {  	v14 =	vld.msk [tilespmem:$0xECC0], $0xff;
	v2 =	vadd.bf16 v10, v2  }
0x303: {  	v1 =	vadd.bf16 v3, v1;
	v3 =	vld.msk [tilespmem:$0xECC8], $0xff  }
0x304: {  	v15 =	vld.msk [tilespmem:$0xECD0], $0xff;
	v2 =	vadd.bf16 v11, v2  }
0x305: {  	v16 =	vld.msk [tilespmem:$0xECD8], $0xff;
	v1 =	vadd.bf16 v12, v1  }
0x306: {  	v17 =	vld.msk [tilespmem:$0xECE0], $0xff;
	v2 =	vadd.bf16 v13, v2  }
0x307: {  	v18 =	vld.msk [tilespmem:$0xECE8], $0xff;
	v1 =	vadd.bf16 v14, v1  }
0x308: {  	v2 =	vadd.bf16 v3, v2;
	v3 =	vld.msk [tilespmem:$0xECF0], $0xff  }
0x309: {  	v19 =	vld.msk [tilespmem:$0xECF8], $0xff;
	v1 =	vadd.bf16 v15, v1  }
0x30a: {  	v20 =	vld.msk [tilespmem:$0xED00], $0xff;
	v2 =	vadd.bf16 v16, v2  }
0x30b: {  	v21 =	vld.msk [tilespmem:$0xED08], $0xff;
	v1 =	vadd.bf16 v17, v1  }
0x30c: {  	v22 =	vld.msk [tilespmem:$0xED10], $0xff;
	v2 =	vadd.bf16 v18, v2  }
0x30d: {  	v1 =	vadd.bf16 v3, v1;
	v3 =	vld.msk [tilespmem:$0xED18], $0xff  }
0x30e: {  	v23 =	vld.msk [tilespmem:$0xED20], $0xff;
	v2 =	vadd.bf16 v19, v2  }
0x30f: {  	v24 =	vld.msk [tilespmem:$0xED28], $0xff;
	v1 =	vadd.bf16 v20, v1  }
0x310: {  	v25 =	vld.msk [tilespmem:$0xED30], $0xff;
	v2 =	vadd.bf16 v21, v2  }
0x311: {  	v26 =	vld.msk [tilespmem:$0xED38], $0xff;
	v1 =	vadd.bf16 v22, v1  }
0x312: {  	v2 =	vadd.bf16 v3, v2;
	v3 =	vld.msk [tilespmem:$0xED40], $0xff  }
0x313: {  	v27 =	vld.msk [tilespmem:$0xED48], $0xff;
	v1 =	vadd.bf16 v23, v1  }
0x314: {  	v28 =	vld.msk [tilespmem:$0xED50], $0xff;
	v2 =	vadd.bf16 v24, v2  }
0x315: {  	v29 =	vld.msk [tilespmem:$0xED58], $0xff;
	v1 =	vadd.bf16 v25, v1  }
0x316: {  	v30 =	vld.msk [tilespmem:$0xED60], $0xff;
	v2 =	vadd.bf16 v26, v2  }
0x317: {  	v1 =	vadd.bf16 v3, v1;
	v3 =	vld.msk [tilespmem:$0xED68], $0xff  }
0x318: {  	v31 =	vld.msk [tilespmem:$0xED70], $0xff;
	v2 =	vadd.bf16 v27, v2  }
0x319: {  	v32 =	vld.msk [tilespmem:$0xED78], $0xff;
	v1 =	vadd.bf16 v28, v1  }
0x31a: {  	v2 =	vadd.bf16 v29, v2  }
0x31b: {  	v1 =	vadd.bf16 v30, v1  }
0x31c: {  	v2 =	vadd.bf16 v3, v2  }
0x31d: {  	[tilespmem:s30+$0x0] =	vst.msk $0xff, v0;
	v1 =	vadd.bf16 v31, v1  }
0x31e: {  	[tilespmem:s31+$0x0] =	vst.msk $0xff, v0;
	v2 =	vadd.bf16 v32, v2  }
0x31f: {  	[tilespmem:s0+$0x0] =	vst.msk $0xff, v1  }
0x320: {  	[tilespmem:s30+$0x0] =	vst.msk $0xff, v2  }
0x321: {  	v3 =	vld.msk [tilespmem:$0xF670], $0xff  }
0x322: {  	v33 =	vld.msk [tilespmem:$0xF678], $0xff;
	_ =	sdelay $0x3  }
0x323: {  	v1 =	vadd.bf16 v3, v1  }
0x324: {  	s21 =	rddreg [dreg:$0x19];
	v2 =	vadd.bf16 v33, v2  }
0x325: {  	s22 =	rddreg [dreg:$0x1a];
	[tilespmem:s21+$0x0] =	vst.msk $0xff, v1  }
0x326: {  	[tilespmem:s22+$0x0] =	vst.msk $0xff, v2  }
0x327: {  	v1 =	vld.msk [tilespmem:$0xED80], $0xff  }
0x328: {  	v2 =	vld.msk [tilespmem:$0xED88], $0xff  }
0x329: {  	v3 =	vld.msk [tilespmem:$0xED90], $0xff  }
0x32a: {  	v34 =	vld.msk [tilespmem:$0xED98], $0xff  }
0x32b: {  	v35 =	vld.msk [tilespmem:$0xEDA0], $0xff  }
0x32c: {  	v36 =	vld.msk [tilespmem:$0xEDA8], $0xff  }
0x32d: {  	v37 =	vld.msk [tilespmem:$0xEDB0], $0xff  }
0x32e: {  	v1 =	vadd.bf16 v3, v1;
	v3 =	vld.msk [tilespmem:$0xEDB8], $0xff  }
0x32f: {  	v38 =	vld.msk [tilespmem:$0xEDC0], $0xff;
	v2 =	vadd.bf16 v34, v2  }
0x330: {  	v39 =	vld.msk [tilespmem:$0xEDC8], $0xff;
	v1 =	vadd.bf16 v35, v1  }
0x331: {  	v40 =	vld.msk [tilespmem:$0xEDD0], $0xff;
	v2 =	vadd.bf16 v36, v2  }
0x332: {  	v41 =	vld.msk [tilespmem:$0xEDD8], $0xff;
	v1 =	vadd.bf16 v37, v1  }
0x333: {  	v2 =	vadd.bf16 v3, v2;
	v3 =	vld.msk [tilespmem:$0xEDE0], $0xff  }
0x334: {  	v42 =	vld.msk [tilespmem:$0xEDE8], $0xff;
	v1 =	vadd.bf16 v38, v1  }
0x335: {  	v43 =	vld.msk [tilespmem:$0xEDF0], $0xff;
	v2 =	vadd.bf16 v39, v2  }
0x336: {  	v44 =	vld.msk [tilespmem:$0xEDF8], $0xff;
	v1 =	vadd.bf16 v40, v1  }
0x337: {  	v45 =	vld.msk [tilespmem:$0xEE00], $0xff;
	v2 =	vadd.bf16 v41, v2  }
0x338: {  	v1 =	vadd.bf16 v3, v1;
	v3 =	vld.msk [tilespmem:$0xEE08], $0xff  }
0x339: {  	v46 =	vld.msk [tilespmem:$0xEE10], $0xff;
	v2 =	vadd.bf16 v42, v2  }
0x33a: {  	v47 =	vld.msk [tilespmem:$0xEE18], $0xff;
	v1 =	vadd.bf16 v43, v1  }
0x33b: {  	v48 =	vld.msk [tilespmem:$0xEE20], $0xff;
	v2 =	vadd.bf16 v44, v2  }
0x33c: {  	v49 =	vld.msk [tilespmem:$0xEE28], $0xff;
	v1 =	vadd.bf16 v45, v1  }
0x33d: {  	v2 =	vadd.bf16 v3, v2;
	v3 =	vld.msk [tilespmem:$0xEE30], $0xff  }
0x33e: {  	v50 =	vld.msk [tilespmem:$0xEE38], $0xff;
	v1 =	vadd.bf16 v46, v1  }
0x33f: {  	v51 =	vld.msk [tilespmem:$0xEE40], $0xff;
	v2 =	vadd.bf16 v47, v2  }
0x340: {  	v52 =	vld.msk [tilespmem:$0xEE48], $0xff;
	v1 =	vadd.bf16 v48, v1  }
0x341: {  	v53 =	vld.msk [tilespmem:$0xEE50], $0xff;
	v2 =	vadd.bf16 v49, v2  }
0x342: {  	v1 =	vadd.bf16 v3, v1;
	v3 =	vld.msk [tilespmem:$0xEE58], $0xff  }
0x343: {  	v54 =	vld.msk [tilespmem:$0xEE60], $0xff;
	v2 =	vadd.bf16 v50, v2  }
0x344: {  	v55 =	vld.msk [tilespmem:$0xEE68], $0xff;
	v1 =	vadd.bf16 v51, v1  }
0x345: {  	v56 =	vld.msk [tilespmem:$0xEE70], $0xff;
	v2 =	vadd.bf16 v52, v2  }
0x346: {  	v57 =	vld.msk [tilespmem:$0xEE78], $0xff;
	v1 =	vadd.bf16 v53, v1  }
0x347: {  	v2 =	vadd.bf16 v3, v2;
	v3 =	vld.msk [tilespmem:$0xEE80], $0xff  }
0x348: {  	v58 =	vld.msk [tilespmem:$0xEE88], $0xff;
	v1 =	vadd.bf16 v54, v1  }
0x349: {  	v59 =	vld.msk [tilespmem:$0xEE90], $0xff;
	v2 =	vadd.bf16 v55, v2  }
0x34a: {  	v60 =	vld.msk [tilespmem:$0xEE98], $0xff;
	v1 =	vadd.bf16 v56, v1  }
0x34b: {  	v61 =	vld.msk [tilespmem:$0xEEA0], $0xff;
	v2 =	vadd.bf16 v57, v2  }
0x34c: {  	v1 =	vadd.bf16 v3, v1;
	v3 =	vld.msk [tilespmem:$0xEEA8], $0xff  }
0x34d: {  	v62 =	vld.msk [tilespmem:$0xEEB0], $0xff;
	v2 =	vadd.bf16 v58, v2  }
0x34e: {  	v63 =	vld.msk [tilespmem:$0xEEB8], $0xff;
	v1 =	vadd.bf16 v59, v1  }
0x34f: {  	v9 =	vld.msk [tilespmem:$0xEEC0], $0xff;
	v2 =	vadd.bf16 v60, v2  }
0x350: {  	v10 =	vld.msk [tilespmem:$0xEEC8], $0xff;
	v1 =	vadd.bf16 v61, v1  }
0x351: {  	v2 =	vadd.bf16 v3, v2;
	v3 =	vld.msk [tilespmem:$0xEED0], $0xff  }
0x352: {  	v11 =	vld.msk [tilespmem:$0xEED8], $0xff;
	v1 =	vadd.bf16 v62, v1  }
0x353: {  	v12 =	vld.msk [tilespmem:$0xEEE0], $0xff;
	v2 =	vadd.bf16 v63, v2  }
0x354: {  	v13 =	vld.msk [tilespmem:$0xEEE8], $0xff;
	v1 =	vadd.bf16 v9, v1  }
0x355: {  	v14 =	vld.msk [tilespmem:$0xEEF0], $0xff;
	v2 =	vadd.bf16 v10, v2  }
0x356: {  	v1 =	vadd.bf16 v3, v1;
	v3 =	vld.msk [tilespmem:$0xEEF8], $0xff  }
0x357: {  	v15 =	vld.msk [tilespmem:$0xEF00], $0xff;
	v2 =	vadd.bf16 v11, v2  }
0x358: {  	v16 =	vld.msk [tilespmem:$0xEF08], $0xff;
	v1 =	vadd.bf16 v12, v1  }
0x359: {  	v2 =	vadd.bf16 v13, v2  }
0x35a: {  	v1 =	vadd.bf16 v14, v1  }
0x35b: {  	v2 =	vadd.bf16 v3, v2  }
0x35c: {  	[tilespmem:s30+$0x0] =	vst.msk $0xff, v0;
	v1 =	vadd.bf16 v15, v1  }
0x35d: {  	[tilespmem:s31+$0x0] =	vst.msk $0xff, v0;
	v2 =	vadd.bf16 v16, v2  }
0x35e: {  	[tilespmem:s0+$0x0] =	vst.msk $0xff, v1  }
0x35f: {  	[tilespmem:s30+$0x0] =	vst.msk $0xff, v2  }
0x360: {  	v3 =	vld.msk [tilespmem:$0xF670], $0xff  }
0x361: {  	v17 =	vld.msk [tilespmem:$0xF678], $0xff;
	_ =	sdelay $0x3  }
0x362: {  	v1 =	vadd.bf16 v3, v1  }
0x363: {  	s21 =	rddreg [dreg:$0x1b];
	v2 =	vadd.bf16 v17, v2  }
0x364: {  	s22 =	rddreg [dreg:$0x1c];
	[tilespmem:s21+$0x0] =	vst.msk $0xff, v1  }
0x365: {  	[tilespmem:s22+$0x0] =	vst.msk $0xff, v2  }
0x366: {  	v1 =	vld.msk [tilespmem:$0xEF10], $0xff  }
0x367: {  	v2 =	vld.msk [tilespmem:$0xEF18], $0xff  }
0x368: {  	v3 =	vld.msk [tilespmem:$0xEF20], $0xff  }
0x369: {  	v18 =	vld.msk [tilespmem:$0xEF28], $0xff  }
0x36a: {  	v19 =	vld.msk [tilespmem:$0xEF30], $0xff  }
0x36b: {  	v20 =	vld.msk [tilespmem:$0xEF38], $0xff  }
0x36c: {  	v21 =	vld.msk [tilespmem:$0xEF40], $0xff  }
0x36d: {  	v1 =	vadd.bf16 v3, v1;
	v3 =	vld.msk [tilespmem:$0xEF48], $0xff  }
0x36e: {  	v22 =	vld.msk [tilespmem:$0xEF50], $0xff;
	v2 =	vadd.bf16 v18, v2  }
0x36f: {  	v23 =	vld.msk [tilespmem:$0xEF58], $0xff;
	v1 =	vadd.bf16 v19, v1  }
0x370: {  	v24 =	vld.msk [tilespmem:$0xEF60], $0xff;
	v2 =	vadd.bf16 v20, v2  }
0x371: {  	v25 =	vld.msk [tilespmem:$0xEF68], $0xff;
	v1 =	vadd.bf16 v21, v1  }
0x372: {  	v2 =	vadd.bf16 v3, v2;
	v3 =	vld.msk [tilespmem:$0xEF70], $0xff  }
0x373: {  	v26 =	vld.msk [tilespmem:$0xEF78], $0xff;
	v1 =	vadd.bf16 v22, v1  }
0x374: {  	v27 =	vld.msk [tilespmem:$0xEF80], $0xff;
	v2 =	vadd.bf16 v23, v2  }
0x375: {  	v28 =	vld.msk [tilespmem:$0xEF88], $0xff;
	v1 =	vadd.bf16 v24, v1  }
0x376: {  	v29 =	vld.msk [tilespmem:$0xEF90], $0xff;
	v2 =	vadd.bf16 v25, v2  }
0x377: {  	v1 =	vadd.bf16 v3, v1;
	v3 =	vld.msk [tilespmem:$0xEF98], $0xff  }
0x378: {  	v30 =	vld.msk [tilespmem:$0xEFA0], $0xff;
	v2 =	vadd.bf16 v26, v2  }
0x379: {  	v31 =	vld.msk [tilespmem:$0xEFA8], $0xff;
	v1 =	vadd.bf16 v27, v1  }
0x37a: {  	v32 =	vld.msk [tilespmem:$0xEFB0], $0xff;
	v2 =	vadd.bf16 v28, v2  }
0x37b: {  	v33 =	vld.msk [tilespmem:$0xEFB8], $0xff;
	v1 =	vadd.bf16 v29, v1  }
0x37c: {  	v2 =	vadd.bf16 v3, v2;
	v3 =	vld.msk [tilespmem:$0xEFC0], $0xff  }
0x37d: {  	v34 =	vld.msk [tilespmem:$0xEFC8], $0xff;
	v1 =	vadd.bf16 v30, v1  }
0x37e: {  	v35 =	vld.msk [tilespmem:$0xEFD0], $0xff;
	v2 =	vadd.bf16 v31, v2  }
0x37f: {  	v36 =	vld.msk [tilespmem:$0xEFD8], $0xff;
	v1 =	vadd.bf16 v32, v1  }
0x380: {  	v37 =	vld.msk [tilespmem:$0xEFE0], $0xff;
	v2 =	vadd.bf16 v33, v2  }
0x381: {  	v1 =	vadd.bf16 v3, v1;
	v3 =	vld.msk [tilespmem:$0xEFE8], $0xff  }
0x382: {  	v38 =	vld.msk [tilespmem:$0xEFF0], $0xff;
	v2 =	vadd.bf16 v34, v2  }
0x383: {  	v39 =	vld.msk [tilespmem:$0xEFF8], $0xff;
	v1 =	vadd.bf16 v35, v1  }
0x384: {  	v40 =	vld.msk [tilespmem:$0xF000], $0xff;
	v2 =	vadd.bf16 v36, v2  }
0x385: {  	v41 =	vld.msk [tilespmem:$0xF008], $0xff;
	v1 =	vadd.bf16 v37, v1  }
0x386: {  	v2 =	vadd.bf16 v3, v2;
	v3 =	vld.msk [tilespmem:$0xF010], $0xff  }
0x387: {  	v42 =	vld.msk [tilespmem:$0xF018], $0xff;
	v1 =	vadd.bf16 v38, v1  }
0x388: {  	v43 =	vld.msk [tilespmem:$0xF020], $0xff;
	v2 =	vadd.bf16 v39, v2  }
0x389: {  	v44 =	vld.msk [tilespmem:$0xF028], $0xff;
	v1 =	vadd.bf16 v40, v1  }
0x38a: {  	v45 =	vld.msk [tilespmem:$0xF030], $0xff;
	v2 =	vadd.bf16 v41, v2  }
0x38b: {  	v1 =	vadd.bf16 v3, v1;
	v3 =	vld.msk [tilespmem:$0xF038], $0xff  }
0x38c: {  	v46 =	vld.msk [tilespmem:$0xF040], $0xff;
	v2 =	vadd.bf16 v42, v2  }
0x38d: {  	v47 =	vld.msk [tilespmem:$0xF048], $0xff;
	v1 =	vadd.bf16 v43, v1  }
0x38e: {  	v48 =	vld.msk [tilespmem:$0xF050], $0xff;
	v2 =	vadd.bf16 v44, v2  }
0x38f: {  	v49 =	vld.msk [tilespmem:$0xF058], $0xff;
	v1 =	vadd.bf16 v45, v1  }
0x390: {  	v2 =	vadd.bf16 v3, v2;
	v3 =	vld.msk [tilespmem:$0xF060], $0xff  }
0x391: {  	v50 =	vld.msk [tilespmem:$0xF068], $0xff;
	v1 =	vadd.bf16 v46, v1  }
0x392: {  	v51 =	vld.msk [tilespmem:$0xF070], $0xff;
	v2 =	vadd.bf16 v47, v2  }
0x393: {  	v52 =	vld.msk [tilespmem:$0xF078], $0xff;
	v1 =	vadd.bf16 v48, v1  }
0x394: {  	v53 =	vld.msk [tilespmem:$0xF080], $0xff;
	v2 =	vadd.bf16 v49, v2  }
0x395: {  	v1 =	vadd.bf16 v3, v1;
	v3 =	vld.msk [tilespmem:$0xF088], $0xff  }
0x396: {  	v54 =	vld.msk [tilespmem:$0xF090], $0xff;
	v2 =	vadd.bf16 v50, v2  }
0x397: {  	v55 =	vld.msk [tilespmem:$0xF098], $0xff;
	v1 =	vadd.bf16 v51, v1  }
0x398: {  	v2 =	vadd.bf16 v52, v2  }
0x399: {  	v1 =	vadd.bf16 v53, v1  }
0x39a: {  	v2 =	vadd.bf16 v3, v2  }
0x39b: {  	[tilespmem:s30+$0x0] =	vst.msk $0xff, v0;
	v1 =	vadd.bf16 v54, v1  }
0x39c: {  	[tilespmem:s31+$0x0] =	vst.msk $0xff, v0;
	v2 =	vadd.bf16 v55, v2  }
0x39d: {  	[tilespmem:s0+$0x0] =	vst.msk $0xff, v1  }
0x39e: {  	[tilespmem:s30+$0x0] =	vst.msk $0xff, v2  }
0x39f: {  	v3 =	vld.msk [tilespmem:$0xF670], $0xff  }
0x3a0: {  	v56 =	vld.msk [tilespmem:$0xF678], $0xff;
	_ =	sdelay $0x3  }
0x3a1: {  	v1 =	vadd.bf16 v3, v1  }
0x3a2: {  	s21 =	rddreg [dreg:$0x1d];
	v2 =	vadd.bf16 v56, v2  }
0x3a3: {  	s22 =	rddreg [dreg:$0x1e];
	[tilespmem:s21+$0x0] =	vst.msk $0xff, v1  }
0x3a4: {  	[tilespmem:s22+$0x0] =	vst.msk $0xff, v2  }
0x3a5: {  	v1 =	vld.msk [tilespmem:$0xF0A0], $0xff  }
0x3a6: {  	v2 =	vld.msk [tilespmem:$0xF0A8], $0xff  }
0x3a7: {  	v3 =	vld.msk [tilespmem:$0xF0B0], $0xff  }
0x3a8: {  	v57 =	vld.msk [tilespmem:$0xF0B8], $0xff  }
0x3a9: {  	v58 =	vld.msk [tilespmem:$0xF0C0], $0xff  }
0x3aa: {  	v59 =	vld.msk [tilespmem:$0xF0C8], $0xff  }
0x3ab: {  	v60 =	vld.msk [tilespmem:$0xF0D0], $0xff  }
0x3ac: {  	v1 =	vadd.bf16 v3, v1;
	v3 =	vld.msk [tilespmem:$0xF0D8], $0xff  }
0x3ad: {  	v61 =	vld.msk [tilespmem:$0xF0E0], $0xff;
	v2 =	vadd.bf16 v57, v2  }
0x3ae: {  	v62 =	vld.msk [tilespmem:$0xF0E8], $0xff;
	v1 =	vadd.bf16 v58, v1  }
0x3af: {  	v63 =	vld.msk [tilespmem:$0xF0F0], $0xff;
	v2 =	vadd.bf16 v59, v2  }
0x3b0: {  	v9 =	vld.msk [tilespmem:$0xF0F8], $0xff;
	v1 =	vadd.bf16 v60, v1  }
0x3b1: {  	v2 =	vadd.bf16 v3, v2;
	v3 =	vld.msk [tilespmem:$0xF100], $0xff  }
0x3b2: {  	v10 =	vld.msk [tilespmem:$0xF108], $0xff;
	v1 =	vadd.bf16 v61, v1  }
0x3b3: {  	v11 =	vld.msk [tilespmem:$0xF110], $0xff;
	v2 =	vadd.bf16 v62, v2  }
0x3b4: {  	v12 =	vld.msk [tilespmem:$0xF118], $0xff;
	v1 =	vadd.bf16 v63, v1  }
0x3b5: {  	v13 =	vld.msk [tilespmem:$0xF120], $0xff;
	v2 =	vadd.bf16 v9, v2  }
0x3b6: {  	v1 =	vadd.bf16 v3, v1;
	v3 =	vld.msk [tilespmem:$0xF128], $0xff  }
0x3b7: {  	v14 =	vld.msk [tilespmem:$0xF130], $0xff;
	v2 =	vadd.bf16 v10, v2  }
0x3b8: {  	v15 =	vld.msk [tilespmem:$0xF138], $0xff;
	v1 =	vadd.bf16 v11, v1  }
0x3b9: {  	v16 =	vld.msk [tilespmem:$0xF140], $0xff;
	v2 =	vadd.bf16 v12, v2  }
0x3ba: {  	v17 =	vld.msk [tilespmem:$0xF148], $0xff;
	v1 =	vadd.bf16 v13, v1  }
0x3bb: {  	v2 =	vadd.bf16 v3, v2;
	v3 =	vld.msk [tilespmem:$0xF150], $0xff  }
0x3bc: {  	v18 =	vld.msk [tilespmem:$0xF158], $0xff;
	v1 =	vadd.bf16 v14, v1  }
0x3bd: {  	v19 =	vld.msk [tilespmem:$0xF160], $0xff;
	v2 =	vadd.bf16 v15, v2  }
0x3be: {  	v20 =	vld.msk [tilespmem:$0xF168], $0xff;
	v1 =	vadd.bf16 v16, v1  }
0x3bf: {  	v21 =	vld.msk [tilespmem:$0xF170], $0xff;
	v2 =	vadd.bf16 v17, v2  }
0x3c0: {  	v1 =	vadd.bf16 v3, v1;
	v3 =	vld.msk [tilespmem:$0xF178], $0xff  }
0x3c1: {  	v22 =	vld.msk [tilespmem:$0xF180], $0xff;
	v2 =	vadd.bf16 v18, v2  }
0x3c2: {  	v23 =	vld.msk [tilespmem:$0xF188], $0xff;
	v1 =	vadd.bf16 v19, v1  }
0x3c3: {  	v24 =	vld.msk [tilespmem:$0xF190], $0xff;
	v2 =	vadd.bf16 v20, v2  }
0x3c4: {  	v25 =	vld.msk [tilespmem:$0xF198], $0xff;
	v1 =	vadd.bf16 v21, v1  }
0x3c5: {  	v2 =	vadd.bf16 v3, v2;
	v3 =	vld.msk [tilespmem:$0xF1A0], $0xff  }
0x3c6: {  	v26 =	vld.msk [tilespmem:$0xF1A8], $0xff;
	v1 =	vadd.bf16 v22, v1  }
0x3c7: {  	v27 =	vld.msk [tilespmem:$0xF1B0], $0xff;
	v2 =	vadd.bf16 v23, v2  }
0x3c8: {  	v28 =	vld.msk [tilespmem:$0xF1B8], $0xff;
	v1 =	vadd.bf16 v24, v1  }
0x3c9: {  	v29 =	vld.msk [tilespmem:$0xF1C0], $0xff;
	v2 =	vadd.bf16 v25, v2  }
0x3ca: {  	v1 =	vadd.bf16 v3, v1;
	v3 =	vld.msk [tilespmem:$0xF1C8], $0xff  }
0x3cb: {  	v30 =	vld.msk [tilespmem:$0xF1D0], $0xff;
	v2 =	vadd.bf16 v26, v2  }
0x3cc: {  	v31 =	vld.msk [tilespmem:$0xF1D8], $0xff;
	v1 =	vadd.bf16 v27, v1  }
0x3cd: {  	v32 =	vld.msk [tilespmem:$0xF1E0], $0xff;
	v2 =	vadd.bf16 v28, v2  }
0x3ce: {  	v33 =	vld.msk [tilespmem:$0xF1E8], $0xff;
	v1 =	vadd.bf16 v29, v1  }
0x3cf: {  	v2 =	vadd.bf16 v3, v2;
	v3 =	vld.msk [tilespmem:$0xF1F0], $0xff  }
0x3d0: {  	v34 =	vld.msk [tilespmem:$0xF1F8], $0xff;
	v1 =	vadd.bf16 v30, v1  }
0x3d1: {  	v35 =	vld.msk [tilespmem:$0xF200], $0xff;
	v2 =	vadd.bf16 v31, v2  }
0x3d2: {  	v36 =	vld.msk [tilespmem:$0xF208], $0xff;
	v1 =	vadd.bf16 v32, v1  }
0x3d3: {  	v37 =	vld.msk [tilespmem:$0xF210], $0xff;
	v2 =	vadd.bf16 v33, v2  }
0x3d4: {  	v1 =	vadd.bf16 v3, v1;
	v3 =	vld.msk [tilespmem:$0xF218], $0xff  }
0x3d5: {  	v38 =	vld.msk [tilespmem:$0xF220], $0xff;
	v2 =	vadd.bf16 v34, v2  }
0x3d6: {  	v39 =	vld.msk [tilespmem:$0xF228], $0xff;
	v1 =	vadd.bf16 v35, v1  }
0x3d7: {  	v2 =	vadd.bf16 v36, v2  }
0x3d8: {  	v1 =	vadd.bf16 v37, v1  }
0x3d9: {  	v2 =	vadd.bf16 v3, v2  }
0x3da: {  	[tilespmem:s30+$0x0] =	vst.msk $0xff, v0;
	v1 =	vadd.bf16 v38, v1  }
0x3db: {  	[tilespmem:s31+$0x0] =	vst.msk $0xff, v0;
	v2 =	vadd.bf16 v39, v2  }
0x3dc: {  	[tilespmem:s0+$0x0] =	vst.msk $0xff, v1  }
0x3dd: {  	[tilespmem:s30+$0x0] =	vst.msk $0xff, v2  }
0x3de: {  	v3 =	vld.msk [tilespmem:$0xF670], $0xff  }
0x3df: {  	v40 =	vld.msk [tilespmem:$0xF678], $0xff;
	_ =	sdelay $0x3  }
0x3e0: {  	s22 =	sld [smem:$0x7F9];
	v1 =	vadd.bf16 v3, v1  }
0x3e1: {  	s21 =	rddreg [dreg:$0x1f];
	v2 =	vadd.bf16 v40, v2  }
0x3e2: {  	[tilespmem:s21+$0x0] =	vst.msk $0xff, v1  }
0x3e3: {  	[tilespmem:s22+$0x0] =	vst.msk $0xff, v2  }
0x3e4: {  	v1 =	vld.msk [tilespmem:$0xF230], $0xff  }
0x3e5: {  	v2 =	vld.msk [tilespmem:$0xF238], $0xff  }
0x3e6: {  	v3 =	vld.msk [tilespmem:$0xF240], $0xff  }
0x3e7: {  	v41 =	vld.msk [tilespmem:$0xF248], $0xff  }
0x3e8: {  	v42 =	vld.msk [tilespmem:$0xF250], $0xff  }
0x3e9: {  	v43 =	vld.msk [tilespmem:$0xF258], $0xff  }
0x3ea: {  	v44 =	vld.msk [tilespmem:$0xF260], $0xff  }
0x3eb: {  	v1 =	vadd.bf16 v3, v1;
	v3 =	vld.msk [tilespmem:$0xF268], $0xff  }
0x3ec: {  	v45 =	vld.msk [tilespmem:$0xF270], $0xff;
	v2 =	vadd.bf16 v41, v2  }
0x3ed: {  	v46 =	vld.msk [tilespmem:$0xF278], $0xff;
	v1 =	vadd.bf16 v42, v1  }
0x3ee: {  	v47 =	vld.msk [tilespmem:$0xF280], $0xff;
	v2 =	vadd.bf16 v43, v2  }
0x3ef: {  	v48 =	vld.msk [tilespmem:$0xF288], $0xff;
	v1 =	vadd.bf16 v44, v1  }
0x3f0: {  	v2 =	vadd.bf16 v3, v2;
	v3 =	vld.msk [tilespmem:$0xF290], $0xff  }
0x3f1: {  	v49 =	vld.msk [tilespmem:$0xF298], $0xff;
	v1 =	vadd.bf16 v45, v1  }
0x3f2: {  	v50 =	vld.msk [tilespmem:$0xF2A0], $0xff;
	v2 =	vadd.bf16 v46, v2  }
0x3f3: {  	v51 =	vld.msk [tilespmem:$0xF2A8], $0xff;
	v1 =	vadd.bf16 v47, v1  }
0x3f4: {  	v52 =	vld.msk [tilespmem:$0xF2B0], $0xff;
	v2 =	vadd.bf16 v48, v2  }
0x3f5: {  	v1 =	vadd.bf16 v3, v1;
	v3 =	vld.msk [tilespmem:$0xF2B8], $0xff  }
0x3f6: {  	v53 =	vld.msk [tilespmem:$0xF2C0], $0xff;
	v2 =	vadd.bf16 v49, v2  }
0x3f7: {  	v54 =	vld.msk [tilespmem:$0xF2C8], $0xff;
	v1 =	vadd.bf16 v50, v1  }
0x3f8: {  	v55 =	vld.msk [tilespmem:$0xF2D0], $0xff;
	v2 =	vadd.bf16 v51, v2  }
0x3f9: {  	v56 =	vld.msk [tilespmem:$0xF2D8], $0xff;
	v1 =	vadd.bf16 v52, v1  }
0x3fa: {  	v2 =	vadd.bf16 v3, v2;
	v3 =	vld.msk [tilespmem:$0xF2E0], $0xff  }
0x3fb: {  	v57 =	vld.msk [tilespmem:$0xF2E8], $0xff;
	v1 =	vadd.bf16 v53, v1  }
0x3fc: {  	v58 =	vld.msk [tilespmem:$0xF2F0], $0xff;
	v2 =	vadd.bf16 v54, v2  }
0x3fd: {  	v59 =	vld.msk [tilespmem:$0xF2F8], $0xff;
	v1 =	vadd.bf16 v55, v1  }
0x3fe: {  	v60 =	vld.msk [tilespmem:$0xF300], $0xff;
	v2 =	vadd.bf16 v56, v2  }
0x3ff: {  	v1 =	vadd.bf16 v3, v1;
	v3 =	vld.msk [tilespmem:$0xF308], $0xff  }
0x400: {  	v61 =	vld.msk [tilespmem:$0xF310], $0xff;
	v2 =	vadd.bf16 v57, v2  }
0x401: {  	v62 =	vld.msk [tilespmem:$0xF318], $0xff;
	v1 =	vadd.bf16 v58, v1  }
0x402: {  	v63 =	vld.msk [tilespmem:$0xF320], $0xff;
	v2 =	vadd.bf16 v59, v2  }
0x403: {  	v9 =	vld.msk [tilespmem:$0xF328], $0xff;
	v1 =	vadd.bf16 v60, v1  }
0x404: {  	v2 =	vadd.bf16 v3, v2;
	v3 =	vld.msk [tilespmem:$0xF330], $0xff  }
0x405: {  	v10 =	vld.msk [tilespmem:$0xF338], $0xff;
	v1 =	vadd.bf16 v61, v1  }
0x406: {  	v11 =	vld.msk [tilespmem:$0xF340], $0xff;
	v2 =	vadd.bf16 v62, v2  }
0x407: {  	v12 =	vld.msk [tilespmem:$0xF348], $0xff;
	v1 =	vadd.bf16 v63, v1  }
0x408: {  	v13 =	vld.msk [tilespmem:$0xF350], $0xff;
	v2 =	vadd.bf16 v9, v2  }
0x409: {  	v1 =	vadd.bf16 v3, v1;
	v3 =	vld.msk [tilespmem:$0xF358], $0xff  }
0x40a: {  	v14 =	vld.msk [tilespmem:$0xF360], $0xff;
	v2 =	vadd.bf16 v10, v2  }
0x40b: {  	v15 =	vld.msk [tilespmem:$0xF368], $0xff;
	v1 =	vadd.bf16 v11, v1  }
0x40c: {  	v16 =	vld.msk [tilespmem:$0xF370], $0xff;
	v2 =	vadd.bf16 v12, v2  }
0x40d: {  	v17 =	vld.msk [tilespmem:$0xF378], $0xff;
	v1 =	vadd.bf16 v13, v1  }
0x40e: {  	v2 =	vadd.bf16 v3, v2;
	v3 =	vld.msk [tilespmem:$0xF380], $0xff  }
0x40f: {  	v18 =	vld.msk [tilespmem:$0xF388], $0xff;
	v1 =	vadd.bf16 v14, v1  }
0x410: {  	v19 =	vld.msk [tilespmem:$0xF390], $0xff;
	v2 =	vadd.bf16 v15, v2  }
0x411: {  	v20 =	vld.msk [tilespmem:$0xF398], $0xff;
	v1 =	vadd.bf16 v16, v1  }
0x412: {  	v21 =	vld.msk [tilespmem:$0xF3A0], $0xff;
	v2 =	vadd.bf16 v17, v2  }
0x413: {  	v1 =	vadd.bf16 v3, v1;
	v3 =	vld.msk [tilespmem:$0xF3A8], $0xff  }
0x414: {  	v22 =	vld.msk [tilespmem:$0xF3B0], $0xff;
	v2 =	vadd.bf16 v18, v2  }
0x415: {  	v23 =	vld.msk [tilespmem:$0xF3B8], $0xff;
	v1 =	vadd.bf16 v19, v1  }
0x416: {  	v2 =	vadd.bf16 v20, v2  }
0x417: {  	v1 =	vadd.bf16 v21, v1  }
0x418: {  	v2 =	vadd.bf16 v3, v2  }
0x419: {  	[tilespmem:s30+$0x0] =	vst.msk $0xff, v0;
	v1 =	vadd.bf16 v22, v1  }
0x41a: {  	[tilespmem:s31+$0x0] =	vst.msk $0xff, v0;
	v2 =	vadd.bf16 v23, v2  }
0x41b: {  	[tilespmem:s0+$0x0] =	vst.msk $0xff, v1  }
0x41c: {  	[tilespmem:s30+$0x0] =	vst.msk $0xff, v2  }
0x41d: {  	v3 =	vld.msk [tilespmem:$0xF670], $0xff  }
0x41e: {  	v24 =	vld.msk [tilespmem:$0xF678], $0xff;
	_ =	sdelay $0x2  }
0x41f: {  	s21 =	sld [smem:$0x7FA]  }
0x420: {  	s22 =	sld [smem:$0x7FB];
	v1 =	vadd.bf16 v3, v1  }
0x421: {  	v2 =	vadd.bf16 v24, v2  }
0x422: {  	[tilespmem:s21+$0x0] =	vst.msk $0xff, v1  }
0x423: {  	[tilespmem:s22+$0x0] =	vst.msk $0xff, v2  }
0x424: {  	v1 =	vld.msk [tilespmem:$0xF3C0], $0xff  }
0x425: {  	v2 =	vld.msk [tilespmem:$0xF3C8], $0xff  }
0x426: {  	v3 =	vld.msk [tilespmem:$0xF3D0], $0xff  }
0x427: {  	v25 =	vld.msk [tilespmem:$0xF3D8], $0xff  }
0x428: {  	v26 =	vld.msk [tilespmem:$0xF3E0], $0xff  }
0x429: {  	v27 =	vld.msk [tilespmem:$0xF3E8], $0xff  }
0x42a: {  	v28 =	vld.msk [tilespmem:$0xF3F0], $0xff  }
0x42b: {  	v1 =	vadd.bf16 v3, v1;
	v3 =	vld.msk [tilespmem:$0xF3F8], $0xff  }
0x42c: {  	v29 =	vld.msk [tilespmem:$0xF400], $0xff;
	v2 =	vadd.bf16 v25, v2  }
0x42d: {  	v30 =	vld.msk [tilespmem:$0xF408], $0xff;
	v1 =	vadd.bf16 v26, v1  }
0x42e: {  	v31 =	vld.msk [tilespmem:$0xF410], $0xff;
	v2 =	vadd.bf16 v27, v2  }
0x42f: {  	v32 =	vld.msk [tilespmem:$0xF418], $0xff;
	v1 =	vadd.bf16 v28, v1  }
0x430: {  	v2 =	vadd.bf16 v3, v2;
	v3 =	vld.msk [tilespmem:$0xF420], $0xff  }
0x431: {  	v33 =	vld.msk [tilespmem:$0xF428], $0xff;
	v1 =	vadd.bf16 v29, v1  }
0x432: {  	v34 =	vld.msk [tilespmem:$0xF430], $0xff;
	v2 =	vadd.bf16 v30, v2  }
0x433: {  	v35 =	vld.msk [tilespmem:$0xF438], $0xff;
	v1 =	vadd.bf16 v31, v1  }
0x434: {  	v36 =	vld.msk [tilespmem:$0xF440], $0xff;
	v2 =	vadd.bf16 v32, v2  }
0x435: {  	v1 =	vadd.bf16 v3, v1;
	v3 =	vld.msk [tilespmem:$0xF448], $0xff  }
0x436: {  	v37 =	vld.msk [tilespmem:$0xF450], $0xff;
	v2 =	vadd.bf16 v33, v2  }
0x437: {  	v38 =	vld.msk [tilespmem:$0xF458], $0xff;
	v1 =	vadd.bf16 v34, v1  }
0x438: {  	v39 =	vld.msk [tilespmem:$0xF460], $0xff;
	v2 =	vadd.bf16 v35, v2  }
0x439: {  	v40 =	vld.msk [tilespmem:$0xF468], $0xff;
	v1 =	vadd.bf16 v36, v1  }
0x43a: {  	v2 =	vadd.bf16 v3, v2;
	v3 =	vld.msk [tilespmem:$0xF470], $0xff  }
0x43b: {  	v41 =	vld.msk [tilespmem:$0xF478], $0xff;
	v1 =	vadd.bf16 v37, v1  }
0x43c: {  	v42 =	vld.msk [tilespmem:$0xF480], $0xff;
	v2 =	vadd.bf16 v38, v2  }
0x43d: {  	v43 =	vld.msk [tilespmem:$0xF488], $0xff;
	v1 =	vadd.bf16 v39, v1  }
0x43e: {  	v44 =	vld.msk [tilespmem:$0xF490], $0xff;
	v2 =	vadd.bf16 v40, v2  }
0x43f: {  	v1 =	vadd.bf16 v3, v1;
	v3 =	vld.msk [tilespmem:$0xF498], $0xff  }
0x440: {  	v45 =	vld.msk [tilespmem:$0xF4A0], $0xff;
	v2 =	vadd.bf16 v41, v2  }
0x441: {  	v46 =	vld.msk [tilespmem:$0xF4A8], $0xff;
	v1 =	vadd.bf16 v42, v1  }
0x442: {  	v47 =	vld.msk [tilespmem:$0xF4B0], $0xff;
	v2 =	vadd.bf16 v43, v2  }
0x443: {  	v48 =	vld.msk [tilespmem:$0xF4B8], $0xff;
	v1 =	vadd.bf16 v44, v1  }
0x444: {  	v2 =	vadd.bf16 v3, v2;
	v3 =	vld.msk [tilespmem:$0xF4C0], $0xff  }
0x445: {  	v49 =	vld.msk [tilespmem:$0xF4C8], $0xff;
	v1 =	vadd.bf16 v45, v1  }
0x446: {  	v50 =	vld.msk [tilespmem:$0xF4D0], $0xff;
	v2 =	vadd.bf16 v46, v2  }
0x447: {  	v51 =	vld.msk [tilespmem:$0xF4D8], $0xff;
	v1 =	vadd.bf16 v47, v1  }
0x448: {  	v52 =	vld.msk [tilespmem:$0xF4E0], $0xff;
	v2 =	vadd.bf16 v48, v2  }
0x449: {  	v1 =	vadd.bf16 v3, v1;
	v3 =	vld.msk [tilespmem:$0xF4E8], $0xff  }
0x44a: {  	v53 =	vld.msk [tilespmem:$0xF4F0], $0xff;
	v2 =	vadd.bf16 v49, v2  }
0x44b: {  	v54 =	vld.msk [tilespmem:$0xF4F8], $0xff;
	v1 =	vadd.bf16 v50, v1  }
0x44c: {  	v55 =	vld.msk [tilespmem:$0xF500], $0xff;
	v2 =	vadd.bf16 v51, v2  }
0x44d: {  	v56 =	vld.msk [tilespmem:$0xF508], $0xff;
	v1 =	vadd.bf16 v52, v1  }
0x44e: {  	v2 =	vadd.bf16 v3, v2;
	v3 =	vld.msk [tilespmem:$0xF510], $0xff  }
0x44f: {  	v57 =	vld.msk [tilespmem:$0xF518], $0xff;
	v1 =	vadd.bf16 v53, v1  }
0x450: {  	v58 =	vld.msk [tilespmem:$0xF520], $0xff;
	v2 =	vadd.bf16 v54, v2  }
0x451: {  	v59 =	vld.msk [tilespmem:$0xF528], $0xff;
	v1 =	vadd.bf16 v55, v1  }
0x452: {  	v60 =	vld.msk [tilespmem:$0xF530], $0xff;
	v2 =	vadd.bf16 v56, v2  }
0x453: {  	v1 =	vadd.bf16 v3, v1;
	v3 =	vld.msk [tilespmem:$0xF538], $0xff  }
0x454: {  	v61 =	vld.msk [tilespmem:$0xF540], $0xff;
	v2 =	vadd.bf16 v57, v2  }
0x455: {  	v62 =	vld.msk [tilespmem:$0xF548], $0xff;
	v1 =	vadd.bf16 v58, v1  }
0x456: {  	v2 =	vadd.bf16 v59, v2  }
0x457: {  	v1 =	vadd.bf16 v60, v1  }
0x458: {  	v2 =	vadd.bf16 v3, v2  }
0x459: {  	[tilespmem:s30+$0x0] =	vst.msk $0xff, v0;
	v1 =	vadd.bf16 v61, v1  }
0x45a: {  	[tilespmem:s31+$0x0] =	vst.msk $0xff, v0;
	v2 =	vadd.bf16 v62, v2  }
0x45b: {  	[tilespmem:s0+$0x0] =	vst.msk $0xff, v1  }
0x45c: {  	[tilespmem:s30+$0x0] =	vst.msk $0xff, v2  }
0x45d: {  	v3 =	vld.msk [tilespmem:$0xF670], $0xff  }
0x45e: {  	v63 =	vld.msk [tilespmem:$0xF678], $0xff;
	_ =	sdelay $0x1  }
0x45f: {  	s19 =	sadd.s32 $0xC80, s19  }
0x460: {  	p1 =	sne.s32 s19, $0x6400;
	s9 =	sld [smem:$0x7FC]  }
.Ltmp0:
0x461: {  	s21 =	sld [smem:$0x7FD];
	v1 =	vadd.bf16 v3, v1;
	(pc) =	sbr.rel @p1 .LBB2_2-.Ltmp0, $4  }
0x462: {  	v2 =	vadd.bf16 v63, v2  }
0x463: {  	[tilespmem:s9+$0x0] =	vst.msk $0xff, v1  }
0x464: {  	s22 =	sadd.s32 $0x10, s8;
	s8 =	sadd.s32 $0x20, s8;
	[tilespmem:s21+$0x0] =	vst.msk $0xff, v2  }
0x465: {  	[hbm4b:s22+s3] =	stream.linear.scatter [tilespmem:s1], [sflag:$0x4], $0x80, $0x38;
	[tilespmem:$0xF680] =	vst v63  }
0x466: {  	s17 =	sadd.s32 $0x1, s17  }
0x467: {  	_ =	swait.ge [sflag:s15], $0x80;
	p1 =	sne.s32 s17, s7  }
.Ltmp1:
0x468: {  	[sflag:s15] =	ssyncset.done $0x0;
	(pc) =	sbr.rel @p1 .LBB2_1-.Ltmp1, $4  }
0x469: {  	[sflag:s15] =	ssyncadd.s32 $0xFFFFFF80  }
0x46a: {  	_ =	swait.ge [sflag:s16], $0x80  }
0x46b: {  	[sflag:s16] =	ssyncset.done $0x0  }
0x46c: {  	[sflag:s16] =	ssyncadd.s32 $0xFFFFFF80  }
0x46d: {  	_ =	sfence.sel $0x180000  }
0x46e: {  	[bflag:$0x0] =	sbarrier.arrive $0xFFFF  }
0x46f: {  	_ =	strace $0x90000047  }
0x470: {  	s0 =	stileid.u32;
	[bflag:$0x2] =	sbarrier.arrive $0xFFFF  }
0x471: {  	p0 =	sne.s32 s0, $0x0;
	s0 =	rddreg [dreg:$0x2]  }
0x472: {  	s0 =	sadd.s32 @!p0 $0x100000, s0  }
0x473: {  	[sflag:s0] =	ssyncadd.tile.s32 @!p0 $0x1;
	_ =	shalt  }
.Lfunc_end2:
_tile_overlayer_lowered:
.L_overlay_start_2:
0x474: {  	(tag) =	ssettag $0x2  }
0x475: {  	s0 =	rddreg [dreg:$0x0];
	s2 =	stileid.u32  }
0x476: {  	s1 =	rddreg [dreg:$0x1];
	p0 =	sne.s32 s2, $0x0  }
0x477: {  	s3 =	rddreg [dreg:$0x2];
	[bflag:$0x3] =	sbarrier.arrive $0xFFFF;
	s2 =	simm.s32 @!p0 $0x1C05  }
0x478: {  	[timem:s3], [sflag:s2] =	dma.local @!p0 [hbm:s0], s1  }
0x479: {  	s0 =	simm.s32 @!p0 $0x5  }
0x47a: {  	_ =	swait.ge @!p0 [sflag:s0], s1  }
0x47b: {  	s1 =	ssub.s32 @!p0 $0x0, s1;
	[sflag:s0] =	ssyncset.done @!p0 $0x0  }
0x47c: {  	[sflag:s0] =	ssyncadd.s32 @!p0 s1  }
0x47d: {  	[bflag:$0x3] =	sbarrier.arrive $0xFFFF  }
0x47e: {  	_ =	shalt  }

</sc_bundles>
